<compile_context>
chip_gen: v7x
topology: tpu7x:2x2x1
jax: 0.10.2.dev20260603
libtpu: 0.0.44.dev20260713+nightly
codegen_flags: <defaults>
</compile_context>

<pallas_src>
import functools

import jax
import jax.numpy as jnp
from jax import lax
from jax.experimental import pallas as pl
from jax.experimental.pallas import tpu as pltpu
from jax.experimental.pallas import tpu_sc as plsc

N = 10000
E = 320000
D = 128
D_OUT = 64
NC = 2
NS = 16
NW = NC * NS
EPW = E // NW
K = 80
C = EPW // K
GC = 25
NG = C // GC
NPD = 10240
DEG_ROWS = NPD // NS
S_ROWS = NPD // NS

_MESH = dict(core_axis_name="c", subcore_axis_name="s",
             num_cores=NC, num_subcores=NS)


def _sc_params():
    return pltpu.CompilerParams(needs_layout_passes=False)


def _deg_kernel(ei4, w4):
    @functools.partial(
        pl.kernel,
        out_type=jax.ShapeDtypeStruct((NC, NPD), jnp.float32),
        mesh=plsc.VectorSubcoreMesh(**_MESH),
        compiler_params=_sc_params(),
        scratch_types=[
            pltpu.VMEM((NG, GC, K), jnp.int32),
            pltpu.VMEM((NG, GC, K), jnp.float32),
            pltpu.VMEM((DEG_ROWS,), jnp.float32),
            pltpu.VMEM_SHARED((NPD,), jnp.float32),
            pltpu.SemaphoreType.DMA,
        ],
    )
    def k(ei4_h, w4_h, deg_out, dst_v, w_v, nbuf, deg_sh, sem):
        c = lax.axis_index("c")
        s = lax.axis_index("s")
        wid = s * NC + c
        base = s * DEG_ROWS

        z16 = jnp.zeros((16,), jnp.float32)

        def zero_nbuf(i, carry):
            nbuf[pl.ds(i * 16, 16)] = z16
            return carry
        lax.fori_loop(0, DEG_ROWS // 16, zero_nbuf, 0)
        pltpu.sync_copy(nbuf, deg_sh.at[pl.ds(base, DEG_ROWS)])

        pltpu.sync_copy(ei4_h.at[1, wid], dst_v)
        pltpu.sync_copy(w4_h.at[wid], w_v)
        plsc.subcore_barrier()

        def deg_group(i, carry):
            g = i // 5
            t = i % 5
            for u in range(5):
                j = t * 5 + u
                pltpu.async_copy(
                    w_v.at[g, j], deg_sh.at[dst_v.at[g, j]], sem, add=True)
            for u in range(5):
                j = t * 5 + u
                pltpu.make_async_copy(
                    w_v.at[g, j], deg_sh.at[dst_v.at[g, j]], sem).wait()
            return carry
        lax.fori_loop(0, C // 5, deg_group, 0)
        plsc.subcore_barrier()

        pltpu.sync_copy(deg_sh.at[pl.ds(base, DEG_ROWS)],
                        deg_out.at[c, pl.ds(base, DEG_ROWS)])

    return k(ei4, w4)


def _agg_kernel(ei4, w4, hp):
    @functools.partial(
        pl.kernel,
        out_type=jax.ShapeDtypeStruct((NC, NPD, D), jnp.float32),
        mesh=plsc.VectorSubcoreMesh(**_MESH),
        compiler_params=_sc_params(),
        scratch_types=[
            pltpu.VMEM((2, GC, K), jnp.int32),
            pltpu.VMEM((2, GC, K), jnp.int32),
            pltpu.VMEM((2, GC, K), jnp.float32),
            pltpu.VMEM((K, D), jnp.float32),
            pltpu.VMEM((K, D), jnp.float32),
            pltpu.VMEM_SHARED((NPD, D), jnp.float32),
            pltpu.SemaphoreType.DMA,
            pltpu.SemaphoreType.DMA,
            pltpu.SemaphoreType.DMA,
            pltpu.SemaphoreType.DMA,
            pltpu.SemaphoreType.DMA,
        ],
    )
    def k(ei4_h, w4_h, hp_hbm, s_out,
          sg2, dg2, wg2, rows_a, rows_b, s_sh,
          semg_a, semg_b, sems_a, sems_b, semi):
        c = lax.axis_index("c")
        s = lax.axis_index("s")
        wid = s * NC + c
        base = s * S_ROWS

        z16 = jnp.zeros((16,), jnp.float32)

        def g_start(sg_v, u, buf, sem):
            pltpu.async_copy(hp_hbm.at[sg_v.at[u]], buf, sem)

        def g_wait(sg_v, u, buf, sem):
            pltpu.make_async_copy(hp_hbm.at[sg_v.at[u]], buf, sem).wait()

        def s_start(dg_v, u, buf, sem):
            pltpu.async_copy(buf, s_sh.at[dg_v.at[u]], sem, add=True)

        def s_wait(dg_v, u, buf, sem):
            pltpu.make_async_copy(buf, s_sh.at[dg_v.at[u]], sem).wait()

        def make_scale(wg_v):
            def scale(u, buf):
                def row(i, carry):
                    ii = jnp.full((16,), i, jnp.int32)
                    uu = jnp.full((16,), u, jnp.int32)
                    cb = plsc.load_gather(wg_v, [uu, ii])
                    for t in range(D // 16):
                        buf[i, pl.ds(t * 16, 16)] = \
                            buf[i, pl.ds(t * 16, 16)] * cb
                    return carry
                lax.fori_loop(0, K, row, 0)
            return scale

        def idx_prefetch(g, p, sem):
            pltpu.async_copy(ei4_h.at[0, wid, g], sg2.at[p], sem)
            pltpu.async_copy(ei4_h.at[1, wid, g], dg2.at[p], sem)
            pltpu.async_copy(w4_h.at[wid, g], wg2.at[p], sem)

        def idx_wait(g, p, sem):
            pltpu.make_async_copy(ei4_h.at[0, wid, g], sg2.at[p], sem).wait()
            pltpu.make_async_copy(ei4_h.at[1, wid, g], dg2.at[p], sem).wait()
            pltpu.make_async_copy(w4_h.at[wid, g], wg2.at[p], sem).wait()

        idx_prefetch(0, 0, semi)

        def zero_rows(i, carry):
            for t in range(D // 16):
                rows_b[i, pl.ds(t * 16, 16)] = z16
            return carry
        lax.fori_loop(0, K, zero_rows, 0)
        idx_wait(0, 0, semi)
        g_start(sg2.at[0], 0, rows_a, semg_a)
        for kk in range(S_ROWS // K):
            pltpu.sync_copy(rows_b, s_sh.at[pl.ds(base + kk * K, K)])
        plsc.subcore_barrier()

        for g in range(NG):
            p = g % 2
            sg_v, dg_v, wg_v = sg2.at[p], dg2.at[p], wg2.at[p]
            scale = make_scale(wg_v)
            if p == 0:
                rx, ry = rows_a, rows_b
                gx, gy = semg_a, semg_b
                sx, sy = sems_a, sems_b
            else:
                rx, ry = rows_b, rows_a
                gx, gy = semg_b, semg_a
                sx, sy = sems_b, sems_a
            if g + 1 < NG:
                idx_prefetch(g + 1, 1 - p, semi)

            def pair(tt, carry):
                u0 = 2 * tt
                u1 = u0 + 1
                g_start(sg_v, u1, ry, gy)
                g_wait(sg_v, u0, rx, gx)
                scale(u0, rx)
                s_start(dg_v, u0, rx, sx)
                g_wait(sg_v, u1, ry, gy)
                scale(u1, ry)
                s_start(dg_v, u1, ry, sy)
                s_wait(dg_v, u0, rx, sx)
                g_start(sg_v, u0 + 2, rx, gx)
                s_wait(dg_v, u1, ry, sy)
                return carry
            lax.fori_loop(0, (GC - 1) // 2, pair, 0)

            ul = GC - 1
            g_wait(sg_v, ul, rx, gx)
            scale(ul, rx)
            s_start(dg_v, ul, rx, sx)
            if g + 1 < NG:
                idx_wait(g + 1, 1 - p, semi)
                g_start(sg2.at[1 - p], 0, ry, gy)
            s_wait(dg_v, ul, rx, sx)
        plsc.subcore_barrier()

        pltpu.sync_copy(s_sh.at[pl.ds(base, S_ROWS)],
                        s_out.at[c, pl.ds(base, S_ROWS)])

    return k(ei4, w4, hp)


def _mm_h(x, W_conv, deg0, deg1):
    def body(x_ref, w_ref, d0_ref, d1_ref, hp_ref, dis_ref):
        deg = d0_ref[...] + d1_ref[...] + 1.0
        dis = lax.rsqrt(deg)
        hp_ref[...] = jnp.dot(x_ref[...], w_ref[...],
                              preferred_element_type=jnp.float32) * dis
        dis_ref[...] = dis

    return pl.pallas_call(
        body,
        grid=(N // 2000,),
        in_specs=[
            pl.BlockSpec((2000, D), lambda i: (i, 0)),
            pl.BlockSpec((D, D), lambda i: (0, 0)),
            pl.BlockSpec((2000, 1), lambda i: (i, 0)),
            pl.BlockSpec((2000, 1), lambda i: (i, 0)),
        ],
        out_specs=[
            pl.BlockSpec((2000, D), lambda i: (i, 0)),
            pl.BlockSpec((2000, 1), lambda i: (i, 0)),
        ],
        out_shape=[
            jax.ShapeDtypeStruct((N, D), jnp.float32),
            jax.ShapeDtypeStruct((N, 1), jnp.float32),
        ],
    )(x, W_conv, deg0, deg1)


def _epilogue(s_part, hp, dis, b_conv, W_out, b_out):
    def body(s0_ref, s1_ref, hp_ref, dis_ref, bc_ref, wo_ref, bo_ref, o_ref):
        agg = dis_ref[...] * (s0_ref[0] + s1_ref[0] + hp_ref[...]) \
            + bc_ref[...]
        emb = jnp.where(agg >= 0, agg, 0.01 * agg)
        o_ref[...] = jnp.dot(emb, wo_ref[...],
                             preferred_element_type=jnp.float32) + bo_ref[...]

    return pl.pallas_call(
        body,
        grid=(N // 2000,),
        in_specs=[
            pl.BlockSpec((1, 2000, D), lambda i: (0, i, 0)),
            pl.BlockSpec((1, 2000, D), lambda i: (1, i, 0)),
            pl.BlockSpec((2000, D), lambda i: (i, 0)),
            pl.BlockSpec((2000, 1), lambda i: (i, 0)),
            pl.BlockSpec((1, D), lambda i: (0, 0)),
            pl.BlockSpec((D, D_OUT), lambda i: (0, 0)),
            pl.BlockSpec((1, D_OUT), lambda i: (0, 0)),
        ],
        out_specs=pl.BlockSpec((2000, D_OUT), lambda i: (i, 0)),
        out_shape=jax.ShapeDtypeStruct((N, D_OUT), jnp.float32),
    )(s_part, s_part, hp, dis, b_conv, W_out, b_out)


def kernel(x, edge_index, edge_weight, W_conv, b_conv, W_out, b_out):
    ei4 = edge_index.astype(jnp.int32).reshape(2, NW, NG, GC, K)
    w4 = edge_weight.astype(jnp.float32).reshape(NW, NG, GC, K)

    deg_p = _deg_kernel(ei4, w4)
    deg0 = deg_p[0].reshape(NPD, 1)
    deg1 = deg_p[1].reshape(NPD, 1)
    hp, dis = _mm_h(x, W_conv, deg0, deg1)
    s_part = _agg_kernel(ei4, w4, hp)
    out = _epilogue(
        s_part, hp, dis,
        b_conv.reshape(1, D), W_out, b_out.reshape(1, D_OUT))
    return out

# --- scband reference (transcript-rebuilt; emitter-appended) ---
"""Pipeline reference for scband-gcn-63943473103088 (READ-ONLY COPY).

The authoritative reference and input builder live on the scoring server;
editing this copy changes nothing except your own understanding.
"""

import jax, jax.numpy as jnp
import numpy as np

N_NODES = 10000
N_EDGES = 320000
D_IN = 128
D_EMB = 128
D_OUT = 64


def setup_inputs(seed: int = 0) -> dict:
    key = jax.random.key(seed)
    k1, k2, k3, k4, k5, k6, k7 = jax.random.split(key, 7)
    x = jax.random.normal(k1, (N_NODES, D_IN), dtype=jnp.float32)
    edge_index = jax.random.randint(k2, (2, N_EDGES), 0, N_NODES, dtype=jnp.int64)
    edge_weight = jax.random.uniform(k3, (N_EDGES,), dtype=jnp.float32)
    # GCNConv linear weight (glorot) and bias
    W_conv = jax.random.normal(k4, (D_IN, D_EMB), dtype=jnp.float32) * (1.0 / np.sqrt(D_IN))
    b_conv = jnp.zeros((D_EMB,), dtype=jnp.float32)
    # output Linear
    W_out = jax.random.normal(k5, (D_EMB, D_OUT), dtype=jnp.float32) * (1.0 / np.sqrt(D_EMB))
    b_out = jax.random.normal(k6, (D_OUT,), dtype=jnp.float32) * 0.01
    return {"x": x, "edge_index": edge_index, "edge_weight": edge_weight,
            "W_conv": W_conv, "b_conv": b_conv, "W_out": W_out, "b_out": b_out}


def reference(x, edge_index, edge_weight, W_conv, b_conv, W_out, b_out):
    N = x.shape[0]
    src = edge_index[0]
    dst = edge_index[1]
    # --- gcn_norm with added self loops (PyG GCNConv default) ---
    loop = jnp.arange(N, dtype=edge_index.dtype)
    src_f = jnp.concatenate([src, loop])
    dst_f = jnp.concatenate([dst, loop])
    w_f = jnp.concatenate([edge_weight, jnp.ones((N,), dtype=edge_weight.dtype)])
    deg = jnp.zeros((N,), dtype=edge_weight.dtype).at[dst_f].add(w_f)
    deg_inv_sqrt = jnp.where(deg > 0, jax.lax.rsqrt(jnp.where(deg > 0, deg, 1.0)), 0.0)
    norm = deg_inv_sqrt[src_f] * w_f * deg_inv_sqrt[dst_f]
    # --- GCNConv: linear transform then normalized scatter-add aggregation ---
    h = x @ W_conv
    msg = h[src_f] * norm[:, None]
    agg = jnp.zeros((N, h.shape[1]), dtype=h.dtype).at[dst_f].add(msg)
    agg = agg + b_conv
    # --- leaky_relu then output linear ---
    emb = jax.nn.leaky_relu(agg, negative_slope=0.01)
    out = emb @ W_out + b_out
    return out

if __name__ == "__main__":
    import jax
    _d = setup_inputs()
    print(jax.jit(kernel)(*tuple(_d.values())))

</pallas_src>

<mosaic_0001>
#map = affine_map<(d0, d1) -> (0, 0, 0, 0, 0)>
#map1 = affine_map<(d0, d1) -> (0, 0, 0, 0)>
#map2 = affine_map<(d0, d1) -> (0, 0)>
#map3 = affine_map<(d0, d1) -> (0, 0, 0)>
module attributes {stable_mosaic.version = 14 : i64} {
  func.func @k(%arg0: i32, %arg1: i32, %arg2: memref<2x32x5x25x80xi32, #tpu.memory_space<hbm>>, %arg3: memref<32x5x25x80xf32, #tpu.memory_space<hbm>>, %arg4: memref<10000x128xf32, #tpu.memory_space<hbm>>, %arg5: memref<2x10240x128xf32, #tpu.memory_space<hbm>>, %arg6: memref<2x25x80xi32, #tpu.memory_space<vmem>>, %arg7: memref<2x25x80xi32, #tpu.memory_space<vmem>>, %arg8: memref<2x25x80xf32, #tpu.memory_space<vmem>>, %arg9: memref<80x128xf32, #tpu.memory_space<vmem>>, %arg10: memref<80x128xf32, #tpu.memory_space<vmem>>, %arg11: memref<10240x128xf32, #tpu.memory_space<vmem_shared>>, %arg12: memref<!tpu.dma_semaphore, #tpu.memory_space<semaphore_mem>>, %arg13: memref<!tpu.dma_semaphore, #tpu.memory_space<semaphore_mem>>, %arg14: memref<!tpu.dma_semaphore, #tpu.memory_space<semaphore_mem>>, %arg15: memref<!tpu.dma_semaphore, #tpu.memory_space<semaphore_mem>>, %arg16: memref<!tpu.dma_semaphore, #tpu.memory_space<semaphore_mem>>) attributes {dimension_semantics = [#tpu.dimension_semantics<core_parallel>, #tpu.dimension_semantics<subcore_parallel>], iteration_bounds = array<i64: 2, 16>, scalar_prefetch = 0 : i64, scratch_operands = 11 : i64, tpu.core_type = #tpu.core_type<sc_vector_subcore>, window_params = [{transform_indices = #map}, {transform_indices = #map1}, {transform_indices = #map2}, {transform_indices = #map3}]} {
    %mul3A = arith.constant 2 : i32
    %mul3A_0 = arith.muli %arg1, %mul3A : i32
    %add3A = arith.addi %mul3A_0, %arg0 : i32
    %mul3A_1 = arith.constant 640 : i32
    %mul3A_2 = arith.muli %arg1, %mul3A_1 : i32
    %broadcast_in_dim3A = arith.constant 0.000000e+00 : f32
    %broadcast_in_dim3A_3 = vector.broadcast %broadcast_in_dim3A : f32 to vector<16xf32>
    %dma_start3A = arith.constant 0 : i32
    %dma_start3A_4 = arith.constant 0 : i32
    %dma_start3A_5 = arith.constant 0 : i32
    %dma_start3A_6 = arith.constant 0 : i32
    %dma_start3A_7 = arith.constant 0 : i32
    %dma_start3A_8 = tpu.memref_slice %arg6[%dma_start3A_5, %dma_start3A_6, %dma_start3A_7] : memref<2x25x80xi32, #tpu.memory_space<vmem>> -> memref<1x25x80xi32, #tpu.memory_space<vmem>>
    %dma_start3A_9 = tpu.memref_squeeze %dma_start3A_8 : memref<1x25x80xi32, #tpu.memory_space<vmem>> -> memref<25x80xi32, #tpu.memory_space<vmem>>
    %dma_start3A_10 = arith.constant 0 : i32
    %dma_start3A_11 = arith.constant 0 : i32
    %dma_start3A_12 = tpu.memref_slice %arg2[%dma_start3A, %add3A, %dma_start3A_4, %dma_start3A_10, %dma_start3A_11] : memref<2x32x5x25x80xi32, #tpu.memory_space<hbm>> -> memref<1x1x1x25x80xi32, #tpu.memory_space<hbm>>
    %dma_start3A_13 = tpu.memref_squeeze %dma_start3A_12 : memref<1x1x1x25x80xi32, #tpu.memory_space<hbm>> -> memref<25x80xi32, #tpu.memory_space<hbm>>
    %dma_start3A_14 = arith.constant 0 : i32
    %dma_start3A_15 = arith.constant 0 : i32
    %dma_start3A_16 = tpu.memref_slice %arg6[%dma_start3A_5, %dma_start3A_14, %dma_start3A_15] : memref<2x25x80xi32, #tpu.memory_space<vmem>> -> memref<1x25x80xi32, #tpu.memory_space<vmem>>
    %dma_start3A_17 = tpu.memref_squeeze %dma_start3A_16 : memref<1x25x80xi32, #tpu.memory_space<vmem>> -> memref<25x80xi32, #tpu.memory_space<vmem>>
    %dma_start3A_18 = arith.constant 0 : i32
    %dma_start3A_19 = arith.constant 0 : i32
    %dma_start3A_20 = tpu.memref_slice %arg2[%dma_start3A, %add3A, %dma_start3A_4, %dma_start3A_18, %dma_start3A_19] : memref<2x32x5x25x80xi32, #tpu.memory_space<hbm>> -> memref<1x1x1x25x80xi32, #tpu.memory_space<hbm>>
    %dma_start3A_21 = tpu.memref_squeeze %dma_start3A_20 : memref<1x1x1x25x80xi32, #tpu.memory_space<hbm>> -> memref<25x80xi32, #tpu.memory_space<hbm>>
    tpu.enqueue_dma source(%dma_start3A_21 : memref<25x80xi32, #tpu.memory_space<hbm>>) target(%dma_start3A_17 : memref<25x80xi32, #tpu.memory_space<vmem>>) target_semaphore(%arg16 : memref<!tpu.dma_semaphore, #tpu.memory_space<semaphore_mem>>)
    %dma_start3A_22 = arith.constant 1 : i32
    %dma_start3A_23 = arith.constant 0 : i32
    %dma_start3A_24 = arith.constant 0 : i32
    %dma_start3A_25 = arith.constant 0 : i32
    %dma_start3A_26 = arith.constant 0 : i32
    %dma_start3A_27 = tpu.memref_slice %arg7[%dma_start3A_24, %dma_start3A_25, %dma_start3A_26] : memref<2x25x80xi32, #tpu.memory_space<vmem>> -> memref<1x25x80xi32, #tpu.memory_space<vmem>>
    %dma_start3A_28 = tpu.memref_squeeze %dma_start3A_27 : memref<1x25x80xi32, #tpu.memory_space<vmem>> -> memref<25x80xi32, #tpu.memory_space<vmem>>
    %dma_start3A_29 = arith.constant 0 : i32
    %dma_start3A_30 = arith.constant 0 : i32
    %dma_start3A_31 = tpu.memref_slice %arg2[%dma_start3A_22, %add3A, %dma_start3A_23, %dma_start3A_29, %dma_start3A_30] : memref<2x32x5x25x80xi32, #tpu.memory_space<hbm>> -> memref<1x1x1x25x80xi32, #tpu.memory_space<hbm>>
    %dma_start3A_32 = tpu.memref_squeeze %dma_start3A_31 : memref<1x1x1x25x80xi32, #tpu.memory_space<hbm>> -> memref<25x80xi32, #tpu.memory_space<hbm>>
    %dma_start3A_33 = arith.constant 0 : i32
    %dma_start3A_34 = arith.constant 0 : i32
    %dma_start3A_35 = tpu.memref_slice %arg7[%dma_start3A_24, %dma_start3A_33, %dma_start3A_34] : memref<2x25x80xi32, #tpu.memory_space<vmem>> -> memref<1x25x80xi32, #tpu.memory_space<vmem>>
    %dma_start3A_36 = tpu.memref_squeeze %dma_start3A_35 : memref<1x25x80xi32, #tpu.memory_space<vmem>> -> memref<25x80xi32, #tpu.memory_space<vmem>>
    %dma_start3A_37 = arith.constant 0 : i32
    %dma_start3A_38 = arith.constant 0 : i32
    %dma_start3A_39 = tpu.memref_slice %arg2[%dma_start3A_22, %add3A, %dma_start3A_23, %dma_start3A_37, %dma_start3A_38] : memref<2x32x5x25x80xi32, #tpu.memory_space<hbm>> -> memref<1x1x1x25x80xi32, #tpu.memory_space<hbm>>
    %dma_start3A_40 = tpu.memref_squeeze %dma_start3A_39 : memref<1x1x1x25x80xi32, #tpu.memory_space<hbm>> -> memref<25x80xi32, #tpu.memory_space<hbm>>
    tpu.enqueue_dma source(%dma_start3A_40 : memref<25x80xi32, #tpu.memory_space<hbm>>) target(%dma_start3A_36 : memref<25x80xi32, #tpu.memory_space<vmem>>) target_semaphore(%arg16 : memref<!tpu.dma_semaphore, #tpu.memory_space<semaphore_mem>>)
    %dma_start3A_41 = arith.constant 0 : i32
    %dma_start3A_42 = arith.constant 0 : i32
    %dma_start3A_43 = arith.constant 0 : i32
    %dma_start3A_44 = arith.constant 0 : i32
    %dma_start3A_45 = tpu.memref_slice %arg8[%dma_start3A_42, %dma_start3A_43, %dma_start3A_44] : memref<2x25x80xf32, #tpu.memory_space<vmem>> -> memref<1x25x80xf32, #tpu.memory_space<vmem>>
    %dma_start3A_46 = tpu.memref_squeeze %dma_start3A_45 : memref<1x25x80xf32, #tpu.memory_space<vmem>> -> memref<25x80xf32, #tpu.memory_space<vmem>>
    %dma_start3A_47 = arith.constant 0 : i32
    %dma_start3A_48 = arith.constant 0 : i32
    %dma_start3A_49 = tpu.memref_slice %arg3[%add3A, %dma_start3A_41, %dma_start3A_47, %dma_start3A_48] : memref<32x5x25x80xf32, #tpu.memory_space<hbm>> -> memref<1x1x25x80xf32, #tpu.memory_space<hbm>>
    %dma_start3A_50 = tpu.memref_squeeze %dma_start3A_49 : memref<1x1x25x80xf32, #tpu.memory_space<hbm>> -> memref<25x80xf32, #tpu.memory_space<hbm>>
    %dma_start3A_51 = arith.constant 0 : i32
    %dma_start3A_52 = arith.constant 0 : i32
    %dma_start3A_53 = tpu.memref_slice %arg8[%dma_start3A_42, %dma_start3A_51, %dma_start3A_52] : memref<2x25x80xf32, #tpu.memory_space<vmem>> -> memref<1x25x80xf32, #tpu.memory_space<vmem>>
    %dma_start3A_54 = tpu.memref_squeeze %dma_start3A_53 : memref<1x25x80xf32, #tpu.memory_space<vmem>> -> memref<25x80xf32, #tpu.memory_space<vmem>>
    %dma_start3A_55 = arith.constant 0 : i32
    %dma_start3A_56 = arith.constant 0 : i32
    %dma_start3A_57 = tpu.memref_slice %arg3[%add3A, %dma_start3A_41, %dma_start3A_55, %dma_start3A_56] : memref<32x5x25x80xf32, #tpu.memory_space<hbm>> -> memref<1x1x25x80xf32, #tpu.memory_space<hbm>>
    %dma_start3A_58 = tpu.memref_squeeze %dma_start3A_57 : memref<1x1x25x80xf32, #tpu.memory_space<hbm>> -> memref<25x80xf32, #tpu.memory_space<hbm>>
    tpu.enqueue_dma source(%dma_start3A_58 : memref<25x80xf32, #tpu.memory_space<hbm>>) target(%dma_start3A_54 : memref<25x80xf32, #tpu.memory_space<vmem>>) target_semaphore(%arg16 : memref<!tpu.dma_semaphore, #tpu.memory_space<semaphore_mem>>)
    %scan3A = arith.constant 0 : i32
    %scan3A_59 = arith.constant 0 : i32
    %scan3A_60 = arith.constant 80 : i32
    %scan3A_61 = arith.addi %scan3A_59, %scan3A_60 : i32
    %scan3A_62 = arith.constant 1 : i32
    scf.for %scan3A_904 = %scan3A_59 to %scan3A_61 step %scan3A_62  : i32 {
      %swap3A = arith.index_cast %scan3A_904 : i32 to index
      %swap3A_905 = arith.constant 0 : index
      %swap3A_906 = tpu.vector_load %arg10[%swap3A, %swap3A_905] {strides = array<i32>} : memref<80x128xf32, #tpu.memory_space<vmem>>, vector<16xf32>,
      tpu.vector_store %arg10[%swap3A, %swap3A_905], %broadcast_in_dim3A_3 {strides = array<i32>} : memref<80x128xf32, #tpu.memory_space<vmem>>, vector<16xf32>,
      %swap3A_907 = arith.index_cast %scan3A_904 : i32 to index
      %swap3A_908 = arith.constant 16 : index
      %swap3A_909 = tpu.vector_load %arg10[%swap3A_907, %swap3A_908] {strides = array<i32>} : memref<80x128xf32, #tpu.memory_space<vmem>>, vector<16xf32>,
      tpu.vector_store %arg10[%swap3A_907, %swap3A_908], %broadcast_in_dim3A_3 {strides = array<i32>} : memref<80x128xf32, #tpu.memory_space<vmem>>, vector<16xf32>,
      %swap3A_910 = arith.index_cast %scan3A_904 : i32 to index
      %swap3A_911 = arith.constant 32 : index
      %swap3A_912 = tpu.vector_load %arg10[%swap3A_910, %swap3A_911] {strides = array<i32>} : memref<80x128xf32, #tpu.memory_space<vmem>>, vector<16xf32>,
      tpu.vector_store %arg10[%swap3A_910, %swap3A_911], %broadcast_in_dim3A_3 {strides = array<i32>} : memref<80x128xf32, #tpu.memory_space<vmem>>, vector<16xf32>,
      %swap3A_913 = arith.index_cast %scan3A_904 : i32 to index
      %swap3A_914 = arith.constant 48 : index
      %swap3A_915 = tpu.vector_load %arg10[%swap3A_913, %swap3A_914] {strides = array<i32>} : memref<80x128xf32, #tpu.memory_space<vmem>>, vector<16xf32>,
      tpu.vector_store %arg10[%swap3A_913, %swap3A_914], %broadcast_in_dim3A_3 {strides = array<i32>} : memref<80x128xf32, #tpu.memory_space<vmem>>, vector<16xf32>,
      %swap3A_916 = arith.index_cast %scan3A_904 : i32 to index
      %swap3A_917 = arith.constant 64 : index
      %swap3A_918 = tpu.vector_load %arg10[%swap3A_916, %swap3A_917] {strides = array<i32>} : memref<80x128xf32, #tpu.memory_space<vmem>>, vector<16xf32>,
      tpu.vector_store %arg10[%swap3A_916, %swap3A_917], %broadcast_in_dim3A_3 {strides = array<i32>} : memref<80x128xf32, #tpu.memory_space<vmem>>, vector<16xf32>,
      %swap3A_919 = arith.index_cast %scan3A_904 : i32 to index
      %swap3A_920 = arith.constant 80 : index
      %swap3A_921 = tpu.vector_load %arg10[%swap3A_919, %swap3A_920] {strides = array<i32>} : memref<80x128xf32, #tpu.memory_space<vmem>>, vector<16xf32>,
      tpu.vector_store %arg10[%swap3A_919, %swap3A_920], %broadcast_in_dim3A_3 {strides = array<i32>} : memref<80x128xf32, #tpu.memory_space<vmem>>, vector<16xf32>,
      %swap3A_922 = arith.index_cast %scan3A_904 : i32 to index
      %swap3A_923 = arith.constant 96 : index
      %swap3A_924 = tpu.vector_load %arg10[%swap3A_922, %swap3A_923] {strides = array<i32>} : memref<80x128xf32, #tpu.memory_space<vmem>>, vector<16xf32>,
      tpu.vector_store %arg10[%swap3A_922, %swap3A_923], %broadcast_in_dim3A_3 {strides = array<i32>} : memref<80x128xf32, #tpu.memory_space<vmem>>, vector<16xf32>,
      %swap3A_925 = arith.index_cast %scan3A_904 : i32 to index
      %swap3A_926 = arith.constant 112 : index
      %swap3A_927 = tpu.vector_load %arg10[%swap3A_925, %swap3A_926] {strides = array<i32>} : memref<80x128xf32, #tpu.memory_space<vmem>>, vector<16xf32>,
      tpu.vector_store %arg10[%swap3A_925, %swap3A_926], %broadcast_in_dim3A_3 {strides = array<i32>} : memref<80x128xf32, #tpu.memory_space<vmem>>, vector<16xf32>,
    }
    %scan3A_63 = arith.constant 80 : i32
    %dma_wait3A = arith.constant 0 : i32
    %dma_wait3A_64 = arith.constant 0 : i32
    %dma_wait3A_65 = arith.constant 0 : i32
    %dma_wait3A_66 = arith.constant 0 : i32
    %dma_wait3A_67 = arith.constant 0 : i32
    %dma_wait3A_68 = tpu.memref_slice %arg6[%dma_wait3A_65, %dma_wait3A_66, %dma_wait3A_67] : memref<2x25x80xi32, #tpu.memory_space<vmem>> -> memref<1x25x80xi32, #tpu.memory_space<vmem>>
    %dma_wait3A_69 = tpu.memref_squeeze %dma_wait3A_68 : memref<1x25x80xi32, #tpu.memory_space<vmem>> -> memref<25x80xi32, #tpu.memory_space<vmem>>
    %dma_wait3A_70 = arith.constant 0 : i32
    %dma_wait3A_71 = arith.constant 0 : i32
    %dma_wait3A_72 = tpu.memref_slice %arg2[%dma_wait3A, %add3A, %dma_wait3A_64, %dma_wait3A_70, %dma_wait3A_71] : memref<2x32x5x25x80xi32, #tpu.memory_space<hbm>> -> memref<1x1x1x25x80xi32, #tpu.memory_space<hbm>>
    %dma_wait3A_73 = tpu.memref_squeeze %dma_wait3A_72 : memref<1x1x1x25x80xi32, #tpu.memory_space<hbm>> -> memref<25x80xi32, #tpu.memory_space<hbm>>
    %dma_wait3A_74 = arith.constant 0 : i32
    %dma_wait3A_75 = arith.constant 0 : i32
    %dma_wait3A_76 = tpu.memref_slice %arg6[%dma_wait3A_65, %dma_wait3A_74, %dma_wait3A_75] : memref<2x25x80xi32, #tpu.memory_space<vmem>> -> memref<1x25x80xi32, #tpu.memory_space<vmem>>
    %dma_wait3A_77 = tpu.memref_squeeze %dma_wait3A_76 : memref<1x25x80xi32, #tpu.memory_space<vmem>> -> memref<25x80xi32, #tpu.memory_space<vmem>>
    %dma_wait3A_78 = arith.constant 0 : i32
    %dma_wait3A_79 = arith.constant 0 : i32
    %dma_wait3A_80 = tpu.memref_slice %arg2[%dma_wait3A, %add3A, %dma_wait3A_64, %dma_wait3A_78, %dma_wait3A_79] : memref<2x32x5x25x80xi32, #tpu.memory_space<hbm>> -> memref<1x1x1x25x80xi32, #tpu.memory_space<hbm>>
    %dma_wait3A_81 = tpu.memref_squeeze %dma_wait3A_80 : memref<1x1x1x25x80xi32, #tpu.memory_space<hbm>> -> memref<25x80xi32, #tpu.memory_space<hbm>>
    tpu.wait_dma2 semaphore(%arg16 : memref<!tpu.dma_semaphore, #tpu.memory_space<semaphore_mem>>) src(%dma_wait3A_81 : memref<25x80xi32, #tpu.memory_space<hbm>>) dst(%dma_wait3A_77 : memref<25x80xi32, #tpu.memory_space<vmem>>)
    %dma_wait3A_82 = arith.constant 1 : i32
    %dma_wait3A_83 = arith.constant 0 : i32
    %dma_wait3A_84 = arith.constant 0 : i32
    %dma_wait3A_85 = arith.constant 0 : i32
    %dma_wait3A_86 = arith.constant 0 : i32
    %dma_wait3A_87 = tpu.memref_slice %arg7[%dma_wait3A_84, %dma_wait3A_85, %dma_wait3A_86] : memref<2x25x80xi32, #tpu.memory_space<vmem>> -> memref<1x25x80xi32, #tpu.memory_space<vmem>>
    %dma_wait3A_88 = tpu.memref_squeeze %dma_wait3A_87 : memref<1x25x80xi32, #tpu.memory_space<vmem>> -> memref<25x80xi32, #tpu.memory_space<vmem>>
    %dma_wait3A_89 = arith.constant 0 : i32
    %dma_wait3A_90 = arith.constant 0 : i32
    %dma_wait3A_91 = tpu.memref_slice %arg2[%dma_wait3A_82, %add3A, %dma_wait3A_83, %dma_wait3A_89, %dma_wait3A_90] : memref<2x32x5x25x80xi32, #tpu.memory_space<hbm>> -> memref<1x1x1x25x80xi32, #tpu.memory_space<hbm>>
    %dma_wait3A_92 = tpu.memref_squeeze %dma_wait3A_91 : memref<1x1x1x25x80xi32, #tpu.memory_space<hbm>> -> memref<25x80xi32, #tpu.memory_space<hbm>>
    %dma_wait3A_93 = arith.constant 0 : i32
    %dma_wait3A_94 = arith.constant 0 : i32
    %dma_wait3A_95 = tpu.memref_slice %arg7[%dma_wait3A_84, %dma_wait3A_93, %dma_wait3A_94] : memref<2x25x80xi32, #tpu.memory_space<vmem>> -> memref<1x25x80xi32, #tpu.memory_space<vmem>>
    %dma_wait3A_96 = tpu.memref_squeeze %dma_wait3A_95 : memref<1x25x80xi32, #tpu.memory_space<vmem>> -> memref<25x80xi32, #tpu.memory_space<vmem>>
    %dma_wait3A_97 = arith.constant 0 : i32
    %dma_wait3A_98 = arith.constant 0 : i32
    %dma_wait3A_99 = tpu.memref_slice %arg2[%dma_wait3A_82, %add3A, %dma_wait3A_83, %dma_wait3A_97, %dma_wait3A_98] : memref<2x32x5x25x80xi32, #tpu.memory_space<hbm>> -> memref<1x1x1x25x80xi32, #tpu.memory_space<hbm>>
    %dma_wait3A_100 = tpu.memref_squeeze %dma_wait3A_99 : memref<1x1x1x25x80xi32, #tpu.memory_space<hbm>> -> memref<25x80xi32, #tpu.memory_space<hbm>>
    tpu.wait_dma2 semaphore(%arg16 : memref<!tpu.dma_semaphore, #tpu.memory_space<semaphore_mem>>) src(%dma_wait3A_100 : memref<25x80xi32, #tpu.memory_space<hbm>>) dst(%dma_wait3A_96 : memref<25x80xi32, #tpu.memory_space<vmem>>)
    %dma_wait3A_101 = arith.constant 0 : i32
    %dma_wait3A_102 = arith.constant 0 : i32
    %dma_wait3A_103 = arith.constant 0 : i32
    %dma_wait3A_104 = arith.constant 0 : i32
    %dma_wait3A_105 = tpu.memref_slice %arg8[%dma_wait3A_102, %dma_wait3A_103, %dma_wait3A_104] : memref<2x25x80xf32, #tpu.memory_space<vmem>> -> memref<1x25x80xf32, #tpu.memory_space<vmem>>
    %dma_wait3A_106 = tpu.memref_squeeze %dma_wait3A_105 : memref<1x25x80xf32, #tpu.memory_space<vmem>> -> memref<25x80xf32, #tpu.memory_space<vmem>>
    %dma_wait3A_107 = arith.constant 0 : i32
    %dma_wait3A_108 = arith.constant 0 : i32
    %dma_wait3A_109 = tpu.memref_slice %arg3[%add3A, %dma_wait3A_101, %dma_wait3A_107, %dma_wait3A_108] : memref<32x5x25x80xf32, #tpu.memory_space<hbm>> -> memref<1x1x25x80xf32, #tpu.memory_space<hbm>>
    %dma_wait3A_110 = tpu.memref_squeeze %dma_wait3A_109 : memref<1x1x25x80xf32, #tpu.memory_space<hbm>> -> memref<25x80xf32, #tpu.memory_space<hbm>>
    %dma_wait3A_111 = arith.constant 0 : i32
    %dma_wait3A_112 = arith.constant 0 : i32
    %dma_wait3A_113 = tpu.memref_slice %arg8[%dma_wait3A_102, %dma_wait3A_111, %dma_wait3A_112] : memref<2x25x80xf32, #tpu.memory_space<vmem>> -> memref<1x25x80xf32, #tpu.memory_space<vmem>>
    %dma_wait3A_114 = tpu.memref_squeeze %dma_wait3A_113 : memref<1x25x80xf32, #tpu.memory_space<vmem>> -> memref<25x80xf32, #tpu.memory_space<vmem>>
    %dma_wait3A_115 = arith.constant 0 : i32
    %dma_wait3A_116 = arith.constant 0 : i32
    %dma_wait3A_117 = tpu.memref_slice %arg3[%add3A, %dma_wait3A_101, %dma_wait3A_115, %dma_wait3A_116] : memref<32x5x25x80xf32, #tpu.memory_space<hbm>> -> memref<1x1x25x80xf32, #tpu.memory_space<hbm>>
    %dma_wait3A_118 = tpu.memref_squeeze %dma_wait3A_117 : memref<1x1x25x80xf32, #tpu.memory_space<hbm>> -> memref<25x80xf32, #tpu.memory_space<hbm>>
    tpu.wait_dma2 semaphore(%arg16 : memref<!tpu.dma_semaphore, #tpu.memory_space<semaphore_mem>>) src(%dma_wait3A_118 : memref<25x80xf32, #tpu.memory_space<hbm>>) dst(%dma_wait3A_114 : memref<25x80xf32, #tpu.memory_space<vmem>>)
    %dma_start3A_119 = arith.constant 0 : i32
    %dma_start3A_120 = arith.constant 0 : i32
    %dma_start3A_121 = arith.constant 0 : i32
    %dma_start3A_122 = arith.constant 0 : i32
    %dma_start3A_123 = tpu.memref_slice %arg6[%dma_start3A_119, %dma_start3A_121, %dma_start3A_122] : memref<2x25x80xi32, #tpu.memory_space<vmem>> -> memref<1x25x80xi32, #tpu.memory_space<vmem>>
    %dma_start3A_124 = tpu.memref_squeeze %dma_start3A_123 : memref<1x25x80xi32, #tpu.memory_space<vmem>> -> memref<25x80xi32, #tpu.memory_space<vmem>>
    %dma_start3A_125 = arith.constant 0 : i32
    %dma_start3A_126 = tpu.memref_slice %dma_start3A_124[%dma_start3A_120, %dma_start3A_125] : memref<25x80xi32, #tpu.memory_space<vmem>> -> memref<1x80xi32, #tpu.memory_space<vmem>>
    %dma_start3A_127 = tpu.memref_squeeze %dma_start3A_126 : memref<1x80xi32, #tpu.memory_space<vmem>> -> memref<80xi32, #tpu.memory_space<vmem>>
    %dma_start3A_128 = arith.constant 0 : i32
    %dma_start3A_129 = arith.constant 0 : i32
    %dma_start3A_130 = tpu.memref_slice %arg4[%dma_start3A_128, %dma_start3A_129] : memref<10000x128xf32, #tpu.memory_space<hbm>> -> memref<10000x128xf32, #tpu.memory_space<hbm>>
    tpu.enqueue_indirect_dma source(%dma_start3A_130 : memref<10000x128xf32, #tpu.memory_space<hbm>>) target(%arg9 : memref<80x128xf32, #tpu.memory_space<vmem>>) offsets(%dma_start3A_127 : memref<80xi32, #tpu.memory_space<vmem>>) semaphore(%arg12 : memref<!tpu.dma_semaphore, #tpu.memory_space<semaphore_mem>>)
    %add3A_131 = arith.constant 0 : i32
    %add3A_132 = arith.addi %mul3A_2, %add3A_131 : i32
    "tpu.region"() ({
      %run_scoped3A = tpu.sem_alloc : memref<!tpu.dma_semaphore, #tpu.memory_space<semaphore_mem>>
      %dma_start3A_904 = arith.constant 0 : i32
      %dma_start3A_905 = tpu.memref_slice %arg11[%add3A_132, %dma_start3A_904] : memref<10240x128xf32, #tpu.memory_space<vmem_shared>> -> memref<80x128xf32, #tpu.memory_space<vmem_shared>>
      %dma_start3A_906 = arith.constant 0 : i32
      %dma_start3A_907 = tpu.memref_slice %arg11[%add3A_132, %dma_start3A_906] : memref<10240x128xf32, #tpu.memory_space<vmem_shared>> -> memref<80x128xf32, #tpu.memory_space<vmem_shared>>
      tpu.enqueue_dma source(%arg10 : memref<80x128xf32, #tpu.memory_space<vmem>>) target(%dma_start3A_907 : memref<80x128xf32, #tpu.memory_space<vmem_shared>>) target_semaphore(%run_scoped3A : memref<!tpu.dma_semaphore, #tpu.memory_space<semaphore_mem>>)
      %dma_wait3A_908 = arith.constant 0 : i32
      %dma_wait3A_909 = tpu.memref_slice %arg11[%add3A_132, %dma_wait3A_908] : memref<10240x128xf32, #tpu.memory_space<vmem_shared>> -> memref<80x128xf32, #tpu.memory_space<vmem_shared>>
      %dma_wait3A_910 = arith.constant 0 : i32
      %dma_wait3A_911 = tpu.memref_slice %arg11[%add3A_132, %dma_wait3A_910] : memref<10240x128xf32, #tpu.memory_space<vmem_shared>> -> memref<80x128xf32, #tpu.memory_space<vmem_shared>>
      tpu.wait_dma2 semaphore(%run_scoped3A : memref<!tpu.dma_semaphore, #tpu.memory_space<semaphore_mem>>) src(%arg10 : memref<80x128xf32, #tpu.memory_space<vmem>>) dst(%dma_wait3A_911 : memref<80x128xf32, #tpu.memory_space<vmem_shared>>)
      tpu.yield
    }) : () -> ()
    %add3A_133 = arith.constant 80 : i32
    %add3A_134 = arith.addi %mul3A_2, %add3A_133 : i32
    "tpu.region"() ({
      %run_scoped3A = tpu.sem_alloc : memref<!tpu.dma_semaphore, #tpu.memory_space<semaphore_mem>>
      %dma_start3A_904 = arith.constant 0 : i32
      %dma_start3A_905 = tpu.memref_slice %arg11[%add3A_134, %dma_start3A_904] : memref<10240x128xf32, #tpu.memory_space<vmem_shared>> -> memref<80x128xf32, #tpu.memory_space<vmem_shared>>
      %dma_start3A_906 = arith.constant 0 : i32
      %dma_start3A_907 = tpu.memref_slice %arg11[%add3A_134, %dma_start3A_906] : memref<10240x128xf32, #tpu.memory_space<vmem_shared>> -> memref<80x128xf32, #tpu.memory_space<vmem_shared>>
      tpu.enqueue_dma source(%arg10 : memref<80x128xf32, #tpu.memory_space<vmem>>) target(%dma_start3A_907 : memref<80x128xf32, #tpu.memory_space<vmem_shared>>) target_semaphore(%run_scoped3A : memref<!tpu.dma_semaphore, #tpu.memory_space<semaphore_mem>>)
      %dma_wait3A_908 = arith.constant 0 : i32
      %dma_wait3A_909 = tpu.memref_slice %arg11[%add3A_134, %dma_wait3A_908] : memref<10240x128xf32, #tpu.memory_space<vmem_shared>> -> memref<80x128xf32, #tpu.memory_space<vmem_shared>>
      %dma_wait3A_910 = arith.constant 0 : i32
      %dma_wait3A_911 = tpu.memref_slice %arg11[%add3A_134, %dma_wait3A_910] : memref<10240x128xf32, #tpu.memory_space<vmem_shared>> -> memref<80x128xf32, #tpu.memory_space<vmem_shared>>
      tpu.wait_dma2 semaphore(%run_scoped3A : memref<!tpu.dma_semaphore, #tpu.memory_space<semaphore_mem>>) src(%arg10 : memref<80x128xf32, #tpu.memory_space<vmem>>) dst(%dma_wait3A_911 : memref<80x128xf32, #tpu.memory_space<vmem_shared>>)
      tpu.yield
    }) : () -> ()
    %add3A_135 = arith.constant 160 : i32
    %add3A_136 = arith.addi %mul3A_2, %add3A_135 : i32
    "tpu.region"() ({
      %run_scoped3A = tpu.sem_alloc : memref<!tpu.dma_semaphore, #tpu.memory_space<semaphore_mem>>
      %dma_start3A_904 = arith.constant 0 : i32
      %dma_start3A_905 = tpu.memref_slice %arg11[%add3A_136, %dma_start3A_904] : memref<10240x128xf32, #tpu.memory_space<vmem_shared>> -> memref<80x128xf32, #tpu.memory_space<vmem_shared>>
      %dma_start3A_906 = arith.constant 0 : i32
      %dma_start3A_907 = tpu.memref_slice %arg11[%add3A_136, %dma_start3A_906] : memref<10240x128xf32, #tpu.memory_space<vmem_shared>> -> memref<80x128xf32, #tpu.memory_space<vmem_shared>>
      tpu.enqueue_dma source(%arg10 : memref<80x128xf32, #tpu.memory_space<vmem>>) target(%dma_start3A_907 : memref<80x128xf32, #tpu.memory_space<vmem_shared>>) target_semaphore(%run_scoped3A : memref<!tpu.dma_semaphore, #tpu.memory_space<semaphore_mem>>)
      %dma_wait3A_908 = arith.constant 0 : i32
      %dma_wait3A_909 = tpu.memref_slice %arg11[%add3A_136, %dma_wait3A_908] : memref<10240x128xf32, #tpu.memory_space<vmem_shared>> -> memref<80x128xf32, #tpu.memory_space<vmem_shared>>
      %dma_wait3A_910 = arith.constant 0 : i32
      %dma_wait3A_911 = tpu.memref_slice %arg11[%add3A_136, %dma_wait3A_910] : memref<10240x128xf32, #tpu.memory_space<vmem_shared>> -> memref<80x128xf32, #tpu.memory_space<vmem_shared>>
      tpu.wait_dma2 semaphore(%run_scoped3A : memref<!tpu.dma_semaphore, #tpu.memory_space<semaphore_mem>>) src(%arg10 : memref<80x128xf32, #tpu.memory_space<vmem>>) dst(%dma_wait3A_911 : memref<80x128xf32, #tpu.memory_space<vmem_shared>>)
      tpu.yield
    }) : () -> ()
    %add3A_137 = arith.constant 240 : i32
    %add3A_138 = arith.addi %mul3A_2, %add3A_137 : i32
    "tpu.region"() ({
      %run_scoped3A = tpu.sem_alloc : memref<!tpu.dma_semaphore, #tpu.memory_space<semaphore_mem>>
      %dma_start3A_904 = arith.constant 0 : i32
      %dma_start3A_905 = tpu.memref_slice %arg11[%add3A_138, %dma_start3A_904] : memref<10240x128xf32, #tpu.memory_space<vmem_shared>> -> memref<80x128xf32, #tpu.memory_space<vmem_shared>>
      %dma_start3A_906 = arith.constant 0 : i32
      %dma_start3A_907 = tpu.memref_slice %arg11[%add3A_138, %dma_start3A_906] : memref<10240x128xf32, #tpu.memory_space<vmem_shared>> -> memref<80x128xf32, #tpu.memory_space<vmem_shared>>
      tpu.enqueue_dma source(%arg10 : memref<80x128xf32, #tpu.memory_space<vmem>>) target(%dma_start3A_907 : memref<80x128xf32, #tpu.memory_space<vmem_shared>>) target_semaphore(%run_scoped3A : memref<!tpu.dma_semaphore, #tpu.memory_space<semaphore_mem>>)
      %dma_wait3A_908 = arith.constant 0 : i32
      %dma_wait3A_909 = tpu.memref_slice %arg11[%add3A_138, %dma_wait3A_908] : memref<10240x128xf32, #tpu.memory_space<vmem_shared>> -> memref<80x128xf32, #tpu.memory_space<vmem_shared>>
      %dma_wait3A_910 = arith.constant 0 : i32
      %dma_wait3A_911 = tpu.memref_slice %arg11[%add3A_138, %dma_wait3A_910] : memref<10240x128xf32, #tpu.memory_space<vmem_shared>> -> memref<80x128xf32, #tpu.memory_space<vmem_shared>>
      tpu.wait_dma2 semaphore(%run_scoped3A : memref<!tpu.dma_semaphore, #tpu.memory_space<semaphore_mem>>) src(%arg10 : memref<80x128xf32, #tpu.memory_space<vmem>>) dst(%dma_wait3A_911 : memref<80x128xf32, #tpu.memory_space<vmem_shared>>)
      tpu.yield
    }) : () -> ()
    %add3A_139 = arith.constant 320 : i32
    %add3A_140 = arith.addi %mul3A_2, %add3A_139 : i32
    "tpu.region"() ({
      %run_scoped3A = tpu.sem_alloc : memref<!tpu.dma_semaphore, #tpu.memory_space<semaphore_mem>>
      %dma_start3A_904 = arith.constant 0 : i32
      %dma_start3A_905 = tpu.memref_slice %arg11[%add3A_140, %dma_start3A_904] : memref<10240x128xf32, #tpu.memory_space<vmem_shared>> -> memref<80x128xf32, #tpu.memory_space<vmem_shared>>
      %dma_start3A_906 = arith.constant 0 : i32
      %dma_start3A_907 = tpu.memref_slice %arg11[%add3A_140, %dma_start3A_906] : memref<10240x128xf32, #tpu.memory_space<vmem_shared>> -> memref<80x128xf32, #tpu.memory_space<vmem_shared>>
      tpu.enqueue_dma source(%arg10 : memref<80x128xf32, #tpu.memory_space<vmem>>) target(%dma_start3A_907 : memref<80x128xf32, #tpu.memory_space<vmem_shared>>) target_semaphore(%run_scoped3A : memref<!tpu.dma_semaphore, #tpu.memory_space<semaphore_mem>>)
      %dma_wait3A_908 = arith.constant 0 : i32
      %dma_wait3A_909 = tpu.memref_slice %arg11[%add3A_140, %dma_wait3A_908] : memref<10240x128xf32, #tpu.memory_space<vmem_shared>> -> memref<80x128xf32, #tpu.memory_space<vmem_shared>>
      %dma_wait3A_910 = arith.constant 0 : i32
      %dma_wait3A_911 = tpu.memref_slice %arg11[%add3A_140, %dma_wait3A_910] : memref<10240x128xf32, #tpu.memory_space<vmem_shared>> -> memref<80x128xf32, #tpu.memory_space<vmem_shared>>
      tpu.wait_dma2 semaphore(%run_scoped3A : memref<!tpu.dma_semaphore, #tpu.memory_space<semaphore_mem>>) src(%arg10 : memref<80x128xf32, #tpu.memory_space<vmem>>) dst(%dma_wait3A_911 : memref<80x128xf32, #tpu.memory_space<vmem_shared>>)
      tpu.yield
    }) : () -> ()
    %add3A_141 = arith.constant 400 : i32
    %add3A_142 = arith.addi %mul3A_2, %add3A_141 : i32
    "tpu.region"() ({
      %run_scoped3A = tpu.sem_alloc : memref<!tpu.dma_semaphore, #tpu.memory_space<semaphore_mem>>
      %dma_start3A_904 = arith.constant 0 : i32
      %dma_start3A_905 = tpu.memref_slice %arg11[%add3A_142, %dma_start3A_904] : memref<10240x128xf32, #tpu.memory_space<vmem_shared>> -> memref<80x128xf32, #tpu.memory_space<vmem_shared>>
      %dma_start3A_906 = arith.constant 0 : i32
      %dma_start3A_907 = tpu.memref_slice %arg11[%add3A_142, %dma_start3A_906] : memref<10240x128xf32, #tpu.memory_space<vmem_shared>> -> memref<80x128xf32, #tpu.memory_space<vmem_shared>>
      tpu.enqueue_dma source(%arg10 : memref<80x128xf32, #tpu.memory_space<vmem>>) target(%dma_start3A_907 : memref<80x128xf32, #tpu.memory_space<vmem_shared>>) target_semaphore(%run_scoped3A : memref<!tpu.dma_semaphore, #tpu.memory_space<semaphore_mem>>)
      %dma_wait3A_908 = arith.constant 0 : i32
      %dma_wait3A_909 = tpu.memref_slice %arg11[%add3A_142, %dma_wait3A_908] : memref<10240x128xf32, #tpu.memory_space<vmem_shared>> -> memref<80x128xf32, #tpu.memory_space<vmem_shared>>
      %dma_wait3A_910 = arith.constant 0 : i32
      %dma_wait3A_911 = tpu.memref_slice %arg11[%add3A_142, %dma_wait3A_910] : memref<10240x128xf32, #tpu.memory_space<vmem_shared>> -> memref<80x128xf32, #tpu.memory_space<vmem_shared>>
      tpu.wait_dma2 semaphore(%run_scoped3A : memref<!tpu.dma_semaphore, #tpu.memory_space<semaphore_mem>>) src(%arg10 : memref<80x128xf32, #tpu.memory_space<vmem>>) dst(%dma_wait3A_911 : memref<80x128xf32, #tpu.memory_space<vmem_shared>>)
      tpu.yield
    }) : () -> ()
    %add3A_143 = arith.constant 480 : i32
    %add3A_144 = arith.addi %mul3A_2, %add3A_143 : i32
    "tpu.region"() ({
      %run_scoped3A = tpu.sem_alloc : memref<!tpu.dma_semaphore, #tpu.memory_space<semaphore_mem>>
      %dma_start3A_904 = arith.constant 0 : i32
      %dma_start3A_905 = tpu.memref_slice %arg11[%add3A_144, %dma_start3A_904] : memref<10240x128xf32, #tpu.memory_space<vmem_shared>> -> memref<80x128xf32, #tpu.memory_space<vmem_shared>>
      %dma_start3A_906 = arith.constant 0 : i32
      %dma_start3A_907 = tpu.memref_slice %arg11[%add3A_144, %dma_start3A_906] : memref<10240x128xf32, #tpu.memory_space<vmem_shared>> -> memref<80x128xf32, #tpu.memory_space<vmem_shared>>
      tpu.enqueue_dma source(%arg10 : memref<80x128xf32, #tpu.memory_space<vmem>>) target(%dma_start3A_907 : memref<80x128xf32, #tpu.memory_space<vmem_shared>>) target_semaphore(%run_scoped3A : memref<!tpu.dma_semaphore, #tpu.memory_space<semaphore_mem>>)
      %dma_wait3A_908 = arith.constant 0 : i32
      %dma_wait3A_909 = tpu.memref_slice %arg11[%add3A_144, %dma_wait3A_908] : memref<10240x128xf32, #tpu.memory_space<vmem_shared>> -> memref<80x128xf32, #tpu.memory_space<vmem_shared>>
      %dma_wait3A_910 = arith.constant 0 : i32
      %dma_wait3A_911 = tpu.memref_slice %arg11[%add3A_144, %dma_wait3A_910] : memref<10240x128xf32, #tpu.memory_space<vmem_shared>> -> memref<80x128xf32, #tpu.memory_space<vmem_shared>>
      tpu.wait_dma2 semaphore(%run_scoped3A : memref<!tpu.dma_semaphore, #tpu.memory_space<semaphore_mem>>) src(%arg10 : memref<80x128xf32, #tpu.memory_space<vmem>>) dst(%dma_wait3A_911 : memref<80x128xf32, #tpu.memory_space<vmem_shared>>)
      tpu.yield
    }) : () -> ()
    %add3A_145 = arith.constant 560 : i32
    %add3A_146 = arith.addi %mul3A_2, %add3A_145 : i32
    "tpu.region"() ({
      %run_scoped3A = tpu.sem_alloc : memref<!tpu.dma_semaphore, #tpu.memory_space<semaphore_mem>>
      %dma_start3A_904 = arith.constant 0 : i32
      %dma_start3A_905 = tpu.memref_slice %arg11[%add3A_146, %dma_start3A_904] : memref<10240x128xf32, #tpu.memory_space<vmem_shared>> -> memref<80x128xf32, #tpu.memory_space<vmem_shared>>
      %dma_start3A_906 = arith.constant 0 : i32
      %dma_start3A_907 = tpu.memref_slice %arg11[%add3A_146, %dma_start3A_906] : memref<10240x128xf32, #tpu.memory_space<vmem_shared>> -> memref<80x128xf32, #tpu.memory_space<vmem_shared>>
      tpu.enqueue_dma source(%arg10 : memref<80x128xf32, #tpu.memory_space<vmem>>) target(%dma_start3A_907 : memref<80x128xf32, #tpu.memory_space<vmem_shared>>) target_semaphore(%run_scoped3A : memref<!tpu.dma_semaphore, #tpu.memory_space<semaphore_mem>>)
      %dma_wait3A_908 = arith.constant 0 : i32
      %dma_wait3A_909 = tpu.memref_slice %arg11[%add3A_146, %dma_wait3A_908] : memref<10240x128xf32, #tpu.memory_space<vmem_shared>> -> memref<80x128xf32, #tpu.memory_space<vmem_shared>>
      %dma_wait3A_910 = arith.constant 0 : i32
      %dma_wait3A_911 = tpu.memref_slice %arg11[%add3A_146, %dma_wait3A_910] : memref<10240x128xf32, #tpu.memory_space<vmem_shared>> -> memref<80x128xf32, #tpu.memory_space<vmem_shared>>
      tpu.wait_dma2 semaphore(%run_scoped3A : memref<!tpu.dma_semaphore, #tpu.memory_space<semaphore_mem>>) src(%arg10 : memref<80x128xf32, #tpu.memory_space<vmem>>) dst(%dma_wait3A_911 : memref<80x128xf32, #tpu.memory_space<vmem_shared>>)
      tpu.yield
    }) : () -> ()
    %barrier3A = arith.constant 0 : index
    tpu.barrier barrier_id(%barrier3A)
    %dma_start3A_147 = arith.constant 0 : i32
    %dma_start3A_148 = arith.constant 1 : i32
    %dma_start3A_149 = arith.constant 1 : i32
    %dma_start3A_150 = arith.constant 0 : i32
    %dma_start3A_151 = arith.constant 0 : i32
    %dma_start3A_152 = tpu.memref_slice %arg6[%dma_start3A_149, %dma_start3A_150, %dma_start3A_151] : memref<2x25x80xi32, #tpu.memory_space<vmem>> -> memref<1x25x80xi32, #tpu.memory_space<vmem>>
    %dma_start3A_153 = tpu.memref_squeeze %dma_start3A_152 : memref<1x25x80xi32, #tpu.memory_space<vmem>> -> memref<25x80xi32, #tpu.memory_space<vmem>>
    %dma_start3A_154 = arith.constant 0 : i32
    %dma_start3A_155 = arith.constant 0 : i32
    %dma_start3A_156 = tpu.memref_slice %arg2[%dma_start3A_147, %add3A, %dma_start3A_148, %dma_start3A_154, %dma_start3A_155] : memref<2x32x5x25x80xi32, #tpu.memory_space<hbm>> -> memref<1x1x1x25x80xi32, #tpu.memory_space<hbm>>
    %dma_start3A_157 = tpu.memref_squeeze %dma_start3A_156 : memref<1x1x1x25x80xi32, #tpu.memory_space<hbm>> -> memref<25x80xi32, #tpu.memory_space<hbm>>
    %dma_start3A_158 = arith.constant 0 : i32
    %dma_start3A_159 = arith.constant 0 : i32
    %dma_start3A_160 = tpu.memref_slice %arg6[%dma_start3A_149, %dma_start3A_158, %dma_start3A_159] : memref<2x25x80xi32, #tpu.memory_space<vmem>> -> memref<1x25x80xi32, #tpu.memory_space<vmem>>
    %dma_start3A_161 = tpu.memref_squeeze %dma_start3A_160 : memref<1x25x80xi32, #tpu.memory_space<vmem>> -> memref<25x80xi32, #tpu.memory_space<vmem>>
    %dma_start3A_162 = arith.constant 0 : i32
    %dma_start3A_163 = arith.constant 0 : i32
    %dma_start3A_164 = tpu.memref_slice %arg2[%dma_start3A_147, %add3A, %dma_start3A_148, %dma_start3A_162, %dma_start3A_163] : memref<2x32x5x25x80xi32, #tpu.memory_space<hbm>> -> memref<1x1x1x25x80xi32, #tpu.memory_space<hbm>>
    %dma_start3A_165 = tpu.memref_squeeze %dma_start3A_164 : memref<1x1x1x25x80xi32, #tpu.memory_space<hbm>> -> memref<25x80xi32, #tpu.memory_space<hbm>>
    tpu.enqueue_dma source(%dma_start3A_165 : memref<25x80xi32, #tpu.memory_space<hbm>>) target(%dma_start3A_161 : memref<25x80xi32, #tpu.memory_space<vmem>>) target_semaphore(%arg16 : memref<!tpu.dma_semaphore, #tpu.memory_space<semaphore_mem>>)
    %dma_start3A_166 = arith.constant 1 : i32
    %dma_start3A_167 = arith.constant 1 : i32
    %dma_start3A_168 = arith.constant 1 : i32
    %dma_start3A_169 = arith.constant 0 : i32
    %dma_start3A_170 = arith.constant 0 : i32
    %dma_start3A_171 = tpu.memref_slice %arg7[%dma_start3A_168, %dma_start3A_169, %dma_start3A_170] : memref<2x25x80xi32, #tpu.memory_space<vmem>> -> memref<1x25x80xi32, #tpu.memory_space<vmem>>
    %dma_start3A_172 = tpu.memref_squeeze %dma_start3A_171 : memref<1x25x80xi32, #tpu.memory_space<vmem>> -> memref<25x80xi32, #tpu.memory_space<vmem>>
    %dma_start3A_173 = arith.constant 0 : i32
    %dma_start3A_174 = arith.constant 0 : i32
    %dma_start3A_175 = tpu.memref_slice %arg2[%dma_start3A_166, %add3A, %dma_start3A_167, %dma_start3A_173, %dma_start3A_174] : memref<2x32x5x25x80xi32, #tpu.memory_space<hbm>> -> memref<1x1x1x25x80xi32, #tpu.memory_space<hbm>>
    %dma_start3A_176 = tpu.memref_squeeze %dma_start3A_175 : memref<1x1x1x25x80xi32, #tpu.memory_space<hbm>> -> memref<25x80xi32, #tpu.memory_space<hbm>>
    %dma_start3A_177 = arith.constant 0 : i32
    %dma_start3A_178 = arith.constant 0 : i32
    %dma_start3A_179 = tpu.memref_slice %arg7[%dma_start3A_168, %dma_start3A_177, %dma_start3A_178] : memref<2x25x80xi32, #tpu.memory_space<vmem>> -> memref<1x25x80xi32, #tpu.memory_space<vmem>>
    %dma_start3A_180 = tpu.memref_squeeze %dma_start3A_179 : memref<1x25x80xi32, #tpu.memory_space<vmem>> -> memref<25x80xi32, #tpu.memory_space<vmem>>
    %dma_start3A_181 = arith.constant 0 : i32
    %dma_start3A_182 = arith.constant 0 : i32
    %dma_start3A_183 = tpu.memref_slice %arg2[%dma_start3A_166, %add3A, %dma_start3A_167, %dma_start3A_181, %dma_start3A_182] : memref<2x32x5x25x80xi32, #tpu.memory_space<hbm>> -> memref<1x1x1x25x80xi32, #tpu.memory_space<hbm>>
    %dma_start3A_184 = tpu.memref_squeeze %dma_start3A_183 : memref<1x1x1x25x80xi32, #tpu.memory_space<hbm>> -> memref<25x80xi32, #tpu.memory_space<hbm>>
    tpu.enqueue_dma source(%dma_start3A_184 : memref<25x80xi32, #tpu.memory_space<hbm>>) target(%dma_start3A_180 : memref<25x80xi32, #tpu.memory_space<vmem>>) target_semaphore(%arg16 : memref<!tpu.dma_semaphore, #tpu.memory_space<semaphore_mem>>)
    %dma_start3A_185 = arith.constant 1 : i32
    %dma_start3A_186 = arith.constant 1 : i32
    %dma_start3A_187 = arith.constant 0 : i32
    %dma_start3A_188 = arith.constant 0 : i32
    %dma_start3A_189 = tpu.memref_slice %arg8[%dma_start3A_186, %dma_start3A_187, %dma_start3A_188] : memref<2x25x80xf32, #tpu.memory_space<vmem>> -> memref<1x25x80xf32, #tpu.memory_space<vmem>>
    %dma_start3A_190 = tpu.memref_squeeze %dma_start3A_189 : memref<1x25x80xf32, #tpu.memory_space<vmem>> -> memref<25x80xf32, #tpu.memory_space<vmem>>
    %dma_start3A_191 = arith.constant 0 : i32
    %dma_start3A_192 = arith.constant 0 : i32
    %dma_start3A_193 = tpu.memref_slice %arg3[%add3A, %dma_start3A_185, %dma_start3A_191, %dma_start3A_192] : memref<32x5x25x80xf32, #tpu.memory_space<hbm>> -> memref<1x1x25x80xf32, #tpu.memory_space<hbm>>
    %dma_start3A_194 = tpu.memref_squeeze %dma_start3A_193 : memref<1x1x25x80xf32, #tpu.memory_space<hbm>> -> memref<25x80xf32, #tpu.memory_space<hbm>>
    %dma_start3A_195 = arith.constant 0 : i32
    %dma_start3A_196 = arith.constant 0 : i32
    %dma_start3A_197 = tpu.memref_slice %arg8[%dma_start3A_186, %dma_start3A_195, %dma_start3A_196] : memref<2x25x80xf32, #tpu.memory_space<vmem>> -> memref<1x25x80xf32, #tpu.memory_space<vmem>>
    %dma_start3A_198 = tpu.memref_squeeze %dma_start3A_197 : memref<1x25x80xf32, #tpu.memory_space<vmem>> -> memref<25x80xf32, #tpu.memory_space<vmem>>
    %dma_start3A_199 = arith.constant 0 : i32
    %dma_start3A_200 = arith.constant 0 : i32
    %dma_start3A_201 = tpu.memref_slice %arg3[%add3A, %dma_start3A_185, %dma_start3A_199, %dma_start3A_200] : memref<32x5x25x80xf32, #tpu.memory_space<hbm>> -> memref<1x1x25x80xf32, #tpu.memory_space<hbm>>
    %dma_start3A_202 = tpu.memref_squeeze %dma_start3A_201 : memref<1x1x25x80xf32, #tpu.memory_space<hbm>> -> memref<25x80xf32, #tpu.memory_space<hbm>>
    tpu.enqueue_dma source(%dma_start3A_202 : memref<25x80xf32, #tpu.memory_space<hbm>>) target(%dma_start3A_198 : memref<25x80xf32, #tpu.memory_space<vmem>>) target_semaphore(%arg16 : memref<!tpu.dma_semaphore, #tpu.memory_space<semaphore_mem>>)
    %scan3A_203 = arith.constant 0 : i32
    %scan3A_204 = arith.constant 0 : i32
    %scan3A_205 = arith.constant 0 : i32
    %scan3A_206 = arith.constant 0 : i32
    %scan3A_207 = arith.constant 0 : i32
    %scan3A_208 = arith.constant 12 : i32
    %scan3A_209 = arith.addi %scan3A_207, %scan3A_208 : i32
    %scan3A_210 = arith.constant 1 : i32
    scf.for %scan3A_904 = %scan3A_207 to %scan3A_209 step %scan3A_210  : i32 {
      %mul3A_905 = arith.constant 2 : i32
      %mul3A_906 = arith.muli %mul3A_905, %scan3A_904 : i32
      %add3A_907 = arith.constant 1 : i32
      %add3A_908 = arith.addi %mul3A_906, %add3A_907 : i32
      %dma_start3A_909 = arith.constant 0 : i32
      %dma_start3A_910 = arith.constant 0 : i32
      %dma_start3A_911 = tpu.memref_slice %arg6[%scan3A_204, %dma_start3A_909, %dma_start3A_910] : memref<2x25x80xi32, #tpu.memory_space<vmem>> -> memref<1x25x80xi32, #tpu.memory_space<vmem>>
      %dma_start3A_912 = tpu.memref_squeeze %dma_start3A_911 : memref<1x25x80xi32, #tpu.memory_space<vmem>> -> memref<25x80xi32, #tpu.memory_space<vmem>>
      %dma_start3A_913 = arith.constant 0 : i32
      %dma_start3A_914 = tpu.memref_slice %dma_start3A_912[%add3A_908, %dma_start3A_913] : memref<25x80xi32, #tpu.memory_space<vmem>> -> memref<1x80xi32, #tpu.memory_space<vmem>>
      %dma_start3A_915 = tpu.memref_squeeze %dma_start3A_914 : memref<1x80xi32, #tpu.memory_space<vmem>> -> memref<80xi32, #tpu.memory_space<vmem>>
      %dma_start3A_916 = arith.constant 0 : i32
      %dma_start3A_917 = arith.constant 0 : i32
      %dma_start3A_918 = tpu.memref_slice %arg4[%dma_start3A_916, %dma_start3A_917] : memref<10000x128xf32, #tpu.memory_space<hbm>> -> memref<10000x128xf32, #tpu.memory_space<hbm>>
      tpu.enqueue_indirect_dma source(%dma_start3A_918 : memref<10000x128xf32, #tpu.memory_space<hbm>>) target(%arg10 : memref<80x128xf32, #tpu.memory_space<vmem>>) offsets(%dma_start3A_915 : memref<80xi32, #tpu.memory_space<vmem>>) semaphore(%arg13 : memref<!tpu.dma_semaphore, #tpu.memory_space<semaphore_mem>>)
      %dma_wait3A_919 = arith.constant 0 : i32
      %dma_wait3A_920 = arith.constant 0 : i32
      %dma_wait3A_921 = tpu.memref_slice %arg6[%scan3A_204, %dma_wait3A_919, %dma_wait3A_920] : memref<2x25x80xi32, #tpu.memory_space<vmem>> -> memref<1x25x80xi32, #tpu.memory_space<vmem>>
      %dma_wait3A_922 = tpu.memref_squeeze %dma_wait3A_921 : memref<1x25x80xi32, #tpu.memory_space<vmem>> -> memref<25x80xi32, #tpu.memory_space<vmem>>
      %dma_wait3A_923 = arith.constant 0 : i32
      %dma_wait3A_924 = tpu.memref_slice %dma_wait3A_922[%mul3A_906, %dma_wait3A_923] : memref<25x80xi32, #tpu.memory_space<vmem>> -> memref<1x80xi32, #tpu.memory_space<vmem>>
      %dma_wait3A_925 = tpu.memref_squeeze %dma_wait3A_924 : memref<1x80xi32, #tpu.memory_space<vmem>> -> memref<80xi32, #tpu.memory_space<vmem>>
      %dma_wait3A_926 = arith.constant 0 : i32
      %dma_wait3A_927 = arith.constant 0 : i32
      %dma_wait3A_928 = tpu.memref_slice %arg4[%dma_wait3A_926, %dma_wait3A_927] : memref<10000x128xf32, #tpu.memory_space<hbm>> -> memref<10000x128xf32, #tpu.memory_space<hbm>>
      tpu.wait_indirect_dma semaphore(%arg12 : memref<!tpu.dma_semaphore, #tpu.memory_space<semaphore_mem>>) src(%dma_wait3A_928 : memref<10000x128xf32, #tpu.memory_space<hbm>>) dst(%arg9 : memref<80x128xf32, #tpu.memory_space<vmem>>)
      %scan3A_929 = arith.constant 0 : i32
      %scan3A_930 = arith.constant 0 : i32
      %scan3A_931 = arith.constant 80 : i32
      %scan3A_932 = arith.addi %scan3A_930, %scan3A_931 : i32
      %scan3A_933 = arith.constant 1 : i32
      scf.for %scan3A_1003 = %scan3A_930 to %scan3A_932 step %scan3A_933  : i32 {
        %broadcast_in_dim3A_1004 = vector.broadcast %scan3A_1003 : i32 to vector<16xi32>
        %broadcast_in_dim3A_1005 = vector.broadcast %mul3A_906 : i32 to vector<16xi32>
        %gather3A = arith.constant 0 : i32
        %gather3A_1006 = arith.constant 0 : i32
        %gather3A_1007 = tpu.memref_slice %arg8[%scan3A_205, %gather3A, %gather3A_1006] : memref<2x25x80xf32, #tpu.memory_space<vmem>> -> memref<1x25x80xf32, #tpu.memory_space<vmem>>
        %gather3A_1008 = tpu.memref_squeeze %gather3A_1007 : memref<1x25x80xf32, #tpu.memory_space<vmem>> -> memref<25x80xf32, #tpu.memory_space<vmem>>
        %gather3A_1009 = tpu.vector_load_idx %gather3A_1008[%broadcast_in_dim3A_1005, %broadcast_in_dim3A_1004] : memref<25x80xf32, #tpu.memory_space<vmem>>[vector<16xi32>, vector<16xi32>], vector<16xf32>,
        %get3A = arith.index_cast %scan3A_1003 : i32 to index
        %get3A_1010 = arith.constant 0 : index
        %get3A_1011 = tpu.vector_load %arg9[%get3A, %get3A_1010] {strides = array<i32>} : memref<80x128xf32, #tpu.memory_space<vmem>>, vector<16xf32>,
        %mul3A_1012 = arith.mulf %get3A_1011, %gather3A_1009 : vector<16xf32>
        %swap3A = arith.index_cast %scan3A_1003 : i32 to index
        %swap3A_1013 = arith.constant 0 : index
        %swap3A_1014 = tpu.vector_load %arg9[%swap3A, %swap3A_1013] {strides = array<i32>} : memref<80x128xf32, #tpu.memory_space<vmem>>, vector<16xf32>,
        tpu.vector_store %arg9[%swap3A, %swap3A_1013], %mul3A_1012 {strides = array<i32>} : memref<80x128xf32, #tpu.memory_space<vmem>>, vector<16xf32>,
        %get3A_1015 = arith.index_cast %scan3A_1003 : i32 to index
        %get3A_1016 = arith.constant 16 : index
        %get3A_1017 = tpu.vector_load %arg9[%get3A_1015, %get3A_1016] {strides = array<i32>} : memref<80x128xf32, #tpu.memory_space<vmem>>, vector<16xf32>,
        %mul3A_1018 = arith.mulf %get3A_1017, %gather3A_1009 : vector<16xf32>
        %swap3A_1019 = arith.index_cast %scan3A_1003 : i32 to index
        %swap3A_1020 = arith.constant 16 : index
        %swap3A_1021 = tpu.vector_load %arg9[%swap3A_1019, %swap3A_1020] {strides = array<i32>} : memref<80x128xf32, #tpu.memory_space<vmem>>, vector<16xf32>,
        tpu.vector_store %arg9[%swap3A_1019, %swap3A_1020], %mul3A_1018 {strides = array<i32>} : memref<80x128xf32, #tpu.memory_space<vmem>>, vector<16xf32>,
        %get3A_1022 = arith.index_cast %scan3A_1003 : i32 to index
        %get3A_1023 = arith.constant 32 : index
        %get3A_1024 = tpu.vector_load %arg9[%get3A_1022, %get3A_1023] {strides = array<i32>} : memref<80x128xf32, #tpu.memory_space<vmem>>, vector<16xf32>,
        %mul3A_1025 = arith.mulf %get3A_1024, %gather3A_1009 : vector<16xf32>
        %swap3A_1026 = arith.index_cast %scan3A_1003 : i32 to index
        %swap3A_1027 = arith.constant 32 : index
        %swap3A_1028 = tpu.vector_load %arg9[%swap3A_1026, %swap3A_1027] {strides = array<i32>} : memref<80x128xf32, #tpu.memory_space<vmem>>, vector<16xf32>,
        tpu.vector_store %arg9[%swap3A_1026, %swap3A_1027], %mul3A_1025 {strides = array<i32>} : memref<80x128xf32, #tpu.memory_space<vmem>>, vector<16xf32>,
        %get3A_1029 = arith.index_cast %scan3A_1003 : i32 to index
        %get3A_1030 = arith.constant 48 : index
        %get3A_1031 = tpu.vector_load %arg9[%get3A_1029, %get3A_1030] {strides = array<i32>} : memref<80x128xf32, #tpu.memory_space<vmem>>, vector<16xf32>,
        %mul3A_1032 = arith.mulf %get3A_1031, %gather3A_1009 : vector<16xf32>
        %swap3A_1033 = arith.index_cast %scan3A_1003 : i32 to index
        %swap3A_1034 = arith.constant 48 : index
        %swap3A_1035 = tpu.vector_load %arg9[%swap3A_1033, %swap3A_1034] {strides = array<i32>} : memref<80x128xf32, #tpu.memory_space<vmem>>, vector<16xf32>,
        tpu.vector_store %arg9[%swap3A_1033, %swap3A_1034], %mul3A_1032 {strides = array<i32>} : memref<80x128xf32, #tpu.memory_space<vmem>>, vector<16xf32>,
        %get3A_1036 = arith.index_cast %scan3A_1003 : i32 to index
        %get3A_1037 = arith.constant 64 : index
        %get3A_1038 = tpu.vector_load %arg9[%get3A_1036, %get3A_1037] {strides = array<i32>} : memref<80x128xf32, #tpu.memory_space<vmem>>, vector<16xf32>,
        %mul3A_1039 = arith.mulf %get3A_1038, %gather3A_1009 : vector<16xf32>
        %swap3A_1040 = arith.index_cast %scan3A_1003 : i32 to index
        %swap3A_1041 = arith.constant 64 : index
        %swap3A_1042 = tpu.vector_load %arg9[%swap3A_1040, %swap3A_1041] {strides = array<i32>} : memref<80x128xf32, #tpu.memory_space<vmem>>, vector<16xf32>,
        tpu.vector_store %arg9[%swap3A_1040, %swap3A_1041], %mul3A_1039 {strides = array<i32>} : memref<80x128xf32, #tpu.memory_space<vmem>>, vector<16xf32>,
        %get3A_1043 = arith.index_cast %scan3A_1003 : i32 to index
        %get3A_1044 = arith.constant 80 : index
        %get3A_1045 = tpu.vector_load %arg9[%get3A_1043, %get3A_1044] {strides = array<i32>} : memref<80x128xf32, #tpu.memory_space<vmem>>, vector<16xf32>,
        %mul3A_1046 = arith.mulf %get3A_1045, %gather3A_1009 : vector<16xf32>
        %swap3A_1047 = arith.index_cast %scan3A_1003 : i32 to index
        %swap3A_1048 = arith.constant 80 : index
        %swap3A_1049 = tpu.vector_load %arg9[%swap3A_1047, %swap3A_1048] {strides = array<i32>} : memref<80x128xf32, #tpu.memory_space<vmem>>, vector<16xf32>,
        tpu.vector_store %arg9[%swap3A_1047, %swap3A_1048], %mul3A_1046 {strides = array<i32>} : memref<80x128xf32, #tpu.memory_space<vmem>>, vector<16xf32>,
        %get3A_1050 = arith.index_cast %scan3A_1003 : i32 to index
        %get3A_1051 = arith.constant 96 : index
        %get3A_1052 = tpu.vector_load %arg9[%get3A_1050, %get3A_1051] {strides = array<i32>} : memref<80x128xf32, #tpu.memory_space<vmem>>, vector<16xf32>,
        %mul3A_1053 = arith.mulf %get3A_1052, %gather3A_1009 : vector<16xf32>
        %swap3A_1054 = arith.index_cast %scan3A_1003 : i32 to index
        %swap3A_1055 = arith.constant 96 : index
        %swap3A_1056 = tpu.vector_load %arg9[%swap3A_1054, %swap3A_1055] {strides = array<i32>} : memref<80x128xf32, #tpu.memory_space<vmem>>, vector<16xf32>,
        tpu.vector_store %arg9[%swap3A_1054, %swap3A_1055], %mul3A_1053 {strides = array<i32>} : memref<80x128xf32, #tpu.memory_space<vmem>>, vector<16xf32>,
        %get3A_1057 = arith.index_cast %scan3A_1003 : i32 to index
        %get3A_1058 = arith.constant 112 : index
        %get3A_1059 = tpu.vector_load %arg9[%get3A_1057, %get3A_1058] {strides = array<i32>} : memref<80x128xf32, #tpu.memory_space<vmem>>, vector<16xf32>,
        %mul3A_1060 = arith.mulf %get3A_1059, %gather3A_1009 : vector<16xf32>
        %swap3A_1061 = arith.index_cast %scan3A_1003 : i32 to index
        %swap3A_1062 = arith.constant 112 : index
        %swap3A_1063 = tpu.vector_load %arg9[%swap3A_1061, %swap3A_1062] {strides = array<i32>} : memref<80x128xf32, #tpu.memory_space<vmem>>, vector<16xf32>,
        tpu.vector_store %arg9[%swap3A_1061, %swap3A_1062], %mul3A_1060 {strides = array<i32>} : memref<80x128xf32, #tpu.memory_space<vmem>>, vector<16xf32>,
      }
      %scan3A_934 = arith.constant 80 : i32
      %dma_start3A_935 = arith.constant 0 : i32
      %dma_start3A_936 = arith.constant 0 : i32
      %dma_start3A_937 = tpu.memref_slice %arg7[%scan3A_206, %dma_start3A_935, %dma_start3A_936] : memref<2x25x80xi32, #tpu.memory_space<vmem>> -> memref<1x25x80xi32, #tpu.memory_space<vmem>>
      %dma_start3A_938 = tpu.memref_squeeze %dma_start3A_937 : memref<1x25x80xi32, #tpu.memory_space<vmem>> -> memref<25x80xi32, #tpu.memory_space<vmem>>
      %dma_start3A_939 = arith.constant 0 : i32
      %dma_start3A_940 = tpu.memref_slice %dma_start3A_938[%mul3A_906, %dma_start3A_939] : memref<25x80xi32, #tpu.memory_space<vmem>> -> memref<1x80xi32, #tpu.memory_space<vmem>>
      %dma_start3A_941 = tpu.memref_squeeze %dma_start3A_940 : memref<1x80xi32, #tpu.memory_space<vmem>> -> memref<80xi32, #tpu.memory_space<vmem>>
      %dma_start3A_942 = arith.constant 0 : i32
      %dma_start3A_943 = arith.constant 0 : i32
      %dma_start3A_944 = tpu.memref_slice %arg11[%dma_start3A_942, %dma_start3A_943] : memref<10240x128xf32, #tpu.memory_space<vmem_shared>> -> memref<10240x128xf32, #tpu.memory_space<vmem_shared>>
      tpu.enqueue_indirect_dma source(%arg9 : memref<80x128xf32, #tpu.memory_space<vmem>>) target(%dma_start3A_944 : memref<10240x128xf32, #tpu.memory_space<vmem_shared>>) offsets(%dma_start3A_941 : memref<80xi32, #tpu.memory_space<vmem>>) semaphore(%arg14 : memref<!tpu.dma_semaphore, #tpu.memory_space<semaphore_mem>>) {add = true}
      %dma_wait3A_945 = arith.constant 0 : i32
      %dma_wait3A_946 = arith.constant 0 : i32
      %dma_wait3A_947 = tpu.memref_slice %arg6[%scan3A_204, %dma_wait3A_945, %dma_wait3A_946] : memref<2x25x80xi32, #tpu.memory_space<vmem>> -> memref<1x25x80xi32, #tpu.memory_space<vmem>>
      %dma_wait3A_948 = tpu.memref_squeeze %dma_wait3A_947 : memref<1x25x80xi32, #tpu.memory_space<vmem>> -> memref<25x80xi32, #tpu.memory_space<vmem>>
      %dma_wait3A_949 = arith.constant 0 : i32
      %dma_wait3A_950 = tpu.memref_slice %dma_wait3A_948[%add3A_908, %dma_wait3A_949] : memref<25x80xi32, #tpu.memory_space<vmem>> -> memref<1x80xi32, #tpu.memory_space<vmem>>
      %dma_wait3A_951 = tpu.memref_squeeze %dma_wait3A_950 : memref<1x80xi32, #tpu.memory_space<vmem>> -> memref<80xi32, #tpu.memory_space<vmem>>
      %dma_wait3A_952 = arith.constant 0 : i32
      %dma_wait3A_953 = arith.constant 0 : i32
      %dma_wait3A_954 = tpu.memref_slice %arg4[%dma_wait3A_952, %dma_wait3A_953] : memref<10000x128xf32, #tpu.memory_space<hbm>> -> memref<10000x128xf32, #tpu.memory_space<hbm>>
      tpu.wait_indirect_dma semaphore(%arg13 : memref<!tpu.dma_semaphore, #tpu.memory_space<semaphore_mem>>) src(%dma_wait3A_954 : memref<10000x128xf32, #tpu.memory_space<hbm>>) dst(%arg10 : memref<80x128xf32, #tpu.memory_space<vmem>>)
      %scan3A_955 = arith.constant 0 : i32
      %scan3A_956 = arith.constant 0 : i32
      %scan3A_957 = arith.constant 80 : i32
      %scan3A_958 = arith.addi %scan3A_956, %scan3A_957 : i32
      %scan3A_959 = arith.constant 1 : i32
      scf.for %scan3A_1003 = %scan3A_956 to %scan3A_958 step %scan3A_959  : i32 {
        %broadcast_in_dim3A_1004 = vector.broadcast %scan3A_1003 : i32 to vector<16xi32>
        %broadcast_in_dim3A_1005 = vector.broadcast %add3A_908 : i32 to vector<16xi32>
        %gather3A = arith.constant 0 : i32
        %gather3A_1006 = arith.constant 0 : i32
        %gather3A_1007 = tpu.memref_slice %arg8[%scan3A_205, %gather3A, %gather3A_1006] : memref<2x25x80xf32, #tpu.memory_space<vmem>> -> memref<1x25x80xf32, #tpu.memory_space<vmem>>
        %gather3A_1008 = tpu.memref_squeeze %gather3A_1007 : memref<1x25x80xf32, #tpu.memory_space<vmem>> -> memref<25x80xf32, #tpu.memory_space<vmem>>
        %gather3A_1009 = tpu.vector_load_idx %gather3A_1008[%broadcast_in_dim3A_1005, %broadcast_in_dim3A_1004] : memref<25x80xf32, #tpu.memory_space<vmem>>[vector<16xi32>, vector<16xi32>], vector<16xf32>,
        %get3A = arith.index_cast %scan3A_1003 : i32 to index
        %get3A_1010 = arith.constant 0 : index
        %get3A_1011 = tpu.vector_load %arg10[%get3A, %get3A_1010] {strides = array<i32>} : memref<80x128xf32, #tpu.memory_space<vmem>>, vector<16xf32>,
        %mul3A_1012 = arith.mulf %get3A_1011, %gather3A_1009 : vector<16xf32>
        %swap3A = arith.index_cast %scan3A_1003 : i32 to index
        %swap3A_1013 = arith.constant 0 : index
        %swap3A_1014 = tpu.vector_load %arg10[%swap3A, %swap3A_1013] {strides = array<i32>} : memref<80x128xf32, #tpu.memory_space<vmem>>, vector<16xf32>,
        tpu.vector_store %arg10[%swap3A, %swap3A_1013], %mul3A_1012 {strides = array<i32>} : memref<80x128xf32, #tpu.memory_space<vmem>>, vector<16xf32>,
        %get3A_1015 = arith.index_cast %scan3A_1003 : i32 to index
        %get3A_1016 = arith.constant 16 : index
        %get3A_1017 = tpu.vector_load %arg10[%get3A_1015, %get3A_1016] {strides = array<i32>} : memref<80x128xf32, #tpu.memory_space<vmem>>, vector<16xf32>,
        %mul3A_1018 = arith.mulf %get3A_1017, %gather3A_1009 : vector<16xf32>
        %swap3A_1019 = arith.index_cast %scan3A_1003 : i32 to index
        %swap3A_1020 = arith.constant 16 : index
        %swap3A_1021 = tpu.vector_load %arg10[%swap3A_1019, %swap3A_1020] {strides = array<i32>} : memref<80x128xf32, #tpu.memory_space<vmem>>, vector<16xf32>,
        tpu.vector_store %arg10[%swap3A_1019, %swap3A_1020], %mul3A_1018 {strides = array<i32>} : memref<80x128xf32, #tpu.memory_space<vmem>>, vector<16xf32>,
        %get3A_1022 = arith.index_cast %scan3A_1003 : i32 to index
        %get3A_1023 = arith.constant 32 : index
        %get3A_1024 = tpu.vector_load %arg10[%get3A_1022, %get3A_1023] {strides = array<i32>} : memref<80x128xf32, #tpu.memory_space<vmem>>, vector<16xf32>,
        %mul3A_1025 = arith.mulf %get3A_1024, %gather3A_1009 : vector<16xf32>
        %swap3A_1026 = arith.index_cast %scan3A_1003 : i32 to index
        %swap3A_1027 = arith.constant 32 : index
        %swap3A_1028 = tpu.vector_load %arg10[%swap3A_1026, %swap3A_1027] {strides = array<i32>} : memref<80x128xf32, #tpu.memory_space<vmem>>, vector<16xf32>,
        tpu.vector_store %arg10[%swap3A_1026, %swap3A_1027], %mul3A_1025 {strides = array<i32>} : memref<80x128xf32, #tpu.memory_space<vmem>>, vector<16xf32>,
        %get3A_1029 = arith.index_cast %scan3A_1003 : i32 to index
        %get3A_1030 = arith.constant 48 : index
        %get3A_1031 = tpu.vector_load %arg10[%get3A_1029, %get3A_1030] {strides = array<i32>} : memref<80x128xf32, #tpu.memory_space<vmem>>, vector<16xf32>,
        %mul3A_1032 = arith.mulf %get3A_1031, %gather3A_1009 : vector<16xf32>
        %swap3A_1033 = arith.index_cast %scan3A_1003 : i32 to index
        %swap3A_1034 = arith.constant 48 : index
        %swap3A_1035 = tpu.vector_load %arg10[%swap3A_1033, %swap3A_1034] {strides = array<i32>} : memref<80x128xf32, #tpu.memory_space<vmem>>, vector<16xf32>,
        tpu.vector_store %arg10[%swap3A_1033, %swap3A_1034], %mul3A_1032 {strides = array<i32>} : memref<80x128xf32, #tpu.memory_space<vmem>>, vector<16xf32>,
        %get3A_1036 = arith.index_cast %scan3A_1003 : i32 to index
        %get3A_1037 = arith.constant 64 : index
        %get3A_1038 = tpu.vector_load %arg10[%get3A_1036, %get3A_1037] {strides = array<i32>} : memref<80x128xf32, #tpu.memory_space<vmem>>, vector<16xf32>,
        %mul3A_1039 = arith.mulf %get3A_1038, %gather3A_1009 : vector<16xf32>
        %swap3A_1040 = arith.index_cast %scan3A_1003 : i32 to index
        %swap3A_1041 = arith.constant 64 : index
        %swap3A_1042 = tpu.vector_load %arg10[%swap3A_1040, %swap3A_1041] {strides = array<i32>} : memref<80x128xf32, #tpu.memory_space<vmem>>, vector<16xf32>,
        tpu.vector_store %arg10[%swap3A_1040, %swap3A_1041], %mul3A_1039 {strides = array<i32>} : memref<80x128xf32, #tpu.memory_space<vmem>>, vector<16xf32>,
        %get3A_1043 = arith.index_cast %scan3A_1003 : i32 to index
        %get3A_1044 = arith.constant 80 : index
        %get3A_1045 = tpu.vector_load %arg10[%get3A_1043, %get3A_1044] {strides = array<i32>} : memref<80x128xf32, #tpu.memory_space<vmem>>, vector<16xf32>,
        %mul3A_1046 = arith.mulf %get3A_1045, %gather3A_1009 : vector<16xf32>
        %swap3A_1047 = arith.index_cast %scan3A_1003 : i32 to index
        %swap3A_1048 = arith.constant 80 : index
        %swap3A_1049 = tpu.vector_load %arg10[%swap3A_1047, %swap3A_1048] {strides = array<i32>} : memref<80x128xf32, #tpu.memory_space<vmem>>, vector<16xf32>,
        tpu.vector_store %arg10[%swap3A_1047, %swap3A_1048], %mul3A_1046 {strides = array<i32>} : memref<80x128xf32, #tpu.memory_space<vmem>>, vector<16xf32>,
        %get3A_1050 = arith.index_cast %scan3A_1003 : i32 to index
        %get3A_1051 = arith.constant 96 : index
        %get3A_1052 = tpu.vector_load %arg10[%get3A_1050, %get3A_1051] {strides = array<i32>} : memref<80x128xf32, #tpu.memory_space<vmem>>, vector<16xf32>,
        %mul3A_1053 = arith.mulf %get3A_1052, %gather3A_1009 : vector<16xf32>
        %swap3A_1054 = arith.index_cast %scan3A_1003 : i32 to index
        %swap3A_1055 = arith.constant 96 : index
        %swap3A_1056 = tpu.vector_load %arg10[%swap3A_1054, %swap3A_1055] {strides = array<i32>} : memref<80x128xf32, #tpu.memory_space<vmem>>, vector<16xf32>,
        tpu.vector_store %arg10[%swap3A_1054, %swap3A_1055], %mul3A_1053 {strides = array<i32>} : memref<80x128xf32, #tpu.memory_space<vmem>>, vector<16xf32>,
        %get3A_1057 = arith.index_cast %scan3A_1003 : i32 to index
        %get3A_1058 = arith.constant 112 : index
        %get3A_1059 = tpu.vector_load %arg10[%get3A_1057, %get3A_1058] {strides = array<i32>} : memref<80x128xf32, #tpu.memory_space<vmem>>, vector<16xf32>,
        %mul3A_1060 = arith.mulf %get3A_1059, %gather3A_1009 : vector<16xf32>
        %swap3A_1061 = arith.index_cast %scan3A_1003 : i32 to index
        %swap3A_1062 = arith.constant 112 : index
        %swap3A_1063 = tpu.vector_load %arg10[%swap3A_1061, %swap3A_1062] {strides = array<i32>} : memref<80x128xf32, #tpu.memory_space<vmem>>, vector<16xf32>,
        tpu.vector_store %arg10[%swap3A_1061, %swap3A_1062], %mul3A_1060 {strides = array<i32>} : memref<80x128xf32, #tpu.memory_space<vmem>>, vector<16xf32>,
      }
      %scan3A_960 = arith.constant 80 : i32
      %dma_start3A_961 = arith.constant 0 : i32
      %dma_start3A_962 = arith.constant 0 : i32
      %dma_start3A_963 = tpu.memref_slice %arg7[%scan3A_206, %dma_start3A_961, %dma_start3A_962] : memref<2x25x80xi32, #tpu.memory_space<vmem>> -> memref<1x25x80xi32, #tpu.memory_space<vmem>>
      %dma_start3A_964 = tpu.memref_squeeze %dma_start3A_963 : memref<1x25x80xi32, #tpu.memory_space<vmem>> -> memref<25x80xi32, #tpu.memory_space<vmem>>
      %dma_start3A_965 = arith.constant 0 : i32
      %dma_start3A_966 = tpu.memref_slice %dma_start3A_964[%add3A_908, %dma_start3A_965] : memref<25x80xi32, #tpu.memory_space<vmem>> -> memref<1x80xi32, #tpu.memory_space<vmem>>
      %dma_start3A_967 = tpu.memref_squeeze %dma_start3A_966 : memref<1x80xi32, #tpu.memory_space<vmem>> -> memref<80xi32, #tpu.memory_space<vmem>>
      %dma_start3A_968 = arith.constant 0 : i32
      %dma_start3A_969 = arith.constant 0 : i32
      %dma_start3A_970 = tpu.memref_slice %arg11[%dma_start3A_968, %dma_start3A_969] : memref<10240x128xf32, #tpu.memory_space<vmem_shared>> -> memref<10240x128xf32, #tpu.memory_space<vmem_shared>>
      tpu.enqueue_indirect_dma source(%arg10 : memref<80x128xf32, #tpu.memory_space<vmem>>) target(%dma_start3A_970 : memref<10240x128xf32, #tpu.memory_space<vmem_shared>>) offsets(%dma_start3A_967 : memref<80xi32, #tpu.memory_space<vmem>>) semaphore(%arg15 : memref<!tpu.dma_semaphore, #tpu.memory_space<semaphore_mem>>) {add = true}
      %dma_wait3A_971 = arith.constant 0 : i32
      %dma_wait3A_972 = arith.constant 0 : i32
      %dma_wait3A_973 = tpu.memref_slice %arg7[%scan3A_206, %dma_wait3A_971, %dma_wait3A_972] : memref<2x25x80xi32, #tpu.memory_space<vmem>> -> memref<1x25x80xi32, #tpu.memory_space<vmem>>
      %dma_wait3A_974 = tpu.memref_squeeze %dma_wait3A_973 : memref<1x25x80xi32, #tpu.memory_space<vmem>> -> memref<25x80xi32, #tpu.memory_space<vmem>>
      %dma_wait3A_975 = arith.constant 0 : i32
      %dma_wait3A_976 = tpu.memref_slice %dma_wait3A_974[%mul3A_906, %dma_wait3A_975] : memref<25x80xi32, #tpu.memory_space<vmem>> -> memref<1x80xi32, #tpu.memory_space<vmem>>
      %dma_wait3A_977 = tpu.memref_squeeze %dma_wait3A_976 : memref<1x80xi32, #tpu.memory_space<vmem>> -> memref<80xi32, #tpu.memory_space<vmem>>
      %dma_wait3A_978 = arith.constant 0 : i32
      %dma_wait3A_979 = arith.constant 0 : i32
      %dma_wait3A_980 = tpu.memref_slice %arg11[%dma_wait3A_978, %dma_wait3A_979] : memref<10240x128xf32, #tpu.memory_space<vmem_shared>> -> memref<10240x128xf32, #tpu.memory_space<vmem_shared>>
      tpu.wait_indirect_dma semaphore(%arg14 : memref<!tpu.dma_semaphore, #tpu.memory_space<semaphore_mem>>) src(%arg9 : memref<80x128xf32, #tpu.memory_space<vmem>>) dst(%dma_wait3A_980 : memref<10240x128xf32, #tpu.memory_space<vmem_shared>>)
      %add3A_981 = arith.constant 2 : i32
      %add3A_982 = arith.addi %mul3A_906, %add3A_981 : i32
      %dma_start3A_983 = arith.constant 0 : i32
      %dma_start3A_984 = arith.constant 0 : i32
      %dma_start3A_985 = tpu.memref_slice %arg6[%scan3A_204, %dma_start3A_983, %dma_start3A_984] : memref<2x25x80xi32, #tpu.memory_space<vmem>> -> memref<1x25x80xi32, #tpu.memory_space<vmem>>
      %dma_start3A_986 = tpu.memref_squeeze %dma_start3A_985 : memref<1x25x80xi32, #tpu.memory_space<vmem>> -> memref<25x80xi32, #tpu.memory_space<vmem>>
      %dma_start3A_987 = arith.constant 0 : i32
      %dma_start3A_988 = tpu.memref_slice %dma_start3A_986[%add3A_982, %dma_start3A_987] : memref<25x80xi32, #tpu.memory_space<vmem>> -> memref<1x80xi32, #tpu.memory_space<vmem>>
      %dma_start3A_989 = tpu.memref_squeeze %dma_start3A_988 : memref<1x80xi32, #tpu.memory_space<vmem>> -> memref<80xi32, #tpu.memory_space<vmem>>
      %dma_start3A_990 = arith.constant 0 : i32
      %dma_start3A_991 = arith.constant 0 : i32
      %dma_start3A_992 = tpu.memref_slice %arg4[%dma_start3A_990, %dma_start3A_991] : memref<10000x128xf32, #tpu.memory_space<hbm>> -> memref<10000x128xf32, #tpu.memory_space<hbm>>
      tpu.enqueue_indirect_dma source(%dma_start3A_992 : memref<10000x128xf32, #tpu.memory_space<hbm>>) target(%arg9 : memref<80x128xf32, #tpu.memory_space<vmem>>) offsets(%dma_start3A_989 : memref<80xi32, #tpu.memory_space<vmem>>) semaphore(%arg12 : memref<!tpu.dma_semaphore, #tpu.memory_space<semaphore_mem>>)
      %dma_wait3A_993 = arith.constant 0 : i32
      %dma_wait3A_994 = arith.constant 0 : i32
      %dma_wait3A_995 = tpu.memref_slice %arg7[%scan3A_206, %dma_wait3A_993, %dma_wait3A_994] : memref<2x25x80xi32, #tpu.memory_space<vmem>> -> memref<1x25x80xi32, #tpu.memory_space<vmem>>
      %dma_wait3A_996 = tpu.memref_squeeze %dma_wait3A_995 : memref<1x25x80xi32, #tpu.memory_space<vmem>> -> memref<25x80xi32, #tpu.memory_space<vmem>>
      %dma_wait3A_997 = arith.constant 0 : i32
      %dma_wait3A_998 = tpu.memref_slice %dma_wait3A_996[%add3A_908, %dma_wait3A_997] : memref<25x80xi32, #tpu.memory_space<vmem>> -> memref<1x80xi32, #tpu.memory_space<vmem>>
      %dma_wait3A_999 = tpu.memref_squeeze %dma_wait3A_998 : memref<1x80xi32, #tpu.memory_space<vmem>> -> memref<80xi32, #tpu.memory_space<vmem>>
      %dma_wait3A_1000 = arith.constant 0 : i32
      %dma_wait3A_1001 = arith.constant 0 : i32
      %dma_wait3A_1002 = tpu.memref_slice %arg11[%dma_wait3A_1000, %dma_wait3A_1001] : memref<10240x128xf32, #tpu.memory_space<vmem_shared>> -> memref<10240x128xf32, #tpu.memory_space<vmem_shared>>
      tpu.wait_indirect_dma semaphore(%arg15 : memref<!tpu.dma_semaphore, #tpu.memory_space<semaphore_mem>>) src(%arg10 : memref<80x128xf32, #tpu.memory_space<vmem>>) dst(%dma_wait3A_1002 : memref<10240x128xf32, #tpu.memory_space<vmem_shared>>)
    }
    %scan3A_211 = arith.constant 12 : i32
    %dma_wait3A_212 = arith.constant 0 : i32
    %dma_wait3A_213 = arith.constant 24 : i32
    %dma_wait3A_214 = arith.constant 0 : i32
    %dma_wait3A_215 = arith.constant 0 : i32
    %dma_wait3A_216 = tpu.memref_slice %arg6[%dma_wait3A_212, %dma_wait3A_214, %dma_wait3A_215] : memref<2x25x80xi32, #tpu.memory_space<vmem>> -> memref<1x25x80xi32, #tpu.memory_space<vmem>>
    %dma_wait3A_217 = tpu.memref_squeeze %dma_wait3A_216 : memref<1x25x80xi32, #tpu.memory_space<vmem>> -> memref<25x80xi32, #tpu.memory_space<vmem>>
    %dma_wait3A_218 = arith.constant 0 : i32
    %dma_wait3A_219 = tpu.memref_slice %dma_wait3A_217[%dma_wait3A_213, %dma_wait3A_218] : memref<25x80xi32, #tpu.memory_space<vmem>> -> memref<1x80xi32, #tpu.memory_space<vmem>>
    %dma_wait3A_220 = tpu.memref_squeeze %dma_wait3A_219 : memref<1x80xi32, #tpu.memory_space<vmem>> -> memref<80xi32, #tpu.memory_space<vmem>>
    %dma_wait3A_221 = arith.constant 0 : i32
    %dma_wait3A_222 = arith.constant 0 : i32
    %dma_wait3A_223 = tpu.memref_slice %arg4[%dma_wait3A_221, %dma_wait3A_222] : memref<10000x128xf32, #tpu.memory_space<hbm>> -> memref<10000x128xf32, #tpu.memory_space<hbm>>
    tpu.wait_indirect_dma semaphore(%arg12 : memref<!tpu.dma_semaphore, #tpu.memory_space<semaphore_mem>>) src(%dma_wait3A_223 : memref<10000x128xf32, #tpu.memory_space<hbm>>) dst(%arg9 : memref<80x128xf32, #tpu.memory_space<vmem>>)
    %scan3A_224 = arith.constant 0 : i32
    %scan3A_225 = arith.constant 0 : i32
    %scan3A_226 = arith.constant 0 : i32
    %scan3A_227 = arith.constant 80 : i32
    %scan3A_228 = arith.addi %scan3A_226, %scan3A_227 : i32
    %scan3A_229 = arith.constant 1 : i32
    scf.for %scan3A_904 = %scan3A_226 to %scan3A_228 step %scan3A_229  : i32 {
      %broadcast_in_dim3A_905 = vector.broadcast %scan3A_904 : i32 to vector<16xi32>
      %broadcast_in_dim3A_906 = arith.constant 24 : i32
      %broadcast_in_dim3A_907 = vector.broadcast %broadcast_in_dim3A_906 : i32 to vector<16xi32>
      %gather3A = arith.constant 0 : i32
      %gather3A_908 = arith.constant 0 : i32
      %gather3A_909 = tpu.memref_slice %arg8[%scan3A_225, %gather3A, %gather3A_908] : memref<2x25x80xf32, #tpu.memory_space<vmem>> -> memref<1x25x80xf32, #tpu.memory_space<vmem>>
      %gather3A_910 = tpu.memref_squeeze %gather3A_909 : memref<1x25x80xf32, #tpu.memory_space<vmem>> -> memref<25x80xf32, #tpu.memory_space<vmem>>
      %gather3A_911 = tpu.vector_load_idx %gather3A_910[%broadcast_in_dim3A_907, %broadcast_in_dim3A_905] : memref<25x80xf32, #tpu.memory_space<vmem>>[vector<16xi32>, vector<16xi32>], vector<16xf32>,
      %get3A = arith.index_cast %scan3A_904 : i32 to index
      %get3A_912 = arith.constant 0 : index
      %get3A_913 = tpu.vector_load %arg9[%get3A, %get3A_912] {strides = array<i32>} : memref<80x128xf32, #tpu.memory_space<vmem>>, vector<16xf32>,
      %mul3A_914 = arith.mulf %get3A_913, %gather3A_911 : vector<16xf32>
      %swap3A = arith.index_cast %scan3A_904 : i32 to index
      %swap3A_915 = arith.constant 0 : index
      %swap3A_916 = tpu.vector_load %arg9[%swap3A, %swap3A_915] {strides = array<i32>} : memref<80x128xf32, #tpu.memory_space<vmem>>, vector<16xf32>,
      tpu.vector_store %arg9[%swap3A, %swap3A_915], %mul3A_914 {strides = array<i32>} : memref<80x128xf32, #tpu.memory_space<vmem>>, vector<16xf32>,
      %get3A_917 = arith.index_cast %scan3A_904 : i32 to index
      %get3A_918 = arith.constant 16 : index
      %get3A_919 = tpu.vector_load %arg9[%get3A_917, %get3A_918] {strides = array<i32>} : memref<80x128xf32, #tpu.memory_space<vmem>>, vector<16xf32>,
      %mul3A_920 = arith.mulf %get3A_919, %gather3A_911 : vector<16xf32>
      %swap3A_921 = arith.index_cast %scan3A_904 : i32 to index
      %swap3A_922 = arith.constant 16 : index
      %swap3A_923 = tpu.vector_load %arg9[%swap3A_921, %swap3A_922] {strides = array<i32>} : memref<80x128xf32, #tpu.memory_space<vmem>>, vector<16xf32>,
      tpu.vector_store %arg9[%swap3A_921, %swap3A_922], %mul3A_920 {strides = array<i32>} : memref<80x128xf32, #tpu.memory_space<vmem>>, vector<16xf32>,
      %get3A_924 = arith.index_cast %scan3A_904 : i32 to index
      %get3A_925 = arith.constant 32 : index
      %get3A_926 = tpu.vector_load %arg9[%get3A_924, %get3A_925] {strides = array<i32>} : memref<80x128xf32, #tpu.memory_space<vmem>>, vector<16xf32>,
      %mul3A_927 = arith.mulf %get3A_926, %gather3A_911 : vector<16xf32>
      %swap3A_928 = arith.index_cast %scan3A_904 : i32 to index
      %swap3A_929 = arith.constant 32 : index
      %swap3A_930 = tpu.vector_load %arg9[%swap3A_928, %swap3A_929] {strides = array<i32>} : memref<80x128xf32, #tpu.memory_space<vmem>>, vector<16xf32>,
      tpu.vector_store %arg9[%swap3A_928, %swap3A_929], %mul3A_927 {strides = array<i32>} : memref<80x128xf32, #tpu.memory_space<vmem>>, vector<16xf32>,
      %get3A_931 = arith.index_cast %scan3A_904 : i32 to index
      %get3A_932 = arith.constant 48 : index
      %get3A_933 = tpu.vector_load %arg9[%get3A_931, %get3A_932] {strides = array<i32>} : memref<80x128xf32, #tpu.memory_space<vmem>>, vector<16xf32>,
      %mul3A_934 = arith.mulf %get3A_933, %gather3A_911 : vector<16xf32>
      %swap3A_935 = arith.index_cast %scan3A_904 : i32 to index
      %swap3A_936 = arith.constant 48 : index
      %swap3A_937 = tpu.vector_load %arg9[%swap3A_935, %swap3A_936] {strides = array<i32>} : memref<80x128xf32, #tpu.memory_space<vmem>>, vector<16xf32>,
      tpu.vector_store %arg9[%swap3A_935, %swap3A_936], %mul3A_934 {strides = array<i32>} : memref<80x128xf32, #tpu.memory_space<vmem>>, vector<16xf32>,
      %get3A_938 = arith.index_cast %scan3A_904 : i32 to index
      %get3A_939 = arith.constant 64 : index
      %get3A_940 = tpu.vector_load %arg9[%get3A_938, %get3A_939] {strides = array<i32>} : memref<80x128xf32, #tpu.memory_space<vmem>>, vector<16xf32>,
      %mul3A_941 = arith.mulf %get3A_940, %gather3A_911 : vector<16xf32>
      %swap3A_942 = arith.index_cast %scan3A_904 : i32 to index
      %swap3A_943 = arith.constant 64 : index
      %swap3A_944 = tpu.vector_load %arg9[%swap3A_942, %swap3A_943] {strides = array<i32>} : memref<80x128xf32, #tpu.memory_space<vmem>>, vector<16xf32>,
      tpu.vector_store %arg9[%swap3A_942, %swap3A_943], %mul3A_941 {strides = array<i32>} : memref<80x128xf32, #tpu.memory_space<vmem>>, vector<16xf32>,
      %get3A_945 = arith.index_cast %scan3A_904 : i32 to index
      %get3A_946 = arith.constant 80 : index
      %get3A_947 = tpu.vector_load %arg9[%get3A_945, %get3A_946] {strides = array<i32>} : memref<80x128xf32, #tpu.memory_space<vmem>>, vector<16xf32>,
      %mul3A_948 = arith.mulf %get3A_947, %gather3A_911 : vector<16xf32>
      %swap3A_949 = arith.index_cast %scan3A_904 : i32 to index
      %swap3A_950 = arith.constant 80 : index
      %swap3A_951 = tpu.vector_load %arg9[%swap3A_949, %swap3A_950] {strides = array<i32>} : memref<80x128xf32, #tpu.memory_space<vmem>>, vector<16xf32>,
      tpu.vector_store %arg9[%swap3A_949, %swap3A_950], %mul3A_948 {strides = array<i32>} : memref<80x128xf32, #tpu.memory_space<vmem>>, vector<16xf32>,
      %get3A_952 = arith.index_cast %scan3A_904 : i32 to index
      %get3A_953 = arith.constant 96 : index
      %get3A_954 = tpu.vector_load %arg9[%get3A_952, %get3A_953] {strides = array<i32>} : memref<80x128xf32, #tpu.memory_space<vmem>>, vector<16xf32>,
      %mul3A_955 = arith.mulf %get3A_954, %gather3A_911 : vector<16xf32>
      %swap3A_956 = arith.index_cast %scan3A_904 : i32 to index
      %swap3A_957 = arith.constant 96 : index
      %swap3A_958 = tpu.vector_load %arg9[%swap3A_956, %swap3A_957] {strides = array<i32>} : memref<80x128xf32, #tpu.memory_space<vmem>>, vector<16xf32>,
      tpu.vector_store %arg9[%swap3A_956, %swap3A_957], %mul3A_955 {strides = array<i32>} : memref<80x128xf32, #tpu.memory_space<vmem>>, vector<16xf32>,
      %get3A_959 = arith.index_cast %scan3A_904 : i32 to index
      %get3A_960 = arith.constant 112 : index
      %get3A_961 = tpu.vector_load %arg9[%get3A_959, %get3A_960] {strides = array<i32>} : memref<80x128xf32, #tpu.memory_space<vmem>>, vector<16xf32>,
      %mul3A_962 = arith.mulf %get3A_961, %gather3A_911 : vector<16xf32>
      %swap3A_963 = arith.index_cast %scan3A_904 : i32 to index
      %swap3A_964 = arith.constant 112 : index
      %swap3A_965 = tpu.vector_load %arg9[%swap3A_963, %swap3A_964] {strides = array<i32>} : memref<80x128xf32, #tpu.memory_space<vmem>>, vector<16xf32>,
      tpu.vector_store %arg9[%swap3A_963, %swap3A_964], %mul3A_962 {strides = array<i32>} : memref<80x128xf32, #tpu.memory_space<vmem>>, vector<16xf32>,
    }
    %scan3A_230 = arith.constant 80 : i32
    %dma_start3A_231 = arith.constant 0 : i32
    %dma_start3A_232 = arith.constant 24 : i32
    %dma_start3A_233 = arith.constant 0 : i32
    %dma_start3A_234 = arith.constant 0 : i32
    %dma_start3A_235 = tpu.memref_slice %arg7[%dma_start3A_231, %dma_start3A_233, %dma_start3A_234] : memref<2x25x80xi32, #tpu.memory_space<vmem>> -> memref<1x25x80xi32, #tpu.memory_space<vmem>>
    %dma_start3A_236 = tpu.memref_squeeze %dma_start3A_235 : memref<1x25x80xi32, #tpu.memory_space<vmem>> -> memref<25x80xi32, #tpu.memory_space<vmem>>
    %dma_start3A_237 = arith.constant 0 : i32
    %dma_start3A_238 = tpu.memref_slice %dma_start3A_236[%dma_start3A_232, %dma_start3A_237] : memref<25x80xi32, #tpu.memory_space<vmem>> -> memref<1x80xi32, #tpu.memory_space<vmem>>
    %dma_start3A_239 = tpu.memref_squeeze %dma_start3A_238 : memref<1x80xi32, #tpu.memory_space<vmem>> -> memref<80xi32, #tpu.memory_space<vmem>>
    %dma_start3A_240 = arith.constant 0 : i32
    %dma_start3A_241 = arith.constant 0 : i32
    %dma_start3A_242 = tpu.memref_slice %arg11[%dma_start3A_240, %dma_start3A_241] : memref<10240x128xf32, #tpu.memory_space<vmem_shared>> -> memref<10240x128xf32, #tpu.memory_space<vmem_shared>>
    tpu.enqueue_indirect_dma source(%arg9 : memref<80x128xf32, #tpu.memory_space<vmem>>) target(%dma_start3A_242 : memref<10240x128xf32, #tpu.memory_space<vmem_shared>>) offsets(%dma_start3A_239 : memref<80xi32, #tpu.memory_space<vmem>>) semaphore(%arg14 : memref<!tpu.dma_semaphore, #tpu.memory_space<semaphore_mem>>) {add = true}
    %dma_wait3A_243 = arith.constant 0 : i32
    %dma_wait3A_244 = arith.constant 1 : i32
    %dma_wait3A_245 = arith.constant 1 : i32
    %dma_wait3A_246 = arith.constant 0 : i32
    %dma_wait3A_247 = arith.constant 0 : i32
    %dma_wait3A_248 = tpu.memref_slice %arg6[%dma_wait3A_245, %dma_wait3A_246, %dma_wait3A_247] : memref<2x25x80xi32, #tpu.memory_space<vmem>> -> memref<1x25x80xi32, #tpu.memory_space<vmem>>
    %dma_wait3A_249 = tpu.memref_squeeze %dma_wait3A_248 : memref<1x25x80xi32, #tpu.memory_space<vmem>> -> memref<25x80xi32, #tpu.memory_space<vmem>>
    %dma_wait3A_250 = arith.constant 0 : i32
    %dma_wait3A_251 = arith.constant 0 : i32
    %dma_wait3A_252 = tpu.memref_slice %arg2[%dma_wait3A_243, %add3A, %dma_wait3A_244, %dma_wait3A_250, %dma_wait3A_251] : memref<2x32x5x25x80xi32, #tpu.memory_space<hbm>> -> memref<1x1x1x25x80xi32, #tpu.memory_space<hbm>>
    %dma_wait3A_253 = tpu.memref_squeeze %dma_wait3A_252 : memref<1x1x1x25x80xi32, #tpu.memory_space<hbm>> -> memref<25x80xi32, #tpu.memory_space<hbm>>
    %dma_wait3A_254 = arith.constant 0 : i32
    %dma_wait3A_255 = arith.constant 0 : i32
    %dma_wait3A_256 = tpu.memref_slice %arg6[%dma_wait3A_245, %dma_wait3A_254, %dma_wait3A_255] : memref<2x25x80xi32, #tpu.memory_space<vmem>> -> memref<1x25x80xi32, #tpu.memory_space<vmem>>
    %dma_wait3A_257 = tpu.memref_squeeze %dma_wait3A_256 : memref<1x25x80xi32, #tpu.memory_space<vmem>> -> memref<25x80xi32, #tpu.memory_space<vmem>>
    %dma_wait3A_258 = arith.constant 0 : i32
    %dma_wait3A_259 = arith.constant 0 : i32
    %dma_wait3A_260 = tpu.memref_slice %arg2[%dma_wait3A_243, %add3A, %dma_wait3A_244, %dma_wait3A_258, %dma_wait3A_259] : memref<2x32x5x25x80xi32, #tpu.memory_space<hbm>> -> memref<1x1x1x25x80xi32, #tpu.memory_space<hbm>>
    %dma_wait3A_261 = tpu.memref_squeeze %dma_wait3A_260 : memref<1x1x1x25x80xi32, #tpu.memory_space<hbm>> -> memref<25x80xi32, #tpu.memory_space<hbm>>
    tpu.wait_dma2 semaphore(%arg16 : memref<!tpu.dma_semaphore, #tpu.memory_space<semaphore_mem>>) src(%dma_wait3A_261 : memref<25x80xi32, #tpu.memory_space<hbm>>) dst(%dma_wait3A_257 : memref<25x80xi32, #tpu.memory_space<vmem>>)
    %dma_wait3A_262 = arith.constant 1 : i32
    %dma_wait3A_263 = arith.constant 1 : i32
    %dma_wait3A_264 = arith.constant 1 : i32
    %dma_wait3A_265 = arith.constant 0 : i32
    %dma_wait3A_266 = arith.constant 0 : i32
    %dma_wait3A_267 = tpu.memref_slice %arg7[%dma_wait3A_264, %dma_wait3A_265, %dma_wait3A_266] : memref<2x25x80xi32, #tpu.memory_space<vmem>> -> memref<1x25x80xi32, #tpu.memory_space<vmem>>
    %dma_wait3A_268 = tpu.memref_squeeze %dma_wait3A_267 : memref<1x25x80xi32, #tpu.memory_space<vmem>> -> memref<25x80xi32, #tpu.memory_space<vmem>>
    %dma_wait3A_269 = arith.constant 0 : i32
    %dma_wait3A_270 = arith.constant 0 : i32
    %dma_wait3A_271 = tpu.memref_slice %arg2[%dma_wait3A_262, %add3A, %dma_wait3A_263, %dma_wait3A_269, %dma_wait3A_270] : memref<2x32x5x25x80xi32, #tpu.memory_space<hbm>> -> memref<1x1x1x25x80xi32, #tpu.memory_space<hbm>>
    %dma_wait3A_272 = tpu.memref_squeeze %dma_wait3A_271 : memref<1x1x1x25x80xi32, #tpu.memory_space<hbm>> -> memref<25x80xi32, #tpu.memory_space<hbm>>
    %dma_wait3A_273 = arith.constant 0 : i32
    %dma_wait3A_274 = arith.constant 0 : i32
    %dma_wait3A_275 = tpu.memref_slice %arg7[%dma_wait3A_264, %dma_wait3A_273, %dma_wait3A_274] : memref<2x25x80xi32, #tpu.memory_space<vmem>> -> memref<1x25x80xi32, #tpu.memory_space<vmem>>
    %dma_wait3A_276 = tpu.memref_squeeze %dma_wait3A_275 : memref<1x25x80xi32, #tpu.memory_space<vmem>> -> memref<25x80xi32, #tpu.memory_space<vmem>>
    %dma_wait3A_277 = arith.constant 0 : i32
    %dma_wait3A_278 = arith.constant 0 : i32
    %dma_wait3A_279 = tpu.memref_slice %arg2[%dma_wait3A_262, %add3A, %dma_wait3A_263, %dma_wait3A_277, %dma_wait3A_278] : memref<2x32x5x25x80xi32, #tpu.memory_space<hbm>> -> memref<1x1x1x25x80xi32, #tpu.memory_space<hbm>>
    %dma_wait3A_280 = tpu.memref_squeeze %dma_wait3A_279 : memref<1x1x1x25x80xi32, #tpu.memory_space<hbm>> -> memref<25x80xi32, #tpu.memory_space<hbm>>
    tpu.wait_dma2 semaphore(%arg16 : memref<!tpu.dma_semaphore, #tpu.memory_space<semaphore_mem>>) src(%dma_wait3A_280 : memref<25x80xi32, #tpu.memory_space<hbm>>) dst(%dma_wait3A_276 : memref<25x80xi32, #tpu.memory_space<vmem>>)
    %dma_wait3A_281 = arith.constant 1 : i32
    %dma_wait3A_282 = arith.constant 1 : i32
    %dma_wait3A_283 = arith.constant 0 : i32
    %dma_wait3A_284 = arith.constant 0 : i32
    %dma_wait3A_285 = tpu.memref_slice %arg8[%dma_wait3A_282, %dma_wait3A_283, %dma_wait3A_284] : memref<2x25x80xf32, #tpu.memory_space<vmem>> -> memref<1x25x80xf32, #tpu.memory_space<vmem>>
    %dma_wait3A_286 = tpu.memref_squeeze %dma_wait3A_285 : memref<1x25x80xf32, #tpu.memory_space<vmem>> -> memref<25x80xf32, #tpu.memory_space<vmem>>
    %dma_wait3A_287 = arith.constant 0 : i32
    %dma_wait3A_288 = arith.constant 0 : i32
    %dma_wait3A_289 = tpu.memref_slice %arg3[%add3A, %dma_wait3A_281, %dma_wait3A_287, %dma_wait3A_288] : memref<32x5x25x80xf32, #tpu.memory_space<hbm>> -> memref<1x1x25x80xf32, #tpu.memory_space<hbm>>
    %dma_wait3A_290 = tpu.memref_squeeze %dma_wait3A_289 : memref<1x1x25x80xf32, #tpu.memory_space<hbm>> -> memref<25x80xf32, #tpu.memory_space<hbm>>
    %dma_wait3A_291 = arith.constant 0 : i32
    %dma_wait3A_292 = arith.constant 0 : i32
    %dma_wait3A_293 = tpu.memref_slice %arg8[%dma_wait3A_282, %dma_wait3A_291, %dma_wait3A_292] : memref<2x25x80xf32, #tpu.memory_space<vmem>> -> memref<1x25x80xf32, #tpu.memory_space<vmem>>
    %dma_wait3A_294 = tpu.memref_squeeze %dma_wait3A_293 : memref<1x25x80xf32, #tpu.memory_space<vmem>> -> memref<25x80xf32, #tpu.memory_space<vmem>>
    %dma_wait3A_295 = arith.constant 0 : i32
    %dma_wait3A_296 = arith.constant 0 : i32
    %dma_wait3A_297 = tpu.memref_slice %arg3[%add3A, %dma_wait3A_281, %dma_wait3A_295, %dma_wait3A_296] : memref<32x5x25x80xf32, #tpu.memory_space<hbm>> -> memref<1x1x25x80xf32, #tpu.memory_space<hbm>>
    %dma_wait3A_298 = tpu.memref_squeeze %dma_wait3A_297 : memref<1x1x25x80xf32, #tpu.memory_space<hbm>> -> memref<25x80xf32, #tpu.memory_space<hbm>>
    tpu.wait_dma2 semaphore(%arg16 : memref<!tpu.dma_semaphore, #tpu.memory_space<semaphore_mem>>) src(%dma_wait3A_298 : memref<25x80xf32, #tpu.memory_space<hbm>>) dst(%dma_wait3A_294 : memref<25x80xf32, #tpu.memory_space<vmem>>)
    %dma_start3A_299 = arith.constant 1 : i32
    %dma_start3A_300 = arith.constant 0 : i32
    %dma_start3A_301 = arith.constant 0 : i32
    %dma_start3A_302 = arith.constant 0 : i32
    %dma_start3A_303 = tpu.memref_slice %arg6[%dma_start3A_299, %dma_start3A_301, %dma_start3A_302] : memref<2x25x80xi32, #tpu.memory_space<vmem>> -> memref<1x25x80xi32, #tpu.memory_space<vmem>>
    %dma_start3A_304 = tpu.memref_squeeze %dma_start3A_303 : memref<1x25x80xi32, #tpu.memory_space<vmem>> -> memref<25x80xi32, #tpu.memory_space<vmem>>
    %dma_start3A_305 = arith.constant 0 : i32
    %dma_start3A_306 = tpu.memref_slice %dma_start3A_304[%dma_start3A_300, %dma_start3A_305] : memref<25x80xi32, #tpu.memory_space<vmem>> -> memref<1x80xi32, #tpu.memory_space<vmem>>
    %dma_start3A_307 = tpu.memref_squeeze %dma_start3A_306 : memref<1x80xi32, #tpu.memory_space<vmem>> -> memref<80xi32, #tpu.memory_space<vmem>>
    %dma_start3A_308 = arith.constant 0 : i32
    %dma_start3A_309 = arith.constant 0 : i32
    %dma_start3A_310 = tpu.memref_slice %arg4[%dma_start3A_308, %dma_start3A_309] : memref<10000x128xf32, #tpu.memory_space<hbm>> -> memref<10000x128xf32, #tpu.memory_space<hbm>>
    tpu.enqueue_indirect_dma source(%dma_start3A_310 : memref<10000x128xf32, #tpu.memory_space<hbm>>) target(%arg10 : memref<80x128xf32, #tpu.memory_space<vmem>>) offsets(%dma_start3A_307 : memref<80xi32, #tpu.memory_space<vmem>>) semaphore(%arg13 : memref<!tpu.dma_semaphore, #tpu.memory_space<semaphore_mem>>)
    %dma_wait3A_311 = arith.constant 0 : i32
    %dma_wait3A_312 = arith.constant 24 : i32
    %dma_wait3A_313 = arith.constant 0 : i32
    %dma_wait3A_314 = arith.constant 0 : i32
    %dma_wait3A_315 = tpu.memref_slice %arg7[%dma_wait3A_311, %dma_wait3A_313, %dma_wait3A_314] : memref<2x25x80xi32, #tpu.memory_space<vmem>> -> memref<1x25x80xi32, #tpu.memory_space<vmem>>
    %dma_wait3A_316 = tpu.memref_squeeze %dma_wait3A_315 : memref<1x25x80xi32, #tpu.memory_space<vmem>> -> memref<25x80xi32, #tpu.memory_space<vmem>>
    %dma_wait3A_317 = arith.constant 0 : i32
    %dma_wait3A_318 = tpu.memref_slice %dma_wait3A_316[%dma_wait3A_312, %dma_wait3A_317] : memref<25x80xi32, #tpu.memory_space<vmem>> -> memref<1x80xi32, #tpu.memory_space<vmem>>
    %dma_wait3A_319 = tpu.memref_squeeze %dma_wait3A_318 : memref<1x80xi32, #tpu.memory_space<vmem>> -> memref<80xi32, #tpu.memory_space<vmem>>
    %dma_wait3A_320 = arith.constant 0 : i32
    %dma_wait3A_321 = arith.constant 0 : i32
    %dma_wait3A_322 = tpu.memref_slice %arg11[%dma_wait3A_320, %dma_wait3A_321] : memref<10240x128xf32, #tpu.memory_space<vmem_shared>> -> memref<10240x128xf32, #tpu.memory_space<vmem_shared>>
    tpu.wait_indirect_dma semaphore(%arg14 : memref<!tpu.dma_semaphore, #tpu.memory_space<semaphore_mem>>) src(%arg9 : memref<80x128xf32, #tpu.memory_space<vmem>>) dst(%dma_wait3A_322 : memref<10240x128xf32, #tpu.memory_space<vmem_shared>>)
    %dma_start3A_323 = arith.constant 0 : i32
    %dma_start3A_324 = arith.constant 2 : i32
    %dma_start3A_325 = arith.constant 0 : i32
    %dma_start3A_326 = arith.constant 0 : i32
    %dma_start3A_327 = arith.constant 0 : i32
    %dma_start3A_328 = tpu.memref_slice %arg6[%dma_start3A_325, %dma_start3A_326, %dma_start3A_327] : memref<2x25x80xi32, #tpu.memory_space<vmem>> -> memref<1x25x80xi32, #tpu.memory_space<vmem>>
    %dma_start3A_329 = tpu.memref_squeeze %dma_start3A_328 : memref<1x25x80xi32, #tpu.memory_space<vmem>> -> memref<25x80xi32, #tpu.memory_space<vmem>>
    %dma_start3A_330 = arith.constant 0 : i32
    %dma_start3A_331 = arith.constant 0 : i32
    %dma_start3A_332 = tpu.memref_slice %arg2[%dma_start3A_323, %add3A, %dma_start3A_324, %dma_start3A_330, %dma_start3A_331] : memref<2x32x5x25x80xi32, #tpu.memory_space<hbm>> -> memref<1x1x1x25x80xi32, #tpu.memory_space<hbm>>
    %dma_start3A_333 = tpu.memref_squeeze %dma_start3A_332 : memref<1x1x1x25x80xi32, #tpu.memory_space<hbm>> -> memref<25x80xi32, #tpu.memory_space<hbm>>
    %dma_start3A_334 = arith.constant 0 : i32
    %dma_start3A_335 = arith.constant 0 : i32
    %dma_start3A_336 = tpu.memref_slice %arg6[%dma_start3A_325, %dma_start3A_334, %dma_start3A_335] : memref<2x25x80xi32, #tpu.memory_space<vmem>> -> memref<1x25x80xi32, #tpu.memory_space<vmem>>
    %dma_start3A_337 = tpu.memref_squeeze %dma_start3A_336 : memref<1x25x80xi32, #tpu.memory_space<vmem>> -> memref<25x80xi32, #tpu.memory_space<vmem>>
    %dma_start3A_338 = arith.constant 0 : i32
    %dma_start3A_339 = arith.constant 0 : i32
    %dma_start3A_340 = tpu.memref_slice %arg2[%dma_start3A_323, %add3A, %dma_start3A_324, %dma_start3A_338, %dma_start3A_339] : memref<2x32x5x25x80xi32, #tpu.memory_space<hbm>> -> memref<1x1x1x25x80xi32, #tpu.memory_space<hbm>>
    %dma_start3A_341 = tpu.memref_squeeze %dma_start3A_340 : memref<1x1x1x25x80xi32, #tpu.memory_space<hbm>> -> memref<25x80xi32, #tpu.memory_space<hbm>>
    tpu.enqueue_dma source(%dma_start3A_341 : memref<25x80xi32, #tpu.memory_space<hbm>>) target(%dma_start3A_337 : memref<25x80xi32, #tpu.memory_space<vmem>>) target_semaphore(%arg16 : memref<!tpu.dma_semaphore, #tpu.memory_space<semaphore_mem>>)
    %dma_start3A_342 = arith.constant 1 : i32
    %dma_start3A_343 = arith.constant 2 : i32
    %dma_start3A_344 = arith.constant 0 : i32
    %dma_start3A_345 = arith.constant 0 : i32
    %dma_start3A_346 = arith.constant 0 : i32
    %dma_start3A_347 = tpu.memref_slice %arg7[%dma_start3A_344, %dma_start3A_345, %dma_start3A_346] : memref<2x25x80xi32, #tpu.memory_space<vmem>> -> memref<1x25x80xi32, #tpu.memory_space<vmem>>
    %dma_start3A_348 = tpu.memref_squeeze %dma_start3A_347 : memref<1x25x80xi32, #tpu.memory_space<vmem>> -> memref<25x80xi32, #tpu.memory_space<vmem>>
    %dma_start3A_349 = arith.constant 0 : i32
    %dma_start3A_350 = arith.constant 0 : i32
    %dma_start3A_351 = tpu.memref_slice %arg2[%dma_start3A_342, %add3A, %dma_start3A_343, %dma_start3A_349, %dma_start3A_350] : memref<2x32x5x25x80xi32, #tpu.memory_space<hbm>> -> memref<1x1x1x25x80xi32, #tpu.memory_space<hbm>>
    %dma_start3A_352 = tpu.memref_squeeze %dma_start3A_351 : memref<1x1x1x25x80xi32, #tpu.memory_space<hbm>> -> memref<25x80xi32, #tpu.memory_space<hbm>>
    %dma_start3A_353 = arith.constant 0 : i32
    %dma_start3A_354 = arith.constant 0 : i32
    %dma_start3A_355 = tpu.memref_slice %arg7[%dma_start3A_344, %dma_start3A_353, %dma_start3A_354] : memref<2x25x80xi32, #tpu.memory_space<vmem>> -> memref<1x25x80xi32, #tpu.memory_space<vmem>>
    %dma_start3A_356 = tpu.memref_squeeze %dma_start3A_355 : memref<1x25x80xi32, #tpu.memory_space<vmem>> -> memref<25x80xi32, #tpu.memory_space<vmem>>
    %dma_start3A_357 = arith.constant 0 : i32
    %dma_start3A_358 = arith.constant 0 : i32
    %dma_start3A_359 = tpu.memref_slice %arg2[%dma_start3A_342, %add3A, %dma_start3A_343, %dma_start3A_357, %dma_start3A_358] : memref<2x32x5x25x80xi32, #tpu.memory_space<hbm>> -> memref<1x1x1x25x80xi32, #tpu.memory_space<hbm>>
    %dma_start3A_360 = tpu.memref_squeeze %dma_start3A_359 : memref<1x1x1x25x80xi32, #tpu.memory_space<hbm>> -> memref<25x80xi32, #tpu.memory_space<hbm>>
    tpu.enqueue_dma source(%dma_start3A_360 : memref<25x80xi32, #tpu.memory_space<hbm>>) target(%dma_start3A_356 : memref<25x80xi32, #tpu.memory_space<vmem>>) target_semaphore(%arg16 : memref<!tpu.dma_semaphore, #tpu.memory_space<semaphore_mem>>)
    %dma_start3A_361 = arith.constant 2 : i32
    %dma_start3A_362 = arith.constant 0 : i32
    %dma_start3A_363 = arith.constant 0 : i32
    %dma_start3A_364 = arith.constant 0 : i32
    %dma_start3A_365 = tpu.memref_slice %arg8[%dma_start3A_362, %dma_start3A_363, %dma_start3A_364] : memref<2x25x80xf32, #tpu.memory_space<vmem>> -> memref<1x25x80xf32, #tpu.memory_space<vmem>>
    %dma_start3A_366 = tpu.memref_squeeze %dma_start3A_365 : memref<1x25x80xf32, #tpu.memory_space<vmem>> -> memref<25x80xf32, #tpu.memory_space<vmem>>
    %dma_start3A_367 = arith.constant 0 : i32
    %dma_start3A_368 = arith.constant 0 : i32
    %dma_start3A_369 = tpu.memref_slice %arg3[%add3A, %dma_start3A_361, %dma_start3A_367, %dma_start3A_368] : memref<32x5x25x80xf32, #tpu.memory_space<hbm>> -> memref<1x1x25x80xf32, #tpu.memory_space<hbm>>
    %dma_start3A_370 = tpu.memref_squeeze %dma_start3A_369 : memref<1x1x25x80xf32, #tpu.memory_space<hbm>> -> memref<25x80xf32, #tpu.memory_space<hbm>>
    %dma_start3A_371 = arith.constant 0 : i32
    %dma_start3A_372 = arith.constant 0 : i32
    %dma_start3A_373 = tpu.memref_slice %arg8[%dma_start3A_362, %dma_start3A_371, %dma_start3A_372] : memref<2x25x80xf32, #tpu.memory_space<vmem>> -> memref<1x25x80xf32, #tpu.memory_space<vmem>>
    %dma_start3A_374 = tpu.memref_squeeze %dma_start3A_373 : memref<1x25x80xf32, #tpu.memory_space<vmem>> -> memref<25x80xf32, #tpu.memory_space<vmem>>
    %dma_start3A_375 = arith.constant 0 : i32
    %dma_start3A_376 = arith.constant 0 : i32
    %dma_start3A_377 = tpu.memref_slice %arg3[%add3A, %dma_start3A_361, %dma_start3A_375, %dma_start3A_376] : memref<32x5x25x80xf32, #tpu.memory_space<hbm>> -> memref<1x1x25x80xf32, #tpu.memory_space<hbm>>
    %dma_start3A_378 = tpu.memref_squeeze %dma_start3A_377 : memref<1x1x25x80xf32, #tpu.memory_space<hbm>> -> memref<25x80xf32, #tpu.memory_space<hbm>>
    tpu.enqueue_dma source(%dma_start3A_378 : memref<25x80xf32, #tpu.memory_space<hbm>>) target(%dma_start3A_374 : memref<25x80xf32, #tpu.memory_space<vmem>>) target_semaphore(%arg16 : memref<!tpu.dma_semaphore, #tpu.memory_space<semaphore_mem>>)
    %scan3A_379 = arith.constant 0 : i32
    %scan3A_380 = arith.constant 1 : i32
    %scan3A_381 = arith.constant 1 : i32
    %scan3A_382 = arith.constant 1 : i32
    %scan3A_383 = arith.constant 0 : i32
    %scan3A_384 = arith.constant 12 : i32
    %scan3A_385 = arith.addi %scan3A_383, %scan3A_384 : i32
    %scan3A_386 = arith.constant 1 : i32
    scf.for %scan3A_904 = %scan3A_383 to %scan3A_385 step %scan3A_386  : i32 {
      %mul3A_905 = arith.constant 2 : i32
      %mul3A_906 = arith.muli %mul3A_905, %scan3A_904 : i32
      %add3A_907 = arith.constant 1 : i32
      %add3A_908 = arith.addi %mul3A_906, %add3A_907 : i32
      %dma_start3A_909 = arith.constant 0 : i32
      %dma_start3A_910 = arith.constant 0 : i32
      %dma_start3A_911 = tpu.memref_slice %arg6[%scan3A_380, %dma_start3A_909, %dma_start3A_910] : memref<2x25x80xi32, #tpu.memory_space<vmem>> -> memref<1x25x80xi32, #tpu.memory_space<vmem>>
      %dma_start3A_912 = tpu.memref_squeeze %dma_start3A_911 : memref<1x25x80xi32, #tpu.memory_space<vmem>> -> memref<25x80xi32, #tpu.memory_space<vmem>>
      %dma_start3A_913 = arith.constant 0 : i32
      %dma_start3A_914 = tpu.memref_slice %dma_start3A_912[%add3A_908, %dma_start3A_913] : memref<25x80xi32, #tpu.memory_space<vmem>> -> memref<1x80xi32, #tpu.memory_space<vmem>>
      %dma_start3A_915 = tpu.memref_squeeze %dma_start3A_914 : memref<1x80xi32, #tpu.memory_space<vmem>> -> memref<80xi32, #tpu.memory_space<vmem>>
      %dma_start3A_916 = arith.constant 0 : i32
      %dma_start3A_917 = arith.constant 0 : i32
      %dma_start3A_918 = tpu.memref_slice %arg4[%dma_start3A_916, %dma_start3A_917] : memref<10000x128xf32, #tpu.memory_space<hbm>> -> memref<10000x128xf32, #tpu.memory_space<hbm>>
      tpu.enqueue_indirect_dma source(%dma_start3A_918 : memref<10000x128xf32, #tpu.memory_space<hbm>>) target(%arg9 : memref<80x128xf32, #tpu.memory_space<vmem>>) offsets(%dma_start3A_915 : memref<80xi32, #tpu.memory_space<vmem>>) semaphore(%arg12 : memref<!tpu.dma_semaphore, #tpu.memory_space<semaphore_mem>>)
      %dma_wait3A_919 = arith.constant 0 : i32
      %dma_wait3A_920 = arith.constant 0 : i32
      %dma_wait3A_921 = tpu.memref_slice %arg6[%scan3A_380, %dma_wait3A_919, %dma_wait3A_920] : memref<2x25x80xi32, #tpu.memory_space<vmem>> -> memref<1x25x80xi32, #tpu.memory_space<vmem>>
      %dma_wait3A_922 = tpu.memref_squeeze %dma_wait3A_921 : memref<1x25x80xi32, #tpu.memory_space<vmem>> -> memref<25x80xi32, #tpu.memory_space<vmem>>
      %dma_wait3A_923 = arith.constant 0 : i32
      %dma_wait3A_924 = tpu.memref_slice %dma_wait3A_922[%mul3A_906, %dma_wait3A_923] : memref<25x80xi32, #tpu.memory_space<vmem>> -> memref<1x80xi32, #tpu.memory_space<vmem>>
      %dma_wait3A_925 = tpu.memref_squeeze %dma_wait3A_924 : memref<1x80xi32, #tpu.memory_space<vmem>> -> memref<80xi32, #tpu.memory_space<vmem>>
      %dma_wait3A_926 = arith.constant 0 : i32
      %dma_wait3A_927 = arith.constant 0 : i32
      %dma_wait3A_928 = tpu.memref_slice %arg4[%dma_wait3A_926, %dma_wait3A_927] : memref<10000x128xf32, #tpu.memory_space<hbm>> -> memref<10000x128xf32, #tpu.memory_space<hbm>>
      tpu.wait_indirect_dma semaphore(%arg13 : memref<!tpu.dma_semaphore, #tpu.memory_space<semaphore_mem>>) src(%dma_wait3A_928 : memref<10000x128xf32, #tpu.memory_space<hbm>>) dst(%arg10 : memref<80x128xf32, #tpu.memory_space<vmem>>)
      %scan3A_929 = arith.constant 0 : i32
      %scan3A_930 = arith.constant 0 : i32
      %scan3A_931 = arith.constant 80 : i32
      %scan3A_932 = arith.addi %scan3A_930, %scan3A_931 : i32
      %scan3A_933 = arith.constant 1 : i32
      scf.for %scan3A_1003 = %scan3A_930 to %scan3A_932 step %scan3A_933  : i32 {
        %broadcast_in_dim3A_1004 = vector.broadcast %scan3A_1003 : i32 to vector<16xi32>
        %broadcast_in_dim3A_1005 = vector.broadcast %mul3A_906 : i32 to vector<16xi32>
        %gather3A = arith.constant 0 : i32
        %gather3A_1006 = arith.constant 0 : i32
        %gather3A_1007 = tpu.memref_slice %arg8[%scan3A_381, %gather3A, %gather3A_1006] : memref<2x25x80xf32, #tpu.memory_space<vmem>> -> memref<1x25x80xf32, #tpu.memory_space<vmem>>
        %gather3A_1008 = tpu.memref_squeeze %gather3A_1007 : memref<1x25x80xf32, #tpu.memory_space<vmem>> -> memref<25x80xf32, #tpu.memory_space<vmem>>
        %gather3A_1009 = tpu.vector_load_idx %gather3A_1008[%broadcast_in_dim3A_1005, %broadcast_in_dim3A_1004] : memref<25x80xf32, #tpu.memory_space<vmem>>[vector<16xi32>, vector<16xi32>], vector<16xf32>,
        %get3A = arith.index_cast %scan3A_1003 : i32 to index
        %get3A_1010 = arith.constant 0 : index
        %get3A_1011 = tpu.vector_load %arg10[%get3A, %get3A_1010] {strides = array<i32>} : memref<80x128xf32, #tpu.memory_space<vmem>>, vector<16xf32>,
        %mul3A_1012 = arith.mulf %get3A_1011, %gather3A_1009 : vector<16xf32>
        %swap3A = arith.index_cast %scan3A_1003 : i32 to index
        %swap3A_1013 = arith.constant 0 : index
        %swap3A_1014 = tpu.vector_load %arg10[%swap3A, %swap3A_1013] {strides = array<i32>} : memref<80x128xf32, #tpu.memory_space<vmem>>, vector<16xf32>,
        tpu.vector_store %arg10[%swap3A, %swap3A_1013], %mul3A_1012 {strides = array<i32>} : memref<80x128xf32, #tpu.memory_space<vmem>>, vector<16xf32>,
        %get3A_1015 = arith.index_cast %scan3A_1003 : i32 to index
        %get3A_1016 = arith.constant 16 : index
        %get3A_1017 = tpu.vector_load %arg10[%get3A_1015, %get3A_1016] {strides = array<i32>} : memref<80x128xf32, #tpu.memory_space<vmem>>, vector<16xf32>,
        %mul3A_1018 = arith.mulf %get3A_1017, %gather3A_1009 : vector<16xf32>
        %swap3A_1019 = arith.index_cast %scan3A_1003 : i32 to index
        %swap3A_1020 = arith.constant 16 : index
        %swap3A_1021 = tpu.vector_load %arg10[%swap3A_1019, %swap3A_1020] {strides = array<i32>} : memref<80x128xf32, #tpu.memory_space<vmem>>, vector<16xf32>,
        tpu.vector_store %arg10[%swap3A_1019, %swap3A_1020], %mul3A_1018 {strides = array<i32>} : memref<80x128xf32, #tpu.memory_space<vmem>>, vector<16xf32>,
        %get3A_1022 = arith.index_cast %scan3A_1003 : i32 to index
        %get3A_1023 = arith.constant 32 : index
        %get3A_1024 = tpu.vector_load %arg10[%get3A_1022, %get3A_1023] {strides = array<i32>} : memref<80x128xf32, #tpu.memory_space<vmem>>, vector<16xf32>,
        %mul3A_1025 = arith.mulf %get3A_1024, %gather3A_1009 : vector<16xf32>
        %swap3A_1026 = arith.index_cast %scan3A_1003 : i32 to index
        %swap3A_1027 = arith.constant 32 : index
        %swap3A_1028 = tpu.vector_load %arg10[%swap3A_1026, %swap3A_1027] {strides = array<i32>} : memref<80x128xf32, #tpu.memory_space<vmem>>, vector<16xf32>,
        tpu.vector_store %arg10[%swap3A_1026, %swap3A_1027], %mul3A_1025 {strides = array<i32>} : memref<80x128xf32, #tpu.memory_space<vmem>>, vector<16xf32>,
        %get3A_1029 = arith.index_cast %scan3A_1003 : i32 to index
        %get3A_1030 = arith.constant 48 : index
        %get3A_1031 = tpu.vector_load %arg10[%get3A_1029, %get3A_1030] {strides = array<i32>} : memref<80x128xf32, #tpu.memory_space<vmem>>, vector<16xf32>,
        %mul3A_1032 = arith.mulf %get3A_1031, %gather3A_1009 : vector<16xf32>
        %swap3A_1033 = arith.index_cast %scan3A_1003 : i32 to index
        %swap3A_1034 = arith.constant 48 : index
        %swap3A_1035 = tpu.vector_load %arg10[%swap3A_1033, %swap3A_1034] {strides = array<i32>} : memref<80x128xf32, #tpu.memory_space<vmem>>, vector<16xf32>,
        tpu.vector_store %arg10[%swap3A_1033, %swap3A_1034], %mul3A_1032 {strides = array<i32>} : memref<80x128xf32, #tpu.memory_space<vmem>>, vector<16xf32>,
        %get3A_1036 = arith.index_cast %scan3A_1003 : i32 to index
        %get3A_1037 = arith.constant 64 : index
        %get3A_1038 = tpu.vector_load %arg10[%get3A_1036, %get3A_1037] {strides = array<i32>} : memref<80x128xf32, #tpu.memory_space<vmem>>, vector<16xf32>,
        %mul3A_1039 = arith.mulf %get3A_1038, %gather3A_1009 : vector<16xf32>
        %swap3A_1040 = arith.index_cast %scan3A_1003 : i32 to index
        %swap3A_1041 = arith.constant 64 : index
        %swap3A_1042 = tpu.vector_load %arg10[%swap3A_1040, %swap3A_1041] {strides = array<i32>} : memref<80x128xf32, #tpu.memory_space<vmem>>, vector<16xf32>,
        tpu.vector_store %arg10[%swap3A_1040, %swap3A_1041], %mul3A_1039 {strides = array<i32>} : memref<80x128xf32, #tpu.memory_space<vmem>>, vector<16xf32>,
        %get3A_1043 = arith.index_cast %scan3A_1003 : i32 to index
        %get3A_1044 = arith.constant 80 : index
        %get3A_1045 = tpu.vector_load %arg10[%get3A_1043, %get3A_1044] {strides = array<i32>} : memref<80x128xf32, #tpu.memory_space<vmem>>, vector<16xf32>,
        %mul3A_1046 = arith.mulf %get3A_1045, %gather3A_1009 : vector<16xf32>
        %swap3A_1047 = arith.index_cast %scan3A_1003 : i32 to index
        %swap3A_1048 = arith.constant 80 : index
        %swap3A_1049 = tpu.vector_load %arg10[%swap3A_1047, %swap3A_1048] {strides = array<i32>} : memref<80x128xf32, #tpu.memory_space<vmem>>, vector<16xf32>,
        tpu.vector_store %arg10[%swap3A_1047, %swap3A_1048], %mul3A_1046 {strides = array<i32>} : memref<80x128xf32, #tpu.memory_space<vmem>>, vector<16xf32>,
        %get3A_1050 = arith.index_cast %scan3A_1003 : i32 to index
        %get3A_1051 = arith.constant 96 : index
        %get3A_1052 = tpu.vector_load %arg10[%get3A_1050, %get3A_1051] {strides = array<i32>} : memref<80x128xf32, #tpu.memory_space<vmem>>, vector<16xf32>,
        %mul3A_1053 = arith.mulf %get3A_1052, %gather3A_1009 : vector<16xf32>
        %swap3A_1054 = arith.index_cast %scan3A_1003 : i32 to index
        %swap3A_1055 = arith.constant 96 : index
        %swap3A_1056 = tpu.vector_load %arg10[%swap3A_1054, %swap3A_1055] {strides = array<i32>} : memref<80x128xf32, #tpu.memory_space<vmem>>, vector<16xf32>,
        tpu.vector_store %arg10[%swap3A_1054, %swap3A_1055], %mul3A_1053 {strides = array<i32>} : memref<80x128xf32, #tpu.memory_space<vmem>>, vector<16xf32>,
        %get3A_1057 = arith.index_cast %scan3A_1003 : i32 to index
        %get3A_1058 = arith.constant 112 : index
        %get3A_1059 = tpu.vector_load %arg10[%get3A_1057, %get3A_1058] {strides = array<i32>} : memref<80x128xf32, #tpu.memory_space<vmem>>, vector<16xf32>,
        %mul3A_1060 = arith.mulf %get3A_1059, %gather3A_1009 : vector<16xf32>
        %swap3A_1061 = arith.index_cast %scan3A_1003 : i32 to index
        %swap3A_1062 = arith.constant 112 : index
        %swap3A_1063 = tpu.vector_load %arg10[%swap3A_1061, %swap3A_1062] {strides = array<i32>} : memref<80x128xf32, #tpu.memory_space<vmem>>, vector<16xf32>,
        tpu.vector_store %arg10[%swap3A_1061, %swap3A_1062], %mul3A_1060 {strides = array<i32>} : memref<80x128xf32, #tpu.memory_space<vmem>>, vector<16xf32>,
      }
      %scan3A_934 = arith.constant 80 : i32
      %dma_start3A_935 = arith.constant 0 : i32
      %dma_start3A_936 = arith.constant 0 : i32
      %dma_start3A_937 = tpu.memref_slice %arg7[%scan3A_382, %dma_start3A_935, %dma_start3A_936] : memref<2x25x80xi32, #tpu.memory_space<vmem>> -> memref<1x25x80xi32, #tpu.memory_space<vmem>>
      %dma_start3A_938 = tpu.memref_squeeze %dma_start3A_937 : memref<1x25x80xi32, #tpu.memory_space<vmem>> -> memref<25x80xi32, #tpu.memory_space<vmem>>
      %dma_start3A_939 = arith.constant 0 : i32
      %dma_start3A_940 = tpu.memref_slice %dma_start3A_938[%mul3A_906, %dma_start3A_939] : memref<25x80xi32, #tpu.memory_space<vmem>> -> memref<1x80xi32, #tpu.memory_space<vmem>>
      %dma_start3A_941 = tpu.memref_squeeze %dma_start3A_940 : memref<1x80xi32, #tpu.memory_space<vmem>> -> memref<80xi32, #tpu.memory_space<vmem>>
      %dma_start3A_942 = arith.constant 0 : i32
      %dma_start3A_943 = arith.constant 0 : i32
      %dma_start3A_944 = tpu.memref_slice %arg11[%dma_start3A_942, %dma_start3A_943] : memref<10240x128xf32, #tpu.memory_space<vmem_shared>> -> memref<10240x128xf32, #tpu.memory_space<vmem_shared>>
      tpu.enqueue_indirect_dma source(%arg10 : memref<80x128xf32, #tpu.memory_space<vmem>>) target(%dma_start3A_944 : memref<10240x128xf32, #tpu.memory_space<vmem_shared>>) offsets(%dma_start3A_941 : memref<80xi32, #tpu.memory_space<vmem>>) semaphore(%arg15 : memref<!tpu.dma_semaphore, #tpu.memory_space<semaphore_mem>>) {add = true}
      %dma_wait3A_945 = arith.constant 0 : i32
      %dma_wait3A_946 = arith.constant 0 : i32
      %dma_wait3A_947 = tpu.memref_slice %arg6[%scan3A_380, %dma_wait3A_945, %dma_wait3A_946] : memref<2x25x80xi32, #tpu.memory_space<vmem>> -> memref<1x25x80xi32, #tpu.memory_space<vmem>>
      %dma_wait3A_948 = tpu.memref_squeeze %dma_wait3A_947 : memref<1x25x80xi32, #tpu.memory_space<vmem>> -> memref<25x80xi32, #tpu.memory_space<vmem>>
      %dma_wait3A_949 = arith.constant 0 : i32
      %dma_wait3A_950 = tpu.memref_slice %dma_wait3A_948[%add3A_908, %dma_wait3A_949] : memref<25x80xi32, #tpu.memory_space<vmem>> -> memref<1x80xi32, #tpu.memory_space<vmem>>
      %dma_wait3A_951 = tpu.memref_squeeze %dma_wait3A_950 : memref<1x80xi32, #tpu.memory_space<vmem>> -> memref<80xi32, #tpu.memory_space<vmem>>
      %dma_wait3A_952 = arith.constant 0 : i32
      %dma_wait3A_953 = arith.constant 0 : i32
      %dma_wait3A_954 = tpu.memref_slice %arg4[%dma_wait3A_952, %dma_wait3A_953] : memref<10000x128xf32, #tpu.memory_space<hbm>> -> memref<10000x128xf32, #tpu.memory_space<hbm>>
      tpu.wait_indirect_dma semaphore(%arg12 : memref<!tpu.dma_semaphore, #tpu.memory_space<semaphore_mem>>) src(%dma_wait3A_954 : memref<10000x128xf32, #tpu.memory_space<hbm>>) dst(%arg9 : memref<80x128xf32, #tpu.memory_space<vmem>>)
      %scan3A_955 = arith.constant 0 : i32
      %scan3A_956 = arith.constant 0 : i32
      %scan3A_957 = arith.constant 80 : i32
      %scan3A_958 = arith.addi %scan3A_956, %scan3A_957 : i32
      %scan3A_959 = arith.constant 1 : i32
      scf.for %scan3A_1003 = %scan3A_956 to %scan3A_958 step %scan3A_959  : i32 {
        %broadcast_in_dim3A_1004 = vector.broadcast %scan3A_1003 : i32 to vector<16xi32>
        %broadcast_in_dim3A_1005 = vector.broadcast %add3A_908 : i32 to vector<16xi32>
        %gather3A = arith.constant 0 : i32
        %gather3A_1006 = arith.constant 0 : i32
        %gather3A_1007 = tpu.memref_slice %arg8[%scan3A_381, %gather3A, %gather3A_1006] : memref<2x25x80xf32, #tpu.memory_space<vmem>> -> memref<1x25x80xf32, #tpu.memory_space<vmem>>
        %gather3A_1008 = tpu.memref_squeeze %gather3A_1007 : memref<1x25x80xf32, #tpu.memory_space<vmem>> -> memref<25x80xf32, #tpu.memory_space<vmem>>
        %gather3A_1009 = tpu.vector_load_idx %gather3A_1008[%broadcast_in_dim3A_1005, %broadcast_in_dim3A_1004] : memref<25x80xf32, #tpu.memory_space<vmem>>[vector<16xi32>, vector<16xi32>], vector<16xf32>,
        %get3A = arith.index_cast %scan3A_1003 : i32 to index
        %get3A_1010 = arith.constant 0 : index
        %get3A_1011 = tpu.vector_load %arg9[%get3A, %get3A_1010] {strides = array<i32>} : memref<80x128xf32, #tpu.memory_space<vmem>>, vector<16xf32>,
        %mul3A_1012 = arith.mulf %get3A_1011, %gather3A_1009 : vector<16xf32>
        %swap3A = arith.index_cast %scan3A_1003 : i32 to index
        %swap3A_1013 = arith.constant 0 : index
        %swap3A_1014 = tpu.vector_load %arg9[%swap3A, %swap3A_1013] {strides = array<i32>} : memref<80x128xf32, #tpu.memory_space<vmem>>, vector<16xf32>,
        tpu.vector_store %arg9[%swap3A, %swap3A_1013], %mul3A_1012 {strides = array<i32>} : memref<80x128xf32, #tpu.memory_space<vmem>>, vector<16xf32>,
        %get3A_1015 = arith.index_cast %scan3A_1003 : i32 to index
        %get3A_1016 = arith.constant 16 : index
        %get3A_1017 = tpu.vector_load %arg9[%get3A_1015, %get3A_1016] {strides = array<i32>} : memref<80x128xf32, #tpu.memory_space<vmem>>, vector<16xf32>,
        %mul3A_1018 = arith.mulf %get3A_1017, %gather3A_1009 : vector<16xf32>
        %swap3A_1019 = arith.index_cast %scan3A_1003 : i32 to index
        %swap3A_1020 = arith.constant 16 : index
        %swap3A_1021 = tpu.vector_load %arg9[%swap3A_1019, %swap3A_1020] {strides = array<i32>} : memref<80x128xf32, #tpu.memory_space<vmem>>, vector<16xf32>,
        tpu.vector_store %arg9[%swap3A_1019, %swap3A_1020], %mul3A_1018 {strides = array<i32>} : memref<80x128xf32, #tpu.memory_space<vmem>>, vector<16xf32>,
        %get3A_1022 = arith.index_cast %scan3A_1003 : i32 to index
        %get3A_1023 = arith.constant 32 : index
        %get3A_1024 = tpu.vector_load %arg9[%get3A_1022, %get3A_1023] {strides = array<i32>} : memref<80x128xf32, #tpu.memory_space<vmem>>, vector<16xf32>,
        %mul3A_1025 = arith.mulf %get3A_1024, %gather3A_1009 : vector<16xf32>
        %swap3A_1026 = arith.index_cast %scan3A_1003 : i32 to index
        %swap3A_1027 = arith.constant 32 : index
        %swap3A_1028 = tpu.vector_load %arg9[%swap3A_1026, %swap3A_1027] {strides = array<i32>} : memref<80x128xf32, #tpu.memory_space<vmem>>, vector<16xf32>,
        tpu.vector_store %arg9[%swap3A_1026, %swap3A_1027], %mul3A_1025 {strides = array<i32>} : memref<80x128xf32, #tpu.memory_space<vmem>>, vector<16xf32>,
        %get3A_1029 = arith.index_cast %scan3A_1003 : i32 to index
        %get3A_1030 = arith.constant 48 : index
        %get3A_1031 = tpu.vector_load %arg9[%get3A_1029, %get3A_1030] {strides = array<i32>} : memref<80x128xf32, #tpu.memory_space<vmem>>, vector<16xf32>,
        %mul3A_1032 = arith.mulf %get3A_1031, %gather3A_1009 : vector<16xf32>
        %swap3A_1033 = arith.index_cast %scan3A_1003 : i32 to index
        %swap3A_1034 = arith.constant 48 : index
        %swap3A_1035 = tpu.vector_load %arg9[%swap3A_1033, %swap3A_1034] {strides = array<i32>} : memref<80x128xf32, #tpu.memory_space<vmem>>, vector<16xf32>,
        tpu.vector_store %arg9[%swap3A_1033, %swap3A_1034], %mul3A_1032 {strides = array<i32>} : memref<80x128xf32, #tpu.memory_space<vmem>>, vector<16xf32>,
        %get3A_1036 = arith.index_cast %scan3A_1003 : i32 to index
        %get3A_1037 = arith.constant 64 : index
        %get3A_1038 = tpu.vector_load %arg9[%get3A_1036, %get3A_1037] {strides = array<i32>} : memref<80x128xf32, #tpu.memory_space<vmem>>, vector<16xf32>,
        %mul3A_1039 = arith.mulf %get3A_1038, %gather3A_1009 : vector<16xf32>
        %swap3A_1040 = arith.index_cast %scan3A_1003 : i32 to index
        %swap3A_1041 = arith.constant 64 : index
        %swap3A_1042 = tpu.vector_load %arg9[%swap3A_1040, %swap3A_1041] {strides = array<i32>} : memref<80x128xf32, #tpu.memory_space<vmem>>, vector<16xf32>,
        tpu.vector_store %arg9[%swap3A_1040, %swap3A_1041], %mul3A_1039 {strides = array<i32>} : memref<80x128xf32, #tpu.memory_space<vmem>>, vector<16xf32>,
        %get3A_1043 = arith.index_cast %scan3A_1003 : i32 to index
        %get3A_1044 = arith.constant 80 : index
        %get3A_1045 = tpu.vector_load %arg9[%get3A_1043, %get3A_1044] {strides = array<i32>} : memref<80x128xf32, #tpu.memory_space<vmem>>, vector<16xf32>,
        %mul3A_1046 = arith.mulf %get3A_1045, %gather3A_1009 : vector<16xf32>
        %swap3A_1047 = arith.index_cast %scan3A_1003 : i32 to index
        %swap3A_1048 = arith.constant 80 : index
        %swap3A_1049 = tpu.vector_load %arg9[%swap3A_1047, %swap3A_1048] {strides = array<i32>} : memref<80x128xf32, #tpu.memory_space<vmem>>, vector<16xf32>,
        tpu.vector_store %arg9[%swap3A_1047, %swap3A_1048], %mul3A_1046 {strides = array<i32>} : memref<80x128xf32, #tpu.memory_space<vmem>>, vector<16xf32>,
        %get3A_1050 = arith.index_cast %scan3A_1003 : i32 to index
        %get3A_1051 = arith.constant 96 : index
        %get3A_1052 = tpu.vector_load %arg9[%get3A_1050, %get3A_1051] {strides = array<i32>} : memref<80x128xf32, #tpu.memory_space<vmem>>, vector<16xf32>,
        %mul3A_1053 = arith.mulf %get3A_1052, %gather3A_1009 : vector<16xf32>
        %swap3A_1054 = arith.index_cast %scan3A_1003 : i32 to index
        %swap3A_1055 = arith.constant 96 : index
        %swap3A_1056 = tpu.vector_load %arg9[%swap3A_1054, %swap3A_1055] {strides = array<i32>} : memref<80x128xf32, #tpu.memory_space<vmem>>, vector<16xf32>,
        tpu.vector_store %arg9[%swap3A_1054, %swap3A_1055], %mul3A_1053 {strides = array<i32>} : memref<80x128xf32, #tpu.memory_space<vmem>>, vector<16xf32>,
        %get3A_1057 = arith.index_cast %scan3A_1003 : i32 to index
        %get3A_1058 = arith.constant 112 : index
        %get3A_1059 = tpu.vector_load %arg9[%get3A_1057, %get3A_1058] {strides = array<i32>} : memref<80x128xf32, #tpu.memory_space<vmem>>, vector<16xf32>,
        %mul3A_1060 = arith.mulf %get3A_1059, %gather3A_1009 : vector<16xf32>
        %swap3A_1061 = arith.index_cast %scan3A_1003 : i32 to index
        %swap3A_1062 = arith.constant 112 : index
        %swap3A_1063 = tpu.vector_load %arg9[%swap3A_1061, %swap3A_1062] {strides = array<i32>} : memref<80x128xf32, #tpu.memory_space<vmem>>, vector<16xf32>,
        tpu.vector_store %arg9[%swap3A_1061, %swap3A_1062], %mul3A_1060 {strides = array<i32>} : memref<80x128xf32, #tpu.memory_space<vmem>>, vector<16xf32>,
      }
      %scan3A_960 = arith.constant 80 : i32
      %dma_start3A_961 = arith.constant 0 : i32
      %dma_start3A_962 = arith.constant 0 : i32
      %dma_start3A_963 = tpu.memref_slice %arg7[%scan3A_382, %dma_start3A_961, %dma_start3A_962] : memref<2x25x80xi32, #tpu.memory_space<vmem>> -> memref<1x25x80xi32, #tpu.memory_space<vmem>>
      %dma_start3A_964 = tpu.memref_squeeze %dma_start3A_963 : memref<1x25x80xi32, #tpu.memory_space<vmem>> -> memref<25x80xi32, #tpu.memory_space<vmem>>
      %dma_start3A_965 = arith.constant 0 : i32
      %dma_start3A_966 = tpu.memref_slice %dma_start3A_964[%add3A_908, %dma_start3A_965] : memref<25x80xi32, #tpu.memory_space<vmem>> -> memref<1x80xi32, #tpu.memory_space<vmem>>
      %dma_start3A_967 = tpu.memref_squeeze %dma_start3A_966 : memref<1x80xi32, #tpu.memory_space<vmem>> -> memref<80xi32, #tpu.memory_space<vmem>>
      %dma_start3A_968 = arith.constant 0 : i32
      %dma_start3A_969 = arith.constant 0 : i32
      %dma_start3A_970 = tpu.memref_slice %arg11[%dma_start3A_968, %dma_start3A_969] : memref<10240x128xf32, #tpu.memory_space<vmem_shared>> -> memref<10240x128xf32, #tpu.memory_space<vmem_shared>>
      tpu.enqueue_indirect_dma source(%arg9 : memref<80x128xf32, #tpu.memory_space<vmem>>) target(%dma_start3A_970 : memref<10240x128xf32, #tpu.memory_space<vmem_shared>>) offsets(%dma_start3A_967 : memref<80xi32, #tpu.memory_space<vmem>>) semaphore(%arg14 : memref<!tpu.dma_semaphore, #tpu.memory_space<semaphore_mem>>) {add = true}
      %dma_wait3A_971 = arith.constant 0 : i32
      %dma_wait3A_972 = arith.constant 0 : i32
      %dma_wait3A_973 = tpu.memref_slice %arg7[%scan3A_382, %dma_wait3A_971, %dma_wait3A_972] : memref<2x25x80xi32, #tpu.memory_space<vmem>> -> memref<1x25x80xi32, #tpu.memory_space<vmem>>
      %dma_wait3A_974 = tpu.memref_squeeze %dma_wait3A_973 : memref<1x25x80xi32, #tpu.memory_space<vmem>> -> memref<25x80xi32, #tpu.memory_space<vmem>>
      %dma_wait3A_975 = arith.constant 0 : i32
      %dma_wait3A_976 = tpu.memref_slice %dma_wait3A_974[%mul3A_906, %dma_wait3A_975] : memref<25x80xi32, #tpu.memory_space<vmem>> -> memref<1x80xi32, #tpu.memory_space<vmem>>
      %dma_wait3A_977 = tpu.memref_squeeze %dma_wait3A_976 : memref<1x80xi32, #tpu.memory_space<vmem>> -> memref<80xi32, #tpu.memory_space<vmem>>
      %dma_wait3A_978 = arith.constant 0 : i32
      %dma_wait3A_979 = arith.constant 0 : i32
      %dma_wait3A_980 = tpu.memref_slice %arg11[%dma_wait3A_978, %dma_wait3A_979] : memref<10240x128xf32, #tpu.memory_space<vmem_shared>> -> memref<10240x128xf32, #tpu.memory_space<vmem_shared>>
      tpu.wait_indirect_dma semaphore(%arg15 : memref<!tpu.dma_semaphore, #tpu.memory_space<semaphore_mem>>) src(%arg10 : memref<80x128xf32, #tpu.memory_space<vmem>>) dst(%dma_wait3A_980 : memref<10240x128xf32, #tpu.memory_space<vmem_shared>>)
      %add3A_981 = arith.constant 2 : i32
      %add3A_982 = arith.addi %mul3A_906, %add3A_981 : i32
      %dma_start3A_983 = arith.constant 0 : i32
      %dma_start3A_984 = arith.constant 0 : i32
      %dma_start3A_985 = tpu.memref_slice %arg6[%scan3A_380, %dma_start3A_983, %dma_start3A_984] : memref<2x25x80xi32, #tpu.memory_space<vmem>> -> memref<1x25x80xi32, #tpu.memory_space<vmem>>
      %dma_start3A_986 = tpu.memref_squeeze %dma_start3A_985 : memref<1x25x80xi32, #tpu.memory_space<vmem>> -> memref<25x80xi32, #tpu.memory_space<vmem>>
      %dma_start3A_987 = arith.constant 0 : i32
      %dma_start3A_988 = tpu.memref_slice %dma_start3A_986[%add3A_982, %dma_start3A_987] : memref<25x80xi32, #tpu.memory_space<vmem>> -> memref<1x80xi32, #tpu.memory_space<vmem>>
      %dma_start3A_989 = tpu.memref_squeeze %dma_start3A_988 : memref<1x80xi32, #tpu.memory_space<vmem>> -> memref<80xi32, #tpu.memory_space<vmem>>
      %dma_start3A_990 = arith.constant 0 : i32
      %dma_start3A_991 = arith.constant 0 : i32
      %dma_start3A_992 = tpu.memref_slice %arg4[%dma_start3A_990, %dma_start3A_991] : memref<10000x128xf32, #tpu.memory_space<hbm>> -> memref<10000x128xf32, #tpu.memory_space<hbm>>
      tpu.enqueue_indirect_dma source(%dma_start3A_992 : memref<10000x128xf32, #tpu.memory_space<hbm>>) target(%arg10 : memref<80x128xf32, #tpu.memory_space<vmem>>) offsets(%dma_start3A_989 : memref<80xi32, #tpu.memory_space<vmem>>) semaphore(%arg13 : memref<!tpu.dma_semaphore, #tpu.memory_space<semaphore_mem>>)
      %dma_wait3A_993 = arith.constant 0 : i32
      %dma_wait3A_994 = arith.constant 0 : i32
      %dma_wait3A_995 = tpu.memref_slice %arg7[%scan3A_382, %dma_wait3A_993, %dma_wait3A_994] : memref<2x25x80xi32, #tpu.memory_space<vmem>> -> memref<1x25x80xi32, #tpu.memory_space<vmem>>
      %dma_wait3A_996 = tpu.memref_squeeze %dma_wait3A_995 : memref<1x25x80xi32, #tpu.memory_space<vmem>> -> memref<25x80xi32, #tpu.memory_space<vmem>>
      %dma_wait3A_997 = arith.constant 0 : i32
      %dma_wait3A_998 = tpu.memref_slice %dma_wait3A_996[%add3A_908, %dma_wait3A_997] : memref<25x80xi32, #tpu.memory_space<vmem>> -> memref<1x80xi32, #tpu.memory_space<vmem>>
      %dma_wait3A_999 = tpu.memref_squeeze %dma_wait3A_998 : memref<1x80xi32, #tpu.memory_space<vmem>> -> memref<80xi32, #tpu.memory_space<vmem>>
      %dma_wait3A_1000 = arith.constant 0 : i32
      %dma_wait3A_1001 = arith.constant 0 : i32
      %dma_wait3A_1002 = tpu.memref_slice %arg11[%dma_wait3A_1000, %dma_wait3A_1001] : memref<10240x128xf32, #tpu.memory_space<vmem_shared>> -> memref<10240x128xf32, #tpu.memory_space<vmem_shared>>
      tpu.wait_indirect_dma semaphore(%arg14 : memref<!tpu.dma_semaphore, #tpu.memory_space<semaphore_mem>>) src(%arg9 : memref<80x128xf32, #tpu.memory_space<vmem>>) dst(%dma_wait3A_1002 : memref<10240x128xf32, #tpu.memory_space<vmem_shared>>)
    }
    %scan3A_387 = arith.constant 12 : i32
    %dma_wait3A_388 = arith.constant 1 : i32
    %dma_wait3A_389 = arith.constant 24 : i32
    %dma_wait3A_390 = arith.constant 0 : i32
    %dma_wait3A_391 = arith.constant 0 : i32
    %dma_wait3A_392 = tpu.memref_slice %arg6[%dma_wait3A_388, %dma_wait3A_390, %dma_wait3A_391] : memref<2x25x80xi32, #tpu.memory_space<vmem>> -> memref<1x25x80xi32, #tpu.memory_space<vmem>>
    %dma_wait3A_393 = tpu.memref_squeeze %dma_wait3A_392 : memref<1x25x80xi32, #tpu.memory_space<vmem>> -> memref<25x80xi32, #tpu.memory_space<vmem>>
    %dma_wait3A_394 = arith.constant 0 : i32
    %dma_wait3A_395 = tpu.memref_slice %dma_wait3A_393[%dma_wait3A_389, %dma_wait3A_394] : memref<25x80xi32, #tpu.memory_space<vmem>> -> memref<1x80xi32, #tpu.memory_space<vmem>>
    %dma_wait3A_396 = tpu.memref_squeeze %dma_wait3A_395 : memref<1x80xi32, #tpu.memory_space<vmem>> -> memref<80xi32, #tpu.memory_space<vmem>>
    %dma_wait3A_397 = arith.constant 0 : i32
    %dma_wait3A_398 = arith.constant 0 : i32
    %dma_wait3A_399 = tpu.memref_slice %arg4[%dma_wait3A_397, %dma_wait3A_398] : memref<10000x128xf32, #tpu.memory_space<hbm>> -> memref<10000x128xf32, #tpu.memory_space<hbm>>
    tpu.wait_indirect_dma semaphore(%arg13 : memref<!tpu.dma_semaphore, #tpu.memory_space<semaphore_mem>>) src(%dma_wait3A_399 : memref<10000x128xf32, #tpu.memory_space<hbm>>) dst(%arg10 : memref<80x128xf32, #tpu.memory_space<vmem>>)
    %scan3A_400 = arith.constant 0 : i32
    %scan3A_401 = arith.constant 1 : i32
    %scan3A_402 = arith.constant 0 : i32
    %scan3A_403 = arith.constant 80 : i32
    %scan3A_404 = arith.addi %scan3A_402, %scan3A_403 : i32
    %scan3A_405 = arith.constant 1 : i32
    scf.for %scan3A_904 = %scan3A_402 to %scan3A_404 step %scan3A_405  : i32 {
      %broadcast_in_dim3A_905 = vector.broadcast %scan3A_904 : i32 to vector<16xi32>
      %broadcast_in_dim3A_906 = arith.constant 24 : i32
      %broadcast_in_dim3A_907 = vector.broadcast %broadcast_in_dim3A_906 : i32 to vector<16xi32>
      %gather3A = arith.constant 0 : i32
      %gather3A_908 = arith.constant 0 : i32
      %gather3A_909 = tpu.memref_slice %arg8[%scan3A_401, %gather3A, %gather3A_908] : memref<2x25x80xf32, #tpu.memory_space<vmem>> -> memref<1x25x80xf32, #tpu.memory_space<vmem>>
      %gather3A_910 = tpu.memref_squeeze %gather3A_909 : memref<1x25x80xf32, #tpu.memory_space<vmem>> -> memref<25x80xf32, #tpu.memory_space<vmem>>
      %gather3A_911 = tpu.vector_load_idx %gather3A_910[%broadcast_in_dim3A_907, %broadcast_in_dim3A_905] : memref<25x80xf32, #tpu.memory_space<vmem>>[vector<16xi32>, vector<16xi32>], vector<16xf32>,
      %get3A = arith.index_cast %scan3A_904 : i32 to index
      %get3A_912 = arith.constant 0 : index
      %get3A_913 = tpu.vector_load %arg10[%get3A, %get3A_912] {strides = array<i32>} : memref<80x128xf32, #tpu.memory_space<vmem>>, vector<16xf32>,
      %mul3A_914 = arith.mulf %get3A_913, %gather3A_911 : vector<16xf32>
      %swap3A = arith.index_cast %scan3A_904 : i32 to index
      %swap3A_915 = arith.constant 0 : index
      %swap3A_916 = tpu.vector_load %arg10[%swap3A, %swap3A_915] {strides = array<i32>} : memref<80x128xf32, #tpu.memory_space<vmem>>, vector<16xf32>,
      tpu.vector_store %arg10[%swap3A, %swap3A_915], %mul3A_914 {strides = array<i32>} : memref<80x128xf32, #tpu.memory_space<vmem>>, vector<16xf32>,
      %get3A_917 = arith.index_cast %scan3A_904 : i32 to index
      %get3A_918 = arith.constant 16 : index
      %get3A_919 = tpu.vector_load %arg10[%get3A_917, %get3A_918] {strides = array<i32>} : memref<80x128xf32, #tpu.memory_space<vmem>>, vector<16xf32>,
      %mul3A_920 = arith.mulf %get3A_919, %gather3A_911 : vector<16xf32>
      %swap3A_921 = arith.index_cast %scan3A_904 : i32 to index
      %swap3A_922 = arith.constant 16 : index
      %swap3A_923 = tpu.vector_load %arg10[%swap3A_921, %swap3A_922] {strides = array<i32>} : memref<80x128xf32, #tpu.memory_space<vmem>>, vector<16xf32>,
      tpu.vector_store %arg10[%swap3A_921, %swap3A_922], %mul3A_920 {strides = array<i32>} : memref<80x128xf32, #tpu.memory_space<vmem>>, vector<16xf32>,
      %get3A_924 = arith.index_cast %scan3A_904 : i32 to index
      %get3A_925 = arith.constant 32 : index
      %get3A_926 = tpu.vector_load %arg10[%get3A_924, %get3A_925] {strides = array<i32>} : memref<80x128xf32, #tpu.memory_space<vmem>>, vector<16xf32>,
      %mul3A_927 = arith.mulf %get3A_926, %gather3A_911 : vector<16xf32>
      %swap3A_928 = arith.index_cast %scan3A_904 : i32 to index
      %swap3A_929 = arith.constant 32 : index
      %swap3A_930 = tpu.vector_load %arg10[%swap3A_928, %swap3A_929] {strides = array<i32>} : memref<80x128xf32, #tpu.memory_space<vmem>>, vector<16xf32>,
      tpu.vector_store %arg10[%swap3A_928, %swap3A_929], %mul3A_927 {strides = array<i32>} : memref<80x128xf32, #tpu.memory_space<vmem>>, vector<16xf32>,
      %get3A_931 = arith.index_cast %scan3A_904 : i32 to index
      %get3A_932 = arith.constant 48 : index
      %get3A_933 = tpu.vector_load %arg10[%get3A_931, %get3A_932] {strides = array<i32>} : memref<80x128xf32, #tpu.memory_space<vmem>>, vector<16xf32>,
      %mul3A_934 = arith.mulf %get3A_933, %gather3A_911 : vector<16xf32>
      %swap3A_935 = arith.index_cast %scan3A_904 : i32 to index
      %swap3A_936 = arith.constant 48 : index
      %swap3A_937 = tpu.vector_load %arg10[%swap3A_935, %swap3A_936] {strides = array<i32>} : memref<80x128xf32, #tpu.memory_space<vmem>>, vector<16xf32>,
      tpu.vector_store %arg10[%swap3A_935, %swap3A_936], %mul3A_934 {strides = array<i32>} : memref<80x128xf32, #tpu.memory_space<vmem>>, vector<16xf32>,
      %get3A_938 = arith.index_cast %scan3A_904 : i32 to index
      %get3A_939 = arith.constant 64 : index
      %get3A_940 = tpu.vector_load %arg10[%get3A_938, %get3A_939] {strides = array<i32>} : memref<80x128xf32, #tpu.memory_space<vmem>>, vector<16xf32>,
      %mul3A_941 = arith.mulf %get3A_940, %gather3A_911 : vector<16xf32>
      %swap3A_942 = arith.index_cast %scan3A_904 : i32 to index
      %swap3A_943 = arith.constant 64 : index
      %swap3A_944 = tpu.vector_load %arg10[%swap3A_942, %swap3A_943] {strides = array<i32>} : memref<80x128xf32, #tpu.memory_space<vmem>>, vector<16xf32>,
      tpu.vector_store %arg10[%swap3A_942, %swap3A_943], %mul3A_941 {strides = array<i32>} : memref<80x128xf32, #tpu.memory_space<vmem>>, vector<16xf32>,
      %get3A_945 = arith.index_cast %scan3A_904 : i32 to index
      %get3A_946 = arith.constant 80 : index
      %get3A_947 = tpu.vector_load %arg10[%get3A_945, %get3A_946] {strides = array<i32>} : memref<80x128xf32, #tpu.memory_space<vmem>>, vector<16xf32>,
      %mul3A_948 = arith.mulf %get3A_947, %gather3A_911 : vector<16xf32>
      %swap3A_949 = arith.index_cast %scan3A_904 : i32 to index
      %swap3A_950 = arith.constant 80 : index
      %swap3A_951 = tpu.vector_load %arg10[%swap3A_949, %swap3A_950] {strides = array<i32>} : memref<80x128xf32, #tpu.memory_space<vmem>>, vector<16xf32>,
      tpu.vector_store %arg10[%swap3A_949, %swap3A_950], %mul3A_948 {strides = array<i32>} : memref<80x128xf32, #tpu.memory_space<vmem>>, vector<16xf32>,
      %get3A_952 = arith.index_cast %scan3A_904 : i32 to index
      %get3A_953 = arith.constant 96 : index
      %get3A_954 = tpu.vector_load %arg10[%get3A_952, %get3A_953] {strides = array<i32>} : memref<80x128xf32, #tpu.memory_space<vmem>>, vector<16xf32>,
      %mul3A_955 = arith.mulf %get3A_954, %gather3A_911 : vector<16xf32>
      %swap3A_956 = arith.index_cast %scan3A_904 : i32 to index
      %swap3A_957 = arith.constant 96 : index
      %swap3A_958 = tpu.vector_load %arg10[%swap3A_956, %swap3A_957] {strides = array<i32>} : memref<80x128xf32, #tpu.memory_space<vmem>>, vector<16xf32>,
      tpu.vector_store %arg10[%swap3A_956, %swap3A_957], %mul3A_955 {strides = array<i32>} : memref<80x128xf32, #tpu.memory_space<vmem>>, vector<16xf32>,
      %get3A_959 = arith.index_cast %scan3A_904 : i32 to index
      %get3A_960 = arith.constant 112 : index
      %get3A_961 = tpu.vector_load %arg10[%get3A_959, %get3A_960] {strides = array<i32>} : memref<80x128xf32, #tpu.memory_space<vmem>>, vector<16xf32>,
      %mul3A_962 = arith.mulf %get3A_961, %gather3A_911 : vector<16xf32>
      %swap3A_963 = arith.index_cast %scan3A_904 : i32 to index
      %swap3A_964 = arith.constant 112 : index
      %swap3A_965 = tpu.vector_load %arg10[%swap3A_963, %swap3A_964] {strides = array<i32>} : memref<80x128xf32, #tpu.memory_space<vmem>>, vector<16xf32>,
      tpu.vector_store %arg10[%swap3A_963, %swap3A_964], %mul3A_962 {strides = array<i32>} : memref<80x128xf32, #tpu.memory_space<vmem>>, vector<16xf32>,
    }
    %scan3A_406 = arith.constant 80 : i32
    %dma_start3A_407 = arith.constant 1 : i32
    %dma_start3A_408 = arith.constant 24 : i32
    %dma_start3A_409 = arith.constant 0 : i32
    %dma_start3A_410 = arith.constant 0 : i32
    %dma_start3A_411 = tpu.memref_slice %arg7[%dma_start3A_407, %dma_start3A_409, %dma_start3A_410] : memref<2x25x80xi32, #tpu.memory_space<vmem>> -> memref<1x25x80xi32, #tpu.memory_space<vmem>>
    %dma_start3A_412 = tpu.memref_squeeze %dma_start3A_411 : memref<1x25x80xi32, #tpu.memory_space<vmem>> -> memref<25x80xi32, #tpu.memory_space<vmem>>
    %dma_start3A_413 = arith.constant 0 : i32
    %dma_start3A_414 = tpu.memref_slice %dma_start3A_412[%dma_start3A_408, %dma_start3A_413] : memref<25x80xi32, #tpu.memory_space<vmem>> -> memref<1x80xi32, #tpu.memory_space<vmem>>
    %dma_start3A_415 = tpu.memref_squeeze %dma_start3A_414 : memref<1x80xi32, #tpu.memory_space<vmem>> -> memref<80xi32, #tpu.memory_space<vmem>>
    %dma_start3A_416 = arith.constant 0 : i32
    %dma_start3A_417 = arith.constant 0 : i32
    %dma_start3A_418 = tpu.memref_slice %arg11[%dma_start3A_416, %dma_start3A_417] : memref<10240x128xf32, #tpu.memory_space<vmem_shared>> -> memref<10240x128xf32, #tpu.memory_space<vmem_shared>>
    tpu.enqueue_indirect_dma source(%arg10 : memref<80x128xf32, #tpu.memory_space<vmem>>) target(%dma_start3A_418 : memref<10240x128xf32, #tpu.memory_space<vmem_shared>>) offsets(%dma_start3A_415 : memref<80xi32, #tpu.memory_space<vmem>>) semaphore(%arg15 : memref<!tpu.dma_semaphore, #tpu.memory_space<semaphore_mem>>) {add = true}
    %dma_wait3A_419 = arith.constant 0 : i32
    %dma_wait3A_420 = arith.constant 2 : i32
    %dma_wait3A_421 = arith.constant 0 : i32
    %dma_wait3A_422 = arith.constant 0 : i32
    %dma_wait3A_423 = arith.constant 0 : i32
    %dma_wait3A_424 = tpu.memref_slice %arg6[%dma_wait3A_421, %dma_wait3A_422, %dma_wait3A_423] : memref<2x25x80xi32, #tpu.memory_space<vmem>> -> memref<1x25x80xi32, #tpu.memory_space<vmem>>
    %dma_wait3A_425 = tpu.memref_squeeze %dma_wait3A_424 : memref<1x25x80xi32, #tpu.memory_space<vmem>> -> memref<25x80xi32, #tpu.memory_space<vmem>>
    %dma_wait3A_426 = arith.constant 0 : i32
    %dma_wait3A_427 = arith.constant 0 : i32
    %dma_wait3A_428 = tpu.memref_slice %arg2[%dma_wait3A_419, %add3A, %dma_wait3A_420, %dma_wait3A_426, %dma_wait3A_427] : memref<2x32x5x25x80xi32, #tpu.memory_space<hbm>> -> memref<1x1x1x25x80xi32, #tpu.memory_space<hbm>>
    %dma_wait3A_429 = tpu.memref_squeeze %dma_wait3A_428 : memref<1x1x1x25x80xi32, #tpu.memory_space<hbm>> -> memref<25x80xi32, #tpu.memory_space<hbm>>
    %dma_wait3A_430 = arith.constant 0 : i32
    %dma_wait3A_431 = arith.constant 0 : i32
    %dma_wait3A_432 = tpu.memref_slice %arg6[%dma_wait3A_421, %dma_wait3A_430, %dma_wait3A_431] : memref<2x25x80xi32, #tpu.memory_space<vmem>> -> memref<1x25x80xi32, #tpu.memory_space<vmem>>
    %dma_wait3A_433 = tpu.memref_squeeze %dma_wait3A_432 : memref<1x25x80xi32, #tpu.memory_space<vmem>> -> memref<25x80xi32, #tpu.memory_space<vmem>>
    %dma_wait3A_434 = arith.constant 0 : i32
    %dma_wait3A_435 = arith.constant 0 : i32
    %dma_wait3A_436 = tpu.memref_slice %arg2[%dma_wait3A_419, %add3A, %dma_wait3A_420, %dma_wait3A_434, %dma_wait3A_435] : memref<2x32x5x25x80xi32, #tpu.memory_space<hbm>> -> memref<1x1x1x25x80xi32, #tpu.memory_space<hbm>>
    %dma_wait3A_437 = tpu.memref_squeeze %dma_wait3A_436 : memref<1x1x1x25x80xi32, #tpu.memory_space<hbm>> -> memref<25x80xi32, #tpu.memory_space<hbm>>
    tpu.wait_dma2 semaphore(%arg16 : memref<!tpu.dma_semaphore, #tpu.memory_space<semaphore_mem>>) src(%dma_wait3A_437 : memref<25x80xi32, #tpu.memory_space<hbm>>) dst(%dma_wait3A_433 : memref<25x80xi32, #tpu.memory_space<vmem>>)
    %dma_wait3A_438 = arith.constant 1 : i32
    %dma_wait3A_439 = arith.constant 2 : i32
    %dma_wait3A_440 = arith.constant 0 : i32
    %dma_wait3A_441 = arith.constant 0 : i32
    %dma_wait3A_442 = arith.constant 0 : i32
    %dma_wait3A_443 = tpu.memref_slice %arg7[%dma_wait3A_440, %dma_wait3A_441, %dma_wait3A_442] : memref<2x25x80xi32, #tpu.memory_space<vmem>> -> memref<1x25x80xi32, #tpu.memory_space<vmem>>
    %dma_wait3A_444 = tpu.memref_squeeze %dma_wait3A_443 : memref<1x25x80xi32, #tpu.memory_space<vmem>> -> memref<25x80xi32, #tpu.memory_space<vmem>>
    %dma_wait3A_445 = arith.constant 0 : i32
    %dma_wait3A_446 = arith.constant 0 : i32
    %dma_wait3A_447 = tpu.memref_slice %arg2[%dma_wait3A_438, %add3A, %dma_wait3A_439, %dma_wait3A_445, %dma_wait3A_446] : memref<2x32x5x25x80xi32, #tpu.memory_space<hbm>> -> memref<1x1x1x25x80xi32, #tpu.memory_space<hbm>>
    %dma_wait3A_448 = tpu.memref_squeeze %dma_wait3A_447 : memref<1x1x1x25x80xi32, #tpu.memory_space<hbm>> -> memref<25x80xi32, #tpu.memory_space<hbm>>
    %dma_wait3A_449 = arith.constant 0 : i32
    %dma_wait3A_450 = arith.constant 0 : i32
    %dma_wait3A_451 = tpu.memref_slice %arg7[%dma_wait3A_440, %dma_wait3A_449, %dma_wait3A_450] : memref<2x25x80xi32, #tpu.memory_space<vmem>> -> memref<1x25x80xi32, #tpu.memory_space<vmem>>
    %dma_wait3A_452 = tpu.memref_squeeze %dma_wait3A_451 : memref<1x25x80xi32, #tpu.memory_space<vmem>> -> memref<25x80xi32, #tpu.memory_space<vmem>>
    %dma_wait3A_453 = arith.constant 0 : i32
    %dma_wait3A_454 = arith.constant 0 : i32
    %dma_wait3A_455 = tpu.memref_slice %arg2[%dma_wait3A_438, %add3A, %dma_wait3A_439, %dma_wait3A_453, %dma_wait3A_454] : memref<2x32x5x25x80xi32, #tpu.memory_space<hbm>> -> memref<1x1x1x25x80xi32, #tpu.memory_space<hbm>>
    %dma_wait3A_456 = tpu.memref_squeeze %dma_wait3A_455 : memref<1x1x1x25x80xi32, #tpu.memory_space<hbm>> -> memref<25x80xi32, #tpu.memory_space<hbm>>
    tpu.wait_dma2 semaphore(%arg16 : memref<!tpu.dma_semaphore, #tpu.memory_space<semaphore_mem>>) src(%dma_wait3A_456 : memref<25x80xi32, #tpu.memory_space<hbm>>) dst(%dma_wait3A_452 : memref<25x80xi32, #tpu.memory_space<vmem>>)
    %dma_wait3A_457 = arith.constant 2 : i32
    %dma_wait3A_458 = arith.constant 0 : i32
    %dma_wait3A_459 = arith.constant 0 : i32
    %dma_wait3A_460 = arith.constant 0 : i32
    %dma_wait3A_461 = tpu.memref_slice %arg8[%dma_wait3A_458, %dma_wait3A_459, %dma_wait3A_460] : memref<2x25x80xf32, #tpu.memory_space<vmem>> -> memref<1x25x80xf32, #tpu.memory_space<vmem>>
    %dma_wait3A_462 = tpu.memref_squeeze %dma_wait3A_461 : memref<1x25x80xf32, #tpu.memory_space<vmem>> -> memref<25x80xf32, #tpu.memory_space<vmem>>
    %dma_wait3A_463 = arith.constant 0 : i32
    %dma_wait3A_464 = arith.constant 0 : i32
    %dma_wait3A_465 = tpu.memref_slice %arg3[%add3A, %dma_wait3A_457, %dma_wait3A_463, %dma_wait3A_464] : memref<32x5x25x80xf32, #tpu.memory_space<hbm>> -> memref<1x1x25x80xf32, #tpu.memory_space<hbm>>
    %dma_wait3A_466 = tpu.memref_squeeze %dma_wait3A_465 : memref<1x1x25x80xf32, #tpu.memory_space<hbm>> -> memref<25x80xf32, #tpu.memory_space<hbm>>
    %dma_wait3A_467 = arith.constant 0 : i32
    %dma_wait3A_468 = arith.constant 0 : i32
    %dma_wait3A_469 = tpu.memref_slice %arg8[%dma_wait3A_458, %dma_wait3A_467, %dma_wait3A_468] : memref<2x25x80xf32, #tpu.memory_space<vmem>> -> memref<1x25x80xf32, #tpu.memory_space<vmem>>
    %dma_wait3A_470 = tpu.memref_squeeze %dma_wait3A_469 : memref<1x25x80xf32, #tpu.memory_space<vmem>> -> memref<25x80xf32, #tpu.memory_space<vmem>>
    %dma_wait3A_471 = arith.constant 0 : i32
    %dma_wait3A_472 = arith.constant 0 : i32
    %dma_wait3A_473 = tpu.memref_slice %arg3[%add3A, %dma_wait3A_457, %dma_wait3A_471, %dma_wait3A_472] : memref<32x5x25x80xf32, #tpu.memory_space<hbm>> -> memref<1x1x25x80xf32, #tpu.memory_space<hbm>>
    %dma_wait3A_474 = tpu.memref_squeeze %dma_wait3A_473 : memref<1x1x25x80xf32, #tpu.memory_space<hbm>> -> memref<25x80xf32, #tpu.memory_space<hbm>>
    tpu.wait_dma2 semaphore(%arg16 : memref<!tpu.dma_semaphore, #tpu.memory_space<semaphore_mem>>) src(%dma_wait3A_474 : memref<25x80xf32, #tpu.memory_space<hbm>>) dst(%dma_wait3A_470 : memref<25x80xf32, #tpu.memory_space<vmem>>)
    %dma_start3A_475 = arith.constant 0 : i32
    %dma_start3A_476 = arith.constant 0 : i32
    %dma_start3A_477 = arith.constant 0 : i32
    %dma_start3A_478 = arith.constant 0 : i32
    %dma_start3A_479 = tpu.memref_slice %arg6[%dma_start3A_475, %dma_start3A_477, %dma_start3A_478] : memref<2x25x80xi32, #tpu.memory_space<vmem>> -> memref<1x25x80xi32, #tpu.memory_space<vmem>>
    %dma_start3A_480 = tpu.memref_squeeze %dma_start3A_479 : memref<1x25x80xi32, #tpu.memory_space<vmem>> -> memref<25x80xi32, #tpu.memory_space<vmem>>
    %dma_start3A_481 = arith.constant 0 : i32
    %dma_start3A_482 = tpu.memref_slice %dma_start3A_480[%dma_start3A_476, %dma_start3A_481] : memref<25x80xi32, #tpu.memory_space<vmem>> -> memref<1x80xi32, #tpu.memory_space<vmem>>
    %dma_start3A_483 = tpu.memref_squeeze %dma_start3A_482 : memref<1x80xi32, #tpu.memory_space<vmem>> -> memref<80xi32, #tpu.memory_space<vmem>>
    %dma_start3A_484 = arith.constant 0 : i32
    %dma_start3A_485 = arith.constant 0 : i32
    %dma_start3A_486 = tpu.memref_slice %arg4[%dma_start3A_484, %dma_start3A_485] : memref<10000x128xf32, #tpu.memory_space<hbm>> -> memref<10000x128xf32, #tpu.memory_space<hbm>>
    tpu.enqueue_indirect_dma source(%dma_start3A_486 : memref<10000x128xf32, #tpu.memory_space<hbm>>) target(%arg9 : memref<80x128xf32, #tpu.memory_space<vmem>>) offsets(%dma_start3A_483 : memref<80xi32, #tpu.memory_space<vmem>>) semaphore(%arg12 : memref<!tpu.dma_semaphore, #tpu.memory_space<semaphore_mem>>)
    %dma_wait3A_487 = arith.constant 1 : i32
    %dma_wait3A_488 = arith.constant 24 : i32
    %dma_wait3A_489 = arith.constant 0 : i32
    %dma_wait3A_490 = arith.constant 0 : i32
    %dma_wait3A_491 = tpu.memref_slice %arg7[%dma_wait3A_487, %dma_wait3A_489, %dma_wait3A_490] : memref<2x25x80xi32, #tpu.memory_space<vmem>> -> memref<1x25x80xi32, #tpu.memory_space<vmem>>
    %dma_wait3A_492 = tpu.memref_squeeze %dma_wait3A_491 : memref<1x25x80xi32, #tpu.memory_space<vmem>> -> memref<25x80xi32, #tpu.memory_space<vmem>>
    %dma_wait3A_493 = arith.constant 0 : i32
    %dma_wait3A_494 = tpu.memref_slice %dma_wait3A_492[%dma_wait3A_488, %dma_wait3A_493] : memref<25x80xi32, #tpu.memory_space<vmem>> -> memref<1x80xi32, #tpu.memory_space<vmem>>
    %dma_wait3A_495 = tpu.memref_squeeze %dma_wait3A_494 : memref<1x80xi32, #tpu.memory_space<vmem>> -> memref<80xi32, #tpu.memory_space<vmem>>
    %dma_wait3A_496 = arith.constant 0 : i32
    %dma_wait3A_497 = arith.constant 0 : i32
    %dma_wait3A_498 = tpu.memref_slice %arg11[%dma_wait3A_496, %dma_wait3A_497] : memref<10240x128xf32, #tpu.memory_space<vmem_shared>> -> memref<10240x128xf32, #tpu.memory_space<vmem_shared>>
    tpu.wait_indirect_dma semaphore(%arg15 : memref<!tpu.dma_semaphore, #tpu.memory_space<semaphore_mem>>) src(%arg10 : memref<80x128xf32, #tpu.memory_space<vmem>>) dst(%dma_wait3A_498 : memref<10240x128xf32, #tpu.memory_space<vmem_shared>>)
    %dma_start3A_499 = arith.constant 0 : i32
    %dma_start3A_500 = arith.constant 3 : i32
    %dma_start3A_501 = arith.constant 1 : i32
    %dma_start3A_502 = arith.constant 0 : i32
    %dma_start3A_503 = arith.constant 0 : i32
    %dma_start3A_504 = tpu.memref_slice %arg6[%dma_start3A_501, %dma_start3A_502, %dma_start3A_503] : memref<2x25x80xi32, #tpu.memory_space<vmem>> -> memref<1x25x80xi32, #tpu.memory_space<vmem>>
    %dma_start3A_505 = tpu.memref_squeeze %dma_start3A_504 : memref<1x25x80xi32, #tpu.memory_space<vmem>> -> memref<25x80xi32, #tpu.memory_space<vmem>>
    %dma_start3A_506 = arith.constant 0 : i32
    %dma_start3A_507 = arith.constant 0 : i32
    %dma_start3A_508 = tpu.memref_slice %arg2[%dma_start3A_499, %add3A, %dma_start3A_500, %dma_start3A_506, %dma_start3A_507] : memref<2x32x5x25x80xi32, #tpu.memory_space<hbm>> -> memref<1x1x1x25x80xi32, #tpu.memory_space<hbm>>
    %dma_start3A_509 = tpu.memref_squeeze %dma_start3A_508 : memref<1x1x1x25x80xi32, #tpu.memory_space<hbm>> -> memref<25x80xi32, #tpu.memory_space<hbm>>
    %dma_start3A_510 = arith.constant 0 : i32
    %dma_start3A_511 = arith.constant 0 : i32
    %dma_start3A_512 = tpu.memref_slice %arg6[%dma_start3A_501, %dma_start3A_510, %dma_start3A_511] : memref<2x25x80xi32, #tpu.memory_space<vmem>> -> memref<1x25x80xi32, #tpu.memory_space<vmem>>
    %dma_start3A_513 = tpu.memref_squeeze %dma_start3A_512 : memref<1x25x80xi32, #tpu.memory_space<vmem>> -> memref<25x80xi32, #tpu.memory_space<vmem>>
    %dma_start3A_514 = arith.constant 0 : i32
    %dma_start3A_515 = arith.constant 0 : i32
    %dma_start3A_516 = tpu.memref_slice %arg2[%dma_start3A_499, %add3A, %dma_start3A_500, %dma_start3A_514, %dma_start3A_515] : memref<2x32x5x25x80xi32, #tpu.memory_space<hbm>> -> memref<1x1x1x25x80xi32, #tpu.memory_space<hbm>>
    %dma_start3A_517 = tpu.memref_squeeze %dma_start3A_516 : memref<1x1x1x25x80xi32, #tpu.memory_space<hbm>> -> memref<25x80xi32, #tpu.memory_space<hbm>>
    tpu.enqueue_dma source(%dma_start3A_517 : memref<25x80xi32, #tpu.memory_space<hbm>>) target(%dma_start3A_513 : memref<25x80xi32, #tpu.memory_space<vmem>>) target_semaphore(%arg16 : memref<!tpu.dma_semaphore, #tpu.memory_space<semaphore_mem>>)
    %dma_start3A_518 = arith.constant 1 : i32
    %dma_start3A_519 = arith.constant 3 : i32
    %dma_start3A_520 = arith.constant 1 : i32
    %dma_start3A_521 = arith.constant 0 : i32
    %dma_start3A_522 = arith.constant 0 : i32
    %dma_start3A_523 = tpu.memref_slice %arg7[%dma_start3A_520, %dma_start3A_521, %dma_start3A_522] : memref<2x25x80xi32, #tpu.memory_space<vmem>> -> memref<1x25x80xi32, #tpu.memory_space<vmem>>
    %dma_start3A_524 = tpu.memref_squeeze %dma_start3A_523 : memref<1x25x80xi32, #tpu.memory_space<vmem>> -> memref<25x80xi32, #tpu.memory_space<vmem>>
    %dma_start3A_525 = arith.constant 0 : i32
    %dma_start3A_526 = arith.constant 0 : i32
    %dma_start3A_527 = tpu.memref_slice %arg2[%dma_start3A_518, %add3A, %dma_start3A_519, %dma_start3A_525, %dma_start3A_526] : memref<2x32x5x25x80xi32, #tpu.memory_space<hbm>> -> memref<1x1x1x25x80xi32, #tpu.memory_space<hbm>>
    %dma_start3A_528 = tpu.memref_squeeze %dma_start3A_527 : memref<1x1x1x25x80xi32, #tpu.memory_space<hbm>> -> memref<25x80xi32, #tpu.memory_space<hbm>>
    %dma_start3A_529 = arith.constant 0 : i32
    %dma_start3A_530 = arith.constant 0 : i32
    %dma_start3A_531 = tpu.memref_slice %arg7[%dma_start3A_520, %dma_start3A_529, %dma_start3A_530] : memref<2x25x80xi32, #tpu.memory_space<vmem>> -> memref<1x25x80xi32, #tpu.memory_space<vmem>>
    %dma_start3A_532 = tpu.memref_squeeze %dma_start3A_531 : memref<1x25x80xi32, #tpu.memory_space<vmem>> -> memref<25x80xi32, #tpu.memory_space<vmem>>
    %dma_start3A_533 = arith.constant 0 : i32
    %dma_start3A_534 = arith.constant 0 : i32
    %dma_start3A_535 = tpu.memref_slice %arg2[%dma_start3A_518, %add3A, %dma_start3A_519, %dma_start3A_533, %dma_start3A_534] : memref<2x32x5x25x80xi32, #tpu.memory_space<hbm>> -> memref<1x1x1x25x80xi32, #tpu.memory_space<hbm>>
    %dma_start3A_536 = tpu.memref_squeeze %dma_start3A_535 : memref<1x1x1x25x80xi32, #tpu.memory_space<hbm>> -> memref<25x80xi32, #tpu.memory_space<hbm>>
    tpu.enqueue_dma source(%dma_start3A_536 : memref<25x80xi32, #tpu.memory_space<hbm>>) target(%dma_start3A_532 : memref<25x80xi32, #tpu.memory_space<vmem>>) target_semaphore(%arg16 : memref<!tpu.dma_semaphore, #tpu.memory_space<semaphore_mem>>)
    %dma_start3A_537 = arith.constant 3 : i32
    %dma_start3A_538 = arith.constant 1 : i32
    %dma_start3A_539 = arith.constant 0 : i32
    %dma_start3A_540 = arith.constant 0 : i32
    %dma_start3A_541 = tpu.memref_slice %arg8[%dma_start3A_538, %dma_start3A_539, %dma_start3A_540] : memref<2x25x80xf32, #tpu.memory_space<vmem>> -> memref<1x25x80xf32, #tpu.memory_space<vmem>>
    %dma_start3A_542 = tpu.memref_squeeze %dma_start3A_541 : memref<1x25x80xf32, #tpu.memory_space<vmem>> -> memref<25x80xf32, #tpu.memory_space<vmem>>
    %dma_start3A_543 = arith.constant 0 : i32
    %dma_start3A_544 = arith.constant 0 : i32
    %dma_start3A_545 = tpu.memref_slice %arg3[%add3A, %dma_start3A_537, %dma_start3A_543, %dma_start3A_544] : memref<32x5x25x80xf32, #tpu.memory_space<hbm>> -> memref<1x1x25x80xf32, #tpu.memory_space<hbm>>
    %dma_start3A_546 = tpu.memref_squeeze %dma_start3A_545 : memref<1x1x25x80xf32, #tpu.memory_space<hbm>> -> memref<25x80xf32, #tpu.memory_space<hbm>>
    %dma_start3A_547 = arith.constant 0 : i32
    %dma_start3A_548 = arith.constant 0 : i32
    %dma_start3A_549 = tpu.memref_slice %arg8[%dma_start3A_538, %dma_start3A_547, %dma_start3A_548] : memref<2x25x80xf32, #tpu.memory_space<vmem>> -> memref<1x25x80xf32, #tpu.memory_space<vmem>>
    %dma_start3A_550 = tpu.memref_squeeze %dma_start3A_549 : memref<1x25x80xf32, #tpu.memory_space<vmem>> -> memref<25x80xf32, #tpu.memory_space<vmem>>
    %dma_start3A_551 = arith.constant 0 : i32
    %dma_start3A_552 = arith.constant 0 : i32
    %dma_start3A_553 = tpu.memref_slice %arg3[%add3A, %dma_start3A_537, %dma_start3A_551, %dma_start3A_552] : memref<32x5x25x80xf32, #tpu.memory_space<hbm>> -> memref<1x1x25x80xf32, #tpu.memory_space<hbm>>
    %dma_start3A_554 = tpu.memref_squeeze %dma_start3A_553 : memref<1x1x25x80xf32, #tpu.memory_space<hbm>> -> memref<25x80xf32, #tpu.memory_space<hbm>>
    tpu.enqueue_dma source(%dma_start3A_554 : memref<25x80xf32, #tpu.memory_space<hbm>>) target(%dma_start3A_550 : memref<25x80xf32, #tpu.memory_space<vmem>>) target_semaphore(%arg16 : memref<!tpu.dma_semaphore, #tpu.memory_space<semaphore_mem>>)
    %scan3A_555 = arith.constant 0 : i32
    %scan3A_556 = arith.constant 0 : i32
    %scan3A_557 = arith.constant 0 : i32
    %scan3A_558 = arith.constant 0 : i32
    %scan3A_559 = arith.constant 0 : i32
    %scan3A_560 = arith.constant 12 : i32
    %scan3A_561 = arith.addi %scan3A_559, %scan3A_560 : i32
    %scan3A_562 = arith.constant 1 : i32
    scf.for %scan3A_904 = %scan3A_559 to %scan3A_561 step %scan3A_562  : i32 {
      %mul3A_905 = arith.constant 2 : i32
      %mul3A_906 = arith.muli %mul3A_905, %scan3A_904 : i32
      %add3A_907 = arith.constant 1 : i32
      %add3A_908 = arith.addi %mul3A_906, %add3A_907 : i32
      %dma_start3A_909 = arith.constant 0 : i32
      %dma_start3A_910 = arith.constant 0 : i32
      %dma_start3A_911 = tpu.memref_slice %arg6[%scan3A_556, %dma_start3A_909, %dma_start3A_910] : memref<2x25x80xi32, #tpu.memory_space<vmem>> -> memref<1x25x80xi32, #tpu.memory_space<vmem>>
      %dma_start3A_912 = tpu.memref_squeeze %dma_start3A_911 : memref<1x25x80xi32, #tpu.memory_space<vmem>> -> memref<25x80xi32, #tpu.memory_space<vmem>>
      %dma_start3A_913 = arith.constant 0 : i32
      %dma_start3A_914 = tpu.memref_slice %dma_start3A_912[%add3A_908, %dma_start3A_913] : memref<25x80xi32, #tpu.memory_space<vmem>> -> memref<1x80xi32, #tpu.memory_space<vmem>>
      %dma_start3A_915 = tpu.memref_squeeze %dma_start3A_914 : memref<1x80xi32, #tpu.memory_space<vmem>> -> memref<80xi32, #tpu.memory_space<vmem>>
      %dma_start3A_916 = arith.constant 0 : i32
      %dma_start3A_917 = arith.constant 0 : i32
      %dma_start3A_918 = tpu.memref_slice %arg4[%dma_start3A_916, %dma_start3A_917] : memref<10000x128xf32, #tpu.memory_space<hbm>> -> memref<10000x128xf32, #tpu.memory_space<hbm>>
      tpu.enqueue_indirect_dma source(%dma_start3A_918 : memref<10000x128xf32, #tpu.memory_space<hbm>>) target(%arg10 : memref<80x128xf32, #tpu.memory_space<vmem>>) offsets(%dma_start3A_915 : memref<80xi32, #tpu.memory_space<vmem>>) semaphore(%arg13 : memref<!tpu.dma_semaphore, #tpu.memory_space<semaphore_mem>>)
      %dma_wait3A_919 = arith.constant 0 : i32
      %dma_wait3A_920 = arith.constant 0 : i32
      %dma_wait3A_921 = tpu.memref_slice %arg6[%scan3A_556, %dma_wait3A_919, %dma_wait3A_920] : memref<2x25x80xi32, #tpu.memory_space<vmem>> -> memref<1x25x80xi32, #tpu.memory_space<vmem>>
      %dma_wait3A_922 = tpu.memref_squeeze %dma_wait3A_921 : memref<1x25x80xi32, #tpu.memory_space<vmem>> -> memref<25x80xi32, #tpu.memory_space<vmem>>
      %dma_wait3A_923 = arith.constant 0 : i32
      %dma_wait3A_924 = tpu.memref_slice %dma_wait3A_922[%mul3A_906, %dma_wait3A_923] : memref<25x80xi32, #tpu.memory_space<vmem>> -> memref<1x80xi32, #tpu.memory_space<vmem>>
      %dma_wait3A_925 = tpu.memref_squeeze %dma_wait3A_924 : memref<1x80xi32, #tpu.memory_space<vmem>> -> memref<80xi32, #tpu.memory_space<vmem>>
      %dma_wait3A_926 = arith.constant 0 : i32
      %dma_wait3A_927 = arith.constant 0 : i32
      %dma_wait3A_928 = tpu.memref_slice %arg4[%dma_wait3A_926, %dma_wait3A_927] : memref<10000x128xf32, #tpu.memory_space<hbm>> -> memref<10000x128xf32, #tpu.memory_space<hbm>>
      tpu.wait_indirect_dma semaphore(%arg12 : memref<!tpu.dma_semaphore, #tpu.memory_space<semaphore_mem>>) src(%dma_wait3A_928 : memref<10000x128xf32, #tpu.memory_space<hbm>>) dst(%arg9 : memref<80x128xf32, #tpu.memory_space<vmem>>)
      %scan3A_929 = arith.constant 0 : i32
      %scan3A_930 = arith.constant 0 : i32
      %scan3A_931 = arith.constant 80 : i32
      %scan3A_932 = arith.addi %scan3A_930, %scan3A_931 : i32
      %scan3A_933 = arith.constant 1 : i32
      scf.for %scan3A_1003 = %scan3A_930 to %scan3A_932 step %scan3A_933  : i32 {
        %broadcast_in_dim3A_1004 = vector.broadcast %scan3A_1003 : i32 to vector<16xi32>
        %broadcast_in_dim3A_1005 = vector.broadcast %mul3A_906 : i32 to vector<16xi32>
        %gather3A = arith.constant 0 : i32
        %gather3A_1006 = arith.constant 0 : i32
        %gather3A_1007 = tpu.memref_slice %arg8[%scan3A_557, %gather3A, %gather3A_1006] : memref<2x25x80xf32, #tpu.memory_space<vmem>> -> memref<1x25x80xf32, #tpu.memory_space<vmem>>
        %gather3A_1008 = tpu.memref_squeeze %gather3A_1007 : memref<1x25x80xf32, #tpu.memory_space<vmem>> -> memref<25x80xf32, #tpu.memory_space<vmem>>
        %gather3A_1009 = tpu.vector_load_idx %gather3A_1008[%broadcast_in_dim3A_1005, %broadcast_in_dim3A_1004] : memref<25x80xf32, #tpu.memory_space<vmem>>[vector<16xi32>, vector<16xi32>], vector<16xf32>,
        %get3A = arith.index_cast %scan3A_1003 : i32 to index
        %get3A_1010 = arith.constant 0 : index
        %get3A_1011 = tpu.vector_load %arg9[%get3A, %get3A_1010] {strides = array<i32>} : memref<80x128xf32, #tpu.memory_space<vmem>>, vector<16xf32>,
        %mul3A_1012 = arith.mulf %get3A_1011, %gather3A_1009 : vector<16xf32>
        %swap3A = arith.index_cast %scan3A_1003 : i32 to index
        %swap3A_1013 = arith.constant 0 : index
        %swap3A_1014 = tpu.vector_load %arg9[%swap3A, %swap3A_1013] {strides = array<i32>} : memref<80x128xf32, #tpu.memory_space<vmem>>, vector<16xf32>,
        tpu.vector_store %arg9[%swap3A, %swap3A_1013], %mul3A_1012 {strides = array<i32>} : memref<80x128xf32, #tpu.memory_space<vmem>>, vector<16xf32>,
        %get3A_1015 = arith.index_cast %scan3A_1003 : i32 to index
        %get3A_1016 = arith.constant 16 : index
        %get3A_1017 = tpu.vector_load %arg9[%get3A_1015, %get3A_1016] {strides = array<i32>} : memref<80x128xf32, #tpu.memory_space<vmem>>, vector<16xf32>,
        %mul3A_1018 = arith.mulf %get3A_1017, %gather3A_1009 : vector<16xf32>
        %swap3A_1019 = arith.index_cast %scan3A_1003 : i32 to index
        %swap3A_1020 = arith.constant 16 : index
        %swap3A_1021 = tpu.vector_load %arg9[%swap3A_1019, %swap3A_1020] {strides = array<i32>} : memref<80x128xf32, #tpu.memory_space<vmem>>, vector<16xf32>,
        tpu.vector_store %arg9[%swap3A_1019, %swap3A_1020], %mul3A_1018 {strides = array<i32>} : memref<80x128xf32, #tpu.memory_space<vmem>>, vector<16xf32>,
        %get3A_1022 = arith.index_cast %scan3A_1003 : i32 to index
        %get3A_1023 = arith.constant 32 : index
        %get3A_1024 = tpu.vector_load %arg9[%get3A_1022, %get3A_1023] {strides = array<i32>} : memref<80x128xf32, #tpu.memory_space<vmem>>, vector<16xf32>,
        %mul3A_1025 = arith.mulf %get3A_1024, %gather3A_1009 : vector<16xf32>
        %swap3A_1026 = arith.index_cast %scan3A_1003 : i32 to index
        %swap3A_1027 = arith.constant 32 : index
        %swap3A_1028 = tpu.vector_load %arg9[%swap3A_1026, %swap3A_1027] {strides = array<i32>} : memref<80x128xf32, #tpu.memory_space<vmem>>, vector<16xf32>,
        tpu.vector_store %arg9[%swap3A_1026, %swap3A_1027], %mul3A_1025 {strides = array<i32>} : memref<80x128xf32, #tpu.memory_space<vmem>>, vector<16xf32>,
        %get3A_1029 = arith.index_cast %scan3A_1003 : i32 to index
        %get3A_1030 = arith.constant 48 : index
        %get3A_1031 = tpu.vector_load %arg9[%get3A_1029, %get3A_1030] {strides = array<i32>} : memref<80x128xf32, #tpu.memory_space<vmem>>, vector<16xf32>,
        %mul3A_1032 = arith.mulf %get3A_1031, %gather3A_1009 : vector<16xf32>
        %swap3A_1033 = arith.index_cast %scan3A_1003 : i32 to index
        %swap3A_1034 = arith.constant 48 : index
        %swap3A_1035 = tpu.vector_load %arg9[%swap3A_1033, %swap3A_1034] {strides = array<i32>} : memref<80x128xf32, #tpu.memory_space<vmem>>, vector<16xf32>,
        tpu.vector_store %arg9[%swap3A_1033, %swap3A_1034], %mul3A_1032 {strides = array<i32>} : memref<80x128xf32, #tpu.memory_space<vmem>>, vector<16xf32>,
        %get3A_1036 = arith.index_cast %scan3A_1003 : i32 to index
        %get3A_1037 = arith.constant 64 : index
        %get3A_1038 = tpu.vector_load %arg9[%get3A_1036, %get3A_1037] {strides = array<i32>} : memref<80x128xf32, #tpu.memory_space<vmem>>, vector<16xf32>,
        %mul3A_1039 = arith.mulf %get3A_1038, %gather3A_1009 : vector<16xf32>
        %swap3A_1040 = arith.index_cast %scan3A_1003 : i32 to index
        %swap3A_1041 = arith.constant 64 : index
        %swap3A_1042 = tpu.vector_load %arg9[%swap3A_1040, %swap3A_1041] {strides = array<i32>} : memref<80x128xf32, #tpu.memory_space<vmem>>, vector<16xf32>,
        tpu.vector_store %arg9[%swap3A_1040, %swap3A_1041], %mul3A_1039 {strides = array<i32>} : memref<80x128xf32, #tpu.memory_space<vmem>>, vector<16xf32>,
        %get3A_1043 = arith.index_cast %scan3A_1003 : i32 to index
        %get3A_1044 = arith.constant 80 : index
        %get3A_1045 = tpu.vector_load %arg9[%get3A_1043, %get3A_1044] {strides = array<i32>} : memref<80x128xf32, #tpu.memory_space<vmem>>, vector<16xf32>,
        %mul3A_1046 = arith.mulf %get3A_1045, %gather3A_1009 : vector<16xf32>
        %swap3A_1047 = arith.index_cast %scan3A_1003 : i32 to index
        %swap3A_1048 = arith.constant 80 : index
        %swap3A_1049 = tpu.vector_load %arg9[%swap3A_1047, %swap3A_1048] {strides = array<i32>} : memref<80x128xf32, #tpu.memory_space<vmem>>, vector<16xf32>,
        tpu.vector_store %arg9[%swap3A_1047, %swap3A_1048], %mul3A_1046 {strides = array<i32>} : memref<80x128xf32, #tpu.memory_space<vmem>>, vector<16xf32>,
        %get3A_1050 = arith.index_cast %scan3A_1003 : i32 to index
        %get3A_1051 = arith.constant 96 : index
        %get3A_1052 = tpu.vector_load %arg9[%get3A_1050, %get3A_1051] {strides = array<i32>} : memref<80x128xf32, #tpu.memory_space<vmem>>, vector<16xf32>,
        %mul3A_1053 = arith.mulf %get3A_1052, %gather3A_1009 : vector<16xf32>
        %swap3A_1054 = arith.index_cast %scan3A_1003 : i32 to index
        %swap3A_1055 = arith.constant 96 : index
        %swap3A_1056 = tpu.vector_load %arg9[%swap3A_1054, %swap3A_1055] {strides = array<i32>} : memref<80x128xf32, #tpu.memory_space<vmem>>, vector<16xf32>,
        tpu.vector_store %arg9[%swap3A_1054, %swap3A_1055], %mul3A_1053 {strides = array<i32>} : memref<80x128xf32, #tpu.memory_space<vmem>>, vector<16xf32>,
        %get3A_1057 = arith.index_cast %scan3A_1003 : i32 to index
        %get3A_1058 = arith.constant 112 : index
        %get3A_1059 = tpu.vector_load %arg9[%get3A_1057, %get3A_1058] {strides = array<i32>} : memref<80x128xf32, #tpu.memory_space<vmem>>, vector<16xf32>,
        %mul3A_1060 = arith.mulf %get3A_1059, %gather3A_1009 : vector<16xf32>
        %swap3A_1061 = arith.index_cast %scan3A_1003 : i32 to index
        %swap3A_1062 = arith.constant 112 : index
        %swap3A_1063 = tpu.vector_load %arg9[%swap3A_1061, %swap3A_1062] {strides = array<i32>} : memref<80x128xf32, #tpu.memory_space<vmem>>, vector<16xf32>,
        tpu.vector_store %arg9[%swap3A_1061, %swap3A_1062], %mul3A_1060 {strides = array<i32>} : memref<80x128xf32, #tpu.memory_space<vmem>>, vector<16xf32>,
      }
      %scan3A_934 = arith.constant 80 : i32
      %dma_start3A_935 = arith.constant 0 : i32
      %dma_start3A_936 = arith.constant 0 : i32
      %dma_start3A_937 = tpu.memref_slice %arg7[%scan3A_558, %dma_start3A_935, %dma_start3A_936] : memref<2x25x80xi32, #tpu.memory_space<vmem>> -> memref<1x25x80xi32, #tpu.memory_space<vmem>>
      %dma_start3A_938 = tpu.memref_squeeze %dma_start3A_937 : memref<1x25x80xi32, #tpu.memory_space<vmem>> -> memref<25x80xi32, #tpu.memory_space<vmem>>
      %dma_start3A_939 = arith.constant 0 : i32
      %dma_start3A_940 = tpu.memref_slice %dma_start3A_938[%mul3A_906, %dma_start3A_939] : memref<25x80xi32, #tpu.memory_space<vmem>> -> memref<1x80xi32, #tpu.memory_space<vmem>>
      %dma_start3A_941 = tpu.memref_squeeze %dma_start3A_940 : memref<1x80xi32, #tpu.memory_space<vmem>> -> memref<80xi32, #tpu.memory_space<vmem>>
      %dma_start3A_942 = arith.constant 0 : i32
      %dma_start3A_943 = arith.constant 0 : i32
      %dma_start3A_944 = tpu.memref_slice %arg11[%dma_start3A_942, %dma_start3A_943] : memref<10240x128xf32, #tpu.memory_space<vmem_shared>> -> memref<10240x128xf32, #tpu.memory_space<vmem_shared>>
      tpu.enqueue_indirect_dma source(%arg9 : memref<80x128xf32, #tpu.memory_space<vmem>>) target(%dma_start3A_944 : memref<10240x128xf32, #tpu.memory_space<vmem_shared>>) offsets(%dma_start3A_941 : memref<80xi32, #tpu.memory_space<vmem>>) semaphore(%arg14 : memref<!tpu.dma_semaphore, #tpu.memory_space<semaphore_mem>>) {add = true}
      %dma_wait3A_945 = arith.constant 0 : i32
      %dma_wait3A_946 = arith.constant 0 : i32
      %dma_wait3A_947 = tpu.memref_slice %arg6[%scan3A_556, %dma_wait3A_945, %dma_wait3A_946] : memref<2x25x80xi32, #tpu.memory_space<vmem>> -> memref<1x25x80xi32, #tpu.memory_space<vmem>>
      %dma_wait3A_948 = tpu.memref_squeeze %dma_wait3A_947 : memref<1x25x80xi32, #tpu.memory_space<vmem>> -> memref<25x80xi32, #tpu.memory_space<vmem>>
      %dma_wait3A_949 = arith.constant 0 : i32
      %dma_wait3A_950 = tpu.memref_slice %dma_wait3A_948[%add3A_908, %dma_wait3A_949] : memref<25x80xi32, #tpu.memory_space<vmem>> -> memref<1x80xi32, #tpu.memory_space<vmem>>
      %dma_wait3A_951 = tpu.memref_squeeze %dma_wait3A_950 : memref<1x80xi32, #tpu.memory_space<vmem>> -> memref<80xi32, #tpu.memory_space<vmem>>
      %dma_wait3A_952 = arith.constant 0 : i32
      %dma_wait3A_953 = arith.constant 0 : i32
      %dma_wait3A_954 = tpu.memref_slice %arg4[%dma_wait3A_952, %dma_wait3A_953] : memref<10000x128xf32, #tpu.memory_space<hbm>> -> memref<10000x128xf32, #tpu.memory_space<hbm>>
      tpu.wait_indirect_dma semaphore(%arg13 : memref<!tpu.dma_semaphore, #tpu.memory_space<semaphore_mem>>) src(%dma_wait3A_954 : memref<10000x128xf32, #tpu.memory_space<hbm>>) dst(%arg10 : memref<80x128xf32, #tpu.memory_space<vmem>>)
      %scan3A_955 = arith.constant 0 : i32
      %scan3A_956 = arith.constant 0 : i32
      %scan3A_957 = arith.constant 80 : i32
      %scan3A_958 = arith.addi %scan3A_956, %scan3A_957 : i32
      %scan3A_959 = arith.constant 1 : i32
      scf.for %scan3A_1003 = %scan3A_956 to %scan3A_958 step %scan3A_959  : i32 {
        %broadcast_in_dim3A_1004 = vector.broadcast %scan3A_1003 : i32 to vector<16xi32>
        %broadcast_in_dim3A_1005 = vector.broadcast %add3A_908 : i32 to vector<16xi32>
        %gather3A = arith.constant 0 : i32
        %gather3A_1006 = arith.constant 0 : i32
        %gather3A_1007 = tpu.memref_slice %arg8[%scan3A_557, %gather3A, %gather3A_1006] : memref<2x25x80xf32, #tpu.memory_space<vmem>> -> memref<1x25x80xf32, #tpu.memory_space<vmem>>
        %gather3A_1008 = tpu.memref_squeeze %gather3A_1007 : memref<1x25x80xf32, #tpu.memory_space<vmem>> -> memref<25x80xf32, #tpu.memory_space<vmem>>
        %gather3A_1009 = tpu.vector_load_idx %gather3A_1008[%broadcast_in_dim3A_1005, %broadcast_in_dim3A_1004] : memref<25x80xf32, #tpu.memory_space<vmem>>[vector<16xi32>, vector<16xi32>], vector<16xf32>,
        %get3A = arith.index_cast %scan3A_1003 : i32 to index
        %get3A_1010 = arith.constant 0 : index
        %get3A_1011 = tpu.vector_load %arg10[%get3A, %get3A_1010] {strides = array<i32>} : memref<80x128xf32, #tpu.memory_space<vmem>>, vector<16xf32>,
        %mul3A_1012 = arith.mulf %get3A_1011, %gather3A_1009 : vector<16xf32>
        %swap3A = arith.index_cast %scan3A_1003 : i32 to index
        %swap3A_1013 = arith.constant 0 : index
        %swap3A_1014 = tpu.vector_load %arg10[%swap3A, %swap3A_1013] {strides = array<i32>} : memref<80x128xf32, #tpu.memory_space<vmem>>, vector<16xf32>,
        tpu.vector_store %arg10[%swap3A, %swap3A_1013], %mul3A_1012 {strides = array<i32>} : memref<80x128xf32, #tpu.memory_space<vmem>>, vector<16xf32>,
        %get3A_1015 = arith.index_cast %scan3A_1003 : i32 to index
        %get3A_1016 = arith.constant 16 : index
        %get3A_1017 = tpu.vector_load %arg10[%get3A_1015, %get3A_1016] {strides = array<i32>} : memref<80x128xf32, #tpu.memory_space<vmem>>, vector<16xf32>,
        %mul3A_1018 = arith.mulf %get3A_1017, %gather3A_1009 : vector<16xf32>
        %swap3A_1019 = arith.index_cast %scan3A_1003 : i32 to index
        %swap3A_1020 = arith.constant 16 : index
        %swap3A_1021 = tpu.vector_load %arg10[%swap3A_1019, %swap3A_1020] {strides = array<i32>} : memref<80x128xf32, #tpu.memory_space<vmem>>, vector<16xf32>,
        tpu.vector_store %arg10[%swap3A_1019, %swap3A_1020], %mul3A_1018 {strides = array<i32>} : memref<80x128xf32, #tpu.memory_space<vmem>>, vector<16xf32>,
        %get3A_1022 = arith.index_cast %scan3A_1003 : i32 to index
        %get3A_1023 = arith.constant 32 : index
        %get3A_1024 = tpu.vector_load %arg10[%get3A_1022, %get3A_1023] {strides = array<i32>} : memref<80x128xf32, #tpu.memory_space<vmem>>, vector<16xf32>,
        %mul3A_1025 = arith.mulf %get3A_1024, %gather3A_1009 : vector<16xf32>
        %swap3A_1026 = arith.index_cast %scan3A_1003 : i32 to index
        %swap3A_1027 = arith.constant 32 : index
        %swap3A_1028 = tpu.vector_load %arg10[%swap3A_1026, %swap3A_1027] {strides = array<i32>} : memref<80x128xf32, #tpu.memory_space<vmem>>, vector<16xf32>,
        tpu.vector_store %arg10[%swap3A_1026, %swap3A_1027], %mul3A_1025 {strides = array<i32>} : memref<80x128xf32, #tpu.memory_space<vmem>>, vector<16xf32>,
        %get3A_1029 = arith.index_cast %scan3A_1003 : i32 to index
        %get3A_1030 = arith.constant 48 : index
        %get3A_1031 = tpu.vector_load %arg10[%get3A_1029, %get3A_1030] {strides = array<i32>} : memref<80x128xf32, #tpu.memory_space<vmem>>, vector<16xf32>,
        %mul3A_1032 = arith.mulf %get3A_1031, %gather3A_1009 : vector<16xf32>
        %swap3A_1033 = arith.index_cast %scan3A_1003 : i32 to index
        %swap3A_1034 = arith.constant 48 : index
        %swap3A_1035 = tpu.vector_load %arg10[%swap3A_1033, %swap3A_1034] {strides = array<i32>} : memref<80x128xf32, #tpu.memory_space<vmem>>, vector<16xf32>,
        tpu.vector_store %arg10[%swap3A_1033, %swap3A_1034], %mul3A_1032 {strides = array<i32>} : memref<80x128xf32, #tpu.memory_space<vmem>>, vector<16xf32>,
        %get3A_1036 = arith.index_cast %scan3A_1003 : i32 to index
        %get3A_1037 = arith.constant 64 : index
        %get3A_1038 = tpu.vector_load %arg10[%get3A_1036, %get3A_1037] {strides = array<i32>} : memref<80x128xf32, #tpu.memory_space<vmem>>, vector<16xf32>,
        %mul3A_1039 = arith.mulf %get3A_1038, %gather3A_1009 : vector<16xf32>
        %swap3A_1040 = arith.index_cast %scan3A_1003 : i32 to index
        %swap3A_1041 = arith.constant 64 : index
        %swap3A_1042 = tpu.vector_load %arg10[%swap3A_1040, %swap3A_1041] {strides = array<i32>} : memref<80x128xf32, #tpu.memory_space<vmem>>, vector<16xf32>,
        tpu.vector_store %arg10[%swap3A_1040, %swap3A_1041], %mul3A_1039 {strides = array<i32>} : memref<80x128xf32, #tpu.memory_space<vmem>>, vector<16xf32>,
        %get3A_1043 = arith.index_cast %scan3A_1003 : i32 to index
        %get3A_1044 = arith.constant 80 : index
        %get3A_1045 = tpu.vector_load %arg10[%get3A_1043, %get3A_1044] {strides = array<i32>} : memref<80x128xf32, #tpu.memory_space<vmem>>, vector<16xf32>,
        %mul3A_1046 = arith.mulf %get3A_1045, %gather3A_1009 : vector<16xf32>
        %swap3A_1047 = arith.index_cast %scan3A_1003 : i32 to index
        %swap3A_1048 = arith.constant 80 : index
        %swap3A_1049 = tpu.vector_load %arg10[%swap3A_1047, %swap3A_1048] {strides = array<i32>} : memref<80x128xf32, #tpu.memory_space<vmem>>, vector<16xf32>,
        tpu.vector_store %arg10[%swap3A_1047, %swap3A_1048], %mul3A_1046 {strides = array<i32>} : memref<80x128xf32, #tpu.memory_space<vmem>>, vector<16xf32>,
        %get3A_1050 = arith.index_cast %scan3A_1003 : i32 to index
        %get3A_1051 = arith.constant 96 : index
        %get3A_1052 = tpu.vector_load %arg10[%get3A_1050, %get3A_1051] {strides = array<i32>} : memref<80x128xf32, #tpu.memory_space<vmem>>, vector<16xf32>,
        %mul3A_1053 = arith.mulf %get3A_1052, %gather3A_1009 : vector<16xf32>
        %swap3A_1054 = arith.index_cast %scan3A_1003 : i32 to index
        %swap3A_1055 = arith.constant 96 : index
        %swap3A_1056 = tpu.vector_load %arg10[%swap3A_1054, %swap3A_1055] {strides = array<i32>} : memref<80x128xf32, #tpu.memory_space<vmem>>, vector<16xf32>,
        tpu.vector_store %arg10[%swap3A_1054, %swap3A_1055], %mul3A_1053 {strides = array<i32>} : memref<80x128xf32, #tpu.memory_space<vmem>>, vector<16xf32>,
        %get3A_1057 = arith.index_cast %scan3A_1003 : i32 to index
        %get3A_1058 = arith.constant 112 : index
        %get3A_1059 = tpu.vector_load %arg10[%get3A_1057, %get3A_1058] {strides = array<i32>} : memref<80x128xf32, #tpu.memory_space<vmem>>, vector<16xf32>,
        %mul3A_1060 = arith.mulf %get3A_1059, %gather3A_1009 : vector<16xf32>
        %swap3A_1061 = arith.index_cast %scan3A_1003 : i32 to index
        %swap3A_1062 = arith.constant 112 : index
        %swap3A_1063 = tpu.vector_load %arg10[%swap3A_1061, %swap3A_1062] {strides = array<i32>} : memref<80x128xf32, #tpu.memory_space<vmem>>, vector<16xf32>,
        tpu.vector_store %arg10[%swap3A_1061, %swap3A_1062], %mul3A_1060 {strides = array<i32>} : memref<80x128xf32, #tpu.memory_space<vmem>>, vector<16xf32>,
      }
      %scan3A_960 = arith.constant 80 : i32
      %dma_start3A_961 = arith.constant 0 : i32
      %dma_start3A_962 = arith.constant 0 : i32
      %dma_start3A_963 = tpu.memref_slice %arg7[%scan3A_558, %dma_start3A_961, %dma_start3A_962] : memref<2x25x80xi32, #tpu.memory_space<vmem>> -> memref<1x25x80xi32, #tpu.memory_space<vmem>>
      %dma_start3A_964 = tpu.memref_squeeze %dma_start3A_963 : memref<1x25x80xi32, #tpu.memory_space<vmem>> -> memref<25x80xi32, #tpu.memory_space<vmem>>
      %dma_start3A_965 = arith.constant 0 : i32
      %dma_start3A_966 = tpu.memref_slice %dma_start3A_964[%add3A_908, %dma_start3A_965] : memref<25x80xi32, #tpu.memory_space<vmem>> -> memref<1x80xi32, #tpu.memory_space<vmem>>
      %dma_start3A_967 = tpu.memref_squeeze %dma_start3A_966 : memref<1x80xi32, #tpu.memory_space<vmem>> -> memref<80xi32, #tpu.memory_space<vmem>>
      %dma_start3A_968 = arith.constant 0 : i32
      %dma_start3A_969 = arith.constant 0 : i32
      %dma_start3A_970 = tpu.memref_slice %arg11[%dma_start3A_968, %dma_start3A_969] : memref<10240x128xf32, #tpu.memory_space<vmem_shared>> -> memref<10240x128xf32, #tpu.memory_space<vmem_shared>>
      tpu.enqueue_indirect_dma source(%arg10 : memref<80x128xf32, #tpu.memory_space<vmem>>) target(%dma_start3A_970 : memref<10240x128xf32, #tpu.memory_space<vmem_shared>>) offsets(%dma_start3A_967 : memref<80xi32, #tpu.memory_space<vmem>>) semaphore(%arg15 : memref<!tpu.dma_semaphore, #tpu.memory_space<semaphore_mem>>) {add = true}
      %dma_wait3A_971 = arith.constant 0 : i32
      %dma_wait3A_972 = arith.constant 0 : i32
      %dma_wait3A_973 = tpu.memref_slice %arg7[%scan3A_558, %dma_wait3A_971, %dma_wait3A_972] : memref<2x25x80xi32, #tpu.memory_space<vmem>> -> memref<1x25x80xi32, #tpu.memory_space<vmem>>
      %dma_wait3A_974 = tpu.memref_squeeze %dma_wait3A_973 : memref<1x25x80xi32, #tpu.memory_space<vmem>> -> memref<25x80xi32, #tpu.memory_space<vmem>>
      %dma_wait3A_975 = arith.constant 0 : i32
      %dma_wait3A_976 = tpu.memref_slice %dma_wait3A_974[%mul3A_906, %dma_wait3A_975] : memref<25x80xi32, #tpu.memory_space<vmem>> -> memref<1x80xi32, #tpu.memory_space<vmem>>
      %dma_wait3A_977 = tpu.memref_squeeze %dma_wait3A_976 : memref<1x80xi32, #tpu.memory_space<vmem>> -> memref<80xi32, #tpu.memory_space<vmem>>
      %dma_wait3A_978 = arith.constant 0 : i32
      %dma_wait3A_979 = arith.constant 0 : i32
      %dma_wait3A_980 = tpu.memref_slice %arg11[%dma_wait3A_978, %dma_wait3A_979] : memref<10240x128xf32, #tpu.memory_space<vmem_shared>> -> memref<10240x128xf32, #tpu.memory_space<vmem_shared>>
      tpu.wait_indirect_dma semaphore(%arg14 : memref<!tpu.dma_semaphore, #tpu.memory_space<semaphore_mem>>) src(%arg9 : memref<80x128xf32, #tpu.memory_space<vmem>>) dst(%dma_wait3A_980 : memref<10240x128xf32, #tpu.memory_space<vmem_shared>>)
      %add3A_981 = arith.constant 2 : i32
      %add3A_982 = arith.addi %mul3A_906, %add3A_981 : i32
      %dma_start3A_983 = arith.constant 0 : i32
      %dma_start3A_984 = arith.constant 0 : i32
      %dma_start3A_985 = tpu.memref_slice %arg6[%scan3A_556, %dma_start3A_983, %dma_start3A_984] : memref<2x25x80xi32, #tpu.memory_space<vmem>> -> memref<1x25x80xi32, #tpu.memory_space<vmem>>
      %dma_start3A_986 = tpu.memref_squeeze %dma_start3A_985 : memref<1x25x80xi32, #tpu.memory_space<vmem>> -> memref<25x80xi32, #tpu.memory_space<vmem>>
      %dma_start3A_987 = arith.constant 0 : i32
      %dma_start3A_988 = tpu.memref_slice %dma_start3A_986[%add3A_982, %dma_start3A_987] : memref<25x80xi32, #tpu.memory_space<vmem>> -> memref<1x80xi32, #tpu.memory_space<vmem>>
      %dma_start3A_989 = tpu.memref_squeeze %dma_start3A_988 : memref<1x80xi32, #tpu.memory_space<vmem>> -> memref<80xi32, #tpu.memory_space<vmem>>
      %dma_start3A_990 = arith.constant 0 : i32
      %dma_start3A_991 = arith.constant 0 : i32
      %dma_start3A_992 = tpu.memref_slice %arg4[%dma_start3A_990, %dma_start3A_991] : memref<10000x128xf32, #tpu.memory_space<hbm>> -> memref<10000x128xf32, #tpu.memory_space<hbm>>
      tpu.enqueue_indirect_dma source(%dma_start3A_992 : memref<10000x128xf32, #tpu.memory_space<hbm>>) target(%arg9 : memref<80x128xf32, #tpu.memory_space<vmem>>) offsets(%dma_start3A_989 : memref<80xi32, #tpu.memory_space<vmem>>) semaphore(%arg12 : memref<!tpu.dma_semaphore, #tpu.memory_space<semaphore_mem>>)
      %dma_wait3A_993 = arith.constant 0 : i32
      %dma_wait3A_994 = arith.constant 0 : i32
      %dma_wait3A_995 = tpu.memref_slice %arg7[%scan3A_558, %dma_wait3A_993, %dma_wait3A_994] : memref<2x25x80xi32, #tpu.memory_space<vmem>> -> memref<1x25x80xi32, #tpu.memory_space<vmem>>
      %dma_wait3A_996 = tpu.memref_squeeze %dma_wait3A_995 : memref<1x25x80xi32, #tpu.memory_space<vmem>> -> memref<25x80xi32, #tpu.memory_space<vmem>>
      %dma_wait3A_997 = arith.constant 0 : i32
      %dma_wait3A_998 = tpu.memref_slice %dma_wait3A_996[%add3A_908, %dma_wait3A_997] : memref<25x80xi32, #tpu.memory_space<vmem>> -> memref<1x80xi32, #tpu.memory_space<vmem>>
      %dma_wait3A_999 = tpu.memref_squeeze %dma_wait3A_998 : memref<1x80xi32, #tpu.memory_space<vmem>> -> memref<80xi32, #tpu.memory_space<vmem>>
      %dma_wait3A_1000 = arith.constant 0 : i32
      %dma_wait3A_1001 = arith.constant 0 : i32
      %dma_wait3A_1002 = tpu.memref_slice %arg11[%dma_wait3A_1000, %dma_wait3A_1001] : memref<10240x128xf32, #tpu.memory_space<vmem_shared>> -> memref<10240x128xf32, #tpu.memory_space<vmem_shared>>
      tpu.wait_indirect_dma semaphore(%arg15 : memref<!tpu.dma_semaphore, #tpu.memory_space<semaphore_mem>>) src(%arg10 : memref<80x128xf32, #tpu.memory_space<vmem>>) dst(%dma_wait3A_1002 : memref<10240x128xf32, #tpu.memory_space<vmem_shared>>)
    }
    %scan3A_563 = arith.constant 12 : i32
    %dma_wait3A_564 = arith.constant 0 : i32
    %dma_wait3A_565 = arith.constant 24 : i32
    %dma_wait3A_566 = arith.constant 0 : i32
    %dma_wait3A_567 = arith.constant 0 : i32
    %dma_wait3A_568 = tpu.memref_slice %arg6[%dma_wait3A_564, %dma_wait3A_566, %dma_wait3A_567] : memref<2x25x80xi32, #tpu.memory_space<vmem>> -> memref<1x25x80xi32, #tpu.memory_space<vmem>>
    %dma_wait3A_569 = tpu.memref_squeeze %dma_wait3A_568 : memref<1x25x80xi32, #tpu.memory_space<vmem>> -> memref<25x80xi32, #tpu.memory_space<vmem>>
    %dma_wait3A_570 = arith.constant 0 : i32
    %dma_wait3A_571 = tpu.memref_slice %dma_wait3A_569[%dma_wait3A_565, %dma_wait3A_570] : memref<25x80xi32, #tpu.memory_space<vmem>> -> memref<1x80xi32, #tpu.memory_space<vmem>>
    %dma_wait3A_572 = tpu.memref_squeeze %dma_wait3A_571 : memref<1x80xi32, #tpu.memory_space<vmem>> -> memref<80xi32, #tpu.memory_space<vmem>>
    %dma_wait3A_573 = arith.constant 0 : i32
    %dma_wait3A_574 = arith.constant 0 : i32
    %dma_wait3A_575 = tpu.memref_slice %arg4[%dma_wait3A_573, %dma_wait3A_574] : memref<10000x128xf32, #tpu.memory_space<hbm>> -> memref<10000x128xf32, #tpu.memory_space<hbm>>
    tpu.wait_indirect_dma semaphore(%arg12 : memref<!tpu.dma_semaphore, #tpu.memory_space<semaphore_mem>>) src(%dma_wait3A_575 : memref<10000x128xf32, #tpu.memory_space<hbm>>) dst(%arg9 : memref<80x128xf32, #tpu.memory_space<vmem>>)
    %scan3A_576 = arith.constant 0 : i32
    %scan3A_577 = arith.constant 0 : i32
    %scan3A_578 = arith.constant 0 : i32
    %scan3A_579 = arith.constant 80 : i32
    %scan3A_580 = arith.addi %scan3A_578, %scan3A_579 : i32
    %scan3A_581 = arith.constant 1 : i32
    scf.for %scan3A_904 = %scan3A_578 to %scan3A_580 step %scan3A_581  : i32 {
      %broadcast_in_dim3A_905 = vector.broadcast %scan3A_904 : i32 to vector<16xi32>
      %broadcast_in_dim3A_906 = arith.constant 24 : i32
      %broadcast_in_dim3A_907 = vector.broadcast %broadcast_in_dim3A_906 : i32 to vector<16xi32>
      %gather3A = arith.constant 0 : i32
      %gather3A_908 = arith.constant 0 : i32
      %gather3A_909 = tpu.memref_slice %arg8[%scan3A_577, %gather3A, %gather3A_908] : memref<2x25x80xf32, #tpu.memory_space<vmem>> -> memref<1x25x80xf32, #tpu.memory_space<vmem>>
      %gather3A_910 = tpu.memref_squeeze %gather3A_909 : memref<1x25x80xf32, #tpu.memory_space<vmem>> -> memref<25x80xf32, #tpu.memory_space<vmem>>
      %gather3A_911 = tpu.vector_load_idx %gather3A_910[%broadcast_in_dim3A_907, %broadcast_in_dim3A_905] : memref<25x80xf32, #tpu.memory_space<vmem>>[vector<16xi32>, vector<16xi32>], vector<16xf32>,
      %get3A = arith.index_cast %scan3A_904 : i32 to index
      %get3A_912 = arith.constant 0 : index
      %get3A_913 = tpu.vector_load %arg9[%get3A, %get3A_912] {strides = array<i32>} : memref<80x128xf32, #tpu.memory_space<vmem>>, vector<16xf32>,
      %mul3A_914 = arith.mulf %get3A_913, %gather3A_911 : vector<16xf32>
      %swap3A = arith.index_cast %scan3A_904 : i32 to index
      %swap3A_915 = arith.constant 0 : index
      %swap3A_916 = tpu.vector_load %arg9[%swap3A, %swap3A_915] {strides = array<i32>} : memref<80x128xf32, #tpu.memory_space<vmem>>, vector<16xf32>,
      tpu.vector_store %arg9[%swap3A, %swap3A_915], %mul3A_914 {strides = array<i32>} : memref<80x128xf32, #tpu.memory_space<vmem>>, vector<16xf32>,
      %get3A_917 = arith.index_cast %scan3A_904 : i32 to index
      %get3A_918 = arith.constant 16 : index
      %get3A_919 = tpu.vector_load %arg9[%get3A_917, %get3A_918] {strides = array<i32>} : memref<80x128xf32, #tpu.memory_space<vmem>>, vector<16xf32>,
      %mul3A_920 = arith.mulf %get3A_919, %gather3A_911 : vector<16xf32>
      %swap3A_921 = arith.index_cast %scan3A_904 : i32 to index
      %swap3A_922 = arith.constant 16 : index
      %swap3A_923 = tpu.vector_load %arg9[%swap3A_921, %swap3A_922] {strides = array<i32>} : memref<80x128xf32, #tpu.memory_space<vmem>>, vector<16xf32>,
      tpu.vector_store %arg9[%swap3A_921, %swap3A_922], %mul3A_920 {strides = array<i32>} : memref<80x128xf32, #tpu.memory_space<vmem>>, vector<16xf32>,
      %get3A_924 = arith.index_cast %scan3A_904 : i32 to index
      %get3A_925 = arith.constant 32 : index
      %get3A_926 = tpu.vector_load %arg9[%get3A_924, %get3A_925] {strides = array<i32>} : memref<80x128xf32, #tpu.memory_space<vmem>>, vector<16xf32>,
      %mul3A_927 = arith.mulf %get3A_926, %gather3A_911 : vector<16xf32>
      %swap3A_928 = arith.index_cast %scan3A_904 : i32 to index
      %swap3A_929 = arith.constant 32 : index
      %swap3A_930 = tpu.vector_load %arg9[%swap3A_928, %swap3A_929] {strides = array<i32>} : memref<80x128xf32, #tpu.memory_space<vmem>>, vector<16xf32>,
      tpu.vector_store %arg9[%swap3A_928, %swap3A_929], %mul3A_927 {strides = array<i32>} : memref<80x128xf32, #tpu.memory_space<vmem>>, vector<16xf32>,
      %get3A_931 = arith.index_cast %scan3A_904 : i32 to index
      %get3A_932 = arith.constant 48 : index
      %get3A_933 = tpu.vector_load %arg9[%get3A_931, %get3A_932] {strides = array<i32>} : memref<80x128xf32, #tpu.memory_space<vmem>>, vector<16xf32>,
      %mul3A_934 = arith.mulf %get3A_933, %gather3A_911 : vector<16xf32>
      %swap3A_935 = arith.index_cast %scan3A_904 : i32 to index
      %swap3A_936 = arith.constant 48 : index
      %swap3A_937 = tpu.vector_load %arg9[%swap3A_935, %swap3A_936] {strides = array<i32>} : memref<80x128xf32, #tpu.memory_space<vmem>>, vector<16xf32>,
      tpu.vector_store %arg9[%swap3A_935, %swap3A_936], %mul3A_934 {strides = array<i32>} : memref<80x128xf32, #tpu.memory_space<vmem>>, vector<16xf32>,
      %get3A_938 = arith.index_cast %scan3A_904 : i32 to index
      %get3A_939 = arith.constant 64 : index
      %get3A_940 = tpu.vector_load %arg9[%get3A_938, %get3A_939] {strides = array<i32>} : memref<80x128xf32, #tpu.memory_space<vmem>>, vector<16xf32>,
      %mul3A_941 = arith.mulf %get3A_940, %gather3A_911 : vector<16xf32>
      %swap3A_942 = arith.index_cast %scan3A_904 : i32 to index
      %swap3A_943 = arith.constant 64 : index
      %swap3A_944 = tpu.vector_load %arg9[%swap3A_942, %swap3A_943] {strides = array<i32>} : memref<80x128xf32, #tpu.memory_space<vmem>>, vector<16xf32>,
      tpu.vector_store %arg9[%swap3A_942, %swap3A_943], %mul3A_941 {strides = array<i32>} : memref<80x128xf32, #tpu.memory_space<vmem>>, vector<16xf32>,
      %get3A_945 = arith.index_cast %scan3A_904 : i32 to index
      %get3A_946 = arith.constant 80 : index
      %get3A_947 = tpu.vector_load %arg9[%get3A_945, %get3A_946] {strides = array<i32>} : memref<80x128xf32, #tpu.memory_space<vmem>>, vector<16xf32>,
      %mul3A_948 = arith.mulf %get3A_947, %gather3A_911 : vector<16xf32>
      %swap3A_949 = arith.index_cast %scan3A_904 : i32 to index
      %swap3A_950 = arith.constant 80 : index
      %swap3A_951 = tpu.vector_load %arg9[%swap3A_949, %swap3A_950] {strides = array<i32>} : memref<80x128xf32, #tpu.memory_space<vmem>>, vector<16xf32>,
      tpu.vector_store %arg9[%swap3A_949, %swap3A_950], %mul3A_948 {strides = array<i32>} : memref<80x128xf32, #tpu.memory_space<vmem>>, vector<16xf32>,
      %get3A_952 = arith.index_cast %scan3A_904 : i32 to index
      %get3A_953 = arith.constant 96 : index
      %get3A_954 = tpu.vector_load %arg9[%get3A_952, %get3A_953] {strides = array<i32>} : memref<80x128xf32, #tpu.memory_space<vmem>>, vector<16xf32>,
      %mul3A_955 = arith.mulf %get3A_954, %gather3A_911 : vector<16xf32>
      %swap3A_956 = arith.index_cast %scan3A_904 : i32 to index
      %swap3A_957 = arith.constant 96 : index
      %swap3A_958 = tpu.vector_load %arg9[%swap3A_956, %swap3A_957] {strides = array<i32>} : memref<80x128xf32, #tpu.memory_space<vmem>>, vector<16xf32>,
      tpu.vector_store %arg9[%swap3A_956, %swap3A_957], %mul3A_955 {strides = array<i32>} : memref<80x128xf32, #tpu.memory_space<vmem>>, vector<16xf32>,
      %get3A_959 = arith.index_cast %scan3A_904 : i32 to index
      %get3A_960 = arith.constant 112 : index
      %get3A_961 = tpu.vector_load %arg9[%get3A_959, %get3A_960] {strides = array<i32>} : memref<80x128xf32, #tpu.memory_space<vmem>>, vector<16xf32>,
      %mul3A_962 = arith.mulf %get3A_961, %gather3A_911 : vector<16xf32>
      %swap3A_963 = arith.index_cast %scan3A_904 : i32 to index
      %swap3A_964 = arith.constant 112 : index
      %swap3A_965 = tpu.vector_load %arg9[%swap3A_963, %swap3A_964] {strides = array<i32>} : memref<80x128xf32, #tpu.memory_space<vmem>>, vector<16xf32>,
      tpu.vector_store %arg9[%swap3A_963, %swap3A_964], %mul3A_962 {strides = array<i32>} : memref<80x128xf32, #tpu.memory_space<vmem>>, vector<16xf32>,
    }
    %scan3A_582 = arith.constant 80 : i32
    %dma_start3A_583 = arith.constant 0 : i32
    %dma_start3A_584 = arith.constant 24 : i32
    %dma_start3A_585 = arith.constant 0 : i32
    %dma_start3A_586 = arith.constant 0 : i32
    %dma_start3A_587 = tpu.memref_slice %arg7[%dma_start3A_583, %dma_start3A_585, %dma_start3A_586] : memref<2x25x80xi32, #tpu.memory_space<vmem>> -> memref<1x25x80xi32, #tpu.memory_space<vmem>>
    %dma_start3A_588 = tpu.memref_squeeze %dma_start3A_587 : memref<1x25x80xi32, #tpu.memory_space<vmem>> -> memref<25x80xi32, #tpu.memory_space<vmem>>
    %dma_start3A_589 = arith.constant 0 : i32
    %dma_start3A_590 = tpu.memref_slice %dma_start3A_588[%dma_start3A_584, %dma_start3A_589] : memref<25x80xi32, #tpu.memory_space<vmem>> -> memref<1x80xi32, #tpu.memory_space<vmem>>
    %dma_start3A_591 = tpu.memref_squeeze %dma_start3A_590 : memref<1x80xi32, #tpu.memory_space<vmem>> -> memref<80xi32, #tpu.memory_space<vmem>>
    %dma_start3A_592 = arith.constant 0 : i32
    %dma_start3A_593 = arith.constant 0 : i32
    %dma_start3A_594 = tpu.memref_slice %arg11[%dma_start3A_592, %dma_start3A_593] : memref<10240x128xf32, #tpu.memory_space<vmem_shared>> -> memref<10240x128xf32, #tpu.memory_space<vmem_shared>>
    tpu.enqueue_indirect_dma source(%arg9 : memref<80x128xf32, #tpu.memory_space<vmem>>) target(%dma_start3A_594 : memref<10240x128xf32, #tpu.memory_space<vmem_shared>>) offsets(%dma_start3A_591 : memref<80xi32, #tpu.memory_space<vmem>>) semaphore(%arg14 : memref<!tpu.dma_semaphore, #tpu.memory_space<semaphore_mem>>) {add = true}
    %dma_wait3A_595 = arith.constant 0 : i32
    %dma_wait3A_596 = arith.constant 3 : i32
    %dma_wait3A_597 = arith.constant 1 : i32
    %dma_wait3A_598 = arith.constant 0 : i32
    %dma_wait3A_599 = arith.constant 0 : i32
    %dma_wait3A_600 = tpu.memref_slice %arg6[%dma_wait3A_597, %dma_wait3A_598, %dma_wait3A_599] : memref<2x25x80xi32, #tpu.memory_space<vmem>> -> memref<1x25x80xi32, #tpu.memory_space<vmem>>
    %dma_wait3A_601 = tpu.memref_squeeze %dma_wait3A_600 : memref<1x25x80xi32, #tpu.memory_space<vmem>> -> memref<25x80xi32, #tpu.memory_space<vmem>>
    %dma_wait3A_602 = arith.constant 0 : i32
    %dma_wait3A_603 = arith.constant 0 : i32
    %dma_wait3A_604 = tpu.memref_slice %arg2[%dma_wait3A_595, %add3A, %dma_wait3A_596, %dma_wait3A_602, %dma_wait3A_603] : memref<2x32x5x25x80xi32, #tpu.memory_space<hbm>> -> memref<1x1x1x25x80xi32, #tpu.memory_space<hbm>>
    %dma_wait3A_605 = tpu.memref_squeeze %dma_wait3A_604 : memref<1x1x1x25x80xi32, #tpu.memory_space<hbm>> -> memref<25x80xi32, #tpu.memory_space<hbm>>
    %dma_wait3A_606 = arith.constant 0 : i32
    %dma_wait3A_607 = arith.constant 0 : i32
    %dma_wait3A_608 = tpu.memref_slice %arg6[%dma_wait3A_597, %dma_wait3A_606, %dma_wait3A_607] : memref<2x25x80xi32, #tpu.memory_space<vmem>> -> memref<1x25x80xi32, #tpu.memory_space<vmem>>
    %dma_wait3A_609 = tpu.memref_squeeze %dma_wait3A_608 : memref<1x25x80xi32, #tpu.memory_space<vmem>> -> memref<25x80xi32, #tpu.memory_space<vmem>>
    %dma_wait3A_610 = arith.constant 0 : i32
    %dma_wait3A_611 = arith.constant 0 : i32
    %dma_wait3A_612 = tpu.memref_slice %arg2[%dma_wait3A_595, %add3A, %dma_wait3A_596, %dma_wait3A_610, %dma_wait3A_611] : memref<2x32x5x25x80xi32, #tpu.memory_space<hbm>> -> memref<1x1x1x25x80xi32, #tpu.memory_space<hbm>>
    %dma_wait3A_613 = tpu.memref_squeeze %dma_wait3A_612 : memref<1x1x1x25x80xi32, #tpu.memory_space<hbm>> -> memref<25x80xi32, #tpu.memory_space<hbm>>
    tpu.wait_dma2 semaphore(%arg16 : memref<!tpu.dma_semaphore, #tpu.memory_space<semaphore_mem>>) src(%dma_wait3A_613 : memref<25x80xi32, #tpu.memory_space<hbm>>) dst(%dma_wait3A_609 : memref<25x80xi32, #tpu.memory_space<vmem>>)
    %dma_wait3A_614 = arith.constant 1 : i32
    %dma_wait3A_615 = arith.constant 3 : i32
    %dma_wait3A_616 = arith.constant 1 : i32
    %dma_wait3A_617 = arith.constant 0 : i32
    %dma_wait3A_618 = arith.constant 0 : i32
    %dma_wait3A_619 = tpu.memref_slice %arg7[%dma_wait3A_616, %dma_wait3A_617, %dma_wait3A_618] : memref<2x25x80xi32, #tpu.memory_space<vmem>> -> memref<1x25x80xi32, #tpu.memory_space<vmem>>
    %dma_wait3A_620 = tpu.memref_squeeze %dma_wait3A_619 : memref<1x25x80xi32, #tpu.memory_space<vmem>> -> memref<25x80xi32, #tpu.memory_space<vmem>>
    %dma_wait3A_621 = arith.constant 0 : i32
    %dma_wait3A_622 = arith.constant 0 : i32
    %dma_wait3A_623 = tpu.memref_slice %arg2[%dma_wait3A_614, %add3A, %dma_wait3A_615, %dma_wait3A_621, %dma_wait3A_622] : memref<2x32x5x25x80xi32, #tpu.memory_space<hbm>> -> memref<1x1x1x25x80xi32, #tpu.memory_space<hbm>>
    %dma_wait3A_624 = tpu.memref_squeeze %dma_wait3A_623 : memref<1x1x1x25x80xi32, #tpu.memory_space<hbm>> -> memref<25x80xi32, #tpu.memory_space<hbm>>
    %dma_wait3A_625 = arith.constant 0 : i32
    %dma_wait3A_626 = arith.constant 0 : i32
    %dma_wait3A_627 = tpu.memref_slice %arg7[%dma_wait3A_616, %dma_wait3A_625, %dma_wait3A_626] : memref<2x25x80xi32, #tpu.memory_space<vmem>> -> memref<1x25x80xi32, #tpu.memory_space<vmem>>
    %dma_wait3A_628 = tpu.memref_squeeze %dma_wait3A_627 : memref<1x25x80xi32, #tpu.memory_space<vmem>> -> memref<25x80xi32, #tpu.memory_space<vmem>>
    %dma_wait3A_629 = arith.constant 0 : i32
    %dma_wait3A_630 = arith.constant 0 : i32
    %dma_wait3A_631 = tpu.memref_slice %arg2[%dma_wait3A_614, %add3A, %dma_wait3A_615, %dma_wait3A_629, %dma_wait3A_630] : memref<2x32x5x25x80xi32, #tpu.memory_space<hbm>> -> memref<1x1x1x25x80xi32, #tpu.memory_space<hbm>>
    %dma_wait3A_632 = tpu.memref_squeeze %dma_wait3A_631 : memref<1x1x1x25x80xi32, #tpu.memory_space<hbm>> -> memref<25x80xi32, #tpu.memory_space<hbm>>
    tpu.wait_dma2 semaphore(%arg16 : memref<!tpu.dma_semaphore, #tpu.memory_space<semaphore_mem>>) src(%dma_wait3A_632 : memref<25x80xi32, #tpu.memory_space<hbm>>) dst(%dma_wait3A_628 : memref<25x80xi32, #tpu.memory_space<vmem>>)
    %dma_wait3A_633 = arith.constant 3 : i32
    %dma_wait3A_634 = arith.constant 1 : i32
    %dma_wait3A_635 = arith.constant 0 : i32
    %dma_wait3A_636 = arith.constant 0 : i32
    %dma_wait3A_637 = tpu.memref_slice %arg8[%dma_wait3A_634, %dma_wait3A_635, %dma_wait3A_636] : memref<2x25x80xf32, #tpu.memory_space<vmem>> -> memref<1x25x80xf32, #tpu.memory_space<vmem>>
    %dma_wait3A_638 = tpu.memref_squeeze %dma_wait3A_637 : memref<1x25x80xf32, #tpu.memory_space<vmem>> -> memref<25x80xf32, #tpu.memory_space<vmem>>
    %dma_wait3A_639 = arith.constant 0 : i32
    %dma_wait3A_640 = arith.constant 0 : i32
    %dma_wait3A_641 = tpu.memref_slice %arg3[%add3A, %dma_wait3A_633, %dma_wait3A_639, %dma_wait3A_640] : memref<32x5x25x80xf32, #tpu.memory_space<hbm>> -> memref<1x1x25x80xf32, #tpu.memory_space<hbm>>
    %dma_wait3A_642 = tpu.memref_squeeze %dma_wait3A_641 : memref<1x1x25x80xf32, #tpu.memory_space<hbm>> -> memref<25x80xf32, #tpu.memory_space<hbm>>
    %dma_wait3A_643 = arith.constant 0 : i32
    %dma_wait3A_644 = arith.constant 0 : i32
    %dma_wait3A_645 = tpu.memref_slice %arg8[%dma_wait3A_634, %dma_wait3A_643, %dma_wait3A_644] : memref<2x25x80xf32, #tpu.memory_space<vmem>> -> memref<1x25x80xf32, #tpu.memory_space<vmem>>
    %dma_wait3A_646 = tpu.memref_squeeze %dma_wait3A_645 : memref<1x25x80xf32, #tpu.memory_space<vmem>> -> memref<25x80xf32, #tpu.memory_space<vmem>>
    %dma_wait3A_647 = arith.constant 0 : i32
    %dma_wait3A_648 = arith.constant 0 : i32
    %dma_wait3A_649 = tpu.memref_slice %arg3[%add3A, %dma_wait3A_633, %dma_wait3A_647, %dma_wait3A_648] : memref<32x5x25x80xf32, #tpu.memory_space<hbm>> -> memref<1x1x25x80xf32, #tpu.memory_space<hbm>>
    %dma_wait3A_650 = tpu.memref_squeeze %dma_wait3A_649 : memref<1x1x25x80xf32, #tpu.memory_space<hbm>> -> memref<25x80xf32, #tpu.memory_space<hbm>>
    tpu.wait_dma2 semaphore(%arg16 : memref<!tpu.dma_semaphore, #tpu.memory_space<semaphore_mem>>) src(%dma_wait3A_650 : memref<25x80xf32, #tpu.memory_space<hbm>>) dst(%dma_wait3A_646 : memref<25x80xf32, #tpu.memory_space<vmem>>)
    %dma_start3A_651 = arith.constant 1 : i32
    %dma_start3A_652 = arith.constant 0 : i32
    %dma_start3A_653 = arith.constant 0 : i32
    %dma_start3A_654 = arith.constant 0 : i32
    %dma_start3A_655 = tpu.memref_slice %arg6[%dma_start3A_651, %dma_start3A_653, %dma_start3A_654] : memref<2x25x80xi32, #tpu.memory_space<vmem>> -> memref<1x25x80xi32, #tpu.memory_space<vmem>>
    %dma_start3A_656 = tpu.memref_squeeze %dma_start3A_655 : memref<1x25x80xi32, #tpu.memory_space<vmem>> -> memref<25x80xi32, #tpu.memory_space<vmem>>
    %dma_start3A_657 = arith.constant 0 : i32
    %dma_start3A_658 = tpu.memref_slice %dma_start3A_656[%dma_start3A_652, %dma_start3A_657] : memref<25x80xi32, #tpu.memory_space<vmem>> -> memref<1x80xi32, #tpu.memory_space<vmem>>
    %dma_start3A_659 = tpu.memref_squeeze %dma_start3A_658 : memref<1x80xi32, #tpu.memory_space<vmem>> -> memref<80xi32, #tpu.memory_space<vmem>>
    %dma_start3A_660 = arith.constant 0 : i32
    %dma_start3A_661 = arith.constant 0 : i32
    %dma_start3A_662 = tpu.memref_slice %arg4[%dma_start3A_660, %dma_start3A_661] : memref<10000x128xf32, #tpu.memory_space<hbm>> -> memref<10000x128xf32, #tpu.memory_space<hbm>>
    tpu.enqueue_indirect_dma source(%dma_start3A_662 : memref<10000x128xf32, #tpu.memory_space<hbm>>) target(%arg10 : memref<80x128xf32, #tpu.memory_space<vmem>>) offsets(%dma_start3A_659 : memref<80xi32, #tpu.memory_space<vmem>>) semaphore(%arg13 : memref<!tpu.dma_semaphore, #tpu.memory_space<semaphore_mem>>)
    %dma_wait3A_663 = arith.constant 0 : i32
    %dma_wait3A_664 = arith.constant 24 : i32
    %dma_wait3A_665 = arith.constant 0 : i32
    %dma_wait3A_666 = arith.constant 0 : i32
    %dma_wait3A_667 = tpu.memref_slice %arg7[%dma_wait3A_663, %dma_wait3A_665, %dma_wait3A_666] : memref<2x25x80xi32, #tpu.memory_space<vmem>> -> memref<1x25x80xi32, #tpu.memory_space<vmem>>
    %dma_wait3A_668 = tpu.memref_squeeze %dma_wait3A_667 : memref<1x25x80xi32, #tpu.memory_space<vmem>> -> memref<25x80xi32, #tpu.memory_space<vmem>>
    %dma_wait3A_669 = arith.constant 0 : i32
    %dma_wait3A_670 = tpu.memref_slice %dma_wait3A_668[%dma_wait3A_664, %dma_wait3A_669] : memref<25x80xi32, #tpu.memory_space<vmem>> -> memref<1x80xi32, #tpu.memory_space<vmem>>
    %dma_wait3A_671 = tpu.memref_squeeze %dma_wait3A_670 : memref<1x80xi32, #tpu.memory_space<vmem>> -> memref<80xi32, #tpu.memory_space<vmem>>
    %dma_wait3A_672 = arith.constant 0 : i32
    %dma_wait3A_673 = arith.constant 0 : i32
    %dma_wait3A_674 = tpu.memref_slice %arg11[%dma_wait3A_672, %dma_wait3A_673] : memref<10240x128xf32, #tpu.memory_space<vmem_shared>> -> memref<10240x128xf32, #tpu.memory_space<vmem_shared>>
    tpu.wait_indirect_dma semaphore(%arg14 : memref<!tpu.dma_semaphore, #tpu.memory_space<semaphore_mem>>) src(%arg9 : memref<80x128xf32, #tpu.memory_space<vmem>>) dst(%dma_wait3A_674 : memref<10240x128xf32, #tpu.memory_space<vmem_shared>>)
    %dma_start3A_675 = arith.constant 0 : i32
    %dma_start3A_676 = arith.constant 4 : i32
    %dma_start3A_677 = arith.constant 0 : i32
    %dma_start3A_678 = arith.constant 0 : i32
    %dma_start3A_679 = arith.constant 0 : i32
    %dma_start3A_680 = tpu.memref_slice %arg6[%dma_start3A_677, %dma_start3A_678, %dma_start3A_679] : memref<2x25x80xi32, #tpu.memory_space<vmem>> -> memref<1x25x80xi32, #tpu.memory_space<vmem>>
    %dma_start3A_681 = tpu.memref_squeeze %dma_start3A_680 : memref<1x25x80xi32, #tpu.memory_space<vmem>> -> memref<25x80xi32, #tpu.memory_space<vmem>>
    %dma_start3A_682 = arith.constant 0 : i32
    %dma_start3A_683 = arith.constant 0 : i32
    %dma_start3A_684 = tpu.memref_slice %arg2[%dma_start3A_675, %add3A, %dma_start3A_676, %dma_start3A_682, %dma_start3A_683] : memref<2x32x5x25x80xi32, #tpu.memory_space<hbm>> -> memref<1x1x1x25x80xi32, #tpu.memory_space<hbm>>
    %dma_start3A_685 = tpu.memref_squeeze %dma_start3A_684 : memref<1x1x1x25x80xi32, #tpu.memory_space<hbm>> -> memref<25x80xi32, #tpu.memory_space<hbm>>
    %dma_start3A_686 = arith.constant 0 : i32
    %dma_start3A_687 = arith.constant 0 : i32
    %dma_start3A_688 = tpu.memref_slice %arg6[%dma_start3A_677, %dma_start3A_686, %dma_start3A_687] : memref<2x25x80xi32, #tpu.memory_space<vmem>> -> memref<1x25x80xi32, #tpu.memory_space<vmem>>
    %dma_start3A_689 = tpu.memref_squeeze %dma_start3A_688 : memref<1x25x80xi32, #tpu.memory_space<vmem>> -> memref<25x80xi32, #tpu.memory_space<vmem>>
    %dma_start3A_690 = arith.constant 0 : i32
    %dma_start3A_691 = arith.constant 0 : i32
    %dma_start3A_692 = tpu.memref_slice %arg2[%dma_start3A_675, %add3A, %dma_start3A_676, %dma_start3A_690, %dma_start3A_691] : memref<2x32x5x25x80xi32, #tpu.memory_space<hbm>> -> memref<1x1x1x25x80xi32, #tpu.memory_space<hbm>>
    %dma_start3A_693 = tpu.memref_squeeze %dma_start3A_692 : memref<1x1x1x25x80xi32, #tpu.memory_space<hbm>> -> memref<25x80xi32, #tpu.memory_space<hbm>>
    tpu.enqueue_dma source(%dma_start3A_693 : memref<25x80xi32, #tpu.memory_space<hbm>>) target(%dma_start3A_689 : memref<25x80xi32, #tpu.memory_space<vmem>>) target_semaphore(%arg16 : memref<!tpu.dma_semaphore, #tpu.memory_space<semaphore_mem>>)
    %dma_start3A_694 = arith.constant 1 : i32
    %dma_start3A_695 = arith.constant 4 : i32
    %dma_start3A_696 = arith.constant 0 : i32
    %dma_start3A_697 = arith.constant 0 : i32
    %dma_start3A_698 = arith.constant 0 : i32
    %dma_start3A_699 = tpu.memref_slice %arg7[%dma_start3A_696, %dma_start3A_697, %dma_start3A_698] : memref<2x25x80xi32, #tpu.memory_space<vmem>> -> memref<1x25x80xi32, #tpu.memory_space<vmem>>
    %dma_start3A_700 = tpu.memref_squeeze %dma_start3A_699 : memref<1x25x80xi32, #tpu.memory_space<vmem>> -> memref<25x80xi32, #tpu.memory_space<vmem>>
    %dma_start3A_701 = arith.constant 0 : i32
    %dma_start3A_702 = arith.constant 0 : i32
    %dma_start3A_703 = tpu.memref_slice %arg2[%dma_start3A_694, %add3A, %dma_start3A_695, %dma_start3A_701, %dma_start3A_702] : memref<2x32x5x25x80xi32, #tpu.memory_space<hbm>> -> memref<1x1x1x25x80xi32, #tpu.memory_space<hbm>>
    %dma_start3A_704 = tpu.memref_squeeze %dma_start3A_703 : memref<1x1x1x25x80xi32, #tpu.memory_space<hbm>> -> memref<25x80xi32, #tpu.memory_space<hbm>>
    %dma_start3A_705 = arith.constant 0 : i32
    %dma_start3A_706 = arith.constant 0 : i32
    %dma_start3A_707 = tpu.memref_slice %arg7[%dma_start3A_696, %dma_start3A_705, %dma_start3A_706] : memref<2x25x80xi32, #tpu.memory_space<vmem>> -> memref<1x25x80xi32, #tpu.memory_space<vmem>>
    %dma_start3A_708 = tpu.memref_squeeze %dma_start3A_707 : memref<1x25x80xi32, #tpu.memory_space<vmem>> -> memref<25x80xi32, #tpu.memory_space<vmem>>
    %dma_start3A_709 = arith.constant 0 : i32
    %dma_start3A_710 = arith.constant 0 : i32
    %dma_start3A_711 = tpu.memref_slice %arg2[%dma_start3A_694, %add3A, %dma_start3A_695, %dma_start3A_709, %dma_start3A_710] : memref<2x32x5x25x80xi32, #tpu.memory_space<hbm>> -> memref<1x1x1x25x80xi32, #tpu.memory_space<hbm>>
    %dma_start3A_712 = tpu.memref_squeeze %dma_start3A_711 : memref<1x1x1x25x80xi32, #tpu.memory_space<hbm>> -> memref<25x80xi32, #tpu.memory_space<hbm>>
    tpu.enqueue_dma source(%dma_start3A_712 : memref<25x80xi32, #tpu.memory_space<hbm>>) target(%dma_start3A_708 : memref<25x80xi32, #tpu.memory_space<vmem>>) target_semaphore(%arg16 : memref<!tpu.dma_semaphore, #tpu.memory_space<semaphore_mem>>)
    %dma_start3A_713 = arith.constant 4 : i32
    %dma_start3A_714 = arith.constant 0 : i32
    %dma_start3A_715 = arith.constant 0 : i32
    %dma_start3A_716 = arith.constant 0 : i32
    %dma_start3A_717 = tpu.memref_slice %arg8[%dma_start3A_714, %dma_start3A_715, %dma_start3A_716] : memref<2x25x80xf32, #tpu.memory_space<vmem>> -> memref<1x25x80xf32, #tpu.memory_space<vmem>>
    %dma_start3A_718 = tpu.memref_squeeze %dma_start3A_717 : memref<1x25x80xf32, #tpu.memory_space<vmem>> -> memref<25x80xf32, #tpu.memory_space<vmem>>
    %dma_start3A_719 = arith.constant 0 : i32
    %dma_start3A_720 = arith.constant 0 : i32
    %dma_start3A_721 = tpu.memref_slice %arg3[%add3A, %dma_start3A_713, %dma_start3A_719, %dma_start3A_720] : memref<32x5x25x80xf32, #tpu.memory_space<hbm>> -> memref<1x1x25x80xf32, #tpu.memory_space<hbm>>
    %dma_start3A_722 = tpu.memref_squeeze %dma_start3A_721 : memref<1x1x25x80xf32, #tpu.memory_space<hbm>> -> memref<25x80xf32, #tpu.memory_space<hbm>>
    %dma_start3A_723 = arith.constant 0 : i32
    %dma_start3A_724 = arith.constant 0 : i32
    %dma_start3A_725 = tpu.memref_slice %arg8[%dma_start3A_714, %dma_start3A_723, %dma_start3A_724] : memref<2x25x80xf32, #tpu.memory_space<vmem>> -> memref<1x25x80xf32, #tpu.memory_space<vmem>>
    %dma_start3A_726 = tpu.memref_squeeze %dma_start3A_725 : memref<1x25x80xf32, #tpu.memory_space<vmem>> -> memref<25x80xf32, #tpu.memory_space<vmem>>
    %dma_start3A_727 = arith.constant 0 : i32
    %dma_start3A_728 = arith.constant 0 : i32
    %dma_start3A_729 = tpu.memref_slice %arg3[%add3A, %dma_start3A_713, %dma_start3A_727, %dma_start3A_728] : memref<32x5x25x80xf32, #tpu.memory_space<hbm>> -> memref<1x1x25x80xf32, #tpu.memory_space<hbm>>
    %dma_start3A_730 = tpu.memref_squeeze %dma_start3A_729 : memref<1x1x25x80xf32, #tpu.memory_space<hbm>> -> memref<25x80xf32, #tpu.memory_space<hbm>>
    tpu.enqueue_dma source(%dma_start3A_730 : memref<25x80xf32, #tpu.memory_space<hbm>>) target(%dma_start3A_726 : memref<25x80xf32, #tpu.memory_space<vmem>>) target_semaphore(%arg16 : memref<!tpu.dma_semaphore, #tpu.memory_space<semaphore_mem>>)
    %scan3A_731 = arith.constant 0 : i32
    %scan3A_732 = arith.constant 1 : i32
    %scan3A_733 = arith.constant 1 : i32
    %scan3A_734 = arith.constant 1 : i32
    %scan3A_735 = arith.constant 0 : i32
    %scan3A_736 = arith.constant 12 : i32
    %scan3A_737 = arith.addi %scan3A_735, %scan3A_736 : i32
    %scan3A_738 = arith.constant 1 : i32
    scf.for %scan3A_904 = %scan3A_735 to %scan3A_737 step %scan3A_738  : i32 {
      %mul3A_905 = arith.constant 2 : i32
      %mul3A_906 = arith.muli %mul3A_905, %scan3A_904 : i32
      %add3A_907 = arith.constant 1 : i32
      %add3A_908 = arith.addi %mul3A_906, %add3A_907 : i32
      %dma_start3A_909 = arith.constant 0 : i32
      %dma_start3A_910 = arith.constant 0 : i32
      %dma_start3A_911 = tpu.memref_slice %arg6[%scan3A_732, %dma_start3A_909, %dma_start3A_910] : memref<2x25x80xi32, #tpu.memory_space<vmem>> -> memref<1x25x80xi32, #tpu.memory_space<vmem>>
      %dma_start3A_912 = tpu.memref_squeeze %dma_start3A_911 : memref<1x25x80xi32, #tpu.memory_space<vmem>> -> memref<25x80xi32, #tpu.memory_space<vmem>>
      %dma_start3A_913 = arith.constant 0 : i32
      %dma_start3A_914 = tpu.memref_slice %dma_start3A_912[%add3A_908, %dma_start3A_913] : memref<25x80xi32, #tpu.memory_space<vmem>> -> memref<1x80xi32, #tpu.memory_space<vmem>>
      %dma_start3A_915 = tpu.memref_squeeze %dma_start3A_914 : memref<1x80xi32, #tpu.memory_space<vmem>> -> memref<80xi32, #tpu.memory_space<vmem>>
      %dma_start3A_916 = arith.constant 0 : i32
      %dma_start3A_917 = arith.constant 0 : i32
      %dma_start3A_918 = tpu.memref_slice %arg4[%dma_start3A_916, %dma_start3A_917] : memref<10000x128xf32, #tpu.memory_space<hbm>> -> memref<10000x128xf32, #tpu.memory_space<hbm>>
      tpu.enqueue_indirect_dma source(%dma_start3A_918 : memref<10000x128xf32, #tpu.memory_space<hbm>>) target(%arg9 : memref<80x128xf32, #tpu.memory_space<vmem>>) offsets(%dma_start3A_915 : memref<80xi32, #tpu.memory_space<vmem>>) semaphore(%arg12 : memref<!tpu.dma_semaphore, #tpu.memory_space<semaphore_mem>>)
      %dma_wait3A_919 = arith.constant 0 : i32
      %dma_wait3A_920 = arith.constant 0 : i32
      %dma_wait3A_921 = tpu.memref_slice %arg6[%scan3A_732, %dma_wait3A_919, %dma_wait3A_920] : memref<2x25x80xi32, #tpu.memory_space<vmem>> -> memref<1x25x80xi32, #tpu.memory_space<vmem>>
      %dma_wait3A_922 = tpu.memref_squeeze %dma_wait3A_921 : memref<1x25x80xi32, #tpu.memory_space<vmem>> -> memref<25x80xi32, #tpu.memory_space<vmem>>
      %dma_wait3A_923 = arith.constant 0 : i32
      %dma_wait3A_924 = tpu.memref_slice %dma_wait3A_922[%mul3A_906, %dma_wait3A_923] : memref<25x80xi32, #tpu.memory_space<vmem>> -> memref<1x80xi32, #tpu.memory_space<vmem>>
      %dma_wait3A_925 = tpu.memref_squeeze %dma_wait3A_924 : memref<1x80xi32, #tpu.memory_space<vmem>> -> memref<80xi32, #tpu.memory_space<vmem>>
      %dma_wait3A_926 = arith.constant 0 : i32
      %dma_wait3A_927 = arith.constant 0 : i32
      %dma_wait3A_928 = tpu.memref_slice %arg4[%dma_wait3A_926, %dma_wait3A_927] : memref<10000x128xf32, #tpu.memory_space<hbm>> -> memref<10000x128xf32, #tpu.memory_space<hbm>>
      tpu.wait_indirect_dma semaphore(%arg13 : memref<!tpu.dma_semaphore, #tpu.memory_space<semaphore_mem>>) src(%dma_wait3A_928 : memref<10000x128xf32, #tpu.memory_space<hbm>>) dst(%arg10 : memref<80x128xf32, #tpu.memory_space<vmem>>)
      %scan3A_929 = arith.constant 0 : i32
      %scan3A_930 = arith.constant 0 : i32
      %scan3A_931 = arith.constant 80 : i32
      %scan3A_932 = arith.addi %scan3A_930, %scan3A_931 : i32
      %scan3A_933 = arith.constant 1 : i32
      scf.for %scan3A_1003 = %scan3A_930 to %scan3A_932 step %scan3A_933  : i32 {
        %broadcast_in_dim3A_1004 = vector.broadcast %scan3A_1003 : i32 to vector<16xi32>
        %broadcast_in_dim3A_1005 = vector.broadcast %mul3A_906 : i32 to vector<16xi32>
        %gather3A = arith.constant 0 : i32
        %gather3A_1006 = arith.constant 0 : i32
        %gather3A_1007 = tpu.memref_slice %arg8[%scan3A_733, %gather3A, %gather3A_1006] : memref<2x25x80xf32, #tpu.memory_space<vmem>> -> memref<1x25x80xf32, #tpu.memory_space<vmem>>
        %gather3A_1008 = tpu.memref_squeeze %gather3A_1007 : memref<1x25x80xf32, #tpu.memory_space<vmem>> -> memref<25x80xf32, #tpu.memory_space<vmem>>
        %gather3A_1009 = tpu.vector_load_idx %gather3A_1008[%broadcast_in_dim3A_1005, %broadcast_in_dim3A_1004] : memref<25x80xf32, #tpu.memory_space<vmem>>[vector<16xi32>, vector<16xi32>], vector<16xf32>,
        %get3A = arith.index_cast %scan3A_1003 : i32 to index
        %get3A_1010 = arith.constant 0 : index
        %get3A_1011 = tpu.vector_load %arg10[%get3A, %get3A_1010] {strides = array<i32>} : memref<80x128xf32, #tpu.memory_space<vmem>>, vector<16xf32>,
        %mul3A_1012 = arith.mulf %get3A_1011, %gather3A_1009 : vector<16xf32>
        %swap3A = arith.index_cast %scan3A_1003 : i32 to index
        %swap3A_1013 = arith.constant 0 : index
        %swap3A_1014 = tpu.vector_load %arg10[%swap3A, %swap3A_1013] {strides = array<i32>} : memref<80x128xf32, #tpu.memory_space<vmem>>, vector<16xf32>,
        tpu.vector_store %arg10[%swap3A, %swap3A_1013], %mul3A_1012 {strides = array<i32>} : memref<80x128xf32, #tpu.memory_space<vmem>>, vector<16xf32>,
        %get3A_1015 = arith.index_cast %scan3A_1003 : i32 to index
        %get3A_1016 = arith.constant 16 : index
        %get3A_1017 = tpu.vector_load %arg10[%get3A_1015, %get3A_1016] {strides = array<i32>} : memref<80x128xf32, #tpu.memory_space<vmem>>, vector<16xf32>,
        %mul3A_1018 = arith.mulf %get3A_1017, %gather3A_1009 : vector<16xf32>
        %swap3A_1019 = arith.index_cast %scan3A_1003 : i32 to index
        %swap3A_1020 = arith.constant 16 : index
        %swap3A_1021 = tpu.vector_load %arg10[%swap3A_1019, %swap3A_1020] {strides = array<i32>} : memref<80x128xf32, #tpu.memory_space<vmem>>, vector<16xf32>,
        tpu.vector_store %arg10[%swap3A_1019, %swap3A_1020], %mul3A_1018 {strides = array<i32>} : memref<80x128xf32, #tpu.memory_space<vmem>>, vector<16xf32>,
        %get3A_1022 = arith.index_cast %scan3A_1003 : i32 to index
        %get3A_1023 = arith.constant 32 : index
        %get3A_1024 = tpu.vector_load %arg10[%get3A_1022, %get3A_1023] {strides = array<i32>} : memref<80x128xf32, #tpu.memory_space<vmem>>, vector<16xf32>,
        %mul3A_1025 = arith.mulf %get3A_1024, %gather3A_1009 : vector<16xf32>
        %swap3A_1026 = arith.index_cast %scan3A_1003 : i32 to index
        %swap3A_1027 = arith.constant 32 : index
        %swap3A_1028 = tpu.vector_load %arg10[%swap3A_1026, %swap3A_1027] {strides = array<i32>} : memref<80x128xf32, #tpu.memory_space<vmem>>, vector<16xf32>,
        tpu.vector_store %arg10[%swap3A_1026, %swap3A_1027], %mul3A_1025 {strides = array<i32>} : memref<80x128xf32, #tpu.memory_space<vmem>>, vector<16xf32>,
        %get3A_1029 = arith.index_cast %scan3A_1003 : i32 to index
        %get3A_1030 = arith.constant 48 : index
        %get3A_1031 = tpu.vector_load %arg10[%get3A_1029, %get3A_1030] {strides = array<i32>} : memref<80x128xf32, #tpu.memory_space<vmem>>, vector<16xf32>,
        %mul3A_1032 = arith.mulf %get3A_1031, %gather3A_1009 : vector<16xf32>
        %swap3A_1033 = arith.index_cast %scan3A_1003 : i32 to index
        %swap3A_1034 = arith.constant 48 : index
        %swap3A_1035 = tpu.vector_load %arg10[%swap3A_1033, %swap3A_1034] {strides = array<i32>} : memref<80x128xf32, #tpu.memory_space<vmem>>, vector<16xf32>,
        tpu.vector_store %arg10[%swap3A_1033, %swap3A_1034], %mul3A_1032 {strides = array<i32>} : memref<80x128xf32, #tpu.memory_space<vmem>>, vector<16xf32>,
        %get3A_1036 = arith.index_cast %scan3A_1003 : i32 to index
        %get3A_1037 = arith.constant 64 : index
        %get3A_1038 = tpu.vector_load %arg10[%get3A_1036, %get3A_1037] {strides = array<i32>} : memref<80x128xf32, #tpu.memory_space<vmem>>, vector<16xf32>,
        %mul3A_1039 = arith.mulf %get3A_1038, %gather3A_1009 : vector<16xf32>
        %swap3A_1040 = arith.index_cast %scan3A_1003 : i32 to index
        %swap3A_1041 = arith.constant 64 : index
        %swap3A_1042 = tpu.vector_load %arg10[%swap3A_1040, %swap3A_1041] {strides = array<i32>} : memref<80x128xf32, #tpu.memory_space<vmem>>, vector<16xf32>,
        tpu.vector_store %arg10[%swap3A_1040, %swap3A_1041], %mul3A_1039 {strides = array<i32>} : memref<80x128xf32, #tpu.memory_space<vmem>>, vector<16xf32>,
        %get3A_1043 = arith.index_cast %scan3A_1003 : i32 to index
        %get3A_1044 = arith.constant 80 : index
        %get3A_1045 = tpu.vector_load %arg10[%get3A_1043, %get3A_1044] {strides = array<i32>} : memref<80x128xf32, #tpu.memory_space<vmem>>, vector<16xf32>,
        %mul3A_1046 = arith.mulf %get3A_1045, %gather3A_1009 : vector<16xf32>
        %swap3A_1047 = arith.index_cast %scan3A_1003 : i32 to index
        %swap3A_1048 = arith.constant 80 : index
        %swap3A_1049 = tpu.vector_load %arg10[%swap3A_1047, %swap3A_1048] {strides = array<i32>} : memref<80x128xf32, #tpu.memory_space<vmem>>, vector<16xf32>,
        tpu.vector_store %arg10[%swap3A_1047, %swap3A_1048], %mul3A_1046 {strides = array<i32>} : memref<80x128xf32, #tpu.memory_space<vmem>>, vector<16xf32>,
        %get3A_1050 = arith.index_cast %scan3A_1003 : i32 to index
        %get3A_1051 = arith.constant 96 : index
        %get3A_1052 = tpu.vector_load %arg10[%get3A_1050, %get3A_1051] {strides = array<i32>} : memref<80x128xf32, #tpu.memory_space<vmem>>, vector<16xf32>,
        %mul3A_1053 = arith.mulf %get3A_1052, %gather3A_1009 : vector<16xf32>
        %swap3A_1054 = arith.index_cast %scan3A_1003 : i32 to index
        %swap3A_1055 = arith.constant 96 : index
        %swap3A_1056 = tpu.vector_load %arg10[%swap3A_1054, %swap3A_1055] {strides = array<i32>} : memref<80x128xf32, #tpu.memory_space<vmem>>, vector<16xf32>,
        tpu.vector_store %arg10[%swap3A_1054, %swap3A_1055], %mul3A_1053 {strides = array<i32>} : memref<80x128xf32, #tpu.memory_space<vmem>>, vector<16xf32>,
        %get3A_1057 = arith.index_cast %scan3A_1003 : i32 to index
        %get3A_1058 = arith.constant 112 : index
        %get3A_1059 = tpu.vector_load %arg10[%get3A_1057, %get3A_1058] {strides = array<i32>} : memref<80x128xf32, #tpu.memory_space<vmem>>, vector<16xf32>,
        %mul3A_1060 = arith.mulf %get3A_1059, %gather3A_1009 : vector<16xf32>
        %swap3A_1061 = arith.index_cast %scan3A_1003 : i32 to index
        %swap3A_1062 = arith.constant 112 : index
        %swap3A_1063 = tpu.vector_load %arg10[%swap3A_1061, %swap3A_1062] {strides = array<i32>} : memref<80x128xf32, #tpu.memory_space<vmem>>, vector<16xf32>,
        tpu.vector_store %arg10[%swap3A_1061, %swap3A_1062], %mul3A_1060 {strides = array<i32>} : memref<80x128xf32, #tpu.memory_space<vmem>>, vector<16xf32>,
      }
      %scan3A_934 = arith.constant 80 : i32
      %dma_start3A_935 = arith.constant 0 : i32
      %dma_start3A_936 = arith.constant 0 : i32
      %dma_start3A_937 = tpu.memref_slice %arg7[%scan3A_734, %dma_start3A_935, %dma_start3A_936] : memref<2x25x80xi32, #tpu.memory_space<vmem>> -> memref<1x25x80xi32, #tpu.memory_space<vmem>>
      %dma_start3A_938 = tpu.memref_squeeze %dma_start3A_937 : memref<1x25x80xi32, #tpu.memory_space<vmem>> -> memref<25x80xi32, #tpu.memory_space<vmem>>
      %dma_start3A_939 = arith.constant 0 : i32
      %dma_start3A_940 = tpu.memref_slice %dma_start3A_938[%mul3A_906, %dma_start3A_939] : memref<25x80xi32, #tpu.memory_space<vmem>> -> memref<1x80xi32, #tpu.memory_space<vmem>>
      %dma_start3A_941 = tpu.memref_squeeze %dma_start3A_940 : memref<1x80xi32, #tpu.memory_space<vmem>> -> memref<80xi32, #tpu.memory_space<vmem>>
      %dma_start3A_942 = arith.constant 0 : i32
      %dma_start3A_943 = arith.constant 0 : i32
      %dma_start3A_944 = tpu.memref_slice %arg11[%dma_start3A_942, %dma_start3A_943] : memref<10240x128xf32, #tpu.memory_space<vmem_shared>> -> memref<10240x128xf32, #tpu.memory_space<vmem_shared>>
      tpu.enqueue_indirect_dma source(%arg10 : memref<80x128xf32, #tpu.memory_space<vmem>>) target(%dma_start3A_944 : memref<10240x128xf32, #tpu.memory_space<vmem_shared>>) offsets(%dma_start3A_941 : memref<80xi32, #tpu.memory_space<vmem>>) semaphore(%arg15 : memref<!tpu.dma_semaphore, #tpu.memory_space<semaphore_mem>>) {add = true}
      %dma_wait3A_945 = arith.constant 0 : i32
      %dma_wait3A_946 = arith.constant 0 : i32
      %dma_wait3A_947 = tpu.memref_slice %arg6[%scan3A_732, %dma_wait3A_945, %dma_wait3A_946] : memref<2x25x80xi32, #tpu.memory_space<vmem>> -> memref<1x25x80xi32, #tpu.memory_space<vmem>>
      %dma_wait3A_948 = tpu.memref_squeeze %dma_wait3A_947 : memref<1x25x80xi32, #tpu.memory_space<vmem>> -> memref<25x80xi32, #tpu.memory_space<vmem>>
      %dma_wait3A_949 = arith.constant 0 : i32
      %dma_wait3A_950 = tpu.memref_slice %dma_wait3A_948[%add3A_908, %dma_wait3A_949] : memref<25x80xi32, #tpu.memory_space<vmem>> -> memref<1x80xi32, #tpu.memory_space<vmem>>
      %dma_wait3A_951 = tpu.memref_squeeze %dma_wait3A_950 : memref<1x80xi32, #tpu.memory_space<vmem>> -> memref<80xi32, #tpu.memory_space<vmem>>
      %dma_wait3A_952 = arith.constant 0 : i32
      %dma_wait3A_953 = arith.constant 0 : i32
      %dma_wait3A_954 = tpu.memref_slice %arg4[%dma_wait3A_952, %dma_wait3A_953] : memref<10000x128xf32, #tpu.memory_space<hbm>> -> memref<10000x128xf32, #tpu.memory_space<hbm>>
      tpu.wait_indirect_dma semaphore(%arg12 : memref<!tpu.dma_semaphore, #tpu.memory_space<semaphore_mem>>) src(%dma_wait3A_954 : memref<10000x128xf32, #tpu.memory_space<hbm>>) dst(%arg9 : memref<80x128xf32, #tpu.memory_space<vmem>>)
      %scan3A_955 = arith.constant 0 : i32
      %scan3A_956 = arith.constant 0 : i32
      %scan3A_957 = arith.constant 80 : i32
      %scan3A_958 = arith.addi %scan3A_956, %scan3A_957 : i32
      %scan3A_959 = arith.constant 1 : i32
      scf.for %scan3A_1003 = %scan3A_956 to %scan3A_958 step %scan3A_959  : i32 {
        %broadcast_in_dim3A_1004 = vector.broadcast %scan3A_1003 : i32 to vector<16xi32>
        %broadcast_in_dim3A_1005 = vector.broadcast %add3A_908 : i32 to vector<16xi32>
        %gather3A = arith.constant 0 : i32
        %gather3A_1006 = arith.constant 0 : i32
        %gather3A_1007 = tpu.memref_slice %arg8[%scan3A_733, %gather3A, %gather3A_1006] : memref<2x25x80xf32, #tpu.memory_space<vmem>> -> memref<1x25x80xf32, #tpu.memory_space<vmem>>
        %gather3A_1008 = tpu.memref_squeeze %gather3A_1007 : memref<1x25x80xf32, #tpu.memory_space<vmem>> -> memref<25x80xf32, #tpu.memory_space<vmem>>
        %gather3A_1009 = tpu.vector_load_idx %gather3A_1008[%broadcast_in_dim3A_1005, %broadcast_in_dim3A_1004] : memref<25x80xf32, #tpu.memory_space<vmem>>[vector<16xi32>, vector<16xi32>], vector<16xf32>,
        %get3A = arith.index_cast %scan3A_1003 : i32 to index
        %get3A_1010 = arith.constant 0 : index
        %get3A_1011 = tpu.vector_load %arg9[%get3A, %get3A_1010] {strides = array<i32>} : memref<80x128xf32, #tpu.memory_space<vmem>>, vector<16xf32>,
        %mul3A_1012 = arith.mulf %get3A_1011, %gather3A_1009 : vector<16xf32>
        %swap3A = arith.index_cast %scan3A_1003 : i32 to index
        %swap3A_1013 = arith.constant 0 : index
        %swap3A_1014 = tpu.vector_load %arg9[%swap3A, %swap3A_1013] {strides = array<i32>} : memref<80x128xf32, #tpu.memory_space<vmem>>, vector<16xf32>,
        tpu.vector_store %arg9[%swap3A, %swap3A_1013], %mul3A_1012 {strides = array<i32>} : memref<80x128xf32, #tpu.memory_space<vmem>>, vector<16xf32>,
        %get3A_1015 = arith.index_cast %scan3A_1003 : i32 to index
        %get3A_1016 = arith.constant 16 : index
        %get3A_1017 = tpu.vector_load %arg9[%get3A_1015, %get3A_1016] {strides = array<i32>} : memref<80x128xf32, #tpu.memory_space<vmem>>, vector<16xf32>,
        %mul3A_1018 = arith.mulf %get3A_1017, %gather3A_1009 : vector<16xf32>
        %swap3A_1019 = arith.index_cast %scan3A_1003 : i32 to index
        %swap3A_1020 = arith.constant 16 : index
        %swap3A_1021 = tpu.vector_load %arg9[%swap3A_1019, %swap3A_1020] {strides = array<i32>} : memref<80x128xf32, #tpu.memory_space<vmem>>, vector<16xf32>,
        tpu.vector_store %arg9[%swap3A_1019, %swap3A_1020], %mul3A_1018 {strides = array<i32>} : memref<80x128xf32, #tpu.memory_space<vmem>>, vector<16xf32>,
        %get3A_1022 = arith.index_cast %scan3A_1003 : i32 to index
        %get3A_1023 = arith.constant 32 : index
        %get3A_1024 = tpu.vector_load %arg9[%get3A_1022, %get3A_1023] {strides = array<i32>} : memref<80x128xf32, #tpu.memory_space<vmem>>, vector<16xf32>,
        %mul3A_1025 = arith.mulf %get3A_1024, %gather3A_1009 : vector<16xf32>
        %swap3A_1026 = arith.index_cast %scan3A_1003 : i32 to index
        %swap3A_1027 = arith.constant 32 : index
        %swap3A_1028 = tpu.vector_load %arg9[%swap3A_1026, %swap3A_1027] {strides = array<i32>} : memref<80x128xf32, #tpu.memory_space<vmem>>, vector<16xf32>,
        tpu.vector_store %arg9[%swap3A_1026, %swap3A_1027], %mul3A_1025 {strides = array<i32>} : memref<80x128xf32, #tpu.memory_space<vmem>>, vector<16xf32>,
        %get3A_1029 = arith.index_cast %scan3A_1003 : i32 to index
        %get3A_1030 = arith.constant 48 : index
        %get3A_1031 = tpu.vector_load %arg9[%get3A_1029, %get3A_1030] {strides = array<i32>} : memref<80x128xf32, #tpu.memory_space<vmem>>, vector<16xf32>,
        %mul3A_1032 = arith.mulf %get3A_1031, %gather3A_1009 : vector<16xf32>
        %swap3A_1033 = arith.index_cast %scan3A_1003 : i32 to index
        %swap3A_1034 = arith.constant 48 : index
        %swap3A_1035 = tpu.vector_load %arg9[%swap3A_1033, %swap3A_1034] {strides = array<i32>} : memref<80x128xf32, #tpu.memory_space<vmem>>, vector<16xf32>,
        tpu.vector_store %arg9[%swap3A_1033, %swap3A_1034], %mul3A_1032 {strides = array<i32>} : memref<80x128xf32, #tpu.memory_space<vmem>>, vector<16xf32>,
        %get3A_1036 = arith.index_cast %scan3A_1003 : i32 to index
        %get3A_1037 = arith.constant 64 : index
        %get3A_1038 = tpu.vector_load %arg9[%get3A_1036, %get3A_1037] {strides = array<i32>} : memref<80x128xf32, #tpu.memory_space<vmem>>, vector<16xf32>,
        %mul3A_1039 = arith.mulf %get3A_1038, %gather3A_1009 : vector<16xf32>
        %swap3A_1040 = arith.index_cast %scan3A_1003 : i32 to index
        %swap3A_1041 = arith.constant 64 : index
        %swap3A_1042 = tpu.vector_load %arg9[%swap3A_1040, %swap3A_1041] {strides = array<i32>} : memref<80x128xf32, #tpu.memory_space<vmem>>, vector<16xf32>,
        tpu.vector_store %arg9[%swap3A_1040, %swap3A_1041], %mul3A_1039 {strides = array<i32>} : memref<80x128xf32, #tpu.memory_space<vmem>>, vector<16xf32>,
        %get3A_1043 = arith.index_cast %scan3A_1003 : i32 to index
        %get3A_1044 = arith.constant 80 : index
        %get3A_1045 = tpu.vector_load %arg9[%get3A_1043, %get3A_1044] {strides = array<i32>} : memref<80x128xf32, #tpu.memory_space<vmem>>, vector<16xf32>,
        %mul3A_1046 = arith.mulf %get3A_1045, %gather3A_1009 : vector<16xf32>
        %swap3A_1047 = arith.index_cast %scan3A_1003 : i32 to index
        %swap3A_1048 = arith.constant 80 : index
        %swap3A_1049 = tpu.vector_load %arg9[%swap3A_1047, %swap3A_1048] {strides = array<i32>} : memref<80x128xf32, #tpu.memory_space<vmem>>, vector<16xf32>,
        tpu.vector_store %arg9[%swap3A_1047, %swap3A_1048], %mul3A_1046 {strides = array<i32>} : memref<80x128xf32, #tpu.memory_space<vmem>>, vector<16xf32>,
        %get3A_1050 = arith.index_cast %scan3A_1003 : i32 to index
        %get3A_1051 = arith.constant 96 : index
        %get3A_1052 = tpu.vector_load %arg9[%get3A_1050, %get3A_1051] {strides = array<i32>} : memref<80x128xf32, #tpu.memory_space<vmem>>, vector<16xf32>,
        %mul3A_1053 = arith.mulf %get3A_1052, %gather3A_1009 : vector<16xf32>
        %swap3A_1054 = arith.index_cast %scan3A_1003 : i32 to index
        %swap3A_1055 = arith.constant 96 : index
        %swap3A_1056 = tpu.vector_load %arg9[%swap3A_1054, %swap3A_1055] {strides = array<i32>} : memref<80x128xf32, #tpu.memory_space<vmem>>, vector<16xf32>,
        tpu.vector_store %arg9[%swap3A_1054, %swap3A_1055], %mul3A_1053 {strides = array<i32>} : memref<80x128xf32, #tpu.memory_space<vmem>>, vector<16xf32>,
        %get3A_1057 = arith.index_cast %scan3A_1003 : i32 to index
        %get3A_1058 = arith.constant 112 : index
        %get3A_1059 = tpu.vector_load %arg9[%get3A_1057, %get3A_1058] {strides = array<i32>} : memref<80x128xf32, #tpu.memory_space<vmem>>, vector<16xf32>,
        %mul3A_1060 = arith.mulf %get3A_1059, %gather3A_1009 : vector<16xf32>
        %swap3A_1061 = arith.index_cast %scan3A_1003 : i32 to index
        %swap3A_1062 = arith.constant 112 : index
        %swap3A_1063 = tpu.vector_load %arg9[%swap3A_1061, %swap3A_1062] {strides = array<i32>} : memref<80x128xf32, #tpu.memory_space<vmem>>, vector<16xf32>,
        tpu.vector_store %arg9[%swap3A_1061, %swap3A_1062], %mul3A_1060 {strides = array<i32>} : memref<80x128xf32, #tpu.memory_space<vmem>>, vector<16xf32>,
      }
      %scan3A_960 = arith.constant 80 : i32
      %dma_start3A_961 = arith.constant 0 : i32
      %dma_start3A_962 = arith.constant 0 : i32
      %dma_start3A_963 = tpu.memref_slice %arg7[%scan3A_734, %dma_start3A_961, %dma_start3A_962] : memref<2x25x80xi32, #tpu.memory_space<vmem>> -> memref<1x25x80xi32, #tpu.memory_space<vmem>>
      %dma_start3A_964 = tpu.memref_squeeze %dma_start3A_963 : memref<1x25x80xi32, #tpu.memory_space<vmem>> -> memref<25x80xi32, #tpu.memory_space<vmem>>
      %dma_start3A_965 = arith.constant 0 : i32
      %dma_start3A_966 = tpu.memref_slice %dma_start3A_964[%add3A_908, %dma_start3A_965] : memref<25x80xi32, #tpu.memory_space<vmem>> -> memref<1x80xi32, #tpu.memory_space<vmem>>
      %dma_start3A_967 = tpu.memref_squeeze %dma_start3A_966 : memref<1x80xi32, #tpu.memory_space<vmem>> -> memref<80xi32, #tpu.memory_space<vmem>>
      %dma_start3A_968 = arith.constant 0 : i32
      %dma_start3A_969 = arith.constant 0 : i32
      %dma_start3A_970 = tpu.memref_slice %arg11[%dma_start3A_968, %dma_start3A_969] : memref<10240x128xf32, #tpu.memory_space<vmem_shared>> -> memref<10240x128xf32, #tpu.memory_space<vmem_shared>>
      tpu.enqueue_indirect_dma source(%arg9 : memref<80x128xf32, #tpu.memory_space<vmem>>) target(%dma_start3A_970 : memref<10240x128xf32, #tpu.memory_space<vmem_shared>>) offsets(%dma_start3A_967 : memref<80xi32, #tpu.memory_space<vmem>>) semaphore(%arg14 : memref<!tpu.dma_semaphore, #tpu.memory_space<semaphore_mem>>) {add = true}
      %dma_wait3A_971 = arith.constant 0 : i32
      %dma_wait3A_972 = arith.constant 0 : i32
      %dma_wait3A_973 = tpu.memref_slice %arg7[%scan3A_734, %dma_wait3A_971, %dma_wait3A_972] : memref<2x25x80xi32, #tpu.memory_space<vmem>> -> memref<1x25x80xi32, #tpu.memory_space<vmem>>
      %dma_wait3A_974 = tpu.memref_squeeze %dma_wait3A_973 : memref<1x25x80xi32, #tpu.memory_space<vmem>> -> memref<25x80xi32, #tpu.memory_space<vmem>>
      %dma_wait3A_975 = arith.constant 0 : i32
      %dma_wait3A_976 = tpu.memref_slice %dma_wait3A_974[%mul3A_906, %dma_wait3A_975] : memref<25x80xi32, #tpu.memory_space<vmem>> -> memref<1x80xi32, #tpu.memory_space<vmem>>
      %dma_wait3A_977 = tpu.memref_squeeze %dma_wait3A_976 : memref<1x80xi32, #tpu.memory_space<vmem>> -> memref<80xi32, #tpu.memory_space<vmem>>
      %dma_wait3A_978 = arith.constant 0 : i32
      %dma_wait3A_979 = arith.constant 0 : i32
      %dma_wait3A_980 = tpu.memref_slice %arg11[%dma_wait3A_978, %dma_wait3A_979] : memref<10240x128xf32, #tpu.memory_space<vmem_shared>> -> memref<10240x128xf32, #tpu.memory_space<vmem_shared>>
      tpu.wait_indirect_dma semaphore(%arg15 : memref<!tpu.dma_semaphore, #tpu.memory_space<semaphore_mem>>) src(%arg10 : memref<80x128xf32, #tpu.memory_space<vmem>>) dst(%dma_wait3A_980 : memref<10240x128xf32, #tpu.memory_space<vmem_shared>>)
      %add3A_981 = arith.constant 2 : i32
      %add3A_982 = arith.addi %mul3A_906, %add3A_981 : i32
      %dma_start3A_983 = arith.constant 0 : i32
      %dma_start3A_984 = arith.constant 0 : i32
      %dma_start3A_985 = tpu.memref_slice %arg6[%scan3A_732, %dma_start3A_983, %dma_start3A_984] : memref<2x25x80xi32, #tpu.memory_space<vmem>> -> memref<1x25x80xi32, #tpu.memory_space<vmem>>
      %dma_start3A_986 = tpu.memref_squeeze %dma_start3A_985 : memref<1x25x80xi32, #tpu.memory_space<vmem>> -> memref<25x80xi32, #tpu.memory_space<vmem>>
      %dma_start3A_987 = arith.constant 0 : i32
      %dma_start3A_988 = tpu.memref_slice %dma_start3A_986[%add3A_982, %dma_start3A_987] : memref<25x80xi32, #tpu.memory_space<vmem>> -> memref<1x80xi32, #tpu.memory_space<vmem>>
      %dma_start3A_989 = tpu.memref_squeeze %dma_start3A_988 : memref<1x80xi32, #tpu.memory_space<vmem>> -> memref<80xi32, #tpu.memory_space<vmem>>
      %dma_start3A_990 = arith.constant 0 : i32
      %dma_start3A_991 = arith.constant 0 : i32
      %dma_start3A_992 = tpu.memref_slice %arg4[%dma_start3A_990, %dma_start3A_991] : memref<10000x128xf32, #tpu.memory_space<hbm>> -> memref<10000x128xf32, #tpu.memory_space<hbm>>
      tpu.enqueue_indirect_dma source(%dma_start3A_992 : memref<10000x128xf32, #tpu.memory_space<hbm>>) target(%arg10 : memref<80x128xf32, #tpu.memory_space<vmem>>) offsets(%dma_start3A_989 : memref<80xi32, #tpu.memory_space<vmem>>) semaphore(%arg13 : memref<!tpu.dma_semaphore, #tpu.memory_space<semaphore_mem>>)
      %dma_wait3A_993 = arith.constant 0 : i32
      %dma_wait3A_994 = arith.constant 0 : i32
      %dma_wait3A_995 = tpu.memref_slice %arg7[%scan3A_734, %dma_wait3A_993, %dma_wait3A_994] : memref<2x25x80xi32, #tpu.memory_space<vmem>> -> memref<1x25x80xi32, #tpu.memory_space<vmem>>
      %dma_wait3A_996 = tpu.memref_squeeze %dma_wait3A_995 : memref<1x25x80xi32, #tpu.memory_space<vmem>> -> memref<25x80xi32, #tpu.memory_space<vmem>>
      %dma_wait3A_997 = arith.constant 0 : i32
      %dma_wait3A_998 = tpu.memref_slice %dma_wait3A_996[%add3A_908, %dma_wait3A_997] : memref<25x80xi32, #tpu.memory_space<vmem>> -> memref<1x80xi32, #tpu.memory_space<vmem>>
      %dma_wait3A_999 = tpu.memref_squeeze %dma_wait3A_998 : memref<1x80xi32, #tpu.memory_space<vmem>> -> memref<80xi32, #tpu.memory_space<vmem>>
      %dma_wait3A_1000 = arith.constant 0 : i32
      %dma_wait3A_1001 = arith.constant 0 : i32
      %dma_wait3A_1002 = tpu.memref_slice %arg11[%dma_wait3A_1000, %dma_wait3A_1001] : memref<10240x128xf32, #tpu.memory_space<vmem_shared>> -> memref<10240x128xf32, #tpu.memory_space<vmem_shared>>
      tpu.wait_indirect_dma semaphore(%arg14 : memref<!tpu.dma_semaphore, #tpu.memory_space<semaphore_mem>>) src(%arg9 : memref<80x128xf32, #tpu.memory_space<vmem>>) dst(%dma_wait3A_1002 : memref<10240x128xf32, #tpu.memory_space<vmem_shared>>)
    }
    %scan3A_739 = arith.constant 12 : i32
    %dma_wait3A_740 = arith.constant 1 : i32
    %dma_wait3A_741 = arith.constant 24 : i32
    %dma_wait3A_742 = arith.constant 0 : i32
    %dma_wait3A_743 = arith.constant 0 : i32
    %dma_wait3A_744 = tpu.memref_slice %arg6[%dma_wait3A_740, %dma_wait3A_742, %dma_wait3A_743] : memref<2x25x80xi32, #tpu.memory_space<vmem>> -> memref<1x25x80xi32, #tpu.memory_space<vmem>>
    %dma_wait3A_745 = tpu.memref_squeeze %dma_wait3A_744 : memref<1x25x80xi32, #tpu.memory_space<vmem>> -> memref<25x80xi32, #tpu.memory_space<vmem>>
    %dma_wait3A_746 = arith.constant 0 : i32
    %dma_wait3A_747 = tpu.memref_slice %dma_wait3A_745[%dma_wait3A_741, %dma_wait3A_746] : memref<25x80xi32, #tpu.memory_space<vmem>> -> memref<1x80xi32, #tpu.memory_space<vmem>>
    %dma_wait3A_748 = tpu.memref_squeeze %dma_wait3A_747 : memref<1x80xi32, #tpu.memory_space<vmem>> -> memref<80xi32, #tpu.memory_space<vmem>>
    %dma_wait3A_749 = arith.constant 0 : i32
    %dma_wait3A_750 = arith.constant 0 : i32
    %dma_wait3A_751 = tpu.memref_slice %arg4[%dma_wait3A_749, %dma_wait3A_750] : memref<10000x128xf32, #tpu.memory_space<hbm>> -> memref<10000x128xf32, #tpu.memory_space<hbm>>
    tpu.wait_indirect_dma semaphore(%arg13 : memref<!tpu.dma_semaphore, #tpu.memory_space<semaphore_mem>>) src(%dma_wait3A_751 : memref<10000x128xf32, #tpu.memory_space<hbm>>) dst(%arg10 : memref<80x128xf32, #tpu.memory_space<vmem>>)
    %scan3A_752 = arith.constant 0 : i32
    %scan3A_753 = arith.constant 1 : i32
    %scan3A_754 = arith.constant 0 : i32
    %scan3A_755 = arith.constant 80 : i32
    %scan3A_756 = arith.addi %scan3A_754, %scan3A_755 : i32
    %scan3A_757 = arith.constant 1 : i32
    scf.for %scan3A_904 = %scan3A_754 to %scan3A_756 step %scan3A_757  : i32 {
      %broadcast_in_dim3A_905 = vector.broadcast %scan3A_904 : i32 to vector<16xi32>
      %broadcast_in_dim3A_906 = arith.constant 24 : i32
      %broadcast_in_dim3A_907 = vector.broadcast %broadcast_in_dim3A_906 : i32 to vector<16xi32>
      %gather3A = arith.constant 0 : i32
      %gather3A_908 = arith.constant 0 : i32
      %gather3A_909 = tpu.memref_slice %arg8[%scan3A_753, %gather3A, %gather3A_908] : memref<2x25x80xf32, #tpu.memory_space<vmem>> -> memref<1x25x80xf32, #tpu.memory_space<vmem>>
      %gather3A_910 = tpu.memref_squeeze %gather3A_909 : memref<1x25x80xf32, #tpu.memory_space<vmem>> -> memref<25x80xf32, #tpu.memory_space<vmem>>
      %gather3A_911 = tpu.vector_load_idx %gather3A_910[%broadcast_in_dim3A_907, %broadcast_in_dim3A_905] : memref<25x80xf32, #tpu.memory_space<vmem>>[vector<16xi32>, vector<16xi32>], vector<16xf32>,
      %get3A = arith.index_cast %scan3A_904 : i32 to index
      %get3A_912 = arith.constant 0 : index
      %get3A_913 = tpu.vector_load %arg10[%get3A, %get3A_912] {strides = array<i32>} : memref<80x128xf32, #tpu.memory_space<vmem>>, vector<16xf32>,
      %mul3A_914 = arith.mulf %get3A_913, %gather3A_911 : vector<16xf32>
      %swap3A = arith.index_cast %scan3A_904 : i32 to index
      %swap3A_915 = arith.constant 0 : index
      %swap3A_916 = tpu.vector_load %arg10[%swap3A, %swap3A_915] {strides = array<i32>} : memref<80x128xf32, #tpu.memory_space<vmem>>, vector<16xf32>,
      tpu.vector_store %arg10[%swap3A, %swap3A_915], %mul3A_914 {strides = array<i32>} : memref<80x128xf32, #tpu.memory_space<vmem>>, vector<16xf32>,
      %get3A_917 = arith.index_cast %scan3A_904 : i32 to index
      %get3A_918 = arith.constant 16 : index
      %get3A_919 = tpu.vector_load %arg10[%get3A_917, %get3A_918] {strides = array<i32>} : memref<80x128xf32, #tpu.memory_space<vmem>>, vector<16xf32>,
      %mul3A_920 = arith.mulf %get3A_919, %gather3A_911 : vector<16xf32>
      %swap3A_921 = arith.index_cast %scan3A_904 : i32 to index
      %swap3A_922 = arith.constant 16 : index
      %swap3A_923 = tpu.vector_load %arg10[%swap3A_921, %swap3A_922] {strides = array<i32>} : memref<80x128xf32, #tpu.memory_space<vmem>>, vector<16xf32>,
      tpu.vector_store %arg10[%swap3A_921, %swap3A_922], %mul3A_920 {strides = array<i32>} : memref<80x128xf32, #tpu.memory_space<vmem>>, vector<16xf32>,
      %get3A_924 = arith.index_cast %scan3A_904 : i32 to index
      %get3A_925 = arith.constant 32 : index
      %get3A_926 = tpu.vector_load %arg10[%get3A_924, %get3A_925] {strides = array<i32>} : memref<80x128xf32, #tpu.memory_space<vmem>>, vector<16xf32>,
      %mul3A_927 = arith.mulf %get3A_926, %gather3A_911 : vector<16xf32>
      %swap3A_928 = arith.index_cast %scan3A_904 : i32 to index
      %swap3A_929 = arith.constant 32 : index
      %swap3A_930 = tpu.vector_load %arg10[%swap3A_928, %swap3A_929] {strides = array<i32>} : memref<80x128xf32, #tpu.memory_space<vmem>>, vector<16xf32>,
      tpu.vector_store %arg10[%swap3A_928, %swap3A_929], %mul3A_927 {strides = array<i32>} : memref<80x128xf32, #tpu.memory_space<vmem>>, vector<16xf32>,
      %get3A_931 = arith.index_cast %scan3A_904 : i32 to index
      %get3A_932 = arith.constant 48 : index
      %get3A_933 = tpu.vector_load %arg10[%get3A_931, %get3A_932] {strides = array<i32>} : memref<80x128xf32, #tpu.memory_space<vmem>>, vector<16xf32>,
      %mul3A_934 = arith.mulf %get3A_933, %gather3A_911 : vector<16xf32>
      %swap3A_935 = arith.index_cast %scan3A_904 : i32 to index
      %swap3A_936 = arith.constant 48 : index
      %swap3A_937 = tpu.vector_load %arg10[%swap3A_935, %swap3A_936] {strides = array<i32>} : memref<80x128xf32, #tpu.memory_space<vmem>>, vector<16xf32>,
      tpu.vector_store %arg10[%swap3A_935, %swap3A_936], %mul3A_934 {strides = array<i32>} : memref<80x128xf32, #tpu.memory_space<vmem>>, vector<16xf32>,
      %get3A_938 = arith.index_cast %scan3A_904 : i32 to index
      %get3A_939 = arith.constant 64 : index
      %get3A_940 = tpu.vector_load %arg10[%get3A_938, %get3A_939] {strides = array<i32>} : memref<80x128xf32, #tpu.memory_space<vmem>>, vector<16xf32>,
      %mul3A_941 = arith.mulf %get3A_940, %gather3A_911 : vector<16xf32>
      %swap3A_942 = arith.index_cast %scan3A_904 : i32 to index
      %swap3A_943 = arith.constant 64 : index
      %swap3A_944 = tpu.vector_load %arg10[%swap3A_942, %swap3A_943] {strides = array<i32>} : memref<80x128xf32, #tpu.memory_space<vmem>>, vector<16xf32>,
      tpu.vector_store %arg10[%swap3A_942, %swap3A_943], %mul3A_941 {strides = array<i32>} : memref<80x128xf32, #tpu.memory_space<vmem>>, vector<16xf32>,
      %get3A_945 = arith.index_cast %scan3A_904 : i32 to index
      %get3A_946 = arith.constant 80 : index
      %get3A_947 = tpu.vector_load %arg10[%get3A_945, %get3A_946] {strides = array<i32>} : memref<80x128xf32, #tpu.memory_space<vmem>>, vector<16xf32>,
      %mul3A_948 = arith.mulf %get3A_947, %gather3A_911 : vector<16xf32>
      %swap3A_949 = arith.index_cast %scan3A_904 : i32 to index
      %swap3A_950 = arith.constant 80 : index
      %swap3A_951 = tpu.vector_load %arg10[%swap3A_949, %swap3A_950] {strides = array<i32>} : memref<80x128xf32, #tpu.memory_space<vmem>>, vector<16xf32>,
      tpu.vector_store %arg10[%swap3A_949, %swap3A_950], %mul3A_948 {strides = array<i32>} : memref<80x128xf32, #tpu.memory_space<vmem>>, vector<16xf32>,
      %get3A_952 = arith.index_cast %scan3A_904 : i32 to index
      %get3A_953 = arith.constant 96 : index
      %get3A_954 = tpu.vector_load %arg10[%get3A_952, %get3A_953] {strides = array<i32>} : memref<80x128xf32, #tpu.memory_space<vmem>>, vector<16xf32>,
      %mul3A_955 = arith.mulf %get3A_954, %gather3A_911 : vector<16xf32>
      %swap3A_956 = arith.index_cast %scan3A_904 : i32 to index
      %swap3A_957 = arith.constant 96 : index
      %swap3A_958 = tpu.vector_load %arg10[%swap3A_956, %swap3A_957] {strides = array<i32>} : memref<80x128xf32, #tpu.memory_space<vmem>>, vector<16xf32>,
      tpu.vector_store %arg10[%swap3A_956, %swap3A_957], %mul3A_955 {strides = array<i32>} : memref<80x128xf32, #tpu.memory_space<vmem>>, vector<16xf32>,
      %get3A_959 = arith.index_cast %scan3A_904 : i32 to index
      %get3A_960 = arith.constant 112 : index
      %get3A_961 = tpu.vector_load %arg10[%get3A_959, %get3A_960] {strides = array<i32>} : memref<80x128xf32, #tpu.memory_space<vmem>>, vector<16xf32>,
      %mul3A_962 = arith.mulf %get3A_961, %gather3A_911 : vector<16xf32>
      %swap3A_963 = arith.index_cast %scan3A_904 : i32 to index
      %swap3A_964 = arith.constant 112 : index
      %swap3A_965 = tpu.vector_load %arg10[%swap3A_963, %swap3A_964] {strides = array<i32>} : memref<80x128xf32, #tpu.memory_space<vmem>>, vector<16xf32>,
      tpu.vector_store %arg10[%swap3A_963, %swap3A_964], %mul3A_962 {strides = array<i32>} : memref<80x128xf32, #tpu.memory_space<vmem>>, vector<16xf32>,
    }
    %scan3A_758 = arith.constant 80 : i32
    %dma_start3A_759 = arith.constant 1 : i32
    %dma_start3A_760 = arith.constant 24 : i32
    %dma_start3A_761 = arith.constant 0 : i32
    %dma_start3A_762 = arith.constant 0 : i32
    %dma_start3A_763 = tpu.memref_slice %arg7[%dma_start3A_759, %dma_start3A_761, %dma_start3A_762] : memref<2x25x80xi32, #tpu.memory_space<vmem>> -> memref<1x25x80xi32, #tpu.memory_space<vmem>>
    %dma_start3A_764 = tpu.memref_squeeze %dma_start3A_763 : memref<1x25x80xi32, #tpu.memory_space<vmem>> -> memref<25x80xi32, #tpu.memory_space<vmem>>
    %dma_start3A_765 = arith.constant 0 : i32
    %dma_start3A_766 = tpu.memref_slice %dma_start3A_764[%dma_start3A_760, %dma_start3A_765] : memref<25x80xi32, #tpu.memory_space<vmem>> -> memref<1x80xi32, #tpu.memory_space<vmem>>
    %dma_start3A_767 = tpu.memref_squeeze %dma_start3A_766 : memref<1x80xi32, #tpu.memory_space<vmem>> -> memref<80xi32, #tpu.memory_space<vmem>>
    %dma_start3A_768 = arith.constant 0 : i32
    %dma_start3A_769 = arith.constant 0 : i32
    %dma_start3A_770 = tpu.memref_slice %arg11[%dma_start3A_768, %dma_start3A_769] : memref<10240x128xf32, #tpu.memory_space<vmem_shared>> -> memref<10240x128xf32, #tpu.memory_space<vmem_shared>>
    tpu.enqueue_indirect_dma source(%arg10 : memref<80x128xf32, #tpu.memory_space<vmem>>) target(%dma_start3A_770 : memref<10240x128xf32, #tpu.memory_space<vmem_shared>>) offsets(%dma_start3A_767 : memref<80xi32, #tpu.memory_space<vmem>>) semaphore(%arg15 : memref<!tpu.dma_semaphore, #tpu.memory_space<semaphore_mem>>) {add = true}
    %dma_wait3A_771 = arith.constant 0 : i32
    %dma_wait3A_772 = arith.constant 4 : i32
    %dma_wait3A_773 = arith.constant 0 : i32
    %dma_wait3A_774 = arith.constant 0 : i32
    %dma_wait3A_775 = arith.constant 0 : i32
    %dma_wait3A_776 = tpu.memref_slice %arg6[%dma_wait3A_773, %dma_wait3A_774, %dma_wait3A_775] : memref<2x25x80xi32, #tpu.memory_space<vmem>> -> memref<1x25x80xi32, #tpu.memory_space<vmem>>
    %dma_wait3A_777 = tpu.memref_squeeze %dma_wait3A_776 : memref<1x25x80xi32, #tpu.memory_space<vmem>> -> memref<25x80xi32, #tpu.memory_space<vmem>>
    %dma_wait3A_778 = arith.constant 0 : i32
    %dma_wait3A_779 = arith.constant 0 : i32
    %dma_wait3A_780 = tpu.memref_slice %arg2[%dma_wait3A_771, %add3A, %dma_wait3A_772, %dma_wait3A_778, %dma_wait3A_779] : memref<2x32x5x25x80xi32, #tpu.memory_space<hbm>> -> memref<1x1x1x25x80xi32, #tpu.memory_space<hbm>>
    %dma_wait3A_781 = tpu.memref_squeeze %dma_wait3A_780 : memref<1x1x1x25x80xi32, #tpu.memory_space<hbm>> -> memref<25x80xi32, #tpu.memory_space<hbm>>
    %dma_wait3A_782 = arith.constant 0 : i32
    %dma_wait3A_783 = arith.constant 0 : i32
    %dma_wait3A_784 = tpu.memref_slice %arg6[%dma_wait3A_773, %dma_wait3A_782, %dma_wait3A_783] : memref<2x25x80xi32, #tpu.memory_space<vmem>> -> memref<1x25x80xi32, #tpu.memory_space<vmem>>
    %dma_wait3A_785 = tpu.memref_squeeze %dma_wait3A_784 : memref<1x25x80xi32, #tpu.memory_space<vmem>> -> memref<25x80xi32, #tpu.memory_space<vmem>>
    %dma_wait3A_786 = arith.constant 0 : i32
    %dma_wait3A_787 = arith.constant 0 : i32
    %dma_wait3A_788 = tpu.memref_slice %arg2[%dma_wait3A_771, %add3A, %dma_wait3A_772, %dma_wait3A_786, %dma_wait3A_787] : memref<2x32x5x25x80xi32, #tpu.memory_space<hbm>> -> memref<1x1x1x25x80xi32, #tpu.memory_space<hbm>>
    %dma_wait3A_789 = tpu.memref_squeeze %dma_wait3A_788 : memref<1x1x1x25x80xi32, #tpu.memory_space<hbm>> -> memref<25x80xi32, #tpu.memory_space<hbm>>
    tpu.wait_dma2 semaphore(%arg16 : memref<!tpu.dma_semaphore, #tpu.memory_space<semaphore_mem>>) src(%dma_wait3A_789 : memref<25x80xi32, #tpu.memory_space<hbm>>) dst(%dma_wait3A_785 : memref<25x80xi32, #tpu.memory_space<vmem>>)
    %dma_wait3A_790 = arith.constant 1 : i32
    %dma_wait3A_791 = arith.constant 4 : i32
    %dma_wait3A_792 = arith.constant 0 : i32
    %dma_wait3A_793 = arith.constant 0 : i32
    %dma_wait3A_794 = arith.constant 0 : i32
    %dma_wait3A_795 = tpu.memref_slice %arg7[%dma_wait3A_792, %dma_wait3A_793, %dma_wait3A_794] : memref<2x25x80xi32, #tpu.memory_space<vmem>> -> memref<1x25x80xi32, #tpu.memory_space<vmem>>
    %dma_wait3A_796 = tpu.memref_squeeze %dma_wait3A_795 : memref<1x25x80xi32, #tpu.memory_space<vmem>> -> memref<25x80xi32, #tpu.memory_space<vmem>>
    %dma_wait3A_797 = arith.constant 0 : i32
    %dma_wait3A_798 = arith.constant 0 : i32
    %dma_wait3A_799 = tpu.memref_slice %arg2[%dma_wait3A_790, %add3A, %dma_wait3A_791, %dma_wait3A_797, %dma_wait3A_798] : memref<2x32x5x25x80xi32, #tpu.memory_space<hbm>> -> memref<1x1x1x25x80xi32, #tpu.memory_space<hbm>>
    %dma_wait3A_800 = tpu.memref_squeeze %dma_wait3A_799 : memref<1x1x1x25x80xi32, #tpu.memory_space<hbm>> -> memref<25x80xi32, #tpu.memory_space<hbm>>
    %dma_wait3A_801 = arith.constant 0 : i32
    %dma_wait3A_802 = arith.constant 0 : i32
    %dma_wait3A_803 = tpu.memref_slice %arg7[%dma_wait3A_792, %dma_wait3A_801, %dma_wait3A_802] : memref<2x25x80xi32, #tpu.memory_space<vmem>> -> memref<1x25x80xi32, #tpu.memory_space<vmem>>
    %dma_wait3A_804 = tpu.memref_squeeze %dma_wait3A_803 : memref<1x25x80xi32, #tpu.memory_space<vmem>> -> memref<25x80xi32, #tpu.memory_space<vmem>>
    %dma_wait3A_805 = arith.constant 0 : i32
    %dma_wait3A_806 = arith.constant 0 : i32
    %dma_wait3A_807 = tpu.memref_slice %arg2[%dma_wait3A_790, %add3A, %dma_wait3A_791, %dma_wait3A_805, %dma_wait3A_806] : memref<2x32x5x25x80xi32, #tpu.memory_space<hbm>> -> memref<1x1x1x25x80xi32, #tpu.memory_space<hbm>>
    %dma_wait3A_808 = tpu.memref_squeeze %dma_wait3A_807 : memref<1x1x1x25x80xi32, #tpu.memory_space<hbm>> -> memref<25x80xi32, #tpu.memory_space<hbm>>
    tpu.wait_dma2 semaphore(%arg16 : memref<!tpu.dma_semaphore, #tpu.memory_space<semaphore_mem>>) src(%dma_wait3A_808 : memref<25x80xi32, #tpu.memory_space<hbm>>) dst(%dma_wait3A_804 : memref<25x80xi32, #tpu.memory_space<vmem>>)
    %dma_wait3A_809 = arith.constant 4 : i32
    %dma_wait3A_810 = arith.constant 0 : i32
    %dma_wait3A_811 = arith.constant 0 : i32
    %dma_wait3A_812 = arith.constant 0 : i32
    %dma_wait3A_813 = tpu.memref_slice %arg8[%dma_wait3A_810, %dma_wait3A_811, %dma_wait3A_812] : memref<2x25x80xf32, #tpu.memory_space<vmem>> -> memref<1x25x80xf32, #tpu.memory_space<vmem>>
    %dma_wait3A_814 = tpu.memref_squeeze %dma_wait3A_813 : memref<1x25x80xf32, #tpu.memory_space<vmem>> -> memref<25x80xf32, #tpu.memory_space<vmem>>
    %dma_wait3A_815 = arith.constant 0 : i32
    %dma_wait3A_816 = arith.constant 0 : i32
    %dma_wait3A_817 = tpu.memref_slice %arg3[%add3A, %dma_wait3A_809, %dma_wait3A_815, %dma_wait3A_816] : memref<32x5x25x80xf32, #tpu.memory_space<hbm>> -> memref<1x1x25x80xf32, #tpu.memory_space<hbm>>
    %dma_wait3A_818 = tpu.memref_squeeze %dma_wait3A_817 : memref<1x1x25x80xf32, #tpu.memory_space<hbm>> -> memref<25x80xf32, #tpu.memory_space<hbm>>
    %dma_wait3A_819 = arith.constant 0 : i32
    %dma_wait3A_820 = arith.constant 0 : i32
    %dma_wait3A_821 = tpu.memref_slice %arg8[%dma_wait3A_810, %dma_wait3A_819, %dma_wait3A_820] : memref<2x25x80xf32, #tpu.memory_space<vmem>> -> memref<1x25x80xf32, #tpu.memory_space<vmem>>
    %dma_wait3A_822 = tpu.memref_squeeze %dma_wait3A_821 : memref<1x25x80xf32, #tpu.memory_space<vmem>> -> memref<25x80xf32, #tpu.memory_space<vmem>>
    %dma_wait3A_823 = arith.constant 0 : i32
    %dma_wait3A_824 = arith.constant 0 : i32
    %dma_wait3A_825 = tpu.memref_slice %arg3[%add3A, %dma_wait3A_809, %dma_wait3A_823, %dma_wait3A_824] : memref<32x5x25x80xf32, #tpu.memory_space<hbm>> -> memref<1x1x25x80xf32, #tpu.memory_space<hbm>>
    %dma_wait3A_826 = tpu.memref_squeeze %dma_wait3A_825 : memref<1x1x25x80xf32, #tpu.memory_space<hbm>> -> memref<25x80xf32, #tpu.memory_space<hbm>>
    tpu.wait_dma2 semaphore(%arg16 : memref<!tpu.dma_semaphore, #tpu.memory_space<semaphore_mem>>) src(%dma_wait3A_826 : memref<25x80xf32, #tpu.memory_space<hbm>>) dst(%dma_wait3A_822 : memref<25x80xf32, #tpu.memory_space<vmem>>)
    %dma_start3A_827 = arith.constant 0 : i32
    %dma_start3A_828 = arith.constant 0 : i32
    %dma_start3A_829 = arith.constant 0 : i32
    %dma_start3A_830 = arith.constant 0 : i32
    %dma_start3A_831 = tpu.memref_slice %arg6[%dma_start3A_827, %dma_start3A_829, %dma_start3A_830] : memref<2x25x80xi32, #tpu.memory_space<vmem>> -> memref<1x25x80xi32, #tpu.memory_space<vmem>>
    %dma_start3A_832 = tpu.memref_squeeze %dma_start3A_831 : memref<1x25x80xi32, #tpu.memory_space<vmem>> -> memref<25x80xi32, #tpu.memory_space<vmem>>
    %dma_start3A_833 = arith.constant 0 : i32
    %dma_start3A_834 = tpu.memref_slice %dma_start3A_832[%dma_start3A_828, %dma_start3A_833] : memref<25x80xi32, #tpu.memory_space<vmem>> -> memref<1x80xi32, #tpu.memory_space<vmem>>
    %dma_start3A_835 = tpu.memref_squeeze %dma_start3A_834 : memref<1x80xi32, #tpu.memory_space<vmem>> -> memref<80xi32, #tpu.memory_space<vmem>>
    %dma_start3A_836 = arith.constant 0 : i32
    %dma_start3A_837 = arith.constant 0 : i32
    %dma_start3A_838 = tpu.memref_slice %arg4[%dma_start3A_836, %dma_start3A_837] : memref<10000x128xf32, #tpu.memory_space<hbm>> -> memref<10000x128xf32, #tpu.memory_space<hbm>>
    tpu.enqueue_indirect_dma source(%dma_start3A_838 : memref<10000x128xf32, #tpu.memory_space<hbm>>) target(%arg9 : memref<80x128xf32, #tpu.memory_space<vmem>>) offsets(%dma_start3A_835 : memref<80xi32, #tpu.memory_space<vmem>>) semaphore(%arg12 : memref<!tpu.dma_semaphore, #tpu.memory_space<semaphore_mem>>)
    %dma_wait3A_839 = arith.constant 1 : i32
    %dma_wait3A_840 = arith.constant 24 : i32
    %dma_wait3A_841 = arith.constant 0 : i32
    %dma_wait3A_842 = arith.constant 0 : i32
    %dma_wait3A_843 = tpu.memref_slice %arg7[%dma_wait3A_839, %dma_wait3A_841, %dma_wait3A_842] : memref<2x25x80xi32, #tpu.memory_space<vmem>> -> memref<1x25x80xi32, #tpu.memory_space<vmem>>
    %dma_wait3A_844 = tpu.memref_squeeze %dma_wait3A_843 : memref<1x25x80xi32, #tpu.memory_space<vmem>> -> memref<25x80xi32, #tpu.memory_space<vmem>>
    %dma_wait3A_845 = arith.constant 0 : i32
    %dma_wait3A_846 = tpu.memref_slice %dma_wait3A_844[%dma_wait3A_840, %dma_wait3A_845] : memref<25x80xi32, #tpu.memory_space<vmem>> -> memref<1x80xi32, #tpu.memory_space<vmem>>
    %dma_wait3A_847 = tpu.memref_squeeze %dma_wait3A_846 : memref<1x80xi32, #tpu.memory_space<vmem>> -> memref<80xi32, #tpu.memory_space<vmem>>
    %dma_wait3A_848 = arith.constant 0 : i32
    %dma_wait3A_849 = arith.constant 0 : i32
    %dma_wait3A_850 = tpu.memref_slice %arg11[%dma_wait3A_848, %dma_wait3A_849] : memref<10240x128xf32, #tpu.memory_space<vmem_shared>> -> memref<10240x128xf32, #tpu.memory_space<vmem_shared>>
    tpu.wait_indirect_dma semaphore(%arg15 : memref<!tpu.dma_semaphore, #tpu.memory_space<semaphore_mem>>) src(%arg10 : memref<80x128xf32, #tpu.memory_space<vmem>>) dst(%dma_wait3A_850 : memref<10240x128xf32, #tpu.memory_space<vmem_shared>>)
    %scan3A_851 = arith.constant 0 : i32
    %scan3A_852 = arith.constant 0 : i32
    %scan3A_853 = arith.constant 0 : i32
    %scan3A_854 = arith.constant 0 : i32
    %scan3A_855 = arith.constant 0 : i32
    %scan3A_856 = arith.constant 12 : i32
    %scan3A_857 = arith.addi %scan3A_855, %scan3A_856 : i32
    %scan3A_858 = arith.constant 1 : i32
    scf.for %scan3A_904 = %scan3A_855 to %scan3A_857 step %scan3A_858  : i32 {
      %mul3A_905 = arith.constant 2 : i32
      %mul3A_906 = arith.muli %mul3A_905, %scan3A_904 : i32
      %add3A_907 = arith.constant 1 : i32
      %add3A_908 = arith.addi %mul3A_906, %add3A_907 : i32
      %dma_start3A_909 = arith.constant 0 : i32
      %dma_start3A_910 = arith.constant 0 : i32
      %dma_start3A_911 = tpu.memref_slice %arg6[%scan3A_852, %dma_start3A_909, %dma_start3A_910] : memref<2x25x80xi32, #tpu.memory_space<vmem>> -> memref<1x25x80xi32, #tpu.memory_space<vmem>>
      %dma_start3A_912 = tpu.memref_squeeze %dma_start3A_911 : memref<1x25x80xi32, #tpu.memory_space<vmem>> -> memref<25x80xi32, #tpu.memory_space<vmem>>
      %dma_start3A_913 = arith.constant 0 : i32
      %dma_start3A_914 = tpu.memref_slice %dma_start3A_912[%add3A_908, %dma_start3A_913] : memref<25x80xi32, #tpu.memory_space<vmem>> -> memref<1x80xi32, #tpu.memory_space<vmem>>
      %dma_start3A_915 = tpu.memref_squeeze %dma_start3A_914 : memref<1x80xi32, #tpu.memory_space<vmem>> -> memref<80xi32, #tpu.memory_space<vmem>>
      %dma_start3A_916 = arith.constant 0 : i32
      %dma_start3A_917 = arith.constant 0 : i32
      %dma_start3A_918 = tpu.memref_slice %arg4[%dma_start3A_916, %dma_start3A_917] : memref<10000x128xf32, #tpu.memory_space<hbm>> -> memref<10000x128xf32, #tpu.memory_space<hbm>>
      tpu.enqueue_indirect_dma source(%dma_start3A_918 : memref<10000x128xf32, #tpu.memory_space<hbm>>) target(%arg10 : memref<80x128xf32, #tpu.memory_space<vmem>>) offsets(%dma_start3A_915 : memref<80xi32, #tpu.memory_space<vmem>>) semaphore(%arg13 : memref<!tpu.dma_semaphore, #tpu.memory_space<semaphore_mem>>)
      %dma_wait3A_919 = arith.constant 0 : i32
      %dma_wait3A_920 = arith.constant 0 : i32
      %dma_wait3A_921 = tpu.memref_slice %arg6[%scan3A_852, %dma_wait3A_919, %dma_wait3A_920] : memref<2x25x80xi32, #tpu.memory_space<vmem>> -> memref<1x25x80xi32, #tpu.memory_space<vmem>>
      %dma_wait3A_922 = tpu.memref_squeeze %dma_wait3A_921 : memref<1x25x80xi32, #tpu.memory_space<vmem>> -> memref<25x80xi32, #tpu.memory_space<vmem>>
      %dma_wait3A_923 = arith.constant 0 : i32
      %dma_wait3A_924 = tpu.memref_slice %dma_wait3A_922[%mul3A_906, %dma_wait3A_923] : memref<25x80xi32, #tpu.memory_space<vmem>> -> memref<1x80xi32, #tpu.memory_space<vmem>>
      %dma_wait3A_925 = tpu.memref_squeeze %dma_wait3A_924 : memref<1x80xi32, #tpu.memory_space<vmem>> -> memref<80xi32, #tpu.memory_space<vmem>>
      %dma_wait3A_926 = arith.constant 0 : i32
      %dma_wait3A_927 = arith.constant 0 : i32
      %dma_wait3A_928 = tpu.memref_slice %arg4[%dma_wait3A_926, %dma_wait3A_927] : memref<10000x128xf32, #tpu.memory_space<hbm>> -> memref<10000x128xf32, #tpu.memory_space<hbm>>
      tpu.wait_indirect_dma semaphore(%arg12 : memref<!tpu.dma_semaphore, #tpu.memory_space<semaphore_mem>>) src(%dma_wait3A_928 : memref<10000x128xf32, #tpu.memory_space<hbm>>) dst(%arg9 : memref<80x128xf32, #tpu.memory_space<vmem>>)
      %scan3A_929 = arith.constant 0 : i32
      %scan3A_930 = arith.constant 0 : i32
      %scan3A_931 = arith.constant 80 : i32
      %scan3A_932 = arith.addi %scan3A_930, %scan3A_931 : i32
      %scan3A_933 = arith.constant 1 : i32
      scf.for %scan3A_1003 = %scan3A_930 to %scan3A_932 step %scan3A_933  : i32 {
        %broadcast_in_dim3A_1004 = vector.broadcast %scan3A_1003 : i32 to vector<16xi32>
        %broadcast_in_dim3A_1005 = vector.broadcast %mul3A_906 : i32 to vector<16xi32>
        %gather3A = arith.constant 0 : i32
        %gather3A_1006 = arith.constant 0 : i32
        %gather3A_1007 = tpu.memref_slice %arg8[%scan3A_853, %gather3A, %gather3A_1006] : memref<2x25x80xf32, #tpu.memory_space<vmem>> -> memref<1x25x80xf32, #tpu.memory_space<vmem>>
        %gather3A_1008 = tpu.memref_squeeze %gather3A_1007 : memref<1x25x80xf32, #tpu.memory_space<vmem>> -> memref<25x80xf32, #tpu.memory_space<vmem>>
        %gather3A_1009 = tpu.vector_load_idx %gather3A_1008[%broadcast_in_dim3A_1005, %broadcast_in_dim3A_1004] : memref<25x80xf32, #tpu.memory_space<vmem>>[vector<16xi32>, vector<16xi32>], vector<16xf32>,
        %get3A = arith.index_cast %scan3A_1003 : i32 to index
        %get3A_1010 = arith.constant 0 : index
        %get3A_1011 = tpu.vector_load %arg9[%get3A, %get3A_1010] {strides = array<i32>} : memref<80x128xf32, #tpu.memory_space<vmem>>, vector<16xf32>,
        %mul3A_1012 = arith.mulf %get3A_1011, %gather3A_1009 : vector<16xf32>
        %swap3A = arith.index_cast %scan3A_1003 : i32 to index
        %swap3A_1013 = arith.constant 0 : index
        %swap3A_1014 = tpu.vector_load %arg9[%swap3A, %swap3A_1013] {strides = array<i32>} : memref<80x128xf32, #tpu.memory_space<vmem>>, vector<16xf32>,
        tpu.vector_store %arg9[%swap3A, %swap3A_1013], %mul3A_1012 {strides = array<i32>} : memref<80x128xf32, #tpu.memory_space<vmem>>, vector<16xf32>,
        %get3A_1015 = arith.index_cast %scan3A_1003 : i32 to index
        %get3A_1016 = arith.constant 16 : index
        %get3A_1017 = tpu.vector_load %arg9[%get3A_1015, %get3A_1016] {strides = array<i32>} : memref<80x128xf32, #tpu.memory_space<vmem>>, vector<16xf32>,
        %mul3A_1018 = arith.mulf %get3A_1017, %gather3A_1009 : vector<16xf32>
        %swap3A_1019 = arith.index_cast %scan3A_1003 : i32 to index
        %swap3A_1020 = arith.constant 16 : index
        %swap3A_1021 = tpu.vector_load %arg9[%swap3A_1019, %swap3A_1020] {strides = array<i32>} : memref<80x128xf32, #tpu.memory_space<vmem>>, vector<16xf32>,
        tpu.vector_store %arg9[%swap3A_1019, %swap3A_1020], %mul3A_1018 {strides = array<i32>} : memref<80x128xf32, #tpu.memory_space<vmem>>, vector<16xf32>,
        %get3A_1022 = arith.index_cast %scan3A_1003 : i32 to index
        %get3A_1023 = arith.constant 32 : index
        %get3A_1024 = tpu.vector_load %arg9[%get3A_1022, %get3A_1023] {strides = array<i32>} : memref<80x128xf32, #tpu.memory_space<vmem>>, vector<16xf32>,
        %mul3A_1025 = arith.mulf %get3A_1024, %gather3A_1009 : vector<16xf32>
        %swap3A_1026 = arith.index_cast %scan3A_1003 : i32 to index
        %swap3A_1027 = arith.constant 32 : index
        %swap3A_1028 = tpu.vector_load %arg9[%swap3A_1026, %swap3A_1027] {strides = array<i32>} : memref<80x128xf32, #tpu.memory_space<vmem>>, vector<16xf32>,
        tpu.vector_store %arg9[%swap3A_1026, %swap3A_1027], %mul3A_1025 {strides = array<i32>} : memref<80x128xf32, #tpu.memory_space<vmem>>, vector<16xf32>,
        %get3A_1029 = arith.index_cast %scan3A_1003 : i32 to index
        %get3A_1030 = arith.constant 48 : index
        %get3A_1031 = tpu.vector_load %arg9[%get3A_1029, %get3A_1030] {strides = array<i32>} : memref<80x128xf32, #tpu.memory_space<vmem>>, vector<16xf32>,
        %mul3A_1032 = arith.mulf %get3A_1031, %gather3A_1009 : vector<16xf32>
        %swap3A_1033 = arith.index_cast %scan3A_1003 : i32 to index
        %swap3A_1034 = arith.constant 48 : index
        %swap3A_1035 = tpu.vector_load %arg9[%swap3A_1033, %swap3A_1034] {strides = array<i32>} : memref<80x128xf32, #tpu.memory_space<vmem>>, vector<16xf32>,
        tpu.vector_store %arg9[%swap3A_1033, %swap3A_1034], %mul3A_1032 {strides = array<i32>} : memref<80x128xf32, #tpu.memory_space<vmem>>, vector<16xf32>,
        %get3A_1036 = arith.index_cast %scan3A_1003 : i32 to index
        %get3A_1037 = arith.constant 64 : index
        %get3A_1038 = tpu.vector_load %arg9[%get3A_1036, %get3A_1037] {strides = array<i32>} : memref<80x128xf32, #tpu.memory_space<vmem>>, vector<16xf32>,
        %mul3A_1039 = arith.mulf %get3A_1038, %gather3A_1009 : vector<16xf32>
        %swap3A_1040 = arith.index_cast %scan3A_1003 : i32 to index
        %swap3A_1041 = arith.constant 64 : index
        %swap3A_1042 = tpu.vector_load %arg9[%swap3A_1040, %swap3A_1041] {strides = array<i32>} : memref<80x128xf32, #tpu.memory_space<vmem>>, vector<16xf32>,
        tpu.vector_store %arg9[%swap3A_1040, %swap3A_1041], %mul3A_1039 {strides = array<i32>} : memref<80x128xf32, #tpu.memory_space<vmem>>, vector<16xf32>,
        %get3A_1043 = arith.index_cast %scan3A_1003 : i32 to index
        %get3A_1044 = arith.constant 80 : index
        %get3A_1045 = tpu.vector_load %arg9[%get3A_1043, %get3A_1044] {strides = array<i32>} : memref<80x128xf32, #tpu.memory_space<vmem>>, vector<16xf32>,
        %mul3A_1046 = arith.mulf %get3A_1045, %gather3A_1009 : vector<16xf32>
        %swap3A_1047 = arith.index_cast %scan3A_1003 : i32 to index
        %swap3A_1048 = arith.constant 80 : index
        %swap3A_1049 = tpu.vector_load %arg9[%swap3A_1047, %swap3A_1048] {strides = array<i32>} : memref<80x128xf32, #tpu.memory_space<vmem>>, vector<16xf32>,
        tpu.vector_store %arg9[%swap3A_1047, %swap3A_1048], %mul3A_1046 {strides = array<i32>} : memref<80x128xf32, #tpu.memory_space<vmem>>, vector<16xf32>,
        %get3A_1050 = arith.index_cast %scan3A_1003 : i32 to index
        %get3A_1051 = arith.constant 96 : index
        %get3A_1052 = tpu.vector_load %arg9[%get3A_1050, %get3A_1051] {strides = array<i32>} : memref<80x128xf32, #tpu.memory_space<vmem>>, vector<16xf32>,
        %mul3A_1053 = arith.mulf %get3A_1052, %gather3A_1009 : vector<16xf32>
        %swap3A_1054 = arith.index_cast %scan3A_1003 : i32 to index
        %swap3A_1055 = arith.constant 96 : index
        %swap3A_1056 = tpu.vector_load %arg9[%swap3A_1054, %swap3A_1055] {strides = array<i32>} : memref<80x128xf32, #tpu.memory_space<vmem>>, vector<16xf32>,
        tpu.vector_store %arg9[%swap3A_1054, %swap3A_1055], %mul3A_1053 {strides = array<i32>} : memref<80x128xf32, #tpu.memory_space<vmem>>, vector<16xf32>,
        %get3A_1057 = arith.index_cast %scan3A_1003 : i32 to index
        %get3A_1058 = arith.constant 112 : index
        %get3A_1059 = tpu.vector_load %arg9[%get3A_1057, %get3A_1058] {strides = array<i32>} : memref<80x128xf32, #tpu.memory_space<vmem>>, vector<16xf32>,
        %mul3A_1060 = arith.mulf %get3A_1059, %gather3A_1009 : vector<16xf32>
        %swap3A_1061 = arith.index_cast %scan3A_1003 : i32 to index
        %swap3A_1062 = arith.constant 112 : index
        %swap3A_1063 = tpu.vector_load %arg9[%swap3A_1061, %swap3A_1062] {strides = array<i32>} : memref<80x128xf32, #tpu.memory_space<vmem>>, vector<16xf32>,
        tpu.vector_store %arg9[%swap3A_1061, %swap3A_1062], %mul3A_1060 {strides = array<i32>} : memref<80x128xf32, #tpu.memory_space<vmem>>, vector<16xf32>,
      }
      %scan3A_934 = arith.constant 80 : i32
      %dma_start3A_935 = arith.constant 0 : i32
      %dma_start3A_936 = arith.constant 0 : i32
      %dma_start3A_937 = tpu.memref_slice %arg7[%scan3A_854, %dma_start3A_935, %dma_start3A_936] : memref<2x25x80xi32, #tpu.memory_space<vmem>> -> memref<1x25x80xi32, #tpu.memory_space<vmem>>
      %dma_start3A_938 = tpu.memref_squeeze %dma_start3A_937 : memref<1x25x80xi32, #tpu.memory_space<vmem>> -> memref<25x80xi32, #tpu.memory_space<vmem>>
      %dma_start3A_939 = arith.constant 0 : i32
      %dma_start3A_940 = tpu.memref_slice %dma_start3A_938[%mul3A_906, %dma_start3A_939] : memref<25x80xi32, #tpu.memory_space<vmem>> -> memref<1x80xi32, #tpu.memory_space<vmem>>
      %dma_start3A_941 = tpu.memref_squeeze %dma_start3A_940 : memref<1x80xi32, #tpu.memory_space<vmem>> -> memref<80xi32, #tpu.memory_space<vmem>>
      %dma_start3A_942 = arith.constant 0 : i32
      %dma_start3A_943 = arith.constant 0 : i32
      %dma_start3A_944 = tpu.memref_slice %arg11[%dma_start3A_942, %dma_start3A_943] : memref<10240x128xf32, #tpu.memory_space<vmem_shared>> -> memref<10240x128xf32, #tpu.memory_space<vmem_shared>>
      tpu.enqueue_indirect_dma source(%arg9 : memref<80x128xf32, #tpu.memory_space<vmem>>) target(%dma_start3A_944 : memref<10240x128xf32, #tpu.memory_space<vmem_shared>>) offsets(%dma_start3A_941 : memref<80xi32, #tpu.memory_space<vmem>>) semaphore(%arg14 : memref<!tpu.dma_semaphore, #tpu.memory_space<semaphore_mem>>) {add = true}
      %dma_wait3A_945 = arith.constant 0 : i32
      %dma_wait3A_946 = arith.constant 0 : i32
      %dma_wait3A_947 = tpu.memref_slice %arg6[%scan3A_852, %dma_wait3A_945, %dma_wait3A_946] : memref<2x25x80xi32, #tpu.memory_space<vmem>> -> memref<1x25x80xi32, #tpu.memory_space<vmem>>
      %dma_wait3A_948 = tpu.memref_squeeze %dma_wait3A_947 : memref<1x25x80xi32, #tpu.memory_space<vmem>> -> memref<25x80xi32, #tpu.memory_space<vmem>>
      %dma_wait3A_949 = arith.constant 0 : i32
      %dma_wait3A_950 = tpu.memref_slice %dma_wait3A_948[%add3A_908, %dma_wait3A_949] : memref<25x80xi32, #tpu.memory_space<vmem>> -> memref<1x80xi32, #tpu.memory_space<vmem>>
      %dma_wait3A_951 = tpu.memref_squeeze %dma_wait3A_950 : memref<1x80xi32, #tpu.memory_space<vmem>> -> memref<80xi32, #tpu.memory_space<vmem>>
      %dma_wait3A_952 = arith.constant 0 : i32
      %dma_wait3A_953 = arith.constant 0 : i32
      %dma_wait3A_954 = tpu.memref_slice %arg4[%dma_wait3A_952, %dma_wait3A_953] : memref<10000x128xf32, #tpu.memory_space<hbm>> -> memref<10000x128xf32, #tpu.memory_space<hbm>>
      tpu.wait_indirect_dma semaphore(%arg13 : memref<!tpu.dma_semaphore, #tpu.memory_space<semaphore_mem>>) src(%dma_wait3A_954 : memref<10000x128xf32, #tpu.memory_space<hbm>>) dst(%arg10 : memref<80x128xf32, #tpu.memory_space<vmem>>)
      %scan3A_955 = arith.constant 0 : i32
      %scan3A_956 = arith.constant 0 : i32
      %scan3A_957 = arith.constant 80 : i32
      %scan3A_958 = arith.addi %scan3A_956, %scan3A_957 : i32
      %scan3A_959 = arith.constant 1 : i32
      scf.for %scan3A_1003 = %scan3A_956 to %scan3A_958 step %scan3A_959  : i32 {
        %broadcast_in_dim3A_1004 = vector.broadcast %scan3A_1003 : i32 to vector<16xi32>
        %broadcast_in_dim3A_1005 = vector.broadcast %add3A_908 : i32 to vector<16xi32>
        %gather3A = arith.constant 0 : i32
        %gather3A_1006 = arith.constant 0 : i32
        %gather3A_1007 = tpu.memref_slice %arg8[%scan3A_853, %gather3A, %gather3A_1006] : memref<2x25x80xf32, #tpu.memory_space<vmem>> -> memref<1x25x80xf32, #tpu.memory_space<vmem>>
        %gather3A_1008 = tpu.memref_squeeze %gather3A_1007 : memref<1x25x80xf32, #tpu.memory_space<vmem>> -> memref<25x80xf32, #tpu.memory_space<vmem>>
        %gather3A_1009 = tpu.vector_load_idx %gather3A_1008[%broadcast_in_dim3A_1005, %broadcast_in_dim3A_1004] : memref<25x80xf32, #tpu.memory_space<vmem>>[vector<16xi32>, vector<16xi32>], vector<16xf32>,
        %get3A = arith.index_cast %scan3A_1003 : i32 to index
        %get3A_1010 = arith.constant 0 : index
        %get3A_1011 = tpu.vector_load %arg10[%get3A, %get3A_1010] {strides = array<i32>} : memref<80x128xf32, #tpu.memory_space<vmem>>, vector<16xf32>,
        %mul3A_1012 = arith.mulf %get3A_1011, %gather3A_1009 : vector<16xf32>
        %swap3A = arith.index_cast %scan3A_1003 : i32 to index
        %swap3A_1013 = arith.constant 0 : index
        %swap3A_1014 = tpu.vector_load %arg10[%swap3A, %swap3A_1013] {strides = array<i32>} : memref<80x128xf32, #tpu.memory_space<vmem>>, vector<16xf32>,
        tpu.vector_store %arg10[%swap3A, %swap3A_1013], %mul3A_1012 {strides = array<i32>} : memref<80x128xf32, #tpu.memory_space<vmem>>, vector<16xf32>,
        %get3A_1015 = arith.index_cast %scan3A_1003 : i32 to index
        %get3A_1016 = arith.constant 16 : index
        %get3A_1017 = tpu.vector_load %arg10[%get3A_1015, %get3A_1016] {strides = array<i32>} : memref<80x128xf32, #tpu.memory_space<vmem>>, vector<16xf32>,
        %mul3A_1018 = arith.mulf %get3A_1017, %gather3A_1009 : vector<16xf32>
        %swap3A_1019 = arith.index_cast %scan3A_1003 : i32 to index
        %swap3A_1020 = arith.constant 16 : index
        %swap3A_1021 = tpu.vector_load %arg10[%swap3A_1019, %swap3A_1020] {strides = array<i32>} : memref<80x128xf32, #tpu.memory_space<vmem>>, vector<16xf32>,
        tpu.vector_store %arg10[%swap3A_1019, %swap3A_1020], %mul3A_1018 {strides = array<i32>} : memref<80x128xf32, #tpu.memory_space<vmem>>, vector<16xf32>,
        %get3A_1022 = arith.index_cast %scan3A_1003 : i32 to index
        %get3A_1023 = arith.constant 32 : index
        %get3A_1024 = tpu.vector_load %arg10[%get3A_1022, %get3A_1023] {strides = array<i32>} : memref<80x128xf32, #tpu.memory_space<vmem>>, vector<16xf32>,
        %mul3A_1025 = arith.mulf %get3A_1024, %gather3A_1009 : vector<16xf32>
        %swap3A_1026 = arith.index_cast %scan3A_1003 : i32 to index
        %swap3A_1027 = arith.constant 32 : index
        %swap3A_1028 = tpu.vector_load %arg10[%swap3A_1026, %swap3A_1027] {strides = array<i32>} : memref<80x128xf32, #tpu.memory_space<vmem>>, vector<16xf32>,
        tpu.vector_store %arg10[%swap3A_1026, %swap3A_1027], %mul3A_1025 {strides = array<i32>} : memref<80x128xf32, #tpu.memory_space<vmem>>, vector<16xf32>,
        %get3A_1029 = arith.index_cast %scan3A_1003 : i32 to index
        %get3A_1030 = arith.constant 48 : index
        %get3A_1031 = tpu.vector_load %arg10[%get3A_1029, %get3A_1030] {strides = array<i32>} : memref<80x128xf32, #tpu.memory_space<vmem>>, vector<16xf32>,
        %mul3A_1032 = arith.mulf %get3A_1031, %gather3A_1009 : vector<16xf32>
        %swap3A_1033 = arith.index_cast %scan3A_1003 : i32 to index
        %swap3A_1034 = arith.constant 48 : index
        %swap3A_1035 = tpu.vector_load %arg10[%swap3A_1033, %swap3A_1034] {strides = array<i32>} : memref<80x128xf32, #tpu.memory_space<vmem>>, vector<16xf32>,
        tpu.vector_store %arg10[%swap3A_1033, %swap3A_1034], %mul3A_1032 {strides = array<i32>} : memref<80x128xf32, #tpu.memory_space<vmem>>, vector<16xf32>,
        %get3A_1036 = arith.index_cast %scan3A_1003 : i32 to index
        %get3A_1037 = arith.constant 64 : index
        %get3A_1038 = tpu.vector_load %arg10[%get3A_1036, %get3A_1037] {strides = array<i32>} : memref<80x128xf32, #tpu.memory_space<vmem>>, vector<16xf32>,
        %mul3A_1039 = arith.mulf %get3A_1038, %gather3A_1009 : vector<16xf32>
        %swap3A_1040 = arith.index_cast %scan3A_1003 : i32 to index
        %swap3A_1041 = arith.constant 64 : index
        %swap3A_1042 = tpu.vector_load %arg10[%swap3A_1040, %swap3A_1041] {strides = array<i32>} : memref<80x128xf32, #tpu.memory_space<vmem>>, vector<16xf32>,
        tpu.vector_store %arg10[%swap3A_1040, %swap3A_1041], %mul3A_1039 {strides = array<i32>} : memref<80x128xf32, #tpu.memory_space<vmem>>, vector<16xf32>,
        %get3A_1043 = arith.index_cast %scan3A_1003 : i32 to index
        %get3A_1044 = arith.constant 80 : index
        %get3A_1045 = tpu.vector_load %arg10[%get3A_1043, %get3A_1044] {strides = array<i32>} : memref<80x128xf32, #tpu.memory_space<vmem>>, vector<16xf32>,
        %mul3A_1046 = arith.mulf %get3A_1045, %gather3A_1009 : vector<16xf32>
        %swap3A_1047 = arith.index_cast %scan3A_1003 : i32 to index
        %swap3A_1048 = arith.constant 80 : index
        %swap3A_1049 = tpu.vector_load %arg10[%swap3A_1047, %swap3A_1048] {strides = array<i32>} : memref<80x128xf32, #tpu.memory_space<vmem>>, vector<16xf32>,
        tpu.vector_store %arg10[%swap3A_1047, %swap3A_1048], %mul3A_1046 {strides = array<i32>} : memref<80x128xf32, #tpu.memory_space<vmem>>, vector<16xf32>,
        %get3A_1050 = arith.index_cast %scan3A_1003 : i32 to index
        %get3A_1051 = arith.constant 96 : index
        %get3A_1052 = tpu.vector_load %arg10[%get3A_1050, %get3A_1051] {strides = array<i32>} : memref<80x128xf32, #tpu.memory_space<vmem>>, vector<16xf32>,
        %mul3A_1053 = arith.mulf %get3A_1052, %gather3A_1009 : vector<16xf32>
        %swap3A_1054 = arith.index_cast %scan3A_1003 : i32 to index
        %swap3A_1055 = arith.constant 96 : index
        %swap3A_1056 = tpu.vector_load %arg10[%swap3A_1054, %swap3A_1055] {strides = array<i32>} : memref<80x128xf32, #tpu.memory_space<vmem>>, vector<16xf32>,
        tpu.vector_store %arg10[%swap3A_1054, %swap3A_1055], %mul3A_1053 {strides = array<i32>} : memref<80x128xf32, #tpu.memory_space<vmem>>, vector<16xf32>,
        %get3A_1057 = arith.index_cast %scan3A_1003 : i32 to index
        %get3A_1058 = arith.constant 112 : index
        %get3A_1059 = tpu.vector_load %arg10[%get3A_1057, %get3A_1058] {strides = array<i32>} : memref<80x128xf32, #tpu.memory_space<vmem>>, vector<16xf32>,
        %mul3A_1060 = arith.mulf %get3A_1059, %gather3A_1009 : vector<16xf32>
        %swap3A_1061 = arith.index_cast %scan3A_1003 : i32 to index
        %swap3A_1062 = arith.constant 112 : index
        %swap3A_1063 = tpu.vector_load %arg10[%swap3A_1061, %swap3A_1062] {strides = array<i32>} : memref<80x128xf32, #tpu.memory_space<vmem>>, vector<16xf32>,
        tpu.vector_store %arg10[%swap3A_1061, %swap3A_1062], %mul3A_1060 {strides = array<i32>} : memref<80x128xf32, #tpu.memory_space<vmem>>, vector<16xf32>,
      }
      %scan3A_960 = arith.constant 80 : i32
      %dma_start3A_961 = arith.constant 0 : i32
      %dma_start3A_962 = arith.constant 0 : i32
      %dma_start3A_963 = tpu.memref_slice %arg7[%scan3A_854, %dma_start3A_961, %dma_start3A_962] : memref<2x25x80xi32, #tpu.memory_space<vmem>> -> memref<1x25x80xi32, #tpu.memory_space<vmem>>
      %dma_start3A_964 = tpu.memref_squeeze %dma_start3A_963 : memref<1x25x80xi32, #tpu.memory_space<vmem>> -> memref<25x80xi32, #tpu.memory_space<vmem>>
      %dma_start3A_965 = arith.constant 0 : i32
      %dma_start3A_966 = tpu.memref_slice %dma_start3A_964[%add3A_908, %dma_start3A_965] : memref<25x80xi32, #tpu.memory_space<vmem>> -> memref<1x80xi32, #tpu.memory_space<vmem>>
      %dma_start3A_967 = tpu.memref_squeeze %dma_start3A_966 : memref<1x80xi32, #tpu.memory_space<vmem>> -> memref<80xi32, #tpu.memory_space<vmem>>
      %dma_start3A_968 = arith.constant 0 : i32
      %dma_start3A_969 = arith.constant 0 : i32
      %dma_start3A_970 = tpu.memref_slice %arg11[%dma_start3A_968, %dma_start3A_969] : memref<10240x128xf32, #tpu.memory_space<vmem_shared>> -> memref<10240x128xf32, #tpu.memory_space<vmem_shared>>
      tpu.enqueue_indirect_dma source(%arg10 : memref<80x128xf32, #tpu.memory_space<vmem>>) target(%dma_start3A_970 : memref<10240x128xf32, #tpu.memory_space<vmem_shared>>) offsets(%dma_start3A_967 : memref<80xi32, #tpu.memory_space<vmem>>) semaphore(%arg15 : memref<!tpu.dma_semaphore, #tpu.memory_space<semaphore_mem>>) {add = true}
      %dma_wait3A_971 = arith.constant 0 : i32
      %dma_wait3A_972 = arith.constant 0 : i32
      %dma_wait3A_973 = tpu.memref_slice %arg7[%scan3A_854, %dma_wait3A_971, %dma_wait3A_972] : memref<2x25x80xi32, #tpu.memory_space<vmem>> -> memref<1x25x80xi32, #tpu.memory_space<vmem>>
      %dma_wait3A_974 = tpu.memref_squeeze %dma_wait3A_973 : memref<1x25x80xi32, #tpu.memory_space<vmem>> -> memref<25x80xi32, #tpu.memory_space<vmem>>
      %dma_wait3A_975 = arith.constant 0 : i32
      %dma_wait3A_976 = tpu.memref_slice %dma_wait3A_974[%mul3A_906, %dma_wait3A_975] : memref<25x80xi32, #tpu.memory_space<vmem>> -> memref<1x80xi32, #tpu.memory_space<vmem>>
      %dma_wait3A_977 = tpu.memref_squeeze %dma_wait3A_976 : memref<1x80xi32, #tpu.memory_space<vmem>> -> memref<80xi32, #tpu.memory_space<vmem>>
      %dma_wait3A_978 = arith.constant 0 : i32
      %dma_wait3A_979 = arith.constant 0 : i32
      %dma_wait3A_980 = tpu.memref_slice %arg11[%dma_wait3A_978, %dma_wait3A_979] : memref<10240x128xf32, #tpu.memory_space<vmem_shared>> -> memref<10240x128xf32, #tpu.memory_space<vmem_shared>>
      tpu.wait_indirect_dma semaphore(%arg14 : memref<!tpu.dma_semaphore, #tpu.memory_space<semaphore_mem>>) src(%arg9 : memref<80x128xf32, #tpu.memory_space<vmem>>) dst(%dma_wait3A_980 : memref<10240x128xf32, #tpu.memory_space<vmem_shared>>)
      %add3A_981 = arith.constant 2 : i32
      %add3A_982 = arith.addi %mul3A_906, %add3A_981 : i32
      %dma_start3A_983 = arith.constant 0 : i32
      %dma_start3A_984 = arith.constant 0 : i32
      %dma_start3A_985 = tpu.memref_slice %arg6[%scan3A_852, %dma_start3A_983, %dma_start3A_984] : memref<2x25x80xi32, #tpu.memory_space<vmem>> -> memref<1x25x80xi32, #tpu.memory_space<vmem>>
      %dma_start3A_986 = tpu.memref_squeeze %dma_start3A_985 : memref<1x25x80xi32, #tpu.memory_space<vmem>> -> memref<25x80xi32, #tpu.memory_space<vmem>>
      %dma_start3A_987 = arith.constant 0 : i32
      %dma_start3A_988 = tpu.memref_slice %dma_start3A_986[%add3A_982, %dma_start3A_987] : memref<25x80xi32, #tpu.memory_space<vmem>> -> memref<1x80xi32, #tpu.memory_space<vmem>>
      %dma_start3A_989 = tpu.memref_squeeze %dma_start3A_988 : memref<1x80xi32, #tpu.memory_space<vmem>> -> memref<80xi32, #tpu.memory_space<vmem>>
      %dma_start3A_990 = arith.constant 0 : i32
      %dma_start3A_991 = arith.constant 0 : i32
      %dma_start3A_992 = tpu.memref_slice %arg4[%dma_start3A_990, %dma_start3A_991] : memref<10000x128xf32, #tpu.memory_space<hbm>> -> memref<10000x128xf32, #tpu.memory_space<hbm>>
      tpu.enqueue_indirect_dma source(%dma_start3A_992 : memref<10000x128xf32, #tpu.memory_space<hbm>>) target(%arg9 : memref<80x128xf32, #tpu.memory_space<vmem>>) offsets(%dma_start3A_989 : memref<80xi32, #tpu.memory_space<vmem>>) semaphore(%arg12 : memref<!tpu.dma_semaphore, #tpu.memory_space<semaphore_mem>>)
      %dma_wait3A_993 = arith.constant 0 : i32
      %dma_wait3A_994 = arith.constant 0 : i32
      %dma_wait3A_995 = tpu.memref_slice %arg7[%scan3A_854, %dma_wait3A_993, %dma_wait3A_994] : memref<2x25x80xi32, #tpu.memory_space<vmem>> -> memref<1x25x80xi32, #tpu.memory_space<vmem>>
      %dma_wait3A_996 = tpu.memref_squeeze %dma_wait3A_995 : memref<1x25x80xi32, #tpu.memory_space<vmem>> -> memref<25x80xi32, #tpu.memory_space<vmem>>
      %dma_wait3A_997 = arith.constant 0 : i32
      %dma_wait3A_998 = tpu.memref_slice %dma_wait3A_996[%add3A_908, %dma_wait3A_997] : memref<25x80xi32, #tpu.memory_space<vmem>> -> memref<1x80xi32, #tpu.memory_space<vmem>>
      %dma_wait3A_999 = tpu.memref_squeeze %dma_wait3A_998 : memref<1x80xi32, #tpu.memory_space<vmem>> -> memref<80xi32, #tpu.memory_space<vmem>>
      %dma_wait3A_1000 = arith.constant 0 : i32
      %dma_wait3A_1001 = arith.constant 0 : i32
      %dma_wait3A_1002 = tpu.memref_slice %arg11[%dma_wait3A_1000, %dma_wait3A_1001] : memref<10240x128xf32, #tpu.memory_space<vmem_shared>> -> memref<10240x128xf32, #tpu.memory_space<vmem_shared>>
      tpu.wait_indirect_dma semaphore(%arg15 : memref<!tpu.dma_semaphore, #tpu.memory_space<semaphore_mem>>) src(%arg10 : memref<80x128xf32, #tpu.memory_space<vmem>>) dst(%dma_wait3A_1002 : memref<10240x128xf32, #tpu.memory_space<vmem_shared>>)
    }
    %scan3A_859 = arith.constant 12 : i32
    %dma_wait3A_860 = arith.constant 0 : i32
    %dma_wait3A_861 = arith.constant 24 : i32
    %dma_wait3A_862 = arith.constant 0 : i32
    %dma_wait3A_863 = arith.constant 0 : i32
    %dma_wait3A_864 = tpu.memref_slice %arg6[%dma_wait3A_860, %dma_wait3A_862, %dma_wait3A_863] : memref<2x25x80xi32, #tpu.memory_space<vmem>> -> memref<1x25x80xi32, #tpu.memory_space<vmem>>
    %dma_wait3A_865 = tpu.memref_squeeze %dma_wait3A_864 : memref<1x25x80xi32, #tpu.memory_space<vmem>> -> memref<25x80xi32, #tpu.memory_space<vmem>>
    %dma_wait3A_866 = arith.constant 0 : i32
    %dma_wait3A_867 = tpu.memref_slice %dma_wait3A_865[%dma_wait3A_861, %dma_wait3A_866] : memref<25x80xi32, #tpu.memory_space<vmem>> -> memref<1x80xi32, #tpu.memory_space<vmem>>
    %dma_wait3A_868 = tpu.memref_squeeze %dma_wait3A_867 : memref<1x80xi32, #tpu.memory_space<vmem>> -> memref<80xi32, #tpu.memory_space<vmem>>
    %dma_wait3A_869 = arith.constant 0 : i32
    %dma_wait3A_870 = arith.constant 0 : i32
    %dma_wait3A_871 = tpu.memref_slice %arg4[%dma_wait3A_869, %dma_wait3A_870] : memref<10000x128xf32, #tpu.memory_space<hbm>> -> memref<10000x128xf32, #tpu.memory_space<hbm>>
    tpu.wait_indirect_dma semaphore(%arg12 : memref<!tpu.dma_semaphore, #tpu.memory_space<semaphore_mem>>) src(%dma_wait3A_871 : memref<10000x128xf32, #tpu.memory_space<hbm>>) dst(%arg9 : memref<80x128xf32, #tpu.memory_space<vmem>>)
    %scan3A_872 = arith.constant 0 : i32
    %scan3A_873 = arith.constant 0 : i32
    %scan3A_874 = arith.constant 0 : i32
    %scan3A_875 = arith.constant 80 : i32
    %scan3A_876 = arith.addi %scan3A_874, %scan3A_875 : i32
    %scan3A_877 = arith.constant 1 : i32
    scf.for %scan3A_904 = %scan3A_874 to %scan3A_876 step %scan3A_877  : i32 {
      %broadcast_in_dim3A_905 = vector.broadcast %scan3A_904 : i32 to vector<16xi32>
      %broadcast_in_dim3A_906 = arith.constant 24 : i32
      %broadcast_in_dim3A_907 = vector.broadcast %broadcast_in_dim3A_906 : i32 to vector<16xi32>
      %gather3A = arith.constant 0 : i32
      %gather3A_908 = arith.constant 0 : i32
      %gather3A_909 = tpu.memref_slice %arg8[%scan3A_873, %gather3A, %gather3A_908] : memref<2x25x80xf32, #tpu.memory_space<vmem>> -> memref<1x25x80xf32, #tpu.memory_space<vmem>>
      %gather3A_910 = tpu.memref_squeeze %gather3A_909 : memref<1x25x80xf32, #tpu.memory_space<vmem>> -> memref<25x80xf32, #tpu.memory_space<vmem>>
      %gather3A_911 = tpu.vector_load_idx %gather3A_910[%broadcast_in_dim3A_907, %broadcast_in_dim3A_905] : memref<25x80xf32, #tpu.memory_space<vmem>>[vector<16xi32>, vector<16xi32>], vector<16xf32>,
      %get3A = arith.index_cast %scan3A_904 : i32 to index
      %get3A_912 = arith.constant 0 : index
      %get3A_913 = tpu.vector_load %arg9[%get3A, %get3A_912] {strides = array<i32>} : memref<80x128xf32, #tpu.memory_space<vmem>>, vector<16xf32>,
      %mul3A_914 = arith.mulf %get3A_913, %gather3A_911 : vector<16xf32>
      %swap3A = arith.index_cast %scan3A_904 : i32 to index
      %swap3A_915 = arith.constant 0 : index
      %swap3A_916 = tpu.vector_load %arg9[%swap3A, %swap3A_915] {strides = array<i32>} : memref<80x128xf32, #tpu.memory_space<vmem>>, vector<16xf32>,
      tpu.vector_store %arg9[%swap3A, %swap3A_915], %mul3A_914 {strides = array<i32>} : memref<80x128xf32, #tpu.memory_space<vmem>>, vector<16xf32>,
      %get3A_917 = arith.index_cast %scan3A_904 : i32 to index
      %get3A_918 = arith.constant 16 : index
      %get3A_919 = tpu.vector_load %arg9[%get3A_917, %get3A_918] {strides = array<i32>} : memref<80x128xf32, #tpu.memory_space<vmem>>, vector<16xf32>,
      %mul3A_920 = arith.mulf %get3A_919, %gather3A_911 : vector<16xf32>
      %swap3A_921 = arith.index_cast %scan3A_904 : i32 to index
      %swap3A_922 = arith.constant 16 : index
      %swap3A_923 = tpu.vector_load %arg9[%swap3A_921, %swap3A_922] {strides = array<i32>} : memref<80x128xf32, #tpu.memory_space<vmem>>, vector<16xf32>,
      tpu.vector_store %arg9[%swap3A_921, %swap3A_922], %mul3A_920 {strides = array<i32>} : memref<80x128xf32, #tpu.memory_space<vmem>>, vector<16xf32>,
      %get3A_924 = arith.index_cast %scan3A_904 : i32 to index
      %get3A_925 = arith.constant 32 : index
      %get3A_926 = tpu.vector_load %arg9[%get3A_924, %get3A_925] {strides = array<i32>} : memref<80x128xf32, #tpu.memory_space<vmem>>, vector<16xf32>,
      %mul3A_927 = arith.mulf %get3A_926, %gather3A_911 : vector<16xf32>
      %swap3A_928 = arith.index_cast %scan3A_904 : i32 to index
      %swap3A_929 = arith.constant 32 : index
      %swap3A_930 = tpu.vector_load %arg9[%swap3A_928, %swap3A_929] {strides = array<i32>} : memref<80x128xf32, #tpu.memory_space<vmem>>, vector<16xf32>,
      tpu.vector_store %arg9[%swap3A_928, %swap3A_929], %mul3A_927 {strides = array<i32>} : memref<80x128xf32, #tpu.memory_space<vmem>>, vector<16xf32>,
      %get3A_931 = arith.index_cast %scan3A_904 : i32 to index
      %get3A_932 = arith.constant 48 : index
      %get3A_933 = tpu.vector_load %arg9[%get3A_931, %get3A_932] {strides = array<i32>} : memref<80x128xf32, #tpu.memory_space<vmem>>, vector<16xf32>,
      %mul3A_934 = arith.mulf %get3A_933, %gather3A_911 : vector<16xf32>
      %swap3A_935 = arith.index_cast %scan3A_904 : i32 to index
      %swap3A_936 = arith.constant 48 : index
      %swap3A_937 = tpu.vector_load %arg9[%swap3A_935, %swap3A_936] {strides = array<i32>} : memref<80x128xf32, #tpu.memory_space<vmem>>, vector<16xf32>,
      tpu.vector_store %arg9[%swap3A_935, %swap3A_936], %mul3A_934 {strides = array<i32>} : memref<80x128xf32, #tpu.memory_space<vmem>>, vector<16xf32>,
      %get3A_938 = arith.index_cast %scan3A_904 : i32 to index
      %get3A_939 = arith.constant 64 : index
      %get3A_940 = tpu.vector_load %arg9[%get3A_938, %get3A_939] {strides = array<i32>} : memref<80x128xf32, #tpu.memory_space<vmem>>, vector<16xf32>,
      %mul3A_941 = arith.mulf %get3A_940, %gather3A_911 : vector<16xf32>
      %swap3A_942 = arith.index_cast %scan3A_904 : i32 to index
      %swap3A_943 = arith.constant 64 : index
      %swap3A_944 = tpu.vector_load %arg9[%swap3A_942, %swap3A_943] {strides = array<i32>} : memref<80x128xf32, #tpu.memory_space<vmem>>, vector<16xf32>,
      tpu.vector_store %arg9[%swap3A_942, %swap3A_943], %mul3A_941 {strides = array<i32>} : memref<80x128xf32, #tpu.memory_space<vmem>>, vector<16xf32>,
      %get3A_945 = arith.index_cast %scan3A_904 : i32 to index
      %get3A_946 = arith.constant 80 : index
      %get3A_947 = tpu.vector_load %arg9[%get3A_945, %get3A_946] {strides = array<i32>} : memref<80x128xf32, #tpu.memory_space<vmem>>, vector<16xf32>,
      %mul3A_948 = arith.mulf %get3A_947, %gather3A_911 : vector<16xf32>
      %swap3A_949 = arith.index_cast %scan3A_904 : i32 to index
      %swap3A_950 = arith.constant 80 : index
      %swap3A_951 = tpu.vector_load %arg9[%swap3A_949, %swap3A_950] {strides = array<i32>} : memref<80x128xf32, #tpu.memory_space<vmem>>, vector<16xf32>,
      tpu.vector_store %arg9[%swap3A_949, %swap3A_950], %mul3A_948 {strides = array<i32>} : memref<80x128xf32, #tpu.memory_space<vmem>>, vector<16xf32>,
      %get3A_952 = arith.index_cast %scan3A_904 : i32 to index
      %get3A_953 = arith.constant 96 : index
      %get3A_954 = tpu.vector_load %arg9[%get3A_952, %get3A_953] {strides = array<i32>} : memref<80x128xf32, #tpu.memory_space<vmem>>, vector<16xf32>,
      %mul3A_955 = arith.mulf %get3A_954, %gather3A_911 : vector<16xf32>
      %swap3A_956 = arith.index_cast %scan3A_904 : i32 to index
      %swap3A_957 = arith.constant 96 : index
      %swap3A_958 = tpu.vector_load %arg9[%swap3A_956, %swap3A_957] {strides = array<i32>} : memref<80x128xf32, #tpu.memory_space<vmem>>, vector<16xf32>,
      tpu.vector_store %arg9[%swap3A_956, %swap3A_957], %mul3A_955 {strides = array<i32>} : memref<80x128xf32, #tpu.memory_space<vmem>>, vector<16xf32>,
      %get3A_959 = arith.index_cast %scan3A_904 : i32 to index
      %get3A_960 = arith.constant 112 : index
      %get3A_961 = tpu.vector_load %arg9[%get3A_959, %get3A_960] {strides = array<i32>} : memref<80x128xf32, #tpu.memory_space<vmem>>, vector<16xf32>,
      %mul3A_962 = arith.mulf %get3A_961, %gather3A_911 : vector<16xf32>
      %swap3A_963 = arith.index_cast %scan3A_904 : i32 to index
      %swap3A_964 = arith.constant 112 : index
      %swap3A_965 = tpu.vector_load %arg9[%swap3A_963, %swap3A_964] {strides = array<i32>} : memref<80x128xf32, #tpu.memory_space<vmem>>, vector<16xf32>,
      tpu.vector_store %arg9[%swap3A_963, %swap3A_964], %mul3A_962 {strides = array<i32>} : memref<80x128xf32, #tpu.memory_space<vmem>>, vector<16xf32>,
    }
    %scan3A_878 = arith.constant 80 : i32
    %dma_start3A_879 = arith.constant 0 : i32
    %dma_start3A_880 = arith.constant 24 : i32
    %dma_start3A_881 = arith.constant 0 : i32
    %dma_start3A_882 = arith.constant 0 : i32
    %dma_start3A_883 = tpu.memref_slice %arg7[%dma_start3A_879, %dma_start3A_881, %dma_start3A_882] : memref<2x25x80xi32, #tpu.memory_space<vmem>> -> memref<1x25x80xi32, #tpu.memory_space<vmem>>
    %dma_start3A_884 = tpu.memref_squeeze %dma_start3A_883 : memref<1x25x80xi32, #tpu.memory_space<vmem>> -> memref<25x80xi32, #tpu.memory_space<vmem>>
    %dma_start3A_885 = arith.constant 0 : i32
    %dma_start3A_886 = tpu.memref_slice %dma_start3A_884[%dma_start3A_880, %dma_start3A_885] : memref<25x80xi32, #tpu.memory_space<vmem>> -> memref<1x80xi32, #tpu.memory_space<vmem>>
    %dma_start3A_887 = tpu.memref_squeeze %dma_start3A_886 : memref<1x80xi32, #tpu.memory_space<vmem>> -> memref<80xi32, #tpu.memory_space<vmem>>
    %dma_start3A_888 = arith.constant 0 : i32
    %dma_start3A_889 = arith.constant 0 : i32
    %dma_start3A_890 = tpu.memref_slice %arg11[%dma_start3A_888, %dma_start3A_889] : memref<10240x128xf32, #tpu.memory_space<vmem_shared>> -> memref<10240x128xf32, #tpu.memory_space<vmem_shared>>
    tpu.enqueue_indirect_dma source(%arg9 : memref<80x128xf32, #tpu.memory_space<vmem>>) target(%dma_start3A_890 : memref<10240x128xf32, #tpu.memory_space<vmem_shared>>) offsets(%dma_start3A_887 : memref<80xi32, #tpu.memory_space<vmem>>) semaphore(%arg14 : memref<!tpu.dma_semaphore, #tpu.memory_space<semaphore_mem>>) {add = true}
    %dma_wait3A_891 = arith.constant 0 : i32
    %dma_wait3A_892 = arith.constant 24 : i32
    %dma_wait3A_893 = arith.constant 0 : i32
    %dma_wait3A_894 = arith.constant 0 : i32
    %dma_wait3A_895 = tpu.memref_slice %arg7[%dma_wait3A_891, %dma_wait3A_893, %dma_wait3A_894] : memref<2x25x80xi32, #tpu.memory_space<vmem>> -> memref<1x25x80xi32, #tpu.memory_space<vmem>>
    %dma_wait3A_896 = tpu.memref_squeeze %dma_wait3A_895 : memref<1x25x80xi32, #tpu.memory_space<vmem>> -> memref<25x80xi32, #tpu.memory_space<vmem>>
    %dma_wait3A_897 = arith.constant 0 : i32
    %dma_wait3A_898 = tpu.memref_slice %dma_wait3A_896[%dma_wait3A_892, %dma_wait3A_897] : memref<25x80xi32, #tpu.memory_space<vmem>> -> memref<1x80xi32, #tpu.memory_space<vmem>>
    %dma_wait3A_899 = tpu.memref_squeeze %dma_wait3A_898 : memref<1x80xi32, #tpu.memory_space<vmem>> -> memref<80xi32, #tpu.memory_space<vmem>>
    %dma_wait3A_900 = arith.constant 0 : i32
    %dma_wait3A_901 = arith.constant 0 : i32
    %dma_wait3A_902 = tpu.memref_slice %arg11[%dma_wait3A_900, %dma_wait3A_901] : memref<10240x128xf32, #tpu.memory_space<vmem_shared>> -> memref<10240x128xf32, #tpu.memory_space<vmem_shared>>
    tpu.wait_indirect_dma semaphore(%arg14 : memref<!tpu.dma_semaphore, #tpu.memory_space<semaphore_mem>>) src(%arg9 : memref<80x128xf32, #tpu.memory_space<vmem>>) dst(%dma_wait3A_902 : memref<10240x128xf32, #tpu.memory_space<vmem_shared>>)
    %barrier3A_903 = arith.constant 0 : index
    tpu.barrier barrier_id(%barrier3A_903)
    "tpu.region"() ({
      %run_scoped3A = tpu.sem_alloc : memref<!tpu.dma_semaphore, #tpu.memory_space<semaphore_mem>>
      %dma_start3A_904 = arith.constant 0 : i32
      %dma_start3A_905 = tpu.memref_slice %arg5[%arg0, %mul3A_2, %dma_start3A_904] : memref<2x10240x128xf32, #tpu.memory_space<hbm>> -> memref<1x640x128xf32, #tpu.memory_space<hbm>>
      %dma_start3A_906 = tpu.memref_squeeze %dma_start3A_905 : memref<1x640x128xf32, #tpu.memory_space<hbm>> -> memref<640x128xf32, #tpu.memory_space<hbm>>
      %dma_start3A_907 = arith.constant 0 : i32
      %dma_start3A_908 = tpu.memref_slice %arg11[%mul3A_2, %dma_start3A_907] : memref<10240x128xf32, #tpu.memory_space<vmem_shared>> -> memref<640x128xf32, #tpu.memory_space<vmem_shared>>
      tpu.enqueue_dma source(%dma_start3A_908 : memref<640x128xf32, #tpu.memory_space<vmem_shared>>) target(%dma_start3A_906 : memref<640x128xf32, #tpu.memory_space<hbm>>) target_semaphore(%run_scoped3A : memref<!tpu.dma_semaphore, #tpu.memory_space<semaphore_mem>>)
      %dma_wait3A_909 = arith.constant 0 : i32
      %dma_wait3A_910 = tpu.memref_slice %arg5[%arg0, %mul3A_2, %dma_wait3A_909] : memref<2x10240x128xf32, #tpu.memory_space<hbm>> -> memref<1x640x128xf32, #tpu.memory_space<hbm>>
      %dma_wait3A_911 = tpu.memref_squeeze %dma_wait3A_910 : memref<1x640x128xf32, #tpu.memory_space<hbm>> -> memref<640x128xf32, #tpu.memory_space<hbm>>
      %dma_wait3A_912 = arith.constant 0 : i32
      %dma_wait3A_913 = tpu.memref_slice %arg11[%mul3A_2, %dma_wait3A_912] : memref<10240x128xf32, #tpu.memory_space<vmem_shared>> -> memref<640x128xf32, #tpu.memory_space<vmem_shared>>
      tpu.wait_dma2 semaphore(%run_scoped3A : memref<!tpu.dma_semaphore, #tpu.memory_space<semaphore_mem>>) src(%dma_wait3A_913 : memref<640x128xf32, #tpu.memory_space<vmem_shared>>) dst(%dma_wait3A_911 : memref<640x128xf32, #tpu.memory_space<hbm>>)
      tpu.yield
    }) : () -> ()
    return
  }
}

#map = affine_map<(d0, d1) -> (0, 0, 0, 0, 0)>
#map1 = affine_map<(d0, d1) -> (0, 0, 0, 0)>
#map2 = affine_map<(d0, d1) -> (0, 0)>
module attributes {stable_mosaic.version = 14 : i64} {
  func.func @k(%arg0: i32, %arg1: i32, %arg2: memref<2x32x5x25x80xi32, #tpu.memory_space<hbm>>, %arg3: memref<32x5x25x80xf32, #tpu.memory_space<hbm>>, %arg4: memref<2x10240xf32, #tpu.memory_space<hbm>>, %arg5: memref<5x25x80xi32, #tpu.memory_space<vmem>>, %arg6: memref<5x25x80xf32, #tpu.memory_space<vmem>>, %arg7: memref<640xf32, #tpu.memory_space<vmem>>, %arg8: memref<10240xf32, #tpu.memory_space<vmem_shared>>, %arg9: memref<!tpu.dma_semaphore, #tpu.memory_space<semaphore_mem>>) attributes {dimension_semantics = [#tpu.dimension_semantics<core_parallel>, #tpu.dimension_semantics<subcore_parallel>], iteration_bounds = array<i64: 2, 16>, scalar_prefetch = 0 : i64, scratch_operands = 5 : i64, tpu.core_type = #tpu.core_type<sc_vector_subcore>, window_params = [{transform_indices = #map}, {transform_indices = #map1}, {transform_indices = #map2}]} {
    %mul3A = arith.constant 2 : i32
    %mul3A_0 = arith.muli %arg1, %mul3A : i32
    %add3A = arith.addi %mul3A_0, %arg0 : i32
    %mul3A_1 = arith.constant 640 : i32
    %mul3A_2 = arith.muli %arg1, %mul3A_1 : i32
    %broadcast_in_dim3A = arith.constant 0.000000e+00 : f32
    %broadcast_in_dim3A_3 = vector.broadcast %broadcast_in_dim3A : f32 to vector<16xf32>
    %scan3A = arith.constant 0 : i32
    %scan3A_4 = arith.constant 0 : i32
    %scan3A_5 = arith.constant 40 : i32
    %scan3A_6 = arith.addi %scan3A_4, %scan3A_5 : i32
    %scan3A_7 = arith.constant 1 : i32
    scf.for %scan3A_16 = %scan3A_4 to %scan3A_6 step %scan3A_7  : i32 {
      %mul3A_17 = arith.constant 16 : i32
      %mul3A_18 = arith.muli %scan3A_16, %mul3A_17 : i32
      %swap3A = arith.index_cast %mul3A_18 : i32 to index
      %swap3A_19 = tpu.vector_load %arg7[%swap3A] {strides = array<i32>} : memref<640xf32, #tpu.memory_space<vmem>>, vector<16xf32>,
      tpu.vector_store %arg7[%swap3A], %broadcast_in_dim3A_3 {strides = array<i32>} : memref<640xf32, #tpu.memory_space<vmem>>, vector<16xf32>,
    }
    %scan3A_8 = arith.constant 40 : i32
    "tpu.region"() ({
      %run_scoped3A_16 = tpu.sem_alloc : memref<!tpu.dma_semaphore, #tpu.memory_space<semaphore_mem>>
      %dma_start3A = tpu.memref_slice %arg8[%mul3A_2] : memref<10240xf32, #tpu.memory_space<vmem_shared>> -> memref<640xf32, #tpu.memory_space<vmem_shared>>
      %dma_start3A_17 = tpu.memref_slice %arg8[%mul3A_2] : memref<10240xf32, #tpu.memory_space<vmem_shared>> -> memref<640xf32, #tpu.memory_space<vmem_shared>>
      tpu.enqueue_dma source(%arg7 : memref<640xf32, #tpu.memory_space<vmem>>) target(%dma_start3A_17 : memref<640xf32, #tpu.memory_space<vmem_shared>>) target_semaphore(%run_scoped3A_16 : memref<!tpu.dma_semaphore, #tpu.memory_space<semaphore_mem>>)
      %dma_wait3A = tpu.memref_slice %arg8[%mul3A_2] : memref<10240xf32, #tpu.memory_space<vmem_shared>> -> memref<640xf32, #tpu.memory_space<vmem_shared>>
      %dma_wait3A_18 = tpu.memref_slice %arg8[%mul3A_2] : memref<10240xf32, #tpu.memory_space<vmem_shared>> -> memref<640xf32, #tpu.memory_space<vmem_shared>>
      tpu.wait_dma2 semaphore(%run_scoped3A_16 : memref<!tpu.dma_semaphore, #tpu.memory_space<semaphore_mem>>) src(%arg7 : memref<640xf32, #tpu.memory_space<vmem>>) dst(%dma_wait3A_18 : memref<640xf32, #tpu.memory_space<vmem_shared>>)
      tpu.yield
    }) : () -> ()
    %run_scoped3A = arith.constant 1 : i32
    "tpu.region"() ({
      %run_scoped3A_16 = tpu.sem_alloc : memref<!tpu.dma_semaphore, #tpu.memory_space<semaphore_mem>>
      %dma_start3A = arith.constant 0 : i32
      %dma_start3A_17 = arith.constant 0 : i32
      %dma_start3A_18 = arith.constant 0 : i32
      %dma_start3A_19 = tpu.memref_slice %arg2[%run_scoped3A, %add3A, %dma_start3A, %dma_start3A_17, %dma_start3A_18] : memref<2x32x5x25x80xi32, #tpu.memory_space<hbm>> -> memref<1x1x5x25x80xi32, #tpu.memory_space<hbm>>
      %dma_start3A_20 = tpu.memref_squeeze %dma_start3A_19 : memref<1x1x5x25x80xi32, #tpu.memory_space<hbm>> -> memref<5x25x80xi32, #tpu.memory_space<hbm>>
      %dma_start3A_21 = arith.constant 0 : i32
      %dma_start3A_22 = arith.constant 0 : i32
      %dma_start3A_23 = arith.constant 0 : i32
      %dma_start3A_24 = tpu.memref_slice %arg2[%run_scoped3A, %add3A, %dma_start3A_21, %dma_start3A_22, %dma_start3A_23] : memref<2x32x5x25x80xi32, #tpu.memory_space<hbm>> -> memref<1x1x5x25x80xi32, #tpu.memory_space<hbm>>
      %dma_start3A_25 = tpu.memref_squeeze %dma_start3A_24 : memref<1x1x5x25x80xi32, #tpu.memory_space<hbm>> -> memref<5x25x80xi32, #tpu.memory_space<hbm>>
      tpu.enqueue_dma source(%dma_start3A_25 : memref<5x25x80xi32, #tpu.memory_space<hbm>>) target(%arg5 : memref<5x25x80xi32, #tpu.memory_space<vmem>>) target_semaphore(%run_scoped3A_16 : memref<!tpu.dma_semaphore, #tpu.memory_space<semaphore_mem>>)
      %dma_wait3A = arith.constant 0 : i32
      %dma_wait3A_26 = arith.constant 0 : i32
      %dma_wait3A_27 = arith.constant 0 : i32
      %dma_wait3A_28 = tpu.memref_slice %arg2[%run_scoped3A, %add3A, %dma_wait3A, %dma_wait3A_26, %dma_wait3A_27] : memref<2x32x5x25x80xi32, #tpu.memory_space<hbm>> -> memref<1x1x5x25x80xi32, #tpu.memory_space<hbm>>
      %dma_wait3A_29 = tpu.memref_squeeze %dma_wait3A_28 : memref<1x1x5x25x80xi32, #tpu.memory_space<hbm>> -> memref<5x25x80xi32, #tpu.memory_space<hbm>>
      %dma_wait3A_30 = arith.constant 0 : i32
      %dma_wait3A_31 = arith.constant 0 : i32
      %dma_wait3A_32 = arith.constant 0 : i32
      %dma_wait3A_33 = tpu.memref_slice %arg2[%run_scoped3A, %add3A, %dma_wait3A_30, %dma_wait3A_31, %dma_wait3A_32] : memref<2x32x5x25x80xi32, #tpu.memory_space<hbm>> -> memref<1x1x5x25x80xi32, #tpu.memory_space<hbm>>
      %dma_wait3A_34 = tpu.memref_squeeze %dma_wait3A_33 : memref<1x1x5x25x80xi32, #tpu.memory_space<hbm>> -> memref<5x25x80xi32, #tpu.memory_space<hbm>>
      tpu.wait_dma2 semaphore(%run_scoped3A_16 : memref<!tpu.dma_semaphore, #tpu.memory_space<semaphore_mem>>) src(%dma_wait3A_34 : memref<5x25x80xi32, #tpu.memory_space<hbm>>) dst(%arg5 : memref<5x25x80xi32, #tpu.memory_space<vmem>>)
      tpu.yield
    }) : () -> ()
    "tpu.region"() ({
      %run_scoped3A_16 = tpu.sem_alloc : memref<!tpu.dma_semaphore, #tpu.memory_space<semaphore_mem>>
      %dma_start3A = arith.constant 0 : i32
      %dma_start3A_17 = arith.constant 0 : i32
      %dma_start3A_18 = arith.constant 0 : i32
      %dma_start3A_19 = tpu.memref_slice %arg3[%add3A, %dma_start3A, %dma_start3A_17, %dma_start3A_18] : memref<32x5x25x80xf32, #tpu.memory_space<hbm>> -> memref<1x5x25x80xf32, #tpu.memory_space<hbm>>
      %dma_start3A_20 = tpu.memref_squeeze %dma_start3A_19 : memref<1x5x25x80xf32, #tpu.memory_space<hbm>> -> memref<5x25x80xf32, #tpu.memory_space<hbm>>
      %dma_start3A_21 = arith.constant 0 : i32
      %dma_start3A_22 = arith.constant 0 : i32
      %dma_start3A_23 = arith.constant 0 : i32
      %dma_start3A_24 = tpu.memref_slice %arg3[%add3A, %dma_start3A_21, %dma_start3A_22, %dma_start3A_23] : memref<32x5x25x80xf32, #tpu.memory_space<hbm>> -> memref<1x5x25x80xf32, #tpu.memory_space<hbm>>
      %dma_start3A_25 = tpu.memref_squeeze %dma_start3A_24 : memref<1x5x25x80xf32, #tpu.memory_space<hbm>> -> memref<5x25x80xf32, #tpu.memory_space<hbm>>
      tpu.enqueue_dma source(%dma_start3A_25 : memref<5x25x80xf32, #tpu.memory_space<hbm>>) target(%arg6 : memref<5x25x80xf32, #tpu.memory_space<vmem>>) target_semaphore(%run_scoped3A_16 : memref<!tpu.dma_semaphore, #tpu.memory_space<semaphore_mem>>)
      %dma_wait3A = arith.constant 0 : i32
      %dma_wait3A_26 = arith.constant 0 : i32
      %dma_wait3A_27 = arith.constant 0 : i32
      %dma_wait3A_28 = tpu.memref_slice %arg3[%add3A, %dma_wait3A, %dma_wait3A_26, %dma_wait3A_27] : memref<32x5x25x80xf32, #tpu.memory_space<hbm>> -> memref<1x5x25x80xf32, #tpu.memory_space<hbm>>
      %dma_wait3A_29 = tpu.memref_squeeze %dma_wait3A_28 : memref<1x5x25x80xf32, #tpu.memory_space<hbm>> -> memref<5x25x80xf32, #tpu.memory_space<hbm>>
      %dma_wait3A_30 = arith.constant 0 : i32
      %dma_wait3A_31 = arith.constant 0 : i32
      %dma_wait3A_32 = arith.constant 0 : i32
      %dma_wait3A_33 = tpu.memref_slice %arg3[%add3A, %dma_wait3A_30, %dma_wait3A_31, %dma_wait3A_32] : memref<32x5x25x80xf32, #tpu.memory_space<hbm>> -> memref<1x5x25x80xf32, #tpu.memory_space<hbm>>
      %dma_wait3A_34 = tpu.memref_squeeze %dma_wait3A_33 : memref<1x5x25x80xf32, #tpu.memory_space<hbm>> -> memref<5x25x80xf32, #tpu.memory_space<hbm>>
      tpu.wait_dma2 semaphore(%run_scoped3A_16 : memref<!tpu.dma_semaphore, #tpu.memory_space<semaphore_mem>>) src(%dma_wait3A_34 : memref<5x25x80xf32, #tpu.memory_space<hbm>>) dst(%arg6 : memref<5x25x80xf32, #tpu.memory_space<vmem>>)
      tpu.yield
    }) : () -> ()
    %barrier3A = arith.constant 0 : index
    tpu.barrier barrier_id(%barrier3A)
    %scan3A_9 = arith.constant 0 : i32
    %scan3A_10 = arith.constant 0 : i32
    %scan3A_11 = arith.constant 25 : i32
    %scan3A_12 = arith.addi %scan3A_10, %scan3A_11 : i32
    %scan3A_13 = arith.constant 1 : i32
    scf.for %scan3A_16 = %scan3A_10 to %scan3A_12 step %scan3A_13  : i32 {
      %jit3A = arith.constant 5 : i32
      %div3A = arith.divsi %scan3A_16, %jit3A : i32
      %sign3A = arith.constant 0 : i32
      %sign3A_17 = arith.cmpi sgt, %scan3A_16, %sign3A : i32
      %sign3A_18 = arith.extui %sign3A_17 : i1 to i32
      %sign3A_19 = arith.constant 0 : i32
      %sign3A_20 = arith.cmpi slt, %scan3A_16, %sign3A_19 : i32
      %sign3A_21 = arith.extui %sign3A_20 : i1 to i32
      %sign3A_22 = arith.subi %sign3A_18, %sign3A_21 : i32
      %sign3A_23 = arith.constant 0 : i32
      %sign3A_24 = arith.cmpi sgt, %jit3A, %sign3A_23 : i32
      %sign3A_25 = arith.extui %sign3A_24 : i1 to i32
      %sign3A_26 = arith.constant 0 : i32
      %sign3A_27 = arith.cmpi slt, %jit3A, %sign3A_26 : i32
      %sign3A_28 = arith.extui %sign3A_27 : i1 to i32
      %sign3A_29 = arith.subi %sign3A_25, %sign3A_28 : i32
      %ne3A = arith.cmpi ne, %sign3A_22, %sign3A_29 : i32
      %rem3A = arith.remsi %scan3A_16, %jit3A : i32
      %ne3A_30 = arith.constant 0 : i32
      %ne3A_31 = arith.cmpi ne, %rem3A, %ne3A_30 : i32
      %and3A = arith.andi %ne3A, %ne3A_31 : i1
      %sub3A = arith.constant 1 : i32
      %sub3A_32 = arith.subi %div3A, %sub3A : i32
      %select_n3A = arith.select %and3A, %sub3A_32, %div3A : i32
      %jit3A_33 = arith.constant 5 : i32
      %eq3A = arith.constant 0 : i32
      %eq3A_34 = arith.cmpi eq, %jit3A_33, %eq3A : i32
      %jit3A_35 = arith.constant 1 : i32
      %select_n3A_36 = arith.select %eq3A_34, %jit3A_35, %jit3A_33 : i32
      %rem3A_37 = arith.remsi %scan3A_16, %select_n3A_36 : i32
      %ne3A_38 = arith.constant 0 : i32
      %ne3A_39 = arith.cmpi ne, %rem3A_37, %ne3A_38 : i32
      %lt3A = arith.constant 0 : i32
      %lt3A_40 = arith.cmpi slt, %rem3A_37, %lt3A : i32
      %lt3A_41 = arith.constant 0 : i32
      %lt3A_42 = arith.cmpi slt, %select_n3A_36, %lt3A_41 : i32
      %ne3A_43 = arith.xori %lt3A_40, %lt3A_42 : i1
      %and3A_44 = arith.andi %ne3A_43, %ne3A_39 : i1
      %add3A_45 = arith.addi %rem3A_37, %select_n3A_36 : i32
      %select_n3A_46 = arith.select %and3A_44, %add3A_45, %rem3A_37 : i32
      %mul3A_47 = arith.constant 5 : i32
      %mul3A_48 = arith.muli %select_n3A_46, %mul3A_47 : i32
      %add3A_49 = arith.constant 0 : i32
      %add3A_50 = arith.addi %mul3A_48, %add3A_49 : i32
      %dma_start3A = arith.constant 0 : i32
      %dma_start3A_51 = tpu.memref_slice %arg6[%select_n3A, %add3A_50, %dma_start3A] : memref<5x25x80xf32, #tpu.memory_space<vmem>> -> memref<1x1x80xf32, #tpu.memory_space<vmem>>
      %dma_start3A_52 = tpu.memref_squeeze %dma_start3A_51 : memref<1x1x80xf32, #tpu.memory_space<vmem>> -> memref<80xf32, #tpu.memory_space<vmem>>
      %dma_start3A_53 = arith.constant 0 : i32
      %dma_start3A_54 = tpu.memref_slice %arg5[%select_n3A, %add3A_50, %dma_start3A_53] : memref<5x25x80xi32, #tpu.memory_space<vmem>> -> memref<1x1x80xi32, #tpu.memory_space<vmem>>
      %dma_start3A_55 = tpu.memref_squeeze %dma_start3A_54 : memref<1x1x80xi32, #tpu.memory_space<vmem>> -> memref<80xi32, #tpu.memory_space<vmem>>
      %dma_start3A_56 = arith.constant 0 : i32
      %dma_start3A_57 = tpu.memref_slice %arg8[%dma_start3A_56] : memref<10240xf32, #tpu.memory_space<vmem_shared>> -> memref<10240xf32, #tpu.memory_space<vmem_shared>>
      tpu.enqueue_indirect_dma source(%dma_start3A_52 : memref<80xf32, #tpu.memory_space<vmem>>) target(%dma_start3A_57 : memref<10240xf32, #tpu.memory_space<vmem_shared>>) offsets(%dma_start3A_55 : memref<80xi32, #tpu.memory_space<vmem>>) semaphore(%arg9 : memref<!tpu.dma_semaphore, #tpu.memory_space<semaphore_mem>>) {add = true}
      %mul3A_58 = arith.constant 5 : i32
      %mul3A_59 = arith.muli %select_n3A_46, %mul3A_58 : i32
      %add3A_60 = arith.constant 1 : i32
      %add3A_61 = arith.addi %mul3A_59, %add3A_60 : i32
      %dma_start3A_62 = arith.constant 0 : i32
      %dma_start3A_63 = tpu.memref_slice %arg6[%select_n3A, %add3A_61, %dma_start3A_62] : memref<5x25x80xf32, #tpu.memory_space<vmem>> -> memref<1x1x80xf32, #tpu.memory_space<vmem>>
      %dma_start3A_64 = tpu.memref_squeeze %dma_start3A_63 : memref<1x1x80xf32, #tpu.memory_space<vmem>> -> memref<80xf32, #tpu.memory_space<vmem>>
      %dma_start3A_65 = arith.constant 0 : i32
      %dma_start3A_66 = tpu.memref_slice %arg5[%select_n3A, %add3A_61, %dma_start3A_65] : memref<5x25x80xi32, #tpu.memory_space<vmem>> -> memref<1x1x80xi32, #tpu.memory_space<vmem>>
      %dma_start3A_67 = tpu.memref_squeeze %dma_start3A_66 : memref<1x1x80xi32, #tpu.memory_space<vmem>> -> memref<80xi32, #tpu.memory_space<vmem>>
      %dma_start3A_68 = arith.constant 0 : i32
      %dma_start3A_69 = tpu.memref_slice %arg8[%dma_start3A_68] : memref<10240xf32, #tpu.memory_space<vmem_shared>> -> memref<10240xf32, #tpu.memory_space<vmem_shared>>
      tpu.enqueue_indirect_dma source(%dma_start3A_64 : memref<80xf32, #tpu.memory_space<vmem>>) target(%dma_start3A_69 : memref<10240xf32, #tpu.memory_space<vmem_shared>>) offsets(%dma_start3A_67 : memref<80xi32, #tpu.memory_space<vmem>>) semaphore(%arg9 : memref<!tpu.dma_semaphore, #tpu.memory_space<semaphore_mem>>) {add = true}
      %mul3A_70 = arith.constant 5 : i32
      %mul3A_71 = arith.muli %select_n3A_46, %mul3A_70 : i32
      %add3A_72 = arith.constant 2 : i32
      %add3A_73 = arith.addi %mul3A_71, %add3A_72 : i32
      %dma_start3A_74 = arith.constant 0 : i32
      %dma_start3A_75 = tpu.memref_slice %arg6[%select_n3A, %add3A_73, %dma_start3A_74] : memref<5x25x80xf32, #tpu.memory_space<vmem>> -> memref<1x1x80xf32, #tpu.memory_space<vmem>>
      %dma_start3A_76 = tpu.memref_squeeze %dma_start3A_75 : memref<1x1x80xf32, #tpu.memory_space<vmem>> -> memref<80xf32, #tpu.memory_space<vmem>>
      %dma_start3A_77 = arith.constant 0 : i32
      %dma_start3A_78 = tpu.memref_slice %arg5[%select_n3A, %add3A_73, %dma_start3A_77] : memref<5x25x80xi32, #tpu.memory_space<vmem>> -> memref<1x1x80xi32, #tpu.memory_space<vmem>>
      %dma_start3A_79 = tpu.memref_squeeze %dma_start3A_78 : memref<1x1x80xi32, #tpu.memory_space<vmem>> -> memref<80xi32, #tpu.memory_space<vmem>>
      %dma_start3A_80 = arith.constant 0 : i32
      %dma_start3A_81 = tpu.memref_slice %arg8[%dma_start3A_80] : memref<10240xf32, #tpu.memory_space<vmem_shared>> -> memref<10240xf32, #tpu.memory_space<vmem_shared>>
      tpu.enqueue_indirect_dma source(%dma_start3A_76 : memref<80xf32, #tpu.memory_space<vmem>>) target(%dma_start3A_81 : memref<10240xf32, #tpu.memory_space<vmem_shared>>) offsets(%dma_start3A_79 : memref<80xi32, #tpu.memory_space<vmem>>) semaphore(%arg9 : memref<!tpu.dma_semaphore, #tpu.memory_space<semaphore_mem>>) {add = true}
      %mul3A_82 = arith.constant 5 : i32
      %mul3A_83 = arith.muli %select_n3A_46, %mul3A_82 : i32
      %add3A_84 = arith.constant 3 : i32
      %add3A_85 = arith.addi %mul3A_83, %add3A_84 : i32
      %dma_start3A_86 = arith.constant 0 : i32
      %dma_start3A_87 = tpu.memref_slice %arg6[%select_n3A, %add3A_85, %dma_start3A_86] : memref<5x25x80xf32, #tpu.memory_space<vmem>> -> memref<1x1x80xf32, #tpu.memory_space<vmem>>
      %dma_start3A_88 = tpu.memref_squeeze %dma_start3A_87 : memref<1x1x80xf32, #tpu.memory_space<vmem>> -> memref<80xf32, #tpu.memory_space<vmem>>
      %dma_start3A_89 = arith.constant 0 : i32
      %dma_start3A_90 = tpu.memref_slice %arg5[%select_n3A, %add3A_85, %dma_start3A_89] : memref<5x25x80xi32, #tpu.memory_space<vmem>> -> memref<1x1x80xi32, #tpu.memory_space<vmem>>
      %dma_start3A_91 = tpu.memref_squeeze %dma_start3A_90 : memref<1x1x80xi32, #tpu.memory_space<vmem>> -> memref<80xi32, #tpu.memory_space<vmem>>
      %dma_start3A_92 = arith.constant 0 : i32
      %dma_start3A_93 = tpu.memref_slice %arg8[%dma_start3A_92] : memref<10240xf32, #tpu.memory_space<vmem_shared>> -> memref<10240xf32, #tpu.memory_space<vmem_shared>>
      tpu.enqueue_indirect_dma source(%dma_start3A_88 : memref<80xf32, #tpu.memory_space<vmem>>) target(%dma_start3A_93 : memref<10240xf32, #tpu.memory_space<vmem_shared>>) offsets(%dma_start3A_91 : memref<80xi32, #tpu.memory_space<vmem>>) semaphore(%arg9 : memref<!tpu.dma_semaphore, #tpu.memory_space<semaphore_mem>>) {add = true}
      %mul3A_94 = arith.constant 5 : i32
      %mul3A_95 = arith.muli %select_n3A_46, %mul3A_94 : i32
      %add3A_96 = arith.constant 4 : i32
      %add3A_97 = arith.addi %mul3A_95, %add3A_96 : i32
      %dma_start3A_98 = arith.constant 0 : i32
      %dma_start3A_99 = tpu.memref_slice %arg6[%select_n3A, %add3A_97, %dma_start3A_98] : memref<5x25x80xf32, #tpu.memory_space<vmem>> -> memref<1x1x80xf32, #tpu.memory_space<vmem>>
      %dma_start3A_100 = tpu.memref_squeeze %dma_start3A_99 : memref<1x1x80xf32, #tpu.memory_space<vmem>> -> memref<80xf32, #tpu.memory_space<vmem>>
      %dma_start3A_101 = arith.constant 0 : i32
      %dma_start3A_102 = tpu.memref_slice %arg5[%select_n3A, %add3A_97, %dma_start3A_101] : memref<5x25x80xi32, #tpu.memory_space<vmem>> -> memref<1x1x80xi32, #tpu.memory_space<vmem>>
      %dma_start3A_103 = tpu.memref_squeeze %dma_start3A_102 : memref<1x1x80xi32, #tpu.memory_space<vmem>> -> memref<80xi32, #tpu.memory_space<vmem>>
      %dma_start3A_104 = arith.constant 0 : i32
      %dma_start3A_105 = tpu.memref_slice %arg8[%dma_start3A_104] : memref<10240xf32, #tpu.memory_space<vmem_shared>> -> memref<10240xf32, #tpu.memory_space<vmem_shared>>
      tpu.enqueue_indirect_dma source(%dma_start3A_100 : memref<80xf32, #tpu.memory_space<vmem>>) target(%dma_start3A_105 : memref<10240xf32, #tpu.memory_space<vmem_shared>>) offsets(%dma_start3A_103 : memref<80xi32, #tpu.memory_space<vmem>>) semaphore(%arg9 : memref<!tpu.dma_semaphore, #tpu.memory_space<semaphore_mem>>) {add = true}
      %mul3A_106 = arith.constant 5 : i32
      %mul3A_107 = arith.muli %select_n3A_46, %mul3A_106 : i32
      %add3A_108 = arith.constant 0 : i32
      %add3A_109 = arith.addi %mul3A_107, %add3A_108 : i32
      %dma_wait3A = arith.constant 0 : i32
      %dma_wait3A_110 = tpu.memref_slice %arg6[%select_n3A, %add3A_109, %dma_wait3A] : memref<5x25x80xf32, #tpu.memory_space<vmem>> -> memref<1x1x80xf32, #tpu.memory_space<vmem>>
      %dma_wait3A_111 = tpu.memref_squeeze %dma_wait3A_110 : memref<1x1x80xf32, #tpu.memory_space<vmem>> -> memref<80xf32, #tpu.memory_space<vmem>>
      %dma_wait3A_112 = arith.constant 0 : i32
      %dma_wait3A_113 = tpu.memref_slice %arg5[%select_n3A, %add3A_109, %dma_wait3A_112] : memref<5x25x80xi32, #tpu.memory_space<vmem>> -> memref<1x1x80xi32, #tpu.memory_space<vmem>>
      %dma_wait3A_114 = tpu.memref_squeeze %dma_wait3A_113 : memref<1x1x80xi32, #tpu.memory_space<vmem>> -> memref<80xi32, #tpu.memory_space<vmem>>
      %dma_wait3A_115 = arith.constant 0 : i32
      %dma_wait3A_116 = tpu.memref_slice %arg8[%dma_wait3A_115] : memref<10240xf32, #tpu.memory_space<vmem_shared>> -> memref<10240xf32, #tpu.memory_space<vmem_shared>>
      tpu.wait_indirect_dma semaphore(%arg9 : memref<!tpu.dma_semaphore, #tpu.memory_space<semaphore_mem>>) src(%dma_wait3A_111 : memref<80xf32, #tpu.memory_space<vmem>>) dst(%dma_wait3A_116 : memref<10240xf32, #tpu.memory_space<vmem_shared>>)
      %mul3A_117 = arith.constant 5 : i32
      %mul3A_118 = arith.muli %select_n3A_46, %mul3A_117 : i32
      %add3A_119 = arith.constant 1 : i32
      %add3A_120 = arith.addi %mul3A_118, %add3A_119 : i32
      %dma_wait3A_121 = arith.constant 0 : i32
      %dma_wait3A_122 = tpu.memref_slice %arg6[%select_n3A, %add3A_120, %dma_wait3A_121] : memref<5x25x80xf32, #tpu.memory_space<vmem>> -> memref<1x1x80xf32, #tpu.memory_space<vmem>>
      %dma_wait3A_123 = tpu.memref_squeeze %dma_wait3A_122 : memref<1x1x80xf32, #tpu.memory_space<vmem>> -> memref<80xf32, #tpu.memory_space<vmem>>
      %dma_wait3A_124 = arith.constant 0 : i32
      %dma_wait3A_125 = tpu.memref_slice %arg5[%select_n3A, %add3A_120, %dma_wait3A_124] : memref<5x25x80xi32, #tpu.memory_space<vmem>> -> memref<1x1x80xi32, #tpu.memory_space<vmem>>
      %dma_wait3A_126 = tpu.memref_squeeze %dma_wait3A_125 : memref<1x1x80xi32, #tpu.memory_space<vmem>> -> memref<80xi32, #tpu.memory_space<vmem>>
      %dma_wait3A_127 = arith.constant 0 : i32
      %dma_wait3A_128 = tpu.memref_slice %arg8[%dma_wait3A_127] : memref<10240xf32, #tpu.memory_space<vmem_shared>> -> memref<10240xf32, #tpu.memory_space<vmem_shared>>
      tpu.wait_indirect_dma semaphore(%arg9 : memref<!tpu.dma_semaphore, #tpu.memory_space<semaphore_mem>>) src(%dma_wait3A_123 : memref<80xf32, #tpu.memory_space<vmem>>) dst(%dma_wait3A_128 : memref<10240xf32, #tpu.memory_space<vmem_shared>>)
      %mul3A_129 = arith.constant 5 : i32
      %mul3A_130 = arith.muli %select_n3A_46, %mul3A_129 : i32
      %add3A_131 = arith.constant 2 : i32
      %add3A_132 = arith.addi %mul3A_130, %add3A_131 : i32
      %dma_wait3A_133 = arith.constant 0 : i32
      %dma_wait3A_134 = tpu.memref_slice %arg6[%select_n3A, %add3A_132, %dma_wait3A_133] : memref<5x25x80xf32, #tpu.memory_space<vmem>> -> memref<1x1x80xf32, #tpu.memory_space<vmem>>
      %dma_wait3A_135 = tpu.memref_squeeze %dma_wait3A_134 : memref<1x1x80xf32, #tpu.memory_space<vmem>> -> memref<80xf32, #tpu.memory_space<vmem>>
      %dma_wait3A_136 = arith.constant 0 : i32
      %dma_wait3A_137 = tpu.memref_slice %arg5[%select_n3A, %add3A_132, %dma_wait3A_136] : memref<5x25x80xi32, #tpu.memory_space<vmem>> -> memref<1x1x80xi32, #tpu.memory_space<vmem>>
      %dma_wait3A_138 = tpu.memref_squeeze %dma_wait3A_137 : memref<1x1x80xi32, #tpu.memory_space<vmem>> -> memref<80xi32, #tpu.memory_space<vmem>>
      %dma_wait3A_139 = arith.constant 0 : i32
      %dma_wait3A_140 = tpu.memref_slice %arg8[%dma_wait3A_139] : memref<10240xf32, #tpu.memory_space<vmem_shared>> -> memref<10240xf32, #tpu.memory_space<vmem_shared>>
      tpu.wait_indirect_dma semaphore(%arg9 : memref<!tpu.dma_semaphore, #tpu.memory_space<semaphore_mem>>) src(%dma_wait3A_135 : memref<80xf32, #tpu.memory_space<vmem>>) dst(%dma_wait3A_140 : memref<10240xf32, #tpu.memory_space<vmem_shared>>)
      %mul3A_141 = arith.constant 5 : i32
      %mul3A_142 = arith.muli %select_n3A_46, %mul3A_141 : i32
      %add3A_143 = arith.constant 3 : i32
      %add3A_144 = arith.addi %mul3A_142, %add3A_143 : i32
      %dma_wait3A_145 = arith.constant 0 : i32
      %dma_wait3A_146 = tpu.memref_slice %arg6[%select_n3A, %add3A_144, %dma_wait3A_145] : memref<5x25x80xf32, #tpu.memory_space<vmem>> -> memref<1x1x80xf32, #tpu.memory_space<vmem>>
      %dma_wait3A_147 = tpu.memref_squeeze %dma_wait3A_146 : memref<1x1x80xf32, #tpu.memory_space<vmem>> -> memref<80xf32, #tpu.memory_space<vmem>>
      %dma_wait3A_148 = arith.constant 0 : i32
      %dma_wait3A_149 = tpu.memref_slice %arg5[%select_n3A, %add3A_144, %dma_wait3A_148] : memref<5x25x80xi32, #tpu.memory_space<vmem>> -> memref<1x1x80xi32, #tpu.memory_space<vmem>>
      %dma_wait3A_150 = tpu.memref_squeeze %dma_wait3A_149 : memref<1x1x80xi32, #tpu.memory_space<vmem>> -> memref<80xi32, #tpu.memory_space<vmem>>
      %dma_wait3A_151 = arith.constant 0 : i32
      %dma_wait3A_152 = tpu.memref_slice %arg8[%dma_wait3A_151] : memref<10240xf32, #tpu.memory_space<vmem_shared>> -> memref<10240xf32, #tpu.memory_space<vmem_shared>>
      tpu.wait_indirect_dma semaphore(%arg9 : memref<!tpu.dma_semaphore, #tpu.memory_space<semaphore_mem>>) src(%dma_wait3A_147 : memref<80xf32, #tpu.memory_space<vmem>>) dst(%dma_wait3A_152 : memref<10240xf32, #tpu.memory_space<vmem_shared>>)
      %mul3A_153 = arith.constant 5 : i32
      %mul3A_154 = arith.muli %select_n3A_46, %mul3A_153 : i32
      %add3A_155 = arith.constant 4 : i32
      %add3A_156 = arith.addi %mul3A_154, %add3A_155 : i32
      %dma_wait3A_157 = arith.constant 0 : i32
      %dma_wait3A_158 = tpu.memref_slice %arg6[%select_n3A, %add3A_156, %dma_wait3A_157] : memref<5x25x80xf32, #tpu.memory_space<vmem>> -> memref<1x1x80xf32, #tpu.memory_space<vmem>>
      %dma_wait3A_159 = tpu.memref_squeeze %dma_wait3A_158 : memref<1x1x80xf32, #tpu.memory_space<vmem>> -> memref<80xf32, #tpu.memory_space<vmem>>
      %dma_wait3A_160 = arith.constant 0 : i32
      %dma_wait3A_161 = tpu.memref_slice %arg5[%select_n3A, %add3A_156, %dma_wait3A_160] : memref<5x25x80xi32, #tpu.memory_space<vmem>> -> memref<1x1x80xi32, #tpu.memory_space<vmem>>
      %dma_wait3A_162 = tpu.memref_squeeze %dma_wait3A_161 : memref<1x1x80xi32, #tpu.memory_space<vmem>> -> memref<80xi32, #tpu.memory_space<vmem>>
      %dma_wait3A_163 = arith.constant 0 : i32
      %dma_wait3A_164 = tpu.memref_slice %arg8[%dma_wait3A_163] : memref<10240xf32, #tpu.memory_space<vmem_shared>> -> memref<10240xf32, #tpu.memory_space<vmem_shared>>
      tpu.wait_indirect_dma semaphore(%arg9 : memref<!tpu.dma_semaphore, #tpu.memory_space<semaphore_mem>>) src(%dma_wait3A_159 : memref<80xf32, #tpu.memory_space<vmem>>) dst(%dma_wait3A_164 : memref<10240xf32, #tpu.memory_space<vmem_shared>>)
    }
    %scan3A_14 = arith.constant 25 : i32
    %barrier3A_15 = arith.constant 0 : index
    tpu.barrier barrier_id(%barrier3A_15)
    "tpu.region"() ({
      %run_scoped3A_16 = tpu.sem_alloc : memref<!tpu.dma_semaphore, #tpu.memory_space<semaphore_mem>>
      %dma_start3A = tpu.memref_slice %arg4[%arg0, %mul3A_2] : memref<2x10240xf32, #tpu.memory_space<hbm>> -> memref<1x640xf32, #tpu.memory_space<hbm>>
      %dma_start3A_17 = tpu.memref_squeeze %dma_start3A : memref<1x640xf32, #tpu.memory_space<hbm>> -> memref<640xf32, #tpu.memory_space<hbm>>
      %dma_start3A_18 = tpu.memref_slice %arg8[%mul3A_2] : memref<10240xf32, #tpu.memory_space<vmem_shared>> -> memref<640xf32, #tpu.memory_space<vmem_shared>>
      tpu.enqueue_dma source(%dma_start3A_18 : memref<640xf32, #tpu.memory_space<vmem_shared>>) target(%dma_start3A_17 : memref<640xf32, #tpu.memory_space<hbm>>) target_semaphore(%run_scoped3A_16 : memref<!tpu.dma_semaphore, #tpu.memory_space<semaphore_mem>>)
      %dma_wait3A = tpu.memref_slice %arg4[%arg0, %mul3A_2] : memref<2x10240xf32, #tpu.memory_space<hbm>> -> memref<1x640xf32, #tpu.memory_space<hbm>>
      %dma_wait3A_19 = tpu.memref_squeeze %dma_wait3A : memref<1x640xf32, #tpu.memory_space<hbm>> -> memref<640xf32, #tpu.memory_space<hbm>>
      %dma_wait3A_20 = tpu.memref_slice %arg8[%mul3A_2] : memref<10240xf32, #tpu.memory_space<vmem_shared>> -> memref<640xf32, #tpu.memory_space<vmem_shared>>
      tpu.wait_dma2 semaphore(%run_scoped3A_16 : memref<!tpu.dma_semaphore, #tpu.memory_space<semaphore_mem>>) src(%dma_wait3A_20 : memref<640xf32, #tpu.memory_space<vmem_shared>>) dst(%dma_wait3A_19 : memref<640xf32, #tpu.memory_space<hbm>>)
      tpu.yield
    }) : () -> ()
    return
  }
}

module attributes {stable_mosaic.version = 14 : i64} {
  func.func @body(%arg0: i32, %arg1: memref<2000x128xf32, #tpu.memory_space<vmem>>, %arg2: memref<128x128xf32, #tpu.memory_space<vmem>>, %arg3: memref<2000x1xf32, #tpu.memory_space<vmem>>, %arg4: memref<2000x1xf32, #tpu.memory_space<vmem>>, %arg5: memref<2000x128xf32, #tpu.memory_space<vmem>>, %arg6: memref<2000x1xf32, #tpu.memory_space<vmem>>) attributes {dimension_semantics = [#tpu.dimension_semantics<arbitrary>], iteration_bounds = array<i64: 5>, scalar_prefetch = 0 : i64, scratch_operands = 0 : i64, tpu.core_type = #tpu.core_type<tc>, window_params = [{transform_indices = @transform_0, window_bounds = array<i64: 2000, 128>}, {pipeline_mode = #tpu.pipeline_mode<synchronous>, transform_indices = @transform_1, window_bounds = array<i64: 128, 128>}, {transform_indices = @transform_2, window_bounds = array<i64: 2000, 1>}, {transform_indices = @transform_3, window_bounds = array<i64: 2000, 1>}, {transform_indices = @transform_4, window_bounds = array<i64: 2000, 128>}, {transform_indices = @transform_5, window_bounds = array<i64: 2000, 1>}]} {
    %get3A = arith.constant 0 : index
    %get3A_0 = arith.constant 0 : index
    %get3A_1 = vector.load %arg3[%get3A, %get3A_0] : memref<2000x1xf32, #tpu.memory_space<vmem>>, vector<2000x1xf32>
    %get3A_2 = arith.constant 0 : index
    %get3A_3 = arith.constant 0 : index
    %get3A_4 = vector.load %arg4[%get3A_2, %get3A_3] : memref<2000x1xf32, #tpu.memory_space<vmem>>, vector<2000x1xf32>
    %add3A = arith.addf %get3A_1, %get3A_4 : vector<2000x1xf32>
    %add3A_5 = arith.constant 1.000000e+00 : f32
    %add3A_6 = vector.broadcast %add3A_5 : f32 to vector<2000x1xf32>
    %add3A_7 = arith.addf %add3A, %add3A_6 : vector<2000x1xf32>
    %rsqrt3A = math.rsqrt %add3A_7 : vector<2000x1xf32>
    %get3A_8 = arith.constant 0 : index
    %get3A_9 = arith.constant 0 : index
    %get3A_10 = vector.load %arg1[%get3A_8, %get3A_9] : memref<2000x128xf32, #tpu.memory_space<vmem>>, vector<2000x128xf32>
    %get3A_11 = arith.constant 0 : index
    %get3A_12 = arith.constant 0 : index
    %get3A_13 = vector.load %arg2[%get3A_11, %get3A_12] : memref<128x128xf32, #tpu.memory_space<vmem>>, vector<128x128xf32>
    %dot_general3A = arith.constant dense<0.000000e+00> : vector<2000x128xf32>
    %dot_general3A_14 = tpu.matmul %get3A_10, %get3A_13, %dot_general3A {dimension_numbers = #tpu.dot_dimension_numbers<[1], [0], [0], [1], [0, 0, 1, 1], [], []>, transpose_lhs_hint = false} : vector<2000x128xf32>, vector<128x128xf32>, vector<2000x128xf32> -> vector<2000x128xf32>
    %mul3A = vector.broadcast %rsqrt3A : vector<2000x1xf32> to vector<2000x128xf32>
    %mul3A_15 = arith.mulf %dot_general3A_14, %mul3A : vector<2000x128xf32>
    %swap3A = arith.constant 0 : index
    %swap3A_16 = arith.constant 0 : index
    %swap3A_17 = vector.load %arg5[%swap3A, %swap3A_16] : memref<2000x128xf32, #tpu.memory_space<vmem>>, vector<2000x128xf32>
    tpu.vector_store %arg5[%swap3A, %swap3A_16], %mul3A_15 {strides = array<i32>} : memref<2000x128xf32, #tpu.memory_space<vmem>>, vector<2000x128xf32>,
    %swap3A_18 = arith.constant 0 : index
    %swap3A_19 = arith.constant 0 : index
    %swap3A_20 = vector.load %arg6[%swap3A_18, %swap3A_19] : memref<2000x1xf32, #tpu.memory_space<vmem>>, vector<2000x1xf32>
    tpu.vector_store %arg6[%swap3A_18, %swap3A_19], %rsqrt3A {strides = array<i32>} : memref<2000x1xf32, #tpu.memory_space<vmem>>, vector<2000x1xf32>,
    return
  }
  func.func @transform_0(%arg0: i32) -> (i32, i32) {
    %c0_i32 = arith.constant 0 : i32
    %c0_i32_0 = arith.constant 0 : i32
    return %arg0, %c0_i32 : i32, i32
  }
  func.func @transform_1(%arg0: i32) -> (i32, i32) {
    %c0_i32 = arith.constant 0 : i32
    %c0_i32_0 = arith.constant 0 : i32
    %c0_i32_1 = arith.constant 0 : i32
    return %c0_i32, %c0_i32_0 : i32, i32
  }
  func.func @transform_2(%arg0: i32) -> (i32, i32) {
    %c0_i32 = arith.constant 0 : i32
    %c0_i32_0 = arith.constant 0 : i32
    return %arg0, %c0_i32 : i32, i32
  }
  func.func @transform_3(%arg0: i32) -> (i32, i32) {
    %c0_i32 = arith.constant 0 : i32
    %c0_i32_0 = arith.constant 0 : i32
    return %arg0, %c0_i32 : i32, i32
  }
  func.func @transform_4(%arg0: i32) -> (i32, i32) {
    %c0_i32 = arith.constant 0 : i32
    %c0_i32_0 = arith.constant 0 : i32
    return %arg0, %c0_i32 : i32, i32
  }
  func.func @transform_5(%arg0: i32) -> (i32, i32) {
    %c0_i32 = arith.constant 0 : i32
    %c0_i32_0 = arith.constant 0 : i32
    return %arg0, %c0_i32 : i32, i32
  }
}

module attributes {stable_mosaic.version = 14 : i64} {
  func.func @body(%arg0: i32, %arg1: memref<1x2000x128xf32, #tpu.memory_space<vmem>>, %arg2: memref<1x2000x128xf32, #tpu.memory_space<vmem>>, %arg3: memref<2000x128xf32, #tpu.memory_space<vmem>>, %arg4: memref<2000x1xf32, #tpu.memory_space<vmem>>, %arg5: memref<1x128xf32, #tpu.memory_space<vmem>>, %arg6: memref<128x64xf32, #tpu.memory_space<vmem>>, %arg7: memref<1x64xf32, #tpu.memory_space<vmem>>, %arg8: memref<2000x64xf32, #tpu.memory_space<vmem>>) attributes {dimension_semantics = [#tpu.dimension_semantics<arbitrary>], iteration_bounds = array<i64: 5>, scalar_prefetch = 0 : i64, scratch_operands = 0 : i64, tpu.core_type = #tpu.core_type<tc>, window_params = [{transform_indices = @transform_0, window_bounds = array<i64: 1, 2000, 128>}, {transform_indices = @transform_1, window_bounds = array<i64: 1, 2000, 128>}, {transform_indices = @transform_2, window_bounds = array<i64: 2000, 128>}, {transform_indices = @transform_3, window_bounds = array<i64: 2000, 1>}, {pipeline_mode = #tpu.pipeline_mode<synchronous>, transform_indices = @transform_4, window_bounds = array<i64: 1, 128>}, {pipeline_mode = #tpu.pipeline_mode<synchronous>, transform_indices = @transform_5, window_bounds = array<i64: 128, 64>}, {pipeline_mode = #tpu.pipeline_mode<synchronous>, transform_indices = @transform_6, window_bounds = array<i64: 1, 64>}, {transform_indices = @transform_7, window_bounds = array<i64: 2000, 64>}]} {
    %get3A = arith.constant 0 : index
    %get3A_0 = arith.constant 0 : index
    %get3A_1 = vector.load %arg4[%get3A, %get3A_0] : memref<2000x1xf32, #tpu.memory_space<vmem>>, vector<2000x1xf32>
    %get3A_2 = arith.constant 0 : index
    %get3A_3 = arith.constant 0 : index
    %get3A_4 = arith.constant 0 : index
    %get3A_5 = vector.load %arg1[%get3A_2, %get3A_3, %get3A_4] : memref<1x2000x128xf32, #tpu.memory_space<vmem>>, vector<1x2000x128xf32>
    %get3A_6 = vector.shape_cast %get3A_5 : vector<1x2000x128xf32> to vector<2000x128xf32>
    %get3A_7 = arith.constant 0 : index
    %get3A_8 = arith.constant 0 : index
    %get3A_9 = arith.constant 0 : index
    %get3A_10 = vector.load %arg2[%get3A_7, %get3A_8, %get3A_9] : memref<1x2000x128xf32, #tpu.memory_space<vmem>>, vector<1x2000x128xf32>
    %get3A_11 = vector.shape_cast %get3A_10 : vector<1x2000x128xf32> to vector<2000x128xf32>
    %add3A = arith.addf %get3A_6, %get3A_11 : vector<2000x128xf32>
    %get3A_12 = arith.constant 0 : index
    %get3A_13 = arith.constant 0 : index
    %get3A_14 = vector.load %arg3[%get3A_12, %get3A_13] : memref<2000x128xf32, #tpu.memory_space<vmem>>, vector<2000x128xf32>
    %add3A_15 = arith.addf %add3A, %get3A_14 : vector<2000x128xf32>
    %mul3A = vector.broadcast %get3A_1 : vector<2000x1xf32> to vector<2000x128xf32>
    %mul3A_16 = arith.mulf %mul3A, %add3A_15 : vector<2000x128xf32>
    %get3A_17 = arith.constant 0 : index
    %get3A_18 = arith.constant 0 : index
    %get3A_19 = vector.load %arg5[%get3A_17, %get3A_18] : memref<1x128xf32, #tpu.memory_space<vmem>>, vector<1x128xf32>
    %add3A_20 = vector.broadcast %get3A_19 : vector<1x128xf32> to vector<2000x128xf32>
    %add3A_21 = arith.addf %mul3A_16, %add3A_20 : vector<2000x128xf32>
    %ge3A = arith.constant 0.000000e+00 : f32
    %ge3A_22 = vector.broadcast %ge3A : f32 to vector<2000x128xf32>
    %ge3A_23 = arith.cmpf oge, %add3A_21, %ge3A_22 : vector<2000x128xf32>
    %mul3A_24 = arith.constant 0.00999999977 : f32
    %mul3A_25 = vector.broadcast %mul3A_24 : f32 to vector<2000x128xf32>
    %mul3A_26 = arith.mulf %mul3A_25, %add3A_21 : vector<2000x128xf32>
    %select_n3A = arith.select %ge3A_23, %add3A_21, %mul3A_26 : vector<2000x128xi1>, vector<2000x128xf32>
    %get3A_27 = arith.constant 0 : index
    %get3A_28 = arith.constant 0 : index
    %get3A_29 = vector.load %arg6[%get3A_27, %get3A_28] : memref<128x64xf32, #tpu.memory_space<vmem>>, vector<128x64xf32>
    %dot_general3A = arith.constant dense<0.000000e+00> : vector<2000x64xf32>
    %dot_general3A_30 = tpu.matmul %select_n3A, %get3A_29, %dot_general3A {dimension_numbers = #tpu.dot_dimension_numbers<[1], [0], [0], [1], [0, 0, 1, 1], [], []>, transpose_lhs_hint = false} : vector<2000x128xf32>, vector<128x64xf32>, vector<2000x64xf32> -> vector<2000x64xf32>
    %get3A_31 = arith.constant 0 : index
    %get3A_32 = arith.constant 0 : index
    %get3A_33 = vector.load %arg7[%get3A_31, %get3A_32] : memref<1x64xf32, #tpu.memory_space<vmem>>, vector<1x64xf32>
    %add3A_34 = vector.broadcast %get3A_33 : vector<1x64xf32> to vector<2000x64xf32>
    %add3A_35 = arith.addf %dot_general3A_30, %add3A_34 : vector<2000x64xf32>
    %swap3A = arith.constant 0 : index
    %swap3A_36 = arith.constant 0 : index
    %swap3A_37 = vector.load %arg8[%swap3A, %swap3A_36] : memref<2000x64xf32, #tpu.memory_space<vmem>>, vector<2000x64xf32>
    tpu.vector_store %arg8[%swap3A, %swap3A_36], %add3A_35 {strides = array<i32>} : memref<2000x64xf32, #tpu.memory_space<vmem>>, vector<2000x64xf32>,
    return
  }
  func.func @transform_0(%arg0: i32) -> (i32, i32, i32) {
    %c0_i32 = arith.constant 0 : i32
    %c0_i32_0 = arith.constant 0 : i32
    %c0_i32_1 = arith.constant 0 : i32
    return %c0_i32, %arg0, %c0_i32_0 : i32, i32, i32
  }
  func.func @transform_1(%arg0: i32) -> (i32, i32, i32) {
    %c1_i32 = arith.constant 1 : i32
    %c0_i32 = arith.constant 0 : i32
    %c0_i32_0 = arith.constant 0 : i32
    return %c1_i32, %arg0, %c0_i32 : i32, i32, i32
  }
  func.func @transform_2(%arg0: i32) -> (i32, i32) {
    %c0_i32 = arith.constant 0 : i32
    %c0_i32_0 = arith.constant 0 : i32
    return %arg0, %c0_i32 : i32, i32
  }
  func.func @transform_3(%arg0: i32) -> (i32, i32) {
    %c0_i32 = arith.constant 0 : i32
    %c0_i32_0 = arith.constant 0 : i32
    return %arg0, %c0_i32 : i32, i32
  }
  func.func @transform_4(%arg0: i32) -> (i32, i32) {
    %c0_i32 = arith.constant 0 : i32
    %c0_i32_0 = arith.constant 0 : i32
    %c0_i32_1 = arith.constant 0 : i32
    return %c0_i32, %c0_i32_0 : i32, i32
  }
  func.func @transform_5(%arg0: i32) -> (i32, i32) {
    %c0_i32 = arith.constant 0 : i32
    %c0_i32_0 = arith.constant 0 : i32
    %c0_i32_1 = arith.constant 0 : i32
    return %c0_i32, %c0_i32_0 : i32, i32
  }
  func.func @transform_6(%arg0: i32) -> (i32, i32) {
    %c0_i32 = arith.constant 0 : i32
    %c0_i32_0 = arith.constant 0 : i32
    %c0_i32_1 = arith.constant 0 : i32
    return %c0_i32, %c0_i32_0 : i32, i32
  }
  func.func @transform_7(%arg0: i32) -> (i32, i32) {
    %c0_i32 = arith.constant 0 : i32
    %c0_i32_0 = arith.constant 0 : i32
    return %arg0, %c0_i32 : i32, i32
  }
}

</mosaic_0001>

<sc_bundles>
// kernel: kernel.6.cloned.1.call-start
scs
__scs_entry_jumppad:
0x0: {  	(pc) =	sbr.rel $0x88, $3  }
0x1: {  	(tag) =	ssettag $0x0;
	lr =	simm.s32 $0x1  }
0x2: {  	[smem:$0x3F9A] =	sst lr;
	_ =	strace $0xD0000000  }
0x3: {  	_ = 	snop  }
0x4: {  	_ = 	snop  }
0x5: {  	_ = 	snop  }
0x6: {  	_ = 	snop  }
0x7: {  	_ = 	snop  }
__scs_overlays_trampoline_lowered:
0x8: {  	[smem:$0x3FA9] =	sst s0  }
0x9: {  	[smem:$0x3FAA] =	sst s1  }
0xa: {  	[smem:$0x3FAB] =	sst s2  }
0xb: {  	[smem:$0x3FAC] =	sst s3  }
0xc: {  	[smem:$0x3FAD] =	sst s4  }
0xd: {  	[smem:$0x3FAE] =	sst s5  }
0xe: {  	[smem:$0x3FAF] =	sst s6  }
0xf: {  	[smem:$0x3FB0] =	sst s7  }
0x10: {  	[smem:$0x3FB1] =	sst s8  }
0x11: {  	[smem:$0x3FB2] =	sst s9;
	s0 =	simm.s32 @!p0 $0x0  }
0x12: {  	s1 =	sld [smem:$0x3F98];
	s0 =	simm.s32 @p0 $0x1  }
0x13: {  	[smem:$0x3FB3] =	sst s0;
	s0 =	simm.s32 @!p1 $0x0  }
0x14: {  	s2 =	sld [smem:$0x3F97];
	s0 =	simm.s32 @p1 $0x1  }
0x15: {  	[smem:$0x3FB4] =	sst s0;
	s0 =	simm.s32 @!p2 $0x0  }
0x16: {  	s3 =	sld [smem:$0x3FDB];
	s0 =	simm.s32 @p2 $0x1  }
0x17: {  	s4 =	simm.s32 $0x1BF5;
	[smem:$0x3FB6] =	sst s0  }
0x18: {  	s0 =	sld [smem:$0x3F99];
	_ =	swait.ge [sflag:s4], $0x0  }
0x19: {  	s7 =	sld [smem:$0x3F9A]  }
0x1a: {  	s8 =	sadd.s32 $0xFFFFE003, lr  }
0x1b: {  	s9 =	sadd.s32 $0xFFFFFEF7, lr;
	s5 =	simm.s32 $0xFFFFFFFF;
	p2 =	slt.u32 s8, $0xFFFFF086  }
0x1c: {  	p1 =	slt.u32 s9, $0xF7A;
	s5 =	simm.s32 @!p2 $0x0  }
0x1d: {  	s5 =	simm.s32 @p1 $0x1;
	p0 =	seq.s32 s7, s2  }
0x1e: {  	s7 =	smul.u32 @!p0 $0xF7A, s2;
	p2 =	seq.s32 @!p0 s5, $0x0  }
0x1f: {  	s9 =	smul.u32 $0xF7A, s1;
	s8 =	simm.s32 @!p0 $0x1BF5;
	p2 =	por !p2, p0  }
0x20: {  	[sflag:s8] =	ssyncset.s32 @!p0 $0xFFFFF086;
	s6 =	sadd.s32 @!p0 s3, s7;
	s7 =	simm.s32 @!p0 $0x108  }
0x21: {  	s3 =	sadd.s32 s3, s9;
	s6 =	sadd.s32 @!p0 $0x88, s6;
	s7 =	simm.s32 @p2 $0x1082  }
0x22: {  	[simem:s7], [sflag:s8] =	dma.local @!p0 [hbm:s6], $0xF7A  }
0x23: {  	s9 =	sor.u32 $0xD0000000, s2;
	s6 =	simm.s32 $0x108;
	_ =	swait.ge @!p0 [sflag:s8], $0x0  }
0x24: {  	s3 =	sadd.s32 $0x88, s3;
	s6 =	simm.s32 @!p1 $0x1082;
	[sflag:s4] =	ssyncset.s32 $0xFFFFF086  }
0x25: {  	[simem:s6], [sflag:s4] =	dma.local [hbm:s3], $0xF7A  }
0x26: {  	[smem:$0x3F9A] =	sst s1;
	(tag) =	ssettag s2;
	_ =	strace s9  }
0x27: {  	s1 =	sld [smem:$0x3FAA]  }
0x28: {  	s2 =	sld [smem:$0x3FAB]  }
0x29: {  	s4 =	sld [smem:$0x3FAD]  }
0x2a: {  	p0 =	seq.s32 s5, $0x0;
	s5 =	sld [smem:$0x3FAE]  }
0x2b: {  	s6 =	sld [smem:$0x3FAF]  }
0x2c: {  	s7 =	sld [smem:$0x3FB0]  }
0x2d: {  	s3 =	simm.s32 $0x108;
	s8 =	sld [smem:$0x3FB1]  }
0x2e: {  	s3 =	simm.s32 @!p0 $0x1082;
	s9 =	sld [smem:$0x3FB2]  }
0x2f: {  	lr =	sadd.s32 s0, s3;
	s0 =	sld [smem:$0x3FA9]  }
0x30: {  	s3 =	sld [smem:$0x3FAC]  }
0x31: {  	[smem:$0x3FB5] =	sst s10  }
0x32: {  	s10 =	sld [smem:$0x3FB3];
	_ =	sdelay $0x3  }
0x33: {  	p0 =	seq.s32 s10, $0x1;
	s10 =	sld [smem:$0x3FB5];
	_ =	sdelay $0x3  }
0x34: {  	[smem:$0x3FB5] =	sst s10  }
0x35: {  	s10 =	sld [smem:$0x3FB4];
	_ =	sdelay $0x3  }
0x36: {  	p1 =	seq.s32 s10, $0x1;
	s10 =	sld [smem:$0x3FB5];
	_ =	sdelay $0x3  }
0x37: {  	[smem:$0x3FB5] =	sst s10  }
0x38: {  	s10 =	sld [smem:$0x3FB6]  }
0x39: {  	_ = 	snop;
	(pc) =	sbr.ind lr, $3  }
0x3a: {  	_ = 	snop  }
0x3b: {  	_ = 	snop  }
0x3c: {  	p2 =	seq.s32 s10, $0x1;
	s10 =	sld [smem:$0x3FB5]  }
0x3d: {  	_ =	shalt  }
0x3e: {  	_ =	shalt  }
0x3f: {  	_ =	shalt  }
0x40: {  	_ =	shalt  }
0x41: {  	_ =	shalt  }
0x42: {  	_ =	shalt  }
0x43: {  	_ =	shalt  }
0x44: {  	_ =	shalt  }
0x45: {  	_ =	shalt  }
0x46: {  	_ =	shalt  }
0x47: {  	_ =	shalt  }
0x48: {  	_ =	shalt  }
0x49: {  	_ =	shalt  }
0x4a: {  	_ =	shalt  }
0x4b: {  	_ =	shalt  }
0x4c: {  	_ =	shalt  }
0x4d: {  	_ =	shalt  }
0x4e: {  	_ =	shalt  }
0x4f: {  	_ =	shalt  }
0x50: {  	_ =	shalt  }
0x51: {  	_ =	shalt  }
0x52: {  	_ =	shalt  }
0x53: {  	_ =	shalt  }
0x54: {  	_ =	shalt  }
0x55: {  	_ =	shalt  }
0x56: {  	_ =	shalt  }
0x57: {  	_ =	shalt  }
0x58: {  	_ =	shalt  }
0x59: {  	_ =	shalt  }
0x5a: {  	_ =	shalt  }
0x5b: {  	_ =	shalt  }
0x5c: {  	_ =	shalt  }
0x5d: {  	_ =	shalt  }
0x5e: {  	_ =	shalt  }
0x5f: {  	_ =	shalt  }
0x60: {  	_ =	shalt  }
0x61: {  	_ =	shalt  }
0x62: {  	_ =	shalt  }
0x63: {  	_ =	shalt  }
0x64: {  	_ =	shalt  }
0x65: {  	_ =	shalt  }
0x66: {  	_ =	shalt  }
0x67: {  	_ =	shalt  }
0x68: {  	_ =	shalt  }
0x69: {  	_ =	shalt  }
0x6a: {  	_ =	shalt  }
0x6b: {  	_ =	shalt  }
0x6c: {  	_ =	shalt  }
0x6d: {  	_ =	shalt  }
0x6e: {  	_ =	shalt  }
0x6f: {  	_ =	shalt  }
0x70: {  	_ =	shalt  }
0x71: {  	_ =	shalt  }
0x72: {  	_ =	shalt  }
0x73: {  	_ =	shalt  }
0x74: {  	_ =	shalt  }
0x75: {  	_ =	shalt  }
0x76: {  	_ =	shalt  }
0x77: {  	_ =	shalt  }
0x78: {  	_ =	shalt  }
0x79: {  	_ =	shalt  }
0x7a: {  	_ =	shalt  }
0x7b: {  	_ =	shalt  }
0x7c: {  	_ =	shalt  }
0x7d: {  	_ =	shalt  }
0x7e: {  	_ =	shalt  }
0x7f: {  	_ =	shalt  }
0x80: {  	_ =	shalt  }
0x81: {  	_ =	shalt  }
0x82: {  	_ =	shalt  }
0x83: {  	_ =	shalt  }
0x84: {  	_ =	shalt  }
0x85: {  	_ =	shalt  }
0x86: {  	_ =	shalt  }
0x87: {  	_ =	shalt  }
.Lfunc_end0:
.L_simem_size_0:
called_computation_lowered:
.L_overlay_start_0:
0x88: {  	s2 =	sld [smem:$0x3FD9]  }
0x89: {  	s3 =	sld [smem:$0x3FFE];
	_ =	sdelay $0x1  }
0x8a: {  	s1 =	srdreg.scid  }
0x8b: {  	s0 =	sand.u32 $0x1, s1  }
0x8c: {  	s17 =	sshll.u32 s0, $0xA;
	s2 =	sadd.s32 s3, s2  }
0x8d: {  	s2 =	sadd.s32 s2, s17  }
0x8e: {  	[smem:$0x3FC1] =	sst s2  }
0x8f: {  	_ = 	snop  }
0x90: {  	s2 =	sld [smem:$0x3FD0];
	(tm) =	ssettm $0x1  }
0x91: {  	s18 =	sld [smem:$0x3FFB];
	_ =	sdelay $0x3  }
0x92: {  	_ =	strace s18  }
0x93: {  	s3 =	sld [smem:$0x3FFC];
	_ =	sdelay $0x3  }
0x94: {  	_ =	strace s3  }
0x95: {  	s3 =	sld [smem:$0x3FFD];
	_ =	sdelay $0x3  }
0x96: {  	_ =	strace s3  }
0x97: {  	_ =	strace $0x8FFFFFFF  }
0x98: {  	s19 =	sld [smem:$0x3FDB];
	_ =	sdelay $0x1  }
0x99: {  	s4 =	simm.s32 $_scs_section_size  }
0x9a: {  	s5 =	simm.s32 $_size__tile_overlayer_lowered;
	s6 =	simm.s32 $_tile_overlayer_lowered  }
0x9b: {  	s22 =	simm.s32 $0x1BFF;
	s21 =	sshll.u32 s6, $0x1;
	s3 =	sadd.s32 s4, s19  }
0x9c: {  	s7 =	simm.s32 $0x0;
	s20 =	sshll.u32 s5, $0x1;
	s5 =	sadd.s32 s21, s3  }
0x9d: {  	[timem:s7], [sflag:s22] =	dma.local [hbm:s5], s20  }
0x9e: {  	_ =	swait.ge [sflag:s22], s20  }
0x9f: {  	s4 =	ssub.s32 $0x0, s20;
	[sflag:s22] =	ssyncset.done $0x0  }
0xa0: {  	[sflag:s22] =	ssyncadd.s32 s4;
	_ =	sdelay $0x1  }
0xa1: {  	s23 =	simm.s32 $0x1B8B  }
0xa2: {  	_ =	swait.ge [sflag:s23], $0x1  }
0xa3: {  	[sflag:s23] =	ssyncset.done $0x0  }
0xa4: {  	s25 =	simm.s32 $0x1B8E;
	s24 =	sld [smem:$0x3FFE];
	[sflag:s23] =	ssyncadd.s32 $0xFFFFFFFF  }
0xa5: {  	s26 =	simm.s32 $execute0_lowered;
	[smem:$0x3FD2] =	sst s25  }
0xa6: {  	s5 =	sshll.u32 s26, $0x1;
	_ =	strace $0x80000046;
	[dreg:$0x1] =	wrdreg $0xFFFFFFFF  }
0xa7: {  	s28 =	simm.s32 $_size_execute0_lowered;
	s3 =	sadd.s32 s3, s5;
	[dreg:$0x0] =	wrdreg $0x0  }
0xa8: {  	s5 =	sshll.u32 s28, $0x1;
	[dreg:$0x2] =	wrdreg s3  }
0xa9: {  	[dreg:$0x3] =	wrdreg s5  }
0xaa: {  	[dreg:$0x4] =	wrdreg $0xC0  }
0xab: {  	_ =	task [dreg:s7], $0x5FFFF  }
0xac: {  	[dreg:$0x1] =	wrdreg $0xFFFFFFFF  }
0xad: {  	[dreg:$0x0] =	wrdreg $0x60  }
0xae: {  	[dreg:$0x2] =	wrdreg s24  }
0xaf: {  	[dreg:$0x3] =	wrdreg s2  }
0xb0: {  	[dreg:$0x4] =	wrdreg $0xA2800  }
0xb1: {  	[dreg:$0x5] =	wrdreg $0x9  }
0xb2: {  	_ =	task.clear_ibuf [dreg:s7], $0x6FFFF;
	_ =	strace $0x90000046  }
0xb3: {  	s29 =	simm.s32 $0x9;
	_ =	strace $0x80000048  }
0xb4: {  	_ =	swait.ge [sflag:s29], $0x1  }
0xb5: {  	[sflag:s29] =	ssyncadd.s32 $0xFFFFFFFF  }
0xb6: {  	_ =	strace $0x90000048  }
0xb7: {  	_ =	sfence  }
0xb8: {  	s30 =	sld [smem:$0x0];
	_ =	sdelay $0x2  }
0xb9: {  	s31 =	sshll.u32 s1, $0xD;
	s1 =	sshrl.u32 s1, $0x2  }
0xba: {  	s3 =	sand.u32 $0x4000, s31;
	s1 =	sadd.s32 s1, s30  }
0xbb: {  	s0 =	sor.u32 s3, s0;
	s1 =	sshll.u32 s1, $0x11  }
0xbc: {  	s0 =	sor.u32 s1, s0  }
0xbd: {  	s0 =	sadd.s32 $0x8F2B, s0  }
0xbe: {  	[sflag:s0] =	ssyncadd.remote.s32 $0x1  }
0xbf: {  	_ =	sfence.sel $0xFFFF  }
0xc0: {  	[dreg:$0x0] =	wrdreg $0xFFFFFFFF;
	(pc) =	sbr.abs _section_cstart, $3  }
0xc1: {  	[dreg:$0x1] =	wrdreg $0xFFFFFFFF  }
0xc2: {  	_ =	task.clear_ibuf [dreg:s7], $0x2FFFF;
	_ =	strace $0x9FFFFFFF  }
0xc3: {  	(tm) =	ssettm $0x7FFFFFFF  }
tec
execute0_lowered:
.L_overlay_start_1:
0x0: {  	(tag) =	ssettag $0x1  }
0x1: {  	s0 =	rddreg [dreg:$0x0]  }
0x2: {  	s1 =	rddreg [dreg:$0x1];
	s3 =	srdreg.scid  }
0x3: {  	s8 =	stileid.u32;
	s2 =	rddreg [dreg:$0x2]  }
0x4: {  	s10 =	simm.s32 $0x2;
	s19 =	simm.s32 $0x5000;
	s21 =	simm.s32 $0x6000  }
0x5: {  	s28 =	simm.s32 $0x9000;
	s29 =	simm.s32 $0x50;
	s30 =	simm.s32 $0x1  }
0x6: {  	s31 =	simm.s32 $0x20;
	s4 =	sand.u32 $0x1, s3;
	s6 =	smul.u32 $0xA00, s8  }
0x7: {  	s5 =	sshll.u32 s8, $0x1;
	s3 =	simm.s32 $0x0;
	s8 =	smul.u32 $0x500, s8  }
0x8: {  	s5 =	sor.u32 s4, s5;
	[smem:$0x7FF] =	sst s3;
	s7 =	ssub.s32 $0x2, s4  }
0x9: {  	s4 =	sshll.u32 s4, $0x7;
	s5 =	smul.u32 $0x5000, s5;
	_ =	strace $0x80000047  }
0xa: {  	s23 =	sshrl.u32 s7, $0x1;
	s24 =	sshrl.u32 s6, $0x2;
	s25 =	sor.u32 s4, s8  }
0xb: {  	s9 =	ssub.s32 s7, s23;
	s4 =	sadd.s32 s24, s2;
	s26 =	sshrl.u32 s25, $0x3  }
0xc: {  	s23 =	simm.s32 $0x7000;
	s25 =	simm.s32 $0x8000;
	s5 =	sshrl.u32 s5, $0x3  }
0xd: {  	s7 =	sadd.s32 s1, s26;
	s8 =	smax.u32 s9, $0x1;
	s0 =	sadd.s32 s5, s0  }
0xe: {  	s1 =	simm.s32 $0x10;
	s9 =	simm.s32 $0x0;
	s5 =	sadd.s32 $0x16200, s0  }
0xf: {  	s6 =	sadd.s32 $0x2A200, s0;
	s11 =	sadd.s32 $0x200, s5;
	s13 =	sadd.s32 $0x400, s5  }
0x10: {  	s15 =	sadd.s32 $0x600, s5;
	s17 =	sadd.s32 $0x800, s5;
	s20 =	sadd.s32 $0x200, s6  }
0x11: {  	v0 =	vimm.f32 $0.0e+00;
	s22 =	sadd.s32 $0x400, s6;
	s24 =	sadd.s32 $0x600, s6;
	s26 =	sadd.s32 $0x800, s6  }
.LBB2_1:
0x12: {  	[tilespmem:$0xA000] =	vst v0  }
0x13: {  	[tilespmem:$0xA010] =	vst v0  }
0x14: {  	[tilespmem:$0xA020] =	vst v0  }
0x15: {  	[tilespmem:$0xA030] =	vst v0  }
0x16: {  	[tilespmem:$0xA040] =	vst v0  }
0x17: {  	[tilespmem:$0xA050] =	vst v0  }
0x18: {  	[tilespmem:$0xA060] =	vst v0  }
0x19: {  	[tilespmem:$0xA070] =	vst v0  }
0x1a: {  	[tilespmem:$0xA080] =	vst v0  }
0x1b: {  	[tilespmem:$0xA090] =	vst v0  }
0x1c: {  	[tilespmem:$0xA0A0] =	vst v0  }
0x1d: {  	[tilespmem:$0xA0B0] =	vst v0  }
0x1e: {  	[tilespmem:$0xA0C0] =	vst v0  }
0x1f: {  	[tilespmem:$0xA0D0] =	vst v0  }
0x20: {  	[tilespmem:$0xA0E0] =	vst v0  }
0x21: {  	[tilespmem:$0xA0F0] =	vst v0  }
0x22: {  	[tilespmem:$0xA100] =	vst v0  }
0x23: {  	[tilespmem:$0xA110] =	vst v0  }
0x24: {  	[tilespmem:$0xA120] =	vst v0  }
0x25: {  	[tilespmem:$0xA130] =	vst v0  }
0x26: {  	[tilespmem:$0xA140] =	vst v0  }
0x27: {  	[tilespmem:$0xA150] =	vst v0  }
0x28: {  	[tilespmem:$0xA160] =	vst v0  }
0x29: {  	[tilespmem:$0xA170] =	vst v0  }
0x2a: {  	[tilespmem:$0xA180] =	vst v0  }
0x2b: {  	[tilespmem:$0xA190] =	vst v0  }
0x2c: {  	[tilespmem:$0xA1A0] =	vst v0  }
0x2d: {  	[tilespmem:$0xA1B0] =	vst v0  }
0x2e: {  	[tilespmem:$0xA1C0] =	vst v0  }
0x2f: {  	[tilespmem:$0xA1D0] =	vst v0  }
0x30: {  	[tilespmem:$0xA1E0] =	vst v0  }
0x31: {  	[tilespmem:$0xA1F0] =	vst v0  }
0x32: {  	[tilespmem:$0xA200] =	vst v0  }
0x33: {  	[tilespmem:$0xA210] =	vst v0  }
0x34: {  	[tilespmem:$0xA220] =	vst v0  }
0x35: {  	[tilespmem:$0xA230] =	vst v0  }
0x36: {  	[tilespmem:$0xA240] =	vst v0  }
0x37: {  	[tilespmem:$0xA250] =	vst v0  }
0x38: {  	[tilespmem:$0xA260] =	vst v0  }
0x39: {  	[tilespmem:$0xA270] =	vst v0;
	s0 =	simm.s32 $0xA000  }
0x3a: {  	[spmem:s4] =	stream.linear.scatter [tilespmem:s0], [sflag:$0x2], $0x280, $0x38;
	[tilespmem:$0xA500] =	vst v63  }
0x3b: {  	_ =	swait.ge [sflag:s10], $0x280  }
0x3c: {  	[sflag:s10] =	ssyncset.done $0x0  }
0x3d: {  	[sflag:s10] =	ssyncadd.s32 $0xFFFFFD80  }
0x3e: {  	[tilespmem:s3], [sflag:$0x2] =	stream.linear.gather [hbm4b:s5+s3], $0xC80, $0x38;
	[tilespmem:$0xA500] =	vst v63  }
0x3f: {  	s16 =	simm.s32 $0x1000  }
0x40: {  	[tilespmem:s16], [sflag:$0x2] =	stream.linear.gather [hbm4b:s11+s3], $0xC80, $0x38;
	[tilespmem:$0xA500] =	vst v63  }
0x41: {  	s18 =	simm.s32 $0x2000  }
0x42: {  	[tilespmem:s18], [sflag:$0x2] =	stream.linear.gather [hbm4b:s13+s3], $0xC80, $0x38;
	[tilespmem:$0xA500] =	vst v63  }
0x43: {  	s12 =	simm.s32 $0x3000  }
0x44: {  	[tilespmem:s12], [sflag:$0x2] =	stream.linear.gather [hbm4b:s15+s3], $0xC80, $0x38;
	[tilespmem:$0xA500] =	vst v63  }
0x45: {  	s14 =	simm.s32 $0x4000  }
0x46: {  	[tilespmem:s14], [sflag:$0x2] =	stream.linear.gather [hbm4b:s17+s3], $0xC80, $0x38;
	[tilespmem:$0xA500] =	vst v63  }
0x47: {  	s16 =	smul.u32 $0xCD, s3;
	_ =	swait.ge [sflag:s10], $0x3E80  }
0x48: {  	[sflag:s10] =	ssyncset.done $0x0  }
0x49: {  	s12 =	sshrl.u32 s16, $0xA;
	[sflag:s10] =	ssyncadd.s32 $0xFFFFC180  }
0x4a: {  	[tilespmem:s19], [sflag:$0x2] =	stream.linear.gather [hbm4b:s6+s3], $0xC80, $0x38;
	[tilespmem:$0xA500] =	vst v63  }
0x4b: {  	s12 =	sand.u32 $0x3F, s12  }
0x4c: {  	[tilespmem:s21], [sflag:$0x2] =	stream.linear.gather [hbm4b:s20+s3], $0xC80, $0x38;
	[tilespmem:$0xA500] =	vst v63  }
0x4d: {  	s12 =	smul.u32 $0x5, s12  }
0x4e: {  	[tilespmem:s23], [sflag:$0x2] =	stream.linear.gather [hbm4b:s22+s3], $0xC80, $0x38;
	[tilespmem:$0xA500] =	vst v63  }
0x4f: {  	s12 =	ssub.s32 $0x0, s12  }
0x50: {  	[tilespmem:s25], [sflag:$0x2] =	stream.linear.gather [hbm4b:s24+s3], $0xC80, $0x38;
	[tilespmem:$0xA500] =	vst v63  }
0x51: {  	s12 =	sand.u32 $0xFF, s12  }
0x52: {  	[tilespmem:s28], [sflag:$0x2] =	stream.linear.gather [hbm4b:s26+s3], $0xC80, $0x38;
	[tilespmem:$0xA500] =	vst v63  }
0x53: {  	s0 =	sshll.u32 s16, $0x2;
	s12 =	smul.u32 $0x280, s12;
	_ =	swait.ge [sflag:s10], $0x3E80  }
0x54: {  	s0 =	sand.u32 $0x3F000, s0;
	[sflag:s10] =	ssyncset.done $0x0  }
0x55: {  	s0 =	sadd.s32 s12, s0;
	[sflag:s10] =	ssyncadd.s32 $0xFFFFC180  }
0x56: {  	s12 =	sadd.s32 $0x5000, s0;
	[bflag:$0x0] =	sbarrier.arrive $0xFFFF  }
0x57: {  	[spmem:s2] =	stream.indirect.scatter.add.f32 [tilespmem:s12], [sflag:$0x1], $0x1, s0, s29, $0xb8;
	[tilespmem:$0xA500] =	vst v63  }
0x58: {  	s18 =	sadd.s32 $0x80, s0;
	s14 =	sadd.s32 $0x5080, s0  }
0x59: {  	[spmem:s2] =	stream.indirect.scatter.add.f32 [tilespmem:s14], [sflag:$0x1], $0x1, s18, s29, $0xb8;
	[tilespmem:$0xA500] =	vst v63  }
0x5a: {  	s16 =	sadd.s32 $0x100, s0;
	s18 =	sadd.s32 $0x5100, s0  }
0x5b: {  	[spmem:s2] =	stream.indirect.scatter.add.f32 [tilespmem:s18], [sflag:$0x1], $0x1, s16, s29, $0xb8;
	[tilespmem:$0xA500] =	vst v63  }
0x5c: {  	s16 =	sadd.s32 $0x180, s0;
	s18 =	sadd.s32 $0x5180, s0  }
0x5d: {  	[spmem:s2] =	stream.indirect.scatter.add.f32 [tilespmem:s18], [sflag:$0x1], $0x1, s16, s29, $0xb8;
	[tilespmem:$0xA500] =	vst v63  }
0x5e: {  	s14 =	sadd.s32 $0x200, s0;
	s0 =	sadd.s32 $0x5200, s0  }
0x5f: {  	[spmem:s2] =	stream.indirect.scatter.add.f32 [tilespmem:s0], [sflag:$0x1], $0x1, s14, s29, $0xb8;
	[tilespmem:$0xA500] =	vst v63  }
0x60: {  	_ =	swait.ge [sflag:s30], $0x50  }
0x61: {  	[sflag:s30] =	ssyncset.done $0x0  }
0x62: {  	s16 =	simm.s32 $0x1;
	[sflag:s30] =	ssyncadd.s32 $0xFFFFFFB0  }
0x63: {  	s0 =	smul.u32 $0xCD, s16;
	_ =	swait.ge [sflag:s30], $0x50  }
0x64: {  	[sflag:s30] =	ssyncset.done $0x0  }
0x65: {  	s18 =	sshrl.u32 s0, $0xA;
	[sflag:s30] =	ssyncadd.s32 $0xFFFFFFB0  }
0x66: {  	s12 =	sand.u32 $0x3F, s18;
	_ =	swait.ge [sflag:s30], $0x50  }
0x67: {  	s12 =	smul.u32 $0x5, s12;
	[sflag:s30] =	ssyncset.done $0x0  }
0x68: {  	[sflag:s30] =	ssyncadd.s32 $0xFFFFFFB0  }
0x69: {  	s12 =	ssub.s32 $0x1, s12;
	_ =	swait.ge [sflag:s30], $0x50  }
0x6a: {  	s12 =	sand.u32 $0xFF, s12;
	[sflag:s30] =	ssyncset.done $0x0  }
0x6b: {  	s0 =	sshll.u32 s0, $0x2;
	s12 =	smul.u32 $0x280, s12;
	[sflag:s30] =	ssyncadd.s32 $0xFFFFFFB0  }
0x6c: {  	s0 =	sand.u32 $0x3F000, s0;
	_ =	swait.ge [sflag:s30], $0x50  }
0x6d: {  	s0 =	sadd.s32 s12, s0;
	s12 =	simm.s32 $0x2;
	[sflag:s30] =	ssyncset.done $0x0  }
.LBB2_2:
0x6e: {  	s14 =	sadd.s32 $0x5000, s0  }
0x6f: {  	[sflag:s30] =	ssyncadd.s32 $0xFFFFFFB0;
	s16 =	smov.u32 s12;
	s18 =	sadd.s32 $0x1, s12  }
0x70: {  	[spmem:s2] =	stream.indirect.scatter.add.f32 [tilespmem:s14], [sflag:$0x1], $0x1, s0, s29, $0xb8;
	[tilespmem:$0xA500] =	vst v63  }
0x71: {  	p0 =	sne.s32 s12, $0x18;
	s12 =	sadd.s32 $0x80, s0;
	s14 =	sadd.s32 $0x5080, s0  }
0x72: {  	[spmem:s2] =	stream.indirect.scatter.add.f32 [tilespmem:s14], [sflag:$0x1], $0x1, s12, s29, $0xb8;
	[tilespmem:$0xA500] =	vst v63  }
0x73: {  	s12 =	sadd.s32 $0x100, s0;
	s14 =	sadd.s32 $0x5100, s0  }
0x74: {  	[spmem:s2] =	stream.indirect.scatter.add.f32 [tilespmem:s14], [sflag:$0x1], $0x1, s12, s29, $0xb8;
	[tilespmem:$0xA500] =	vst v63  }
0x75: {  	s12 =	sadd.s32 $0x180, s0;
	s14 =	sadd.s32 $0x5180, s0  }
0x76: {  	[spmem:s2] =	stream.indirect.scatter.add.f32 [tilespmem:s14], [sflag:$0x1], $0x1, s12, s29, $0xb8;
	[tilespmem:$0xA500] =	vst v63  }
0x77: {  	s12 =	sadd.s32 $0x200, s0;
	s0 =	sadd.s32 $0x5200, s0  }
0x78: {  	[spmem:s2] =	stream.indirect.scatter.add.f32 [tilespmem:s0], [sflag:$0x1], $0x1, s12, s29, $0xb8;
	[tilespmem:$0xA500] =	vst v63  }
0x79: {  	_ =	swait.ge [sflag:s30], $0x50  }
0x7a: {  	[sflag:s30] =	ssyncset.done $0x0  }
0x7b: {  	[sflag:s30] =	ssyncadd.s32 $0xFFFFFFB0  }
0x7c: {  	s0 =	smul.u32 $0xCD, s16;
	_ =	swait.ge [sflag:s30], $0x50  }
0x7d: {  	[sflag:s30] =	ssyncset.done $0x0  }
0x7e: {  	s12 =	sshrl.u32 s0, $0xA;
	s0 =	sshll.u32 s0, $0x2;
	[sflag:s30] =	ssyncadd.s32 $0xFFFFFFB0  }
0x7f: {  	s12 =	sand.u32 $0x3F, s12;
	_ =	swait.ge [sflag:s30], $0x50  }
0x80: {  	s12 =	smul.u32 $0x5, s12;
	[sflag:s30] =	ssyncset.done $0x0  }
0x81: {  	[sflag:s30] =	ssyncadd.s32 $0xFFFFFFB0  }
.Ltmp0:
0x82: {  	s12 =	ssub.s32 s16, s12;
	_ =	swait.ge [sflag:s30], $0x50;
	(pc) =	sbr.rel @p0 .LBB2_2-.Ltmp0, $4  }
0x83: {  	s12 =	sand.u32 $0xFF, s12;
	[sflag:s30] =	ssyncset.done $0x0  }
0x84: {  	s12 =	smul.u32 $0x280, s12;
	[sflag:s30] =	ssyncadd.s32 $0xFFFFFFB0  }
0x85: {  	s0 =	sand.u32 $0x3F000, s0;
	_ =	swait.ge [sflag:s30], $0x50  }
0x86: {  	s0 =	sadd.s32 s12, s0;
	s12 =	smov.u32 s18;
	[sflag:s30] =	ssyncset.done $0x0  }
0x87: {  	s12 =	sadd.s32 $0x5000, s0;
	[sflag:s30] =	ssyncadd.s32 $0xFFFFFFB0  }
0x88: {  	[spmem:s2] =	stream.indirect.scatter.add.f32 [tilespmem:s12], [sflag:$0x1], $0x1, s0, s29, $0xb8;
	[tilespmem:$0xA500] =	vst v63  }
0x89: {  	s18 =	sadd.s32 $0x80, s0;
	s14 =	sadd.s32 $0x5080, s0  }
0x8a: {  	[spmem:s2] =	stream.indirect.scatter.add.f32 [tilespmem:s14], [sflag:$0x1], $0x1, s18, s29, $0xb8;
	[tilespmem:$0xA500] =	vst v63  }
0x8b: {  	s16 =	sadd.s32 $0x100, s0;
	s18 =	sadd.s32 $0x5100, s0  }
0x8c: {  	[spmem:s2] =	stream.indirect.scatter.add.f32 [tilespmem:s18], [sflag:$0x1], $0x1, s16, s29, $0xb8;
	[tilespmem:$0xA500] =	vst v63  }
0x8d: {  	s14 =	sadd.s32 $0x180, s0;
	s16 =	sadd.s32 $0x5180, s0  }
0x8e: {  	[spmem:s2] =	stream.indirect.scatter.add.f32 [tilespmem:s16], [sflag:$0x1], $0x1, s14, s29, $0xb8;
	[tilespmem:$0xA500] =	vst v63  }
0x8f: {  	s18 =	sadd.s32 $0x200, s0;
	s14 =	sadd.s32 $0x5200, s0  }
0x90: {  	[spmem:s2] =	stream.indirect.scatter.add.f32 [tilespmem:s14], [sflag:$0x1], $0x1, s18, s29, $0xb8;
	[tilespmem:$0xA500] =	vst v63  }
0x91: {  	_ =	swait.ge [sflag:s30], $0x50  }
0x92: {  	[sflag:s30] =	ssyncset.done $0x0  }
0x93: {  	[sflag:s30] =	ssyncadd.s32 $0xFFFFFFB0  }
0x94: {  	_ =	swait.ge [sflag:s30], $0x50  }
0x95: {  	[sflag:s30] =	ssyncset.done $0x0  }
0x96: {  	[sflag:s30] =	ssyncadd.s32 $0xFFFFFFB0  }
0x97: {  	_ =	swait.ge [sflag:s30], $0x50  }
0x98: {  	[sflag:s30] =	ssyncset.done $0x0  }
0x99: {  	[sflag:s30] =	ssyncadd.s32 $0xFFFFFFB0  }
0x9a: {  	_ =	swait.ge [sflag:s30], $0x50  }
0x9b: {  	[sflag:s30] =	ssyncset.done $0x0  }
0x9c: {  	[sflag:s30] =	ssyncadd.s32 $0xFFFFFFB0  }
0x9d: {  	s16 =	stileid.u32;
	_ =	swait.ge [sflag:s30], $0x50  }
0x9e: {  	s9 =	sadd.s32 $0x1, s9;
	s0 =	sshll.u32 s16, $0x6;
	[sflag:s30] =	ssyncset.done $0x0  }
0x9f: {  	p0 =	sne.s32 s9, s8;
	s0 =	sor.u32 $0x1C02, s0;
	[sflag:s30] =	ssyncadd.s32 $0xFFFFFFB0  }
.Ltmp1:
0xa0: {  	s18 =	sshrl.u32 s4, $0x3;
	[bflag:$0x0] =	sbarrier.arrive $0xFFFF;
	(pc) =	sbr.rel @p0 .LBB2_1-.Ltmp1, $4  }
0xa1: {  	[hbm:s7@s31], [sflag:s0] =	dma.strided [spmem:s18@s1], $0x50, s30, $0x10   }
0xa2: {  	_ =	swait.ge [sflag:s10], $0x50  }
0xa3: {  	[sflag:s10] =	ssyncset.done $0x0  }
0xa4: {  	[sflag:s10] =	ssyncadd.s32 $0xFFFFFFB0  }
0xa5: {  	_ =	sfence.sel $0x180000  }
0xa6: {  	[bflag:$0x0] =	sbarrier.arrive $0xFFFF  }
0xa7: {  	_ =	strace $0x90000047  }
0xa8: {  	s0 =	stileid.u32;
	[bflag:$0x2] =	sbarrier.arrive $0xFFFF  }
0xa9: {  	p0 =	sne.s32 s0, $0x0;
	s0 =	rddreg [dreg:$0x3]  }
0xaa: {  	s0 =	sadd.s32 @!p0 $0x100000, s0  }
0xab: {  	[sflag:s0] =	ssyncadd.tile.s32 @!p0 $0x1;
	_ =	shalt  }
.Lfunc_end2:
_tile_overlayer_lowered:
.L_overlay_start_2:
0xac: {  	(tag) =	ssettag $0x2  }
0xad: {  	s0 =	rddreg [dreg:$0x0];
	s2 =	stileid.u32  }
0xae: {  	s1 =	rddreg [dreg:$0x1];
	p0 =	sne.s32 s2, $0x0  }
0xaf: {  	s3 =	rddreg [dreg:$0x2];
	[bflag:$0x3] =	sbarrier.arrive $0xFFFF;
	s2 =	simm.s32 @!p0 $0x1C02  }
0xb0: {  	[timem:s3], [sflag:s2] =	dma.local @!p0 [hbm:s0], s1  }
0xb1: {  	s0 =	simm.s32 @!p0 $0x2  }
0xb2: {  	_ =	swait.ge @!p0 [sflag:s0], s1  }
0xb3: {  	s1 =	ssub.s32 @!p0 $0x0, s1;
	[sflag:s0] =	ssyncset.done @!p0 $0x0  }
0xb4: {  	[sflag:s0] =	ssyncadd.s32 @!p0 s1  }
0xb5: {  	[bflag:$0x3] =	sbarrier.arrive $0xFFFF  }
0xb6: {  	_ =	shalt  }

// kernel: kernel.9.cloned.1.call-start
scs
__scs_entry_jumppad:
0x0: {  	(pc) =	sbr.rel $0x88, $3  }
0x1: {  	(tag) =	ssettag $0x0;
	lr =	simm.s32 $0x1  }
0x2: {  	[smem:$0x3F9A] =	sst lr;
	_ =	strace $0xD0000000  }
0x3: {  	_ = 	snop  }
0x4: {  	_ = 	snop  }
0x5: {  	_ = 	snop  }
0x6: {  	_ = 	snop  }
0x7: {  	_ = 	snop  }
__scs_overlays_trampoline_lowered:
0x8: {  	[smem:$0x3FA9] =	sst s0  }
0x9: {  	[smem:$0x3FAA] =	sst s1  }
0xa: {  	[smem:$0x3FAB] =	sst s2  }
0xb: {  	[smem:$0x3FAC] =	sst s3  }
0xc: {  	[smem:$0x3FAD] =	sst s4  }
0xd: {  	[smem:$0x3FAE] =	sst s5  }
0xe: {  	[smem:$0x3FAF] =	sst s6  }
0xf: {  	[smem:$0x3FB0] =	sst s7  }
0x10: {  	[smem:$0x3FB1] =	sst s8  }
0x11: {  	[smem:$0x3FB2] =	sst s9;
	s0 =	simm.s32 @!p0 $0x0  }
0x12: {  	s1 =	sld [smem:$0x3F98];
	s0 =	simm.s32 @p0 $0x1  }
0x13: {  	[smem:$0x3FB3] =	sst s0;
	s0 =	simm.s32 @!p1 $0x0  }
0x14: {  	s2 =	sld [smem:$0x3F97];
	s0 =	simm.s32 @p1 $0x1  }
0x15: {  	[smem:$0x3FB4] =	sst s0;
	s0 =	simm.s32 @!p2 $0x0  }
0x16: {  	s3 =	sld [smem:$0x3FDB];
	s0 =	simm.s32 @p2 $0x1  }
0x17: {  	s4 =	simm.s32 $0x1BF5;
	[smem:$0x3FB6] =	sst s0  }
0x18: {  	s0 =	sld [smem:$0x3F99];
	_ =	swait.ge [sflag:s4], $0x0  }
0x19: {  	s7 =	sld [smem:$0x3F9A]  }
0x1a: {  	s8 =	sadd.s32 $0xFFFFE003, lr  }
0x1b: {  	s9 =	sadd.s32 $0xFFFFFEF7, lr;
	s5 =	simm.s32 $0xFFFFFFFF;
	p2 =	slt.u32 s8, $0xFFFFF086  }
0x1c: {  	p1 =	slt.u32 s9, $0xF7A;
	s5 =	simm.s32 @!p2 $0x0  }
0x1d: {  	s5 =	simm.s32 @p1 $0x1;
	p0 =	seq.s32 s7, s2  }
0x1e: {  	s7 =	smul.u32 @!p0 $0xF7A, s2;
	p2 =	seq.s32 @!p0 s5, $0x0  }
0x1f: {  	s9 =	smul.u32 $0xF7A, s1;
	s8 =	simm.s32 @!p0 $0x1BF5;
	p2 =	por !p2, p0  }
0x20: {  	[sflag:s8] =	ssyncset.s32 @!p0 $0xFFFFF086;
	s6 =	sadd.s32 @!p0 s3, s7;
	s7 =	simm.s32 @!p0 $0x108  }
0x21: {  	s3 =	sadd.s32 s3, s9;
	s6 =	sadd.s32 @!p0 $0x88, s6;
	s7 =	simm.s32 @p2 $0x1082  }
0x22: {  	[simem:s7], [sflag:s8] =	dma.local @!p0 [hbm:s6], $0xF7A  }
0x23: {  	s9 =	sor.u32 $0xD0000000, s2;
	s6 =	simm.s32 $0x108;
	_ =	swait.ge @!p0 [sflag:s8], $0x0  }
0x24: {  	s3 =	sadd.s32 $0x88, s3;
	s6 =	simm.s32 @!p1 $0x1082;
	[sflag:s4] =	ssyncset.s32 $0xFFFFF086  }
0x25: {  	[simem:s6], [sflag:s4] =	dma.local [hbm:s3], $0xF7A  }
0x26: {  	[smem:$0x3F9A] =	sst s1;
	(tag) =	ssettag s2;
	_ =	strace s9  }
0x27: {  	s1 =	sld [smem:$0x3FAA]  }
0x28: {  	s2 =	sld [smem:$0x3FAB]  }
0x29: {  	s4 =	sld [smem:$0x3FAD]  }
0x2a: {  	p0 =	seq.s32 s5, $0x0;
	s5 =	sld [smem:$0x3FAE]  }
0x2b: {  	s6 =	sld [smem:$0x3FAF]  }
0x2c: {  	s7 =	sld [smem:$0x3FB0]  }
0x2d: {  	s3 =	simm.s32 $0x108;
	s8 =	sld [smem:$0x3FB1]  }
0x2e: {  	s3 =	simm.s32 @!p0 $0x1082;
	s9 =	sld [smem:$0x3FB2]  }
0x2f: {  	lr =	sadd.s32 s0, s3;
	s0 =	sld [smem:$0x3FA9]  }
0x30: {  	s3 =	sld [smem:$0x3FAC]  }
0x31: {  	[smem:$0x3FB5] =	sst s10  }
0x32: {  	s10 =	sld [smem:$0x3FB3];
	_ =	sdelay $0x3  }
0x33: {  	p0 =	seq.s32 s10, $0x1;
	s10 =	sld [smem:$0x3FB5];
	_ =	sdelay $0x3  }
0x34: {  	[smem:$0x3FB5] =	sst s10  }
0x35: {  	s10 =	sld [smem:$0x3FB4];
	_ =	sdelay $0x3  }
0x36: {  	p1 =	seq.s32 s10, $0x1;
	s10 =	sld [smem:$0x3FB5];
	_ =	sdelay $0x3  }
0x37: {  	[smem:$0x3FB5] =	sst s10  }
0x38: {  	s10 =	sld [smem:$0x3FB6]  }
0x39: {  	_ = 	snop;
	(pc) =	sbr.ind lr, $3  }
0x3a: {  	_ = 	snop  }
0x3b: {  	_ = 	snop  }
0x3c: {  	p2 =	seq.s32 s10, $0x1;
	s10 =	sld [smem:$0x3FB5]  }
0x3d: {  	_ =	shalt  }
0x3e: {  	_ =	shalt  }
0x3f: {  	_ =	shalt  }
0x40: {  	_ =	shalt  }
0x41: {  	_ =	shalt  }
0x42: {  	_ =	shalt  }
0x43: {  	_ =	shalt  }
0x44: {  	_ =	shalt  }
0x45: {  	_ =	shalt  }
0x46: {  	_ =	shalt  }
0x47: {  	_ =	shalt  }
0x48: {  	_ =	shalt  }
0x49: {  	_ =	shalt  }
0x4a: {  	_ =	shalt  }
0x4b: {  	_ =	shalt  }
0x4c: {  	_ =	shalt  }
0x4d: {  	_ =	shalt  }
0x4e: {  	_ =	shalt  }
0x4f: {  	_ =	shalt  }
0x50: {  	_ =	shalt  }
0x51: {  	_ =	shalt  }
0x52: {  	_ =	shalt  }
0x53: {  	_ =	shalt  }
0x54: {  	_ =	shalt  }
0x55: {  	_ =	shalt  }
0x56: {  	_ =	shalt  }
0x57: {  	_ =	shalt  }
0x58: {  	_ =	shalt  }
0x59: {  	_ =	shalt  }
0x5a: {  	_ =	shalt  }
0x5b: {  	_ =	shalt  }
0x5c: {  	_ =	shalt  }
0x5d: {  	_ =	shalt  }
0x5e: {  	_ =	shalt  }
0x5f: {  	_ =	shalt  }
0x60: {  	_ =	shalt  }
0x61: {  	_ =	shalt  }
0x62: {  	_ =	shalt  }
0x63: {  	_ =	shalt  }
0x64: {  	_ =	shalt  }
0x65: {  	_ =	shalt  }
0x66: {  	_ =	shalt  }
0x67: {  	_ =	shalt  }
0x68: {  	_ =	shalt  }
0x69: {  	_ =	shalt  }
0x6a: {  	_ =	shalt  }
0x6b: {  	_ =	shalt  }
0x6c: {  	_ =	shalt  }
0x6d: {  	_ =	shalt  }
0x6e: {  	_ =	shalt  }
0x6f: {  	_ =	shalt  }
0x70: {  	_ =	shalt  }
0x71: {  	_ =	shalt  }
0x72: {  	_ =	shalt  }
0x73: {  	_ =	shalt  }
0x74: {  	_ =	shalt  }
0x75: {  	_ =	shalt  }
0x76: {  	_ =	shalt  }
0x77: {  	_ =	shalt  }
0x78: {  	_ =	shalt  }
0x79: {  	_ =	shalt  }
0x7a: {  	_ =	shalt  }
0x7b: {  	_ =	shalt  }
0x7c: {  	_ =	shalt  }
0x7d: {  	_ =	shalt  }
0x7e: {  	_ =	shalt  }
0x7f: {  	_ =	shalt  }
0x80: {  	_ =	shalt  }
0x81: {  	_ =	shalt  }
0x82: {  	_ =	shalt  }
0x83: {  	_ =	shalt  }
0x84: {  	_ =	shalt  }
0x85: {  	_ =	shalt  }
0x86: {  	_ =	shalt  }
0x87: {  	_ =	shalt  }
.Lfunc_end0:
.L_simem_size_0:
called_computation.1_lowered:
.L_overlay_start_0:
0x88: {  	s2 =	sld [smem:$0x3FD9]  }
0x89: {  	s3 =	sld [smem:$0x3FFE];
	_ =	sdelay $0x1  }
0x8a: {  	s1 =	srdreg.scid  }
0x8b: {  	s0 =	sand.u32 $0x1, s1  }
0x8c: {  	s16 =	sshll.u32 s0, $0xA;
	s2 =	sadd.s32 s3, s2  }
0x8d: {  	s2 =	sadd.s32 s2, s16  }
0x8e: {  	[smem:$0x3FC1] =	sst s2  }
0x8f: {  	_ = 	snop  }
0x90: {  	(tm) =	ssettm $0x1  }
0x91: {  	s17 =	sld [smem:$0x3FFB];
	_ =	sdelay $0x3  }
0x92: {  	_ =	strace s17  }
0x93: {  	s2 =	sld [smem:$0x3FFC];
	_ =	sdelay $0x3  }
0x94: {  	_ =	strace s2  }
0x95: {  	s2 =	sld [smem:$0x3FFD];
	_ =	sdelay $0x3  }
0x96: {  	_ =	strace s2  }
0x97: {  	_ =	strace $0x8FFFFFFF  }
0x98: {  	s18 =	sld [smem:$0x3FDB];
	_ =	sdelay $0x1  }
0x99: {  	s19 =	simm.s32 $_scs_section_size  }
0x9a: {  	s4 =	simm.s32 $_size__tile_overlayer_lowered;
	s5 =	simm.s32 $_tile_overlayer_lowered  }
0x9b: {  	s22 =	simm.s32 $0x1BFF;
	s21 =	sshll.u32 s5, $0x1;
	s2 =	sadd.s32 s19, s18  }
0x9c: {  	s6 =	simm.s32 $0x0;
	s20 =	sshll.u32 s4, $0x1;
	s4 =	sadd.s32 s21, s2  }
0x9d: {  	[timem:s6], [sflag:s22] =	dma.local [hbm:s4], s20  }
0x9e: {  	_ =	swait.ge [sflag:s22], s20  }
0x9f: {  	s3 =	ssub.s32 $0x0, s20;
	[sflag:s22] =	ssyncset.done $0x0  }
0xa0: {  	[sflag:s22] =	ssyncadd.s32 s3;
	_ =	sdelay $0x1  }
0xa1: {  	s23 =	simm.s32 $0x1B8B  }
0xa2: {  	_ =	swait.ge [sflag:s23], $0x1  }
0xa3: {  	[sflag:s23] =	ssyncset.done $0x0  }
0xa4: {  	s25 =	simm.s32 $0x1B8E;
	s24 =	sld [smem:$0x3FFE];
	[sflag:s23] =	ssyncadd.s32 $0xFFFFFFFF  }
0xa5: {  	s26 =	simm.s32 $execute0_lowered;
	[smem:$0x3FD2] =	sst s25  }
0xa6: {  	s4 =	sshll.u32 s26, $0x1;
	_ =	strace $0x80000049;
	[dreg:$0x1] =	wrdreg $0xFFFFFFFF  }
0xa7: {  	s28 =	simm.s32 $_size_execute0_lowered;
	s2 =	sadd.s32 s2, s4;
	[dreg:$0x0] =	wrdreg $0x0  }
0xa8: {  	s4 =	sshll.u32 s28, $0x1;
	[dreg:$0x2] =	wrdreg s2  }
0xa9: {  	[dreg:$0x3] =	wrdreg s4  }
0xaa: {  	[dreg:$0x4] =	wrdreg $0xC0  }
0xab: {  	_ =	task [dreg:s6], $0x5FFFF  }
0xac: {  	[dreg:$0x1] =	wrdreg $0xFFFFFFFF  }
0xad: {  	[dreg:$0x0] =	wrdreg $0x60  }
0xae: {  	[dreg:$0x2] =	wrdreg s24  }
0xaf: {  	[dreg:$0x3] =	wrdreg $0xB0000  }
0xb0: {  	[dreg:$0x4] =	wrdreg $0x9  }
0xb1: {  	_ =	task.clear_ibuf [dreg:s6], $0x5FFFF;
	_ =	strace $0x90000049  }
0xb2: {  	s29 =	simm.s32 $0x9;
	_ =	strace $0x8000004B  }
0xb3: {  	_ =	swait.ge [sflag:s29], $0x1  }
0xb4: {  	[sflag:s29] =	ssyncadd.s32 $0xFFFFFFFF  }
0xb5: {  	_ =	strace $0x9000004B  }
0xb6: {  	_ =	sfence  }
0xb7: {  	s30 =	sld [smem:$0x0];
	_ =	sdelay $0x2  }
0xb8: {  	s31 =	sshll.u32 s1, $0xD;
	s1 =	sshrl.u32 s1, $0x2  }
0xb9: {  	s3 =	sand.u32 $0x4000, s31;
	s1 =	sadd.s32 s1, s30  }
0xba: {  	s0 =	sor.u32 s3, s0;
	s1 =	sshll.u32 s1, $0x11  }
0xbb: {  	s0 =	sor.u32 s1, s0  }
0xbc: {  	s0 =	sadd.s32 $0x8F2B, s0  }
0xbd: {  	[sflag:s0] =	ssyncadd.remote.s32 $0x1  }
0xbe: {  	_ =	sfence.sel $0xFFFF  }
0xbf: {  	[dreg:$0x0] =	wrdreg $0xFFFFFFFF;
	(pc) =	sbr.abs _section_cstart, $3  }
0xc0: {  	[dreg:$0x1] =	wrdreg $0xFFFFFFFF  }
0xc1: {  	_ =	task.clear_ibuf [dreg:s6], $0x2FFFF;
	_ =	strace $0x9FFFFFFF  }
0xc2: {  	(tm) =	ssettm $0x7FFFFFFF  }
0xc3: {  	_ =	shalt  }
tec
execute0_lowered:
.L_overlay_start_1:
0x0: {  	(tag) =	ssettag $0x1  }
0x1: {  	s0 =	rddreg [dreg:$0x0]  }
0x2: {  	s1 =	rddreg [dreg:$0x1]  }
0x3: {  	s3 =	simm.s32 $0x0;
	s2 =	srdreg.scid;
	s10 =	stileid.u32  }
0x4: {  	s31 =	simm.s32 $0x2000;
	[smem:$0x7FF] =	sst s3;
	s6 =	smul.u32 $0x14000, s10  }
0x5: {  	s2 =	sand.u32 $0x1, s2;
	s4 =	sshll.u32 s10, $0x1;
	s26 =	smul.u32 $0x50000, s10  }
0x6: {  	s7 =	sadd.s32 $0x2200, s0;
	s9 =	sadd.s32 $0x2A200, s0;
	s5 =	smul.u32 $0x140000, s2  }
0x7: {  	_ =	strace $0x8000004A;
	s8 =	sor.u32 s2, s4;
	s2 =	ssub.s32 $0x2, s2  }
0x8: {  	s4 =	sadd.s32 $0x3E200, s0;
	s25 =	smul.u32 $0x5000, s8;
	s10 =	sshrl.u32 s2, $0x1  }
0x9: {  	s8 =	sshrl.u32 s26, $0x2;
	s5 =	sadd.s32 s6, s5;
	s2 =	ssub.s32 s2, s10  }
0xa: {  	s8 =	sadd.s32 s8, s1;
	s5 =	sshrl.u32 s5, $0x3;
	s6 =	sshrl.u32 s25, $0x3  }
0xb: {  	s13 =	sadd.s32 $0x2800, s8;
	s14 =	sadd.s32 $0x5000, s8;
	s15 =	sadd.s32 $0x7800, s8  }
0xc: {  	s16 =	sadd.s32 $0xA000, s8;
	s17 =	sadd.s32 $0xC800, s8;
	[dreg:$0x5] =	wrdreg s13  }
0xd: {  	s24 =	sadd.s32 $0x11800, s8;
	s25 =	smax.u32 s2, $0x1;
	[dreg:$0x6] =	wrdreg s14  }
0xe: {  	s2 =	simm.s32 $0x5;
	s0 =	sadd.s32 s5, s0;
	[dreg:$0x7] =	wrdreg s15  }
0xf: {  	s5 =	sadd.s32 s7, s6;
	s12 =	sadd.s32 s9, s6;
	[dreg:$0x8] =	wrdreg s16  }
0x10: {  	[dreg:$0x9] =	wrdreg s17;
	s18 =	sadd.s32 $0x200, s6;
	s20 =	sadd.s32 $0x400, s6  }
0x11: {  	s22 =	sadd.s32 $0x600, s6;
	s6 =	sadd.s32 $0x800, s6;
	[dreg:$0x13] =	wrdreg s24  }
0x12: {  	[dreg:$0x15] =	wrdreg s25;
	s13 =	simm.s32 $0x1;
	s14 =	simm.s32 $0x2  }
0x13: {  	s15 =	simm.s32 $0x3;
	s11 =	sadd.s32 $0x14000, s5;
	[dreg:$0x4] =	wrdreg s12  }
0x14: {  	s16 =	simm.s32 $0x4;
	s19 =	sadd.s32 s7, s18;
	[dreg:$0x3] =	wrdreg s11  }
0x15: {  	s17 =	simm.s32 $0x2C00;
	s10 =	sadd.s32 s9, s18;
	[dreg:$0xb] =	wrdreg s19  }
0x16: {  	s21 =	sadd.s32 s7, s20;
	s23 =	sadd.s32 s7, s22;
	[dreg:$0xc] =	wrdreg s10  }
0x17: {  	s7 =	sadd.s32 s7, s6;
	s6 =	sadd.s32 s9, s6;
	[dreg:$0xd] =	wrdreg s21  }
0x18: {  	s0 =	sadd.s32 $0x65400, s0;
	s26 =	sadd.s32 $0x14200, s5;
	[dreg:$0xf] =	wrdreg s23  }
0x19: {  	s28 =	sadd.s32 $0x14400, s5;
	s29 =	sadd.s32 $0x14600, s5;
	[dreg:$0x11] =	wrdreg s7  }
0x1a: {  	s30 =	sadd.s32 $0x14800, s5;
	s12 =	simm.s32 $0x5000;
	[dreg:$0x12] =	wrdreg s6  }
0x1b: {  	s18 =	simm.s32 $0x0;
	s11 =	sadd.s32 $0xF000, s8;
	[dreg:$0x14] =	wrdreg s0  }
0x1c: {  	s10 =	sadd.s32 s9, s22;
	[dreg:$0x16] =	wrdreg s26;
	s0 =	simm.s32 $0x4000  }
0x1d: {  	s6 =	simm.s32 $0x50;
	s7 =	simm.s32 $0x6000;
	[dreg:$0xa] =	wrdreg s11  }
0x1e: {  	s11 =	sadd.s32 s9, s20;
	[dreg:$0x10] =	wrdreg s10;
	s9 =	simm.s32 $0x8800  }
0x1f: {  	v0 =	vimm.f32 $0.0e+00;
	s10 =	simm.s32 $0x6;
	[dreg:$0xe] =	wrdreg s11;
	s11 =	simm.s32 $0x1000  }
.LBB2_1:
0x20: {  	[tilespmem:s3], [sflag:$0x5] =	stream.linear.gather [hbm4b:s5+s3], $0xC80, $0x38;
	[tilespmem:$0x1F000] =	vst v63  }
0x21: {  	s19 =	rddreg [dreg:$0x3]  }
0x22: {  	[tilespmem:s31], [sflag:$0x5] =	stream.linear.gather [hbm4b:s19+s3], $0xC80, $0x38;
	[tilespmem:$0x1F000] =	vst v63  }
0x23: {  	s26 =	rddreg [dreg:$0x4];
	s20 =	simm.s32 $0x200;
	s19 =	simm.s32 $0x0  }
0x24: {  	[tilespmem:s0], [sflag:$0x5] =	stream.linear.gather [hbm4b:s26+s3], $0xC80, $0x38;
	[tilespmem:$0x1F000] =	vst v63  }
.LBB2_2:
0x25: {  	p0 =	sne.s32 s20, $0x9E00;
	[tilespmem:s19+$0x8870] =	vst v0  }
0x26: {  	[tilespmem:s19+$0x8800] =	vst v0  }
0x27: {  	[tilespmem:s19+$0x8810] =	vst v0  }
.Ltmp0:
0x28: {  	[tilespmem:s19+$0x8820] =	vst v0;
	(pc) =	sbr.rel @p0 .LBB2_2-.Ltmp0, $4  }
0x29: {  	[tilespmem:s19+$0x8830] =	vst v0  }
0x2a: {  	[tilespmem:s19+$0x8840] =	vst v0  }
0x2b: {  	[tilespmem:s19+$0x8850] =	vst v0  }
0x2c: {  	[tilespmem:s19+$0x8860] =	vst v0;
	s19 =	sshra.s32 s20, $0x2;
	s20 =	sadd.s32 $0x200, s20  }
0x2d: {  	[tilespmem:s19+$0x8870] =	vst v0  }
0x2e: {  	[tilespmem:s19+$0x8800] =	vst v0  }
0x2f: {  	[tilespmem:s19+$0x8810] =	vst v0  }
0x30: {  	[tilespmem:s19+$0x8820] =	vst v0  }
0x31: {  	[tilespmem:s19+$0x8830] =	vst v0  }
0x32: {  	[tilespmem:s19+$0x8840] =	vst v0  }
0x33: {  	[tilespmem:s19+$0x8850] =	vst v0  }
0x34: {  	[tilespmem:s19+$0x8860] =	vst v0  }
0x35: {  	_ =	swait.ge [sflag:s2], $0xC80  }
0x36: {  	[sflag:s2] =	ssyncset.done $0x0  }
0x37: {  	[sflag:s2] =	ssyncadd.s32 $0xFFFFF380  }
0x38: {  	_ =	swait.ge [sflag:s2], $0xC80  }
0x39: {  	[sflag:s2] =	ssyncset.done $0x0  }
0x3a: {  	[sflag:s2] =	ssyncadd.s32 $0xFFFFF380  }
0x3b: {  	_ =	swait.ge [sflag:s2], $0xC80  }
0x3c: {  	[sflag:s2] =	ssyncset.done $0x0  }
0x3d: {  	s19 =	simm.s32 $0x0;
	[sflag:s2] =	ssyncadd.s32 $0xFFFFF380  }
0x3e: {  	[tilespmem:s7], [sflag:$0x1] =	stream.indirect.gather [hbm4b:s4+s6], $0x80, s19, s6, $0xb8;
	[tilespmem:$0x1F000] =	vst v63  }
0x3f: {  	_ = 	snop  }
0x40: {  	[spmem:s8] =	stream.linear.scatter [tilespmem:s9], [sflag:$0x6], $0x2800, $0x38;
	[tilespmem:$0x1F000] =	vst v63  }
0x41: {  	_ =	swait.ge [sflag:s10], $0x2800  }
0x42: {  	[sflag:s10] =	ssyncset.done $0x0  }
0x43: {  	s20 =	rddreg [dreg:$0x5];
	[sflag:s10] =	ssyncadd.s32 $0xFFFFD800  }
0x44: {  	[spmem:s20] =	stream.linear.scatter [tilespmem:s9], [sflag:$0x6], $0x2800, $0x38;
	[tilespmem:$0x1F000] =	vst v63  }
0x45: {  	_ =	swait.ge [sflag:s10], $0x2800  }
0x46: {  	[sflag:s10] =	ssyncset.done $0x0  }
0x47: {  	s24 =	rddreg [dreg:$0x6];
	[sflag:s10] =	ssyncadd.s32 $0xFFFFD800  }
0x48: {  	[spmem:s24] =	stream.linear.scatter [tilespmem:s9], [sflag:$0x6], $0x2800, $0x38;
	[tilespmem:$0x1F000] =	vst v63  }
0x49: {  	_ =	swait.ge [sflag:s10], $0x2800  }
0x4a: {  	[sflag:s10] =	ssyncset.done $0x0  }
0x4b: {  	s25 =	rddreg [dreg:$0x7];
	[sflag:s10] =	ssyncadd.s32 $0xFFFFD800  }
0x4c: {  	[spmem:s25] =	stream.linear.scatter [tilespmem:s9], [sflag:$0x6], $0x2800, $0x38;
	[tilespmem:$0x1F000] =	vst v63  }
0x4d: {  	_ =	swait.ge [sflag:s10], $0x2800  }
0x4e: {  	[sflag:s10] =	ssyncset.done $0x0  }
0x4f: {  	s26 =	rddreg [dreg:$0x8];
	[sflag:s10] =	ssyncadd.s32 $0xFFFFD800  }
0x50: {  	[spmem:s26] =	stream.linear.scatter [tilespmem:s9], [sflag:$0x6], $0x2800, $0x38;
	[tilespmem:$0x1F000] =	vst v63  }
0x51: {  	_ =	swait.ge [sflag:s10], $0x2800  }
0x52: {  	[sflag:s10] =	ssyncset.done $0x0  }
0x53: {  	s21 =	rddreg [dreg:$0x9];
	[sflag:s10] =	ssyncadd.s32 $0xFFFFD800  }
0x54: {  	[spmem:s21] =	stream.linear.scatter [tilespmem:s9], [sflag:$0x6], $0x2800, $0x38;
	[tilespmem:$0x1F000] =	vst v63  }
0x55: {  	_ =	swait.ge [sflag:s10], $0x2800  }
0x56: {  	[sflag:s10] =	ssyncset.done $0x0  }
0x57: {  	s22 =	rddreg [dreg:$0xa];
	[sflag:s10] =	ssyncadd.s32 $0xFFFFD800  }
0x58: {  	[spmem:s22] =	stream.linear.scatter [tilespmem:s9], [sflag:$0x6], $0x2800, $0x38;
	[tilespmem:$0x1F000] =	vst v63  }
0x59: {  	_ =	swait.ge [sflag:s10], $0x2800  }
0x5a: {  	[sflag:s10] =	ssyncset.done $0x0  }
0x5b: {  	s23 =	rddreg [dreg:$0x13];
	[sflag:s10] =	ssyncadd.s32 $0xFFFFD800  }
0x5c: {  	[spmem:s23] =	stream.linear.scatter [tilespmem:s9], [sflag:$0x6], $0x2800, $0x38;
	[tilespmem:$0x1F000] =	vst v63  }
0x5d: {  	_ =	swait.ge [sflag:s10], $0x2800  }
0x5e: {  	[sflag:s10] =	ssyncset.done $0x0  }
0x5f: {  	[sflag:s10] =	ssyncadd.s32 $0xFFFFD800  }
0x60: {  	[bflag:$0x0] =	sbarrier.arrive $0xFFFF  }
0x61: {  	s24 =	rddreg [dreg:$0xb]  }
0x62: {  	[tilespmem:s11], [sflag:$0x5] =	stream.linear.gather [hbm4b:s24+s19], $0xC80, $0x38;
	[tilespmem:$0x1F000] =	vst v63  }
0x63: {  	s21 =	simm.s32 $0x3000;
	s25 =	rddreg [dreg:$0x16]  }
0x64: {  	[tilespmem:s21], [sflag:$0x5] =	stream.linear.gather [hbm4b:s25+s19], $0xC80, $0x38;
	[tilespmem:$0x1F000] =	vst v63  }
0x65: {  	s20 =	simm.s32 $0x0;
	s26 =	rddreg [dreg:$0xc]  }
0x66: {  	[tilespmem:s12], [sflag:$0x5] =	stream.linear.gather [hbm4b:s26+s19], $0xC80, $0x38;
	[tilespmem:$0x1F000] =	vst v63  }
.LBB2_4:
0x67: {  	s21 =	sshllo.u32 s20, $0x1;
	s22 =	sshll.u32 s20, $0x8;
	v2 =	vmov s19  }
0x68: {  	s21 =	sshll.u32 s21, $0x7;
	v1 =	vmov s22;
	v2 =	vand.u32 $0x7F, v2  }
0x69: {  	[tilespmem:s9], [sflag:$0x2] =	stream.indirect.gather [hbm4b:s4+s6], $0x80, s21, s6, $0xb8;
	v2 =	vadd.s32 v1, v2;
	[tilespmem:$0x1F000] =	vst v63  }
0x6a: {  	_ =	swait.ge [sflag:s13], $0x2800;
	v2 =	vbroadcast v2, $0x0  }
0x6b: {  	[sflag:s13] =	ssyncset.done $0x0  }
0x6c: {  	s22 =	simm.s32 $0x6040;
	[sflag:s13] =	ssyncadd.s32 $0xFFFFD800  }
0x6d: {  	v6 =	vld [tilespmem:s22+$0x30]  }
0x6e: {  	v9 =	vld [tilespmem:s22+$0x10]  }
0x6f: {  	v7 =	vld [tilespmem:s22+$0xFFFFFFC0]  }
0x70: {  	v3 =	vld.idx.msk [tilespmem:v2+s0+$0x0], $0xffff  }
0x71: {  	v12 =	vld [tilespmem:s22+$0xFFFFFFE0]  }
0x72: {  	v4 =	vld [tilespmem:s22+$0x20]  }
0x73: {  	v5 =	vld [tilespmem:s22+$0xFFFFFFD0]  }
0x74: {  	v2 =	vld [tilespmem:s22+$0xFFFFFFF0]  }
0x75: {  	v10 =	vmul.f32 v6, v3;
	v6 =	vld [tilespmem:s22+$0x0]  }
0x76: {  	s23 =	simm.s32 $0x1;
	v8 =	vmul.f32 v7, v3  }
0x77: {  	s24 =	simm.s32 $0x2;
	v11 =	vmov s23;
	s23 =	simm.s32 $0x6040;
	v7 =	vmul.f32 v12, v3;
	v9 =	vmul.f32 v9, v3  }
.LBB2_5:
0x78: {  	p0 =	sne.s32 s24, $0x4F  }
0x79: {  	v11 =	vand.u32 $0x7F, v11;
	v5 =	vmul.f32 v5, v3;
	v4 =	vmul.f32 v4, v3;
	[tilespmem:s22+$0x30] =	vst v10;
	s23 =	sadd.s32 $0x80, s23;
	s25 =	smov.u32 s24;
	s24 =	sadd.s32 $0x1, s24  }
0x7a: {  	v10 =	vadd.s32 v1, v11;
	[tilespmem:s22+$0xFFFFFFC0] =	vst v8;
	v8 =	vmul.f32 v2, v3;
	v3 =	vmul.f32 v6, v3  }
0x7b: {  	v6 =	vbroadcast v10, $0x0;
	[tilespmem:s22+$0x10] =	vst v9  }
0x7c: {  	[tilespmem:s22+$0xFFFFFFE0] =	vst v7  }
0x7d: {  	v2 =	vld [tilespmem:s23+$0xFFFFFFF0];
	[tilespmem:s22+$0xFFFFFFF0] =	vst v8  }
0x7e: {  	v7 =	vld [tilespmem:s23+$0x30];
	[tilespmem:s22+$0x0] =	vst v3  }
0x7f: {  	v9 =	vld [tilespmem:s23+$0x10];
	[tilespmem:s22+$0x20] =	vst v4  }
0x80: {  	v8 =	vld [tilespmem:s23+$0xFFFFFFC0];
	[tilespmem:s22+$0xFFFFFFD0] =	vst v5;
	s22 =	smov.u32 s23  }
0x81: {  	v3 =	vld.idx.msk [tilespmem:v6+s0+$0x0], $0xffff  }
0x82: {  	v12 =	vld [tilespmem:s23+$0xFFFFFFE0]  }
0x83: {  	v4 =	vld [tilespmem:s23+$0x20]  }
.Ltmp1:
0x84: {  	v5 =	vld [tilespmem:s23+$0xFFFFFFD0];
	(pc) =	sbr.rel @p0 .LBB2_5-.Ltmp1, $3  }
0x85: {  	v6 =	vld [tilespmem:s23+$0x0];
	_ =	sdelay $0x1  }
0x86: {  	v8 =	vmul.f32 v8, v3;
	v10 =	vmul.f32 v7, v3  }
0x87: {  	v11 =	vmov s25;
	v9 =	vmul.f32 v9, v3;
	v7 =	vmul.f32 v12, v3  }
0x88: {  	[tilespmem:s22+$0xFFFFFFC0] =	vst v8;
	v8 =	vand.u32 $0x7F, v11  }
0x89: {  	[tilespmem:s22+$0x30] =	vst v10;
	v1 =	vadd.s32 v1, v8  }
0x8a: {  	v2 =	vmul.f32 v2, v3;
	[tilespmem:s22+$0x10] =	vst v9;
	v1 =	vbroadcast v1, $0x0  }
0x8b: {  	s23 =	sadd.s32 $0x80, s23;
	[tilespmem:s22+$0xFFFFFFE0] =	vst v7;
	v6 =	vmul.f32 v6, v3  }
0x8c: {  	v4 =	vmul.f32 v4, v3;
	v7 =	vld [tilespmem:s23+$0xFFFFFFF0];
	[tilespmem:s22+$0xFFFFFFF0] =	vst v2  }
0x8d: {  	v3 =	vmul.f32 v5, v3;
	v2 =	vld [tilespmem:s23+$0x30];
	[tilespmem:s22+$0x0] =	vst v6  }
0x8e: {  	v5 =	vld [tilespmem:s23+$0x10];
	[tilespmem:s22+$0x20] =	vst v4  }
0x8f: {  	v4 =	vld [tilespmem:s23+$0xFFFFFFC0];
	[tilespmem:s22+$0xFFFFFFD0] =	vst v3  }
0x90: {  	v1 =	vld.idx.msk [tilespmem:v1+s0+$0x0], $0xffff;
	_ =	sdelay $0x2  }
0x91: {  	v3 =	vld [tilespmem:s23+$0xFFFFFFE0];
	_ =	sdelay $0x1  }
0x92: {  	v6 =	vld [tilespmem:s23+$0x0];
	v2 =	vmul.f32 v2, v1  }
0x93: {  	v8 =	vld [tilespmem:s23+$0x20];
	v4 =	vmul.f32 v4, v1  }
0x94: {  	v9 =	vld [tilespmem:s23+$0xFFFFFFD0];
	v5 =	vmul.f32 v5, v1;
	[tilespmem:s23+$0x30] =	vst v2  }
0x95: {  	v2 =	vmul.f32 v3, v1;
	[tilespmem:s23+$0xFFFFFFC0] =	vst v4  }
0x96: {  	v3 =	vmul.f32 v7, v1;
	[tilespmem:s23+$0x10] =	vst v5  }
0x97: {  	v4 =	vmul.f32 v6, v1;
	[tilespmem:s23+$0xFFFFFFE0] =	vst v2  }
0x98: {  	v2 =	vmul.f32 v8, v1;
	[tilespmem:s23+$0xFFFFFFF0] =	vst v3  }
0x99: {  	s26 =	sshll.u32 s20, $0xA;
	s24 =	simm.s32 $0x0;
	v1 =	vmul.f32 v9, v1;
	[tilespmem:s23+$0x0] =	vst v4  }
0x9a: {  	s22 =	sshrl.u32 s26, $0x2;
	[tilespmem:s23+$0x20] =	vst v2;
	v2 =	vmov s24  }
0x9b: {  	s25 =	sadd.s32 $0x2000, s22;
	[tilespmem:s23+$0xFFFFFFD0] =	vst v1;
	v1 =	vmov s21;
	v2 =	vand.u32 $0x7F, v2  }
0x9c: {  	[spmem:s1] =	stream.indirect.scatter.add.f32 [tilespmem:s7], [sflag:$0x3], $0x80, s25, s6, $0xb8;
	v2 =	vadd.s32 v1, v2;
	[tilespmem:$0x1F000] =	vst v63  }
0x9d: {  	_ =	swait.ge [sflag:s14], $0x2800;
	v2 =	vbroadcast v2, $0x0  }
0x9e: {  	[sflag:s14] =	ssyncset.done $0x0  }
0x9f: {  	s23 =	simm.s32 $0x8840;
	[sflag:s14] =	ssyncadd.s32 $0xFFFFD800  }
0xa0: {  	v6 =	vld [tilespmem:s23+$0x30]  }
0xa1: {  	v9 =	vld [tilespmem:s23+$0x10]  }
0xa2: {  	v7 =	vld [tilespmem:s23+$0xFFFFFFC0]  }
0xa3: {  	v3 =	vld.idx.msk [tilespmem:v2+s0+$0x0], $0xffff  }
0xa4: {  	v12 =	vld [tilespmem:s23+$0xFFFFFFE0]  }
0xa5: {  	v4 =	vld [tilespmem:s23+$0x20]  }
0xa6: {  	v5 =	vld [tilespmem:s23+$0xFFFFFFD0]  }
0xa7: {  	v2 =	vld [tilespmem:s23+$0xFFFFFFF0]  }
0xa8: {  	v10 =	vmul.f32 v6, v3;
	v6 =	vld [tilespmem:s23+$0x0]  }
0xa9: {  	s26 =	simm.s32 $0x1;
	v8 =	vmul.f32 v7, v3  }
0xaa: {  	v11 =	vmov s26;
	s24 =	simm.s32 $0x8840;
	s25 =	simm.s32 $0x2;
	v7 =	vmul.f32 v12, v3;
	v9 =	vmul.f32 v9, v3  }
.LBB2_7:
0xab: {  	p0 =	sne.s32 s25, $0x4F  }
0xac: {  	v11 =	vand.u32 $0x7F, v11;
	v5 =	vmul.f32 v5, v3;
	v4 =	vmul.f32 v4, v3;
	[tilespmem:s23+$0x30] =	vst v10;
	s24 =	sadd.s32 $0x80, s24;
	s26 =	smov.u32 s25;
	s25 =	sadd.s32 $0x1, s25  }
0xad: {  	v10 =	vadd.s32 v1, v11;
	[tilespmem:s23+$0xFFFFFFC0] =	vst v8;
	v8 =	vmul.f32 v2, v3;
	v3 =	vmul.f32 v6, v3  }
0xae: {  	v6 =	vbroadcast v10, $0x0;
	[tilespmem:s23+$0x10] =	vst v9  }
0xaf: {  	[tilespmem:s23+$0xFFFFFFE0] =	vst v7  }
0xb0: {  	v2 =	vld [tilespmem:s24+$0xFFFFFFF0];
	[tilespmem:s23+$0xFFFFFFF0] =	vst v8  }
0xb1: {  	v7 =	vld [tilespmem:s24+$0x30];
	[tilespmem:s23+$0x0] =	vst v3  }
0xb2: {  	v9 =	vld [tilespmem:s24+$0x10];
	[tilespmem:s23+$0x20] =	vst v4  }
0xb3: {  	v8 =	vld [tilespmem:s24+$0xFFFFFFC0];
	[tilespmem:s23+$0xFFFFFFD0] =	vst v5;
	s23 =	smov.u32 s24  }
0xb4: {  	v3 =	vld.idx.msk [tilespmem:v6+s0+$0x0], $0xffff  }
0xb5: {  	v12 =	vld [tilespmem:s24+$0xFFFFFFE0]  }
0xb6: {  	v4 =	vld [tilespmem:s24+$0x20]  }
.Ltmp2:
0xb7: {  	v5 =	vld [tilespmem:s24+$0xFFFFFFD0];
	(pc) =	sbr.rel @p0 .LBB2_7-.Ltmp2, $3  }
0xb8: {  	v6 =	vld [tilespmem:s24+$0x0];
	_ =	sdelay $0x1  }
0xb9: {  	v8 =	vmul.f32 v8, v3;
	v10 =	vmul.f32 v7, v3  }
0xba: {  	v11 =	vmov s26;
	v9 =	vmul.f32 v9, v3;
	v7 =	vmul.f32 v12, v3  }
0xbb: {  	[tilespmem:s23+$0x30] =	vst v10;
	v58 =	vand.u32 $0x7F, v11  }
0xbc: {  	[tilespmem:s23+$0xFFFFFFC0] =	vst v8;
	v1 =	vadd.s32 v1, v58  }
0xbd: {  	v2 =	vmul.f32 v2, v3;
	[tilespmem:s23+$0x10] =	vst v9;
	v1 =	vbroadcast v1, $0x0  }
0xbe: {  	s24 =	sadd.s32 $0x80, s24;
	[tilespmem:s23+$0xFFFFFFE0] =	vst v7;
	v6 =	vmul.f32 v6, v3  }
0xbf: {  	v4 =	vmul.f32 v4, v3;
	v3 =	vmul.f32 v5, v3;
	v7 =	vld [tilespmem:s24+$0xFFFFFFF0];
	[tilespmem:s23+$0xFFFFFFF0] =	vst v2  }
0xc0: {  	v2 =	vld [tilespmem:s24+$0x30];
	[tilespmem:s23+$0x0] =	vst v6  }
0xc1: {  	v60 =	vld [tilespmem:s24+$0xFFFFFFC0];
	[tilespmem:s23+$0xFFFFFFD0] =	vst v3  }
0xc2: {  	v59 =	vld [tilespmem:s24+$0x10];
	[tilespmem:s23+$0x20] =	vst v4  }
0xc3: {  	v1 =	vld.idx.msk [tilespmem:v1+s0+$0x0], $0xffff;
	_ =	sdelay $0x2  }
0xc4: {  	v6 =	vld [tilespmem:s24+$0x0]  }
0xc5: {  	v3 =	vld [tilespmem:s24+$0xFFFFFFE0]  }
0xc6: {  	v2 =	vmul.f32 v2, v1  }
0xc7: {  	v61 =	vld [tilespmem:s24+$0x20];
	v4 =	vmul.f32 v60, v1  }
0xc8: {  	v62 =	vld [tilespmem:s24+$0xFFFFFFD0];
	v5 =	vmul.f32 v59, v1;
	[tilespmem:s24+$0x30] =	vst v2  }
0xc9: {  	v63 =	vmul.f32 v6, v1;
	[tilespmem:s24+$0xFFFFFFC0] =	vst v4  }
0xca: {  	v2 =	vmul.f32 v3, v1;
	[tilespmem:s24+$0x10] =	vst v5  }
0xcb: {  	v3 =	vmul.f32 v7, v1;
	[tilespmem:s24+$0x0] =	vst v63  }
0xcc: {  	[tilespmem:s24+$0xFFFFFFE0] =	vst v2;
	v2 =	vmul.f32 v61, v1  }
0xcd: {  	[tilespmem:s24+$0xFFFFFFF0] =	vst v3;
	v1 =	vmul.f32 v62, v1  }
0xce: {  	[tilespmem:s24+$0x20] =	vst v2  }
0xcf: {  	s21 =	sadd.s32 $0x2000, s21;
	[tilespmem:s24+$0xFFFFFFD0] =	vst v1  }
0xd0: {  	[spmem:s1] =	stream.indirect.scatter.add.f32 [tilespmem:s9], [sflag:$0x4], $0x80, s21, s6, $0xb8;
	[tilespmem:$0x1F000] =	vst v63  }
0xd1: {  	s20 =	sadd.s32 $0x1, s20;
	_ =	swait.ge [sflag:s15], $0x2800  }
0xd2: {  	p0 =	sne.s32 s20, $0xC;
	[sflag:s15] =	ssyncset.done $0x0  }
.Ltmp3:
0xd3: {  	s26 =	sadd.s32 $0x100, s22;
	[sflag:s15] =	ssyncadd.s32 $0xFFFFD800;
	(pc) =	sbr.rel @p0 .LBB2_4-.Ltmp3, $4  }
0xd4: {  	[tilespmem:s7], [sflag:$0x1] =	stream.indirect.gather [hbm4b:s4+s6], $0x80, s26, s6, $0xb8;
	[tilespmem:$0x1F000] =	vst v63  }
0xd5: {  	_ =	swait.ge [sflag:s16], $0x2800  }
0xd6: {  	[sflag:s16] =	ssyncset.done $0x0  }
0xd7: {  	[sflag:s16] =	ssyncadd.s32 $0xFFFFD800  }
0xd8: {  	s19 =	simm.s32 $0x0  }
0xd9: {  	v1 =	vmov s19  }
0xda: {  	v1 =	vand.u32 $0x7F, v1  }
0xdb: {  	v1 =	vor.u32 $0xC00, v1  }
0xdc: {  	_ =	swait.ge [sflag:s13], $0x2800;
	v1 =	vbroadcast v1, $0x0  }
0xdd: {  	[sflag:s13] =	ssyncset.done $0x0  }
0xde: {  	s19 =	simm.s32 $0x6040;
	[sflag:s13] =	ssyncadd.s32 $0xFFFFD800  }
0xdf: {  	v5 =	vld [tilespmem:s19+$0x30]  }
0xe0: {  	v8 =	vld [tilespmem:s19+$0x10]  }
0xe1: {  	v6 =	vld [tilespmem:s19+$0xFFFFFFC0]  }
0xe2: {  	v2 =	vld.idx.msk [tilespmem:v1+s0+$0x0], $0xffff  }
0xe3: {  	v11 =	vld [tilespmem:s19+$0xFFFFFFE0]  }
0xe4: {  	v3 =	vld [tilespmem:s19+$0x20]  }
0xe5: {  	v4 =	vld [tilespmem:s19+$0xFFFFFFD0]  }
0xe6: {  	v1 =	vld [tilespmem:s19+$0xFFFFFFF0]  }
0xe7: {  	v9 =	vmul.f32 v5, v2;
	v5 =	vld [tilespmem:s19+$0x0]  }
0xe8: {  	s20 =	simm.s32 $0x1;
	v7 =	vmul.f32 v6, v2  }
0xe9: {  	s21 =	simm.s32 $0x2;
	v10 =	vmov s20;
	s20 =	simm.s32 $0x6040;
	v6 =	vmul.f32 v11, v2;
	v8 =	vmul.f32 v8, v2  }
.LBB2_10:
0xea: {  	p0 =	sne.s32 s21, $0x4F  }
0xeb: {  	v10 =	vand.u32 $0x7F, v10;
	v4 =	vmul.f32 v4, v2;
	v3 =	vmul.f32 v3, v2;
	[tilespmem:s19+$0x30] =	vst v9;
	s20 =	sadd.s32 $0x80, s20;
	s22 =	smov.u32 s21;
	s21 =	sadd.s32 $0x1, s21  }
0xec: {  	v9 =	vor.u32 $0xC00, v10;
	[tilespmem:s19+$0xFFFFFFC0] =	vst v7;
	v7 =	vmul.f32 v1, v2;
	v2 =	vmul.f32 v5, v2  }
0xed: {  	v5 =	vbroadcast v9, $0x0;
	[tilespmem:s19+$0x10] =	vst v8  }
0xee: {  	[tilespmem:s19+$0xFFFFFFE0] =	vst v6  }
0xef: {  	v1 =	vld [tilespmem:s20+$0xFFFFFFF0];
	[tilespmem:s19+$0xFFFFFFF0] =	vst v7  }
0xf0: {  	v6 =	vld [tilespmem:s20+$0x30];
	[tilespmem:s19+$0x0] =	vst v2  }
0xf1: {  	v8 =	vld [tilespmem:s20+$0x10];
	[tilespmem:s19+$0x20] =	vst v3  }
0xf2: {  	v7 =	vld [tilespmem:s20+$0xFFFFFFC0];
	[tilespmem:s19+$0xFFFFFFD0] =	vst v4;
	s19 =	smov.u32 s20  }
0xf3: {  	v2 =	vld.idx.msk [tilespmem:v5+s0+$0x0], $0xffff  }
0xf4: {  	v11 =	vld [tilespmem:s20+$0xFFFFFFE0]  }
0xf5: {  	v3 =	vld [tilespmem:s20+$0x20]  }
.Ltmp4:
0xf6: {  	v4 =	vld [tilespmem:s20+$0xFFFFFFD0];
	(pc) =	sbr.rel @p0 .LBB2_10-.Ltmp4, $3  }
0xf7: {  	v5 =	vld [tilespmem:s20+$0x0];
	_ =	sdelay $0x1  }
0xf8: {  	v7 =	vmul.f32 v7, v2;
	v9 =	vmul.f32 v6, v2  }
0xf9: {  	v10 =	vmov s22;
	v8 =	vmul.f32 v8, v2;
	v6 =	vmul.f32 v11, v2  }
0xfa: {  	[tilespmem:s19+$0x30] =	vst v9;
	v57 =	vand.u32 $0x7F, v10  }
0xfb: {  	[tilespmem:s19+$0xFFFFFFC0] =	vst v7;
	v7 =	vor.u32 $0xC00, v57  }
0xfc: {  	v1 =	vmul.f32 v1, v2;
	[tilespmem:s19+$0x10] =	vst v8;
	v58 =	vbroadcast v7, $0x0  }
0xfd: {  	s20 =	sadd.s32 $0x80, s20;
	[tilespmem:s19+$0xFFFFFFE0] =	vst v6;
	v5 =	vmul.f32 v5, v2  }
0xfe: {  	v3 =	vmul.f32 v3, v2;
	v59 =	vld [tilespmem:s20+$0xFFFFFFF0];
	[tilespmem:s19+$0xFFFFFFF0] =	vst v1  }
0xff: {  	v2 =	vmul.f32 v4, v2;
	v1 =	vld [tilespmem:s20+$0x30];
	[tilespmem:s19+$0x0] =	vst v5  }
0x100: {  	v60 =	vld [tilespmem:s20+$0x10];
	[tilespmem:s19+$0x20] =	vst v3  }
0x101: {  	v3 =	vld [tilespmem:s20+$0xFFFFFFC0];
	[tilespmem:s19+$0xFFFFFFD0] =	vst v2  }
0x102: {  	v2 =	vld.idx.msk [tilespmem:v58+s0+$0x0], $0xffff;
	_ =	sdelay $0x2  }
0x103: {  	v61 =	vld [tilespmem:s20+$0x0]  }
0x104: {  	v5 =	vld [tilespmem:s20+$0xFFFFFFE0]  }
0x105: {  	v1 =	vmul.f32 v1, v2  }
0x106: {  	v8 =	vld [tilespmem:s20+$0x20];
	v3 =	vmul.f32 v3, v2  }
0x107: {  	v62 =	vld [tilespmem:s20+$0xFFFFFFD0];
	v4 =	vmul.f32 v60, v2;
	[tilespmem:s20+$0x30] =	vst v1  }
0x108: {  	v63 =	vmul.f32 v61, v2;
	[tilespmem:s20+$0xFFFFFFC0] =	vst v3  }
0x109: {  	v1 =	vmul.f32 v5, v2;
	[tilespmem:s20+$0x10] =	vst v4  }
0x10a: {  	v3 =	vmul.f32 v59, v2;
	[tilespmem:s20+$0x0] =	vst v63  }
0x10b: {  	[tilespmem:s20+$0xFFFFFFE0] =	vst v1;
	v1 =	vmul.f32 v8, v2  }
0x10c: {  	[tilespmem:s20+$0xFFFFFFF0] =	vst v3;
	v2 =	vmul.f32 v62, v2  }
0x10d: {  	[tilespmem:s20+$0x20] =	vst v1  }
0x10e: {  	[tilespmem:s20+$0xFFFFFFD0] =	vst v2  }
0x10f: {  	[spmem:s1] =	stream.indirect.scatter.add.f32 [tilespmem:s7], [sflag:$0x3], $0x80, s17, s6, $0xb8;
	[tilespmem:$0x1F000] =	vst v63  }
0x110: {  	_ =	swait.ge [sflag:s2], $0xC80  }
0x111: {  	[sflag:s2] =	ssyncset.done $0x0  }
0x112: {  	[sflag:s2] =	ssyncadd.s32 $0xFFFFF380  }
0x113: {  	_ =	swait.ge [sflag:s2], $0xC80  }
0x114: {  	[sflag:s2] =	ssyncset.done $0x0  }
0x115: {  	[sflag:s2] =	ssyncadd.s32 $0xFFFFF380  }
0x116: {  	_ =	swait.ge [sflag:s2], $0xC80  }
0x117: {  	[sflag:s2] =	ssyncset.done $0x0  }
0x118: {  	[sflag:s2] =	ssyncadd.s32 $0xFFFFF380  }
0x119: {  	[tilespmem:s9], [sflag:$0x2] =	stream.indirect.gather [hbm4b:s4+s6], $0x80, s11, s6, $0xb8;
	[tilespmem:$0x1F000] =	vst v63  }
0x11a: {  	_ =	swait.ge [sflag:s15], $0x2800  }
0x11b: {  	[sflag:s15] =	ssyncset.done $0x0  }
0x11c: {  	s19 =	simm.s32 $0x0;
	s25 =	rddreg [dreg:$0xd];
	[sflag:s15] =	ssyncadd.s32 $0xFFFFD800  }
0x11d: {  	[tilespmem:s19], [sflag:$0x5] =	stream.linear.gather [hbm4b:s25+s19], $0xC80, $0x38;
	[tilespmem:$0x1F000] =	vst v63  }
0x11e: {  	_ = 	snop  }
0x11f: {  	[tilespmem:s31], [sflag:$0x5] =	stream.linear.gather [hbm4b:s28+s19], $0xC80, $0x38;
	[tilespmem:$0x1F000] =	vst v63  }
0x120: {  	s20 =	simm.s32 $0x0;
	s26 =	rddreg [dreg:$0xe]  }
0x121: {  	[tilespmem:s0], [sflag:$0x5] =	stream.linear.gather [hbm4b:s26+s19], $0xC80, $0x38;
	[tilespmem:$0x1F000] =	vst v63  }
.LBB2_12:
0x122: {  	s21 =	sshllo.u32 s20, $0x1  }
0x123: {  	s22 =	sshll.u32 s20, $0x8;
	v2 =	vmov s19;
	s21 =	sshll.u32 s21, $0x7  }
0x124: {  	v1 =	vmov s22;
	v2 =	vand.u32 $0x7F, v2;
	s23 =	sadd.s32 $0x1000, s21  }
0x125: {  	v2 =	vadd.s32 v1, v2;
	[tilespmem:s7], [sflag:$0x1] =	stream.indirect.gather [hbm4b:s4+s6], $0x80, s23, s6, $0xb8;
	[tilespmem:$0x1F000] =	vst v63  }
0x126: {  	v2 =	vbroadcast v2, $0x0;
	_ =	swait.ge [sflag:s14], $0x2800  }
0x127: {  	[sflag:s14] =	ssyncset.done $0x0  }
0x128: {  	s22 =	simm.s32 $0x8840;
	[sflag:s14] =	ssyncadd.s32 $0xFFFFD800  }
0x129: {  	v6 =	vld [tilespmem:s22+$0x30]  }
0x12a: {  	v9 =	vld [tilespmem:s22+$0x10]  }
0x12b: {  	v7 =	vld [tilespmem:s22+$0xFFFFFFC0]  }
0x12c: {  	v3 =	vld.idx.msk [tilespmem:v2+s12+$0x0], $0xffff  }
0x12d: {  	v12 =	vld [tilespmem:s22+$0xFFFFFFE0]  }
0x12e: {  	v4 =	vld [tilespmem:s22+$0x20]  }
0x12f: {  	v5 =	vld [tilespmem:s22+$0xFFFFFFD0]  }
0x130: {  	v2 =	vld [tilespmem:s22+$0xFFFFFFF0]  }
0x131: {  	v10 =	vmul.f32 v6, v3;
	v6 =	vld [tilespmem:s22+$0x0]  }
0x132: {  	s26 =	simm.s32 $0x1;
	v8 =	vmul.f32 v7, v3  }
0x133: {  	s24 =	simm.s32 $0x2;
	v11 =	vmov s26;
	s23 =	simm.s32 $0x8840;
	v7 =	vmul.f32 v12, v3;
	v9 =	vmul.f32 v9, v3  }
.LBB2_13:
0x134: {  	p0 =	sne.s32 s24, $0x4F  }
0x135: {  	v11 =	vand.u32 $0x7F, v11;
	v5 =	vmul.f32 v5, v3;
	v4 =	vmul.f32 v4, v3;
	[tilespmem:s22+$0x30] =	vst v10;
	s23 =	sadd.s32 $0x80, s23;
	s25 =	smov.u32 s24;
	s24 =	sadd.s32 $0x1, s24  }
0x136: {  	v10 =	vadd.s32 v1, v11;
	[tilespmem:s22+$0xFFFFFFC0] =	vst v8;
	v8 =	vmul.f32 v2, v3;
	v3 =	vmul.f32 v6, v3  }
0x137: {  	v6 =	vbroadcast v10, $0x0;
	[tilespmem:s22+$0x10] =	vst v9  }
0x138: {  	[tilespmem:s22+$0xFFFFFFE0] =	vst v7  }
0x139: {  	v2 =	vld [tilespmem:s23+$0xFFFFFFF0];
	[tilespmem:s22+$0xFFFFFFF0] =	vst v8  }
0x13a: {  	v7 =	vld [tilespmem:s23+$0x30];
	[tilespmem:s22+$0x0] =	vst v3  }
0x13b: {  	v9 =	vld [tilespmem:s23+$0x10];
	[tilespmem:s22+$0x20] =	vst v4  }
0x13c: {  	v8 =	vld [tilespmem:s23+$0xFFFFFFC0];
	[tilespmem:s22+$0xFFFFFFD0] =	vst v5;
	s22 =	smov.u32 s23  }
0x13d: {  	v3 =	vld.idx.msk [tilespmem:v6+s12+$0x0], $0xffff  }
0x13e: {  	v12 =	vld [tilespmem:s23+$0xFFFFFFE0]  }
0x13f: {  	v4 =	vld [tilespmem:s23+$0x20]  }
.Ltmp5:
0x140: {  	v5 =	vld [tilespmem:s23+$0xFFFFFFD0];
	(pc) =	sbr.rel @p0 .LBB2_13-.Ltmp5, $3  }
0x141: {  	v6 =	vld [tilespmem:s23+$0x0];
	_ =	sdelay $0x1  }
0x142: {  	v8 =	vmul.f32 v8, v3;
	v10 =	vmul.f32 v7, v3  }
0x143: {  	v11 =	vmov s25;
	v9 =	vmul.f32 v9, v3;
	v7 =	vmul.f32 v12, v3  }
0x144: {  	[tilespmem:s22+$0xFFFFFFC0] =	vst v8;
	v8 =	vand.u32 $0x7F, v11  }
0x145: {  	[tilespmem:s22+$0x30] =	vst v10;
	v1 =	vadd.s32 v1, v8  }
0x146: {  	v2 =	vmul.f32 v2, v3;
	[tilespmem:s22+$0x10] =	vst v9;
	v1 =	vbroadcast v1, $0x0  }
0x147: {  	s23 =	sadd.s32 $0x80, s23;
	[tilespmem:s22+$0xFFFFFFE0] =	vst v7;
	v6 =	vmul.f32 v6, v3  }
0x148: {  	v4 =	vmul.f32 v4, v3;
	v7 =	vld [tilespmem:s23+$0xFFFFFFF0];
	[tilespmem:s22+$0xFFFFFFF0] =	vst v2  }
0x149: {  	v3 =	vmul.f32 v5, v3;
	v2 =	vld [tilespmem:s23+$0x30];
	[tilespmem:s22+$0x0] =	vst v6  }
0x14a: {  	v5 =	vld [tilespmem:s23+$0x10];
	[tilespmem:s22+$0x20] =	vst v4  }
0x14b: {  	v4 =	vld [tilespmem:s23+$0xFFFFFFC0];
	[tilespmem:s22+$0xFFFFFFD0] =	vst v3  }
0x14c: {  	v1 =	vld.idx.msk [tilespmem:v1+s12+$0x0], $0xffff;
	_ =	sdelay $0x2  }
0x14d: {  	v3 =	vld [tilespmem:s23+$0xFFFFFFE0];
	_ =	sdelay $0x1  }
0x14e: {  	v6 =	vld [tilespmem:s23+$0x0];
	v2 =	vmul.f32 v2, v1  }
0x14f: {  	v8 =	vld [tilespmem:s23+$0x20];
	v4 =	vmul.f32 v4, v1  }
0x150: {  	v9 =	vld [tilespmem:s23+$0xFFFFFFD0];
	v5 =	vmul.f32 v5, v1;
	[tilespmem:s23+$0x30] =	vst v2  }
0x151: {  	v2 =	vmul.f32 v3, v1;
	[tilespmem:s23+$0xFFFFFFC0] =	vst v4  }
0x152: {  	v3 =	vmul.f32 v7, v1;
	[tilespmem:s23+$0x10] =	vst v5  }
0x153: {  	v4 =	vmul.f32 v6, v1;
	[tilespmem:s23+$0xFFFFFFE0] =	vst v2  }
0x154: {  	v2 =	vmul.f32 v8, v1;
	[tilespmem:s23+$0xFFFFFFF0] =	vst v3  }
0x155: {  	s26 =	sshll.u32 s20, $0xA;
	s24 =	simm.s32 $0x0;
	v1 =	vmul.f32 v9, v1;
	[tilespmem:s23+$0x0] =	vst v4  }
0x156: {  	s22 =	sshrl.u32 s26, $0x2;
	[tilespmem:s23+$0x20] =	vst v2;
	v2 =	vmov s24  }
0x157: {  	s25 =	sadd.s32 $0x3000, s22;
	[tilespmem:s23+$0xFFFFFFD0] =	vst v1;
	v1 =	vmov s21;
	v2 =	vand.u32 $0x7F, v2  }
0x158: {  	[spmem:s1] =	stream.indirect.scatter.add.f32 [tilespmem:s9], [sflag:$0x4], $0x80, s25, s6, $0xb8;
	v2 =	vadd.s32 v1, v2;
	[tilespmem:$0x1F000] =	vst v63  }
0x159: {  	_ =	swait.ge [sflag:s13], $0x2800;
	v2 =	vbroadcast v2, $0x0  }
0x15a: {  	[sflag:s13] =	ssyncset.done $0x0  }
0x15b: {  	s23 =	simm.s32 $0x6040;
	[sflag:s13] =	ssyncadd.s32 $0xFFFFD800  }
0x15c: {  	v6 =	vld [tilespmem:s23+$0x30]  }
0x15d: {  	v9 =	vld [tilespmem:s23+$0x10]  }
0x15e: {  	v7 =	vld [tilespmem:s23+$0xFFFFFFC0]  }
0x15f: {  	v3 =	vld.idx.msk [tilespmem:v2+s12+$0x0], $0xffff  }
0x160: {  	v12 =	vld [tilespmem:s23+$0xFFFFFFE0]  }
0x161: {  	v4 =	vld [tilespmem:s23+$0x20]  }
0x162: {  	v5 =	vld [tilespmem:s23+$0xFFFFFFD0]  }
0x163: {  	v2 =	vld [tilespmem:s23+$0xFFFFFFF0]  }
0x164: {  	v10 =	vmul.f32 v6, v3;
	v6 =	vld [tilespmem:s23+$0x0]  }
0x165: {  	s26 =	simm.s32 $0x1;
	v8 =	vmul.f32 v7, v3  }
0x166: {  	v11 =	vmov s26;
	s24 =	simm.s32 $0x6040;
	s25 =	simm.s32 $0x2;
	v7 =	vmul.f32 v12, v3;
	v9 =	vmul.f32 v9, v3  }
.LBB2_15:
0x167: {  	p0 =	sne.s32 s25, $0x4F  }
0x168: {  	v11 =	vand.u32 $0x7F, v11;
	v5 =	vmul.f32 v5, v3;
	v4 =	vmul.f32 v4, v3;
	[tilespmem:s23+$0x30] =	vst v10;
	s24 =	sadd.s32 $0x80, s24;
	s26 =	smov.u32 s25;
	s25 =	sadd.s32 $0x1, s25  }
0x169: {  	v10 =	vadd.s32 v1, v11;
	[tilespmem:s23+$0xFFFFFFC0] =	vst v8;
	v8 =	vmul.f32 v2, v3;
	v3 =	vmul.f32 v6, v3  }
0x16a: {  	v6 =	vbroadcast v10, $0x0;
	[tilespmem:s23+$0x10] =	vst v9  }
0x16b: {  	[tilespmem:s23+$0xFFFFFFE0] =	vst v7  }
0x16c: {  	v2 =	vld [tilespmem:s24+$0xFFFFFFF0];
	[tilespmem:s23+$0xFFFFFFF0] =	vst v8  }
0x16d: {  	v7 =	vld [tilespmem:s24+$0x30];
	[tilespmem:s23+$0x0] =	vst v3  }
0x16e: {  	v9 =	vld [tilespmem:s24+$0x10];
	[tilespmem:s23+$0x20] =	vst v4  }
0x16f: {  	v8 =	vld [tilespmem:s24+$0xFFFFFFC0];
	[tilespmem:s23+$0xFFFFFFD0] =	vst v5;
	s23 =	smov.u32 s24  }
0x170: {  	v3 =	vld.idx.msk [tilespmem:v6+s12+$0x0], $0xffff  }
0x171: {  	v12 =	vld [tilespmem:s24+$0xFFFFFFE0]  }
0x172: {  	v4 =	vld [tilespmem:s24+$0x20]  }
.Ltmp6:
0x173: {  	v5 =	vld [tilespmem:s24+$0xFFFFFFD0];
	(pc) =	sbr.rel @p0 .LBB2_15-.Ltmp6, $3  }
0x174: {  	v6 =	vld [tilespmem:s24+$0x0];
	_ =	sdelay $0x1  }
0x175: {  	v8 =	vmul.f32 v8, v3;
	v10 =	vmul.f32 v7, v3  }
0x176: {  	v11 =	vmov s26;
	v9 =	vmul.f32 v9, v3;
	v7 =	vmul.f32 v12, v3  }
0x177: {  	[tilespmem:s23+$0x30] =	vst v10;
	v58 =	vand.u32 $0x7F, v11  }
0x178: {  	[tilespmem:s23+$0xFFFFFFC0] =	vst v8;
	v1 =	vadd.s32 v1, v58  }
0x179: {  	v2 =	vmul.f32 v2, v3;
	[tilespmem:s23+$0x10] =	vst v9;
	v1 =	vbroadcast v1, $0x0  }
0x17a: {  	s24 =	sadd.s32 $0x80, s24;
	[tilespmem:s23+$0xFFFFFFE0] =	vst v7;
	v6 =	vmul.f32 v6, v3  }
0x17b: {  	v4 =	vmul.f32 v4, v3;
	v3 =	vmul.f32 v5, v3;
	v7 =	vld [tilespmem:s24+$0xFFFFFFF0];
	[tilespmem:s23+$0xFFFFFFF0] =	vst v2  }
0x17c: {  	v2 =	vld [tilespmem:s24+$0x30];
	[tilespmem:s23+$0x0] =	vst v6  }
0x17d: {  	v60 =	vld [tilespmem:s24+$0xFFFFFFC0];
	[tilespmem:s23+$0xFFFFFFD0] =	vst v3  }
0x17e: {  	v59 =	vld [tilespmem:s24+$0x10];
	[tilespmem:s23+$0x20] =	vst v4  }
0x17f: {  	v1 =	vld.idx.msk [tilespmem:v1+s12+$0x0], $0xffff;
	_ =	sdelay $0x2  }
0x180: {  	v6 =	vld [tilespmem:s24+$0x0]  }
0x181: {  	v3 =	vld [tilespmem:s24+$0xFFFFFFE0]  }
0x182: {  	v2 =	vmul.f32 v2, v1  }
0x183: {  	v61 =	vld [tilespmem:s24+$0x20];
	v4 =	vmul.f32 v60, v1  }
0x184: {  	v62 =	vld [tilespmem:s24+$0xFFFFFFD0];
	v5 =	vmul.f32 v59, v1;
	[tilespmem:s24+$0x30] =	vst v2  }
0x185: {  	v63 =	vmul.f32 v6, v1;
	[tilespmem:s24+$0xFFFFFFC0] =	vst v4  }
0x186: {  	v2 =	vmul.f32 v3, v1;
	[tilespmem:s24+$0x10] =	vst v5  }
0x187: {  	v3 =	vmul.f32 v7, v1;
	[tilespmem:s24+$0x0] =	vst v63  }
0x188: {  	[tilespmem:s24+$0xFFFFFFE0] =	vst v2;
	v2 =	vmul.f32 v61, v1  }
0x189: {  	[tilespmem:s24+$0xFFFFFFF0] =	vst v3;
	v1 =	vmul.f32 v62, v1  }
0x18a: {  	[tilespmem:s24+$0x20] =	vst v2  }
0x18b: {  	s21 =	sadd.s32 $0x3000, s21;
	[tilespmem:s24+$0xFFFFFFD0] =	vst v1  }
0x18c: {  	[spmem:s1] =	stream.indirect.scatter.add.f32 [tilespmem:s7], [sflag:$0x3], $0x80, s21, s6, $0xb8;
	[tilespmem:$0x1F000] =	vst v63  }
0x18d: {  	s20 =	sadd.s32 $0x1, s20;
	_ =	swait.ge [sflag:s16], $0x2800  }
0x18e: {  	p0 =	sne.s32 s20, $0xC;
	[sflag:s16] =	ssyncset.done $0x0  }
.Ltmp7:
0x18f: {  	s26 =	sadd.s32 $0x1100, s22;
	[sflag:s16] =	ssyncadd.s32 $0xFFFFD800;
	(pc) =	sbr.rel @p0 .LBB2_12-.Ltmp7, $4  }
0x190: {  	[tilespmem:s9], [sflag:$0x2] =	stream.indirect.gather [hbm4b:s4+s6], $0x80, s26, s6, $0xb8;
	[tilespmem:$0x1F000] =	vst v63  }
0x191: {  	_ =	swait.ge [sflag:s15], $0x2800  }
0x192: {  	[sflag:s15] =	ssyncset.done $0x0  }
0x193: {  	[sflag:s15] =	ssyncadd.s32 $0xFFFFD800  }
0x194: {  	s19 =	simm.s32 $0x0  }
0x195: {  	v1 =	vmov s19  }
0x196: {  	v1 =	vand.u32 $0x7F, v1  }
0x197: {  	v1 =	vor.u32 $0xC00, v1  }
0x198: {  	_ =	swait.ge [sflag:s14], $0x2800;
	v1 =	vbroadcast v1, $0x0  }
0x199: {  	[sflag:s14] =	ssyncset.done $0x0  }
0x19a: {  	s19 =	simm.s32 $0x8840;
	[sflag:s14] =	ssyncadd.s32 $0xFFFFD800  }
0x19b: {  	v5 =	vld [tilespmem:s19+$0x30]  }
0x19c: {  	v8 =	vld [tilespmem:s19+$0x10]  }
0x19d: {  	v6 =	vld [tilespmem:s19+$0xFFFFFFC0]  }
0x19e: {  	v2 =	vld.idx.msk [tilespmem:v1+s12+$0x0], $0xffff  }
0x19f: {  	v11 =	vld [tilespmem:s19+$0xFFFFFFE0]  }
0x1a0: {  	v3 =	vld [tilespmem:s19+$0x20]  }
0x1a1: {  	v4 =	vld [tilespmem:s19+$0xFFFFFFD0]  }
0x1a2: {  	v1 =	vld [tilespmem:s19+$0xFFFFFFF0]  }
0x1a3: {  	v9 =	vmul.f32 v5, v2;
	v5 =	vld [tilespmem:s19+$0x0]  }
0x1a4: {  	s20 =	simm.s32 $0x1;
	v7 =	vmul.f32 v6, v2  }
0x1a5: {  	s21 =	simm.s32 $0x2;
	v10 =	vmov s20;
	s20 =	simm.s32 $0x8840;
	v6 =	vmul.f32 v11, v2;
	v8 =	vmul.f32 v8, v2  }
.LBB2_18:
0x1a6: {  	p0 =	sne.s32 s21, $0x4F  }
0x1a7: {  	v10 =	vand.u32 $0x7F, v10;
	v4 =	vmul.f32 v4, v2;
	v3 =	vmul.f32 v3, v2;
	[tilespmem:s19+$0x30] =	vst v9;
	s20 =	sadd.s32 $0x80, s20;
	s22 =	smov.u32 s21;
	s21 =	sadd.s32 $0x1, s21  }
0x1a8: {  	v9 =	vor.u32 $0xC00, v10;
	[tilespmem:s19+$0xFFFFFFC0] =	vst v7;
	v7 =	vmul.f32 v1, v2;
	v2 =	vmul.f32 v5, v2  }
0x1a9: {  	v5 =	vbroadcast v9, $0x0;
	[tilespmem:s19+$0x10] =	vst v8  }
0x1aa: {  	[tilespmem:s19+$0xFFFFFFE0] =	vst v6  }
0x1ab: {  	v1 =	vld [tilespmem:s20+$0xFFFFFFF0];
	[tilespmem:s19+$0xFFFFFFF0] =	vst v7  }
0x1ac: {  	v6 =	vld [tilespmem:s20+$0x30];
	[tilespmem:s19+$0x0] =	vst v2  }
0x1ad: {  	v8 =	vld [tilespmem:s20+$0x10];
	[tilespmem:s19+$0x20] =	vst v3  }
0x1ae: {  	v7 =	vld [tilespmem:s20+$0xFFFFFFC0];
	[tilespmem:s19+$0xFFFFFFD0] =	vst v4;
	s19 =	smov.u32 s20  }
0x1af: {  	v2 =	vld.idx.msk [tilespmem:v5+s12+$0x0], $0xffff  }
0x1b0: {  	v11 =	vld [tilespmem:s20+$0xFFFFFFE0]  }
0x1b1: {  	v3 =	vld [tilespmem:s20+$0x20]  }
.Ltmp8:
0x1b2: {  	v4 =	vld [tilespmem:s20+$0xFFFFFFD0];
	(pc) =	sbr.rel @p0 .LBB2_18-.Ltmp8, $3  }
0x1b3: {  	v5 =	vld [tilespmem:s20+$0x0];
	_ =	sdelay $0x1  }
0x1b4: {  	v7 =	vmul.f32 v7, v2;
	v9 =	vmul.f32 v6, v2  }
0x1b5: {  	v10 =	vmov s22;
	v8 =	vmul.f32 v8, v2;
	v6 =	vmul.f32 v11, v2  }
0x1b6: {  	[tilespmem:s19+$0x30] =	vst v9;
	v57 =	vand.u32 $0x7F, v10  }
0x1b7: {  	[tilespmem:s19+$0xFFFFFFC0] =	vst v7;
	v7 =	vor.u32 $0xC00, v57  }
0x1b8: {  	v1 =	vmul.f32 v1, v2;
	[tilespmem:s19+$0x10] =	vst v8;
	v58 =	vbroadcast v7, $0x0  }
0x1b9: {  	s20 =	sadd.s32 $0x80, s20;
	[tilespmem:s19+$0xFFFFFFE0] =	vst v6;
	v5 =	vmul.f32 v5, v2  }
0x1ba: {  	v3 =	vmul.f32 v3, v2;
	v59 =	vld [tilespmem:s20+$0xFFFFFFF0];
	[tilespmem:s19+$0xFFFFFFF0] =	vst v1  }
0x1bb: {  	v2 =	vmul.f32 v4, v2;
	v1 =	vld [tilespmem:s20+$0x30];
	[tilespmem:s19+$0x0] =	vst v5  }
0x1bc: {  	v60 =	vld [tilespmem:s20+$0x10];
	[tilespmem:s19+$0x20] =	vst v3  }
0x1bd: {  	v3 =	vld [tilespmem:s20+$0xFFFFFFC0];
	[tilespmem:s19+$0xFFFFFFD0] =	vst v2  }
0x1be: {  	v2 =	vld.idx.msk [tilespmem:v58+s12+$0x0], $0xffff;
	_ =	sdelay $0x2  }
0x1bf: {  	v61 =	vld [tilespmem:s20+$0x0]  }
0x1c0: {  	v5 =	vld [tilespmem:s20+$0xFFFFFFE0]  }
0x1c1: {  	v1 =	vmul.f32 v1, v2  }
0x1c2: {  	v8 =	vld [tilespmem:s20+$0x20];
	v3 =	vmul.f32 v3, v2  }
0x1c3: {  	v62 =	vld [tilespmem:s20+$0xFFFFFFD0];
	v4 =	vmul.f32 v60, v2;
	[tilespmem:s20+$0x30] =	vst v1  }
0x1c4: {  	v63 =	vmul.f32 v61, v2;
	[tilespmem:s20+$0xFFFFFFC0] =	vst v3  }
0x1c5: {  	v1 =	vmul.f32 v5, v2;
	[tilespmem:s20+$0x10] =	vst v4  }
0x1c6: {  	v3 =	vmul.f32 v59, v2;
	[tilespmem:s20+$0x0] =	vst v63  }
0x1c7: {  	[tilespmem:s20+$0xFFFFFFE0] =	vst v1;
	v1 =	vmul.f32 v8, v2  }
0x1c8: {  	[tilespmem:s20+$0xFFFFFFF0] =	vst v3;
	v2 =	vmul.f32 v62, v2  }
0x1c9: {  	[tilespmem:s20+$0x20] =	vst v1  }
0x1ca: {  	s23 =	simm.s32 $0x3C00;
	[tilespmem:s20+$0xFFFFFFD0] =	vst v2  }
0x1cb: {  	[spmem:s1] =	stream.indirect.scatter.add.f32 [tilespmem:s9], [sflag:$0x4], $0x80, s23, s6, $0xb8;
	[tilespmem:$0x1F000] =	vst v63  }
0x1cc: {  	_ =	swait.ge [sflag:s2], $0xC80  }
0x1cd: {  	[sflag:s2] =	ssyncset.done $0x0  }
0x1ce: {  	[sflag:s2] =	ssyncadd.s32 $0xFFFFF380  }
0x1cf: {  	_ =	swait.ge [sflag:s2], $0xC80  }
0x1d0: {  	[sflag:s2] =	ssyncset.done $0x0  }
0x1d1: {  	[sflag:s2] =	ssyncadd.s32 $0xFFFFF380  }
0x1d2: {  	_ =	swait.ge [sflag:s2], $0xC80  }
0x1d3: {  	[sflag:s2] =	ssyncset.done $0x0  }
0x1d4: {  	s19 =	simm.s32 $0x0;
	[sflag:s2] =	ssyncadd.s32 $0xFFFFF380  }
0x1d5: {  	[tilespmem:s7], [sflag:$0x1] =	stream.indirect.gather [hbm4b:s4+s6], $0x80, s19, s6, $0xb8;
	[tilespmem:$0x1F000] =	vst v63  }
0x1d6: {  	_ =	swait.ge [sflag:s16], $0x2800  }
0x1d7: {  	[sflag:s16] =	ssyncset.done $0x0  }
0x1d8: {  	s24 =	rddreg [dreg:$0xf];
	[sflag:s16] =	ssyncadd.s32 $0xFFFFD800  }
0x1d9: {  	[tilespmem:s11], [sflag:$0x5] =	stream.linear.gather [hbm4b:s24+s19], $0xC80, $0x38;
	[tilespmem:$0x1F000] =	vst v63  }
0x1da: {  	s25 =	simm.s32 $0x3000  }
0x1db: {  	[tilespmem:s25], [sflag:$0x5] =	stream.linear.gather [hbm4b:s29+s19], $0xC80, $0x38;
	[tilespmem:$0x1F000] =	vst v63  }
0x1dc: {  	s20 =	simm.s32 $0x0;
	s26 =	rddreg [dreg:$0x10]  }
0x1dd: {  	[tilespmem:s12], [sflag:$0x5] =	stream.linear.gather [hbm4b:s26+s19], $0xC80, $0x38;
	[tilespmem:$0x1F000] =	vst v63  }
.LBB2_20:
0x1de: {  	s21 =	sshllo.u32 s20, $0x1;
	s22 =	sshll.u32 s20, $0x8;
	v2 =	vmov s19  }
0x1df: {  	s21 =	sshll.u32 s21, $0x7;
	v1 =	vmov s22;
	v2 =	vand.u32 $0x7F, v2  }
0x1e0: {  	[tilespmem:s9], [sflag:$0x2] =	stream.indirect.gather [hbm4b:s4+s6], $0x80, s21, s6, $0xb8;
	v2 =	vadd.s32 v1, v2;
	[tilespmem:$0x1F000] =	vst v63  }
0x1e1: {  	_ =	swait.ge [sflag:s13], $0x2800;
	v2 =	vbroadcast v2, $0x0  }
0x1e2: {  	[sflag:s13] =	ssyncset.done $0x0  }
0x1e3: {  	s22 =	simm.s32 $0x6040;
	[sflag:s13] =	ssyncadd.s32 $0xFFFFD800  }
0x1e4: {  	v6 =	vld [tilespmem:s22+$0x30]  }
0x1e5: {  	v9 =	vld [tilespmem:s22+$0x10]  }
0x1e6: {  	v7 =	vld [tilespmem:s22+$0xFFFFFFC0]  }
0x1e7: {  	v3 =	vld.idx.msk [tilespmem:v2+s0+$0x0], $0xffff  }
0x1e8: {  	v12 =	vld [tilespmem:s22+$0xFFFFFFE0]  }
0x1e9: {  	v4 =	vld [tilespmem:s22+$0x20]  }
0x1ea: {  	v5 =	vld [tilespmem:s22+$0xFFFFFFD0]  }
0x1eb: {  	v2 =	vld [tilespmem:s22+$0xFFFFFFF0]  }
0x1ec: {  	v10 =	vmul.f32 v6, v3;
	v6 =	vld [tilespmem:s22+$0x0]  }
0x1ed: {  	s23 =	simm.s32 $0x1;
	v8 =	vmul.f32 v7, v3  }
0x1ee: {  	s24 =	simm.s32 $0x2;
	v11 =	vmov s23;
	s23 =	simm.s32 $0x6040;
	v7 =	vmul.f32 v12, v3;
	v9 =	vmul.f32 v9, v3  }
.LBB2_21:
0x1ef: {  	p0 =	sne.s32 s24, $0x4F  }
0x1f0: {  	v11 =	vand.u32 $0x7F, v11;
	v5 =	vmul.f32 v5, v3;
	v4 =	vmul.f32 v4, v3;
	[tilespmem:s22+$0x30] =	vst v10;
	s23 =	sadd.s32 $0x80, s23;
	s25 =	smov.u32 s24;
	s24 =	sadd.s32 $0x1, s24  }
0x1f1: {  	v10 =	vadd.s32 v1, v11;
	[tilespmem:s22+$0xFFFFFFC0] =	vst v8;
	v8 =	vmul.f32 v2, v3;
	v3 =	vmul.f32 v6, v3  }
0x1f2: {  	v6 =	vbroadcast v10, $0x0;
	[tilespmem:s22+$0x10] =	vst v9  }
0x1f3: {  	[tilespmem:s22+$0xFFFFFFE0] =	vst v7  }
0x1f4: {  	v2 =	vld [tilespmem:s23+$0xFFFFFFF0];
	[tilespmem:s22+$0xFFFFFFF0] =	vst v8  }
0x1f5: {  	v7 =	vld [tilespmem:s23+$0x30];
	[tilespmem:s22+$0x0] =	vst v3  }
0x1f6: {  	v9 =	vld [tilespmem:s23+$0x10];
	[tilespmem:s22+$0x20] =	vst v4  }
0x1f7: {  	v8 =	vld [tilespmem:s23+$0xFFFFFFC0];
	[tilespmem:s22+$0xFFFFFFD0] =	vst v5;
	s22 =	smov.u32 s23  }
0x1f8: {  	v3 =	vld.idx.msk [tilespmem:v6+s0+$0x0], $0xffff  }
0x1f9: {  	v12 =	vld [tilespmem:s23+$0xFFFFFFE0]  }
0x1fa: {  	v4 =	vld [tilespmem:s23+$0x20]  }
.Ltmp9:
0x1fb: {  	v5 =	vld [tilespmem:s23+$0xFFFFFFD0];
	(pc) =	sbr.rel @p0 .LBB2_21-.Ltmp9, $3  }
0x1fc: {  	v6 =	vld [tilespmem:s23+$0x0];
	_ =	sdelay $0x1  }
0x1fd: {  	v8 =	vmul.f32 v8, v3;
	v10 =	vmul.f32 v7, v3  }
0x1fe: {  	v11 =	vmov s25;
	v9 =	vmul.f32 v9, v3;
	v7 =	vmul.f32 v12, v3  }
0x1ff: {  	[tilespmem:s22+$0xFFFFFFC0] =	vst v8;
	v8 =	vand.u32 $0x7F, v11  }
0x200: {  	[tilespmem:s22+$0x30] =	vst v10;
	v1 =	vadd.s32 v1, v8  }
0x201: {  	v2 =	vmul.f32 v2, v3;
	[tilespmem:s22+$0x10] =	vst v9;
	v1 =	vbroadcast v1, $0x0  }
0x202: {  	s23 =	sadd.s32 $0x80, s23;
	[tilespmem:s22+$0xFFFFFFE0] =	vst v7;
	v6 =	vmul.f32 v6, v3  }
0x203: {  	v4 =	vmul.f32 v4, v3;
	v7 =	vld [tilespmem:s23+$0xFFFFFFF0];
	[tilespmem:s22+$0xFFFFFFF0] =	vst v2  }
0x204: {  	v3 =	vmul.f32 v5, v3;
	v2 =	vld [tilespmem:s23+$0x30];
	[tilespmem:s22+$0x0] =	vst v6  }
0x205: {  	v5 =	vld [tilespmem:s23+$0x10];
	[tilespmem:s22+$0x20] =	vst v4  }
0x206: {  	v4 =	vld [tilespmem:s23+$0xFFFFFFC0];
	[tilespmem:s22+$0xFFFFFFD0] =	vst v3  }
0x207: {  	v1 =	vld.idx.msk [tilespmem:v1+s0+$0x0], $0xffff;
	_ =	sdelay $0x2  }
0x208: {  	v3 =	vld [tilespmem:s23+$0xFFFFFFE0];
	_ =	sdelay $0x1  }
0x209: {  	v6 =	vld [tilespmem:s23+$0x0];
	v2 =	vmul.f32 v2, v1  }
0x20a: {  	v8 =	vld [tilespmem:s23+$0x20];
	v4 =	vmul.f32 v4, v1  }
0x20b: {  	v9 =	vld [tilespmem:s23+$0xFFFFFFD0];
	v5 =	vmul.f32 v5, v1;
	[tilespmem:s23+$0x30] =	vst v2  }
0x20c: {  	v2 =	vmul.f32 v3, v1;
	[tilespmem:s23+$0xFFFFFFC0] =	vst v4  }
0x20d: {  	v3 =	vmul.f32 v7, v1;
	[tilespmem:s23+$0x10] =	vst v5  }
0x20e: {  	v4 =	vmul.f32 v6, v1;
	[tilespmem:s23+$0xFFFFFFE0] =	vst v2  }
0x20f: {  	v2 =	vmul.f32 v8, v1;
	[tilespmem:s23+$0xFFFFFFF0] =	vst v3  }
0x210: {  	s26 =	sshll.u32 s20, $0xA;
	s24 =	simm.s32 $0x0;
	v1 =	vmul.f32 v9, v1;
	[tilespmem:s23+$0x0] =	vst v4  }
0x211: {  	s22 =	sshrl.u32 s26, $0x2;
	[tilespmem:s23+$0x20] =	vst v2;
	v2 =	vmov s24  }
0x212: {  	s25 =	sadd.s32 $0x2000, s22;
	[tilespmem:s23+$0xFFFFFFD0] =	vst v1;
	v1 =	vmov s21;
	v2 =	vand.u32 $0x7F, v2  }
0x213: {  	[spmem:s1] =	stream.indirect.scatter.add.f32 [tilespmem:s7], [sflag:$0x3], $0x80, s25, s6, $0xb8;
	v2 =	vadd.s32 v1, v2;
	[tilespmem:$0x1F000] =	vst v63  }
0x214: {  	_ =	swait.ge [sflag:s14], $0x2800;
	v2 =	vbroadcast v2, $0x0  }
0x215: {  	[sflag:s14] =	ssyncset.done $0x0  }
0x216: {  	s23 =	simm.s32 $0x8840;
	[sflag:s14] =	ssyncadd.s32 $0xFFFFD800  }
0x217: {  	v6 =	vld [tilespmem:s23+$0x30]  }
0x218: {  	v9 =	vld [tilespmem:s23+$0x10]  }
0x219: {  	v7 =	vld [tilespmem:s23+$0xFFFFFFC0]  }
0x21a: {  	v3 =	vld.idx.msk [tilespmem:v2+s0+$0x0], $0xffff  }
0x21b: {  	v12 =	vld [tilespmem:s23+$0xFFFFFFE0]  }
0x21c: {  	v4 =	vld [tilespmem:s23+$0x20]  }
0x21d: {  	v5 =	vld [tilespmem:s23+$0xFFFFFFD0]  }
0x21e: {  	v2 =	vld [tilespmem:s23+$0xFFFFFFF0]  }
0x21f: {  	v10 =	vmul.f32 v6, v3;
	v6 =	vld [tilespmem:s23+$0x0]  }
0x220: {  	s26 =	simm.s32 $0x1;
	v8 =	vmul.f32 v7, v3  }
0x221: {  	v11 =	vmov s26;
	s24 =	simm.s32 $0x8840;
	s25 =	simm.s32 $0x2;
	v7 =	vmul.f32 v12, v3;
	v9 =	vmul.f32 v9, v3  }
.LBB2_23:
0x222: {  	p0 =	sne.s32 s25, $0x4F  }
0x223: {  	v11 =	vand.u32 $0x7F, v11;
	v5 =	vmul.f32 v5, v3;
	v4 =	vmul.f32 v4, v3;
	[tilespmem:s23+$0x30] =	vst v10;
	s24 =	sadd.s32 $0x80, s24;
	s26 =	smov.u32 s25;
	s25 =	sadd.s32 $0x1, s25  }
0x224: {  	v10 =	vadd.s32 v1, v11;
	[tilespmem:s23+$0xFFFFFFC0] =	vst v8;
	v8 =	vmul.f32 v2, v3;
	v3 =	vmul.f32 v6, v3  }
0x225: {  	v6 =	vbroadcast v10, $0x0;
	[tilespmem:s23+$0x10] =	vst v9  }
0x226: {  	[tilespmem:s23+$0xFFFFFFE0] =	vst v7  }
0x227: {  	v2 =	vld [tilespmem:s24+$0xFFFFFFF0];
	[tilespmem:s23+$0xFFFFFFF0] =	vst v8  }
0x228: {  	v7 =	vld [tilespmem:s24+$0x30];
	[tilespmem:s23+$0x0] =	vst v3  }
0x229: {  	v9 =	vld [tilespmem:s24+$0x10];
	[tilespmem:s23+$0x20] =	vst v4  }
0x22a: {  	v8 =	vld [tilespmem:s24+$0xFFFFFFC0];
	[tilespmem:s23+$0xFFFFFFD0] =	vst v5;
	s23 =	smov.u32 s24  }
0x22b: {  	v3 =	vld.idx.msk [tilespmem:v6+s0+$0x0], $0xffff  }
0x22c: {  	v12 =	vld [tilespmem:s24+$0xFFFFFFE0]  }
0x22d: {  	v4 =	vld [tilespmem:s24+$0x20]  }
.Ltmp10:
0x22e: {  	v5 =	vld [tilespmem:s24+$0xFFFFFFD0];
	(pc) =	sbr.rel @p0 .LBB2_23-.Ltmp10, $3  }
0x22f: {  	v6 =	vld [tilespmem:s24+$0x0];
	_ =	sdelay $0x1  }
0x230: {  	v8 =	vmul.f32 v8, v3;
	v10 =	vmul.f32 v7, v3  }
0x231: {  	v11 =	vmov s26;
	v9 =	vmul.f32 v9, v3;
	v7 =	vmul.f32 v12, v3  }
0x232: {  	[tilespmem:s23+$0x30] =	vst v10;
	v58 =	vand.u32 $0x7F, v11  }
0x233: {  	[tilespmem:s23+$0xFFFFFFC0] =	vst v8;
	v1 =	vadd.s32 v1, v58  }
0x234: {  	v2 =	vmul.f32 v2, v3;
	[tilespmem:s23+$0x10] =	vst v9;
	v1 =	vbroadcast v1, $0x0  }
0x235: {  	s24 =	sadd.s32 $0x80, s24;
	[tilespmem:s23+$0xFFFFFFE0] =	vst v7;
	v6 =	vmul.f32 v6, v3  }
0x236: {  	v4 =	vmul.f32 v4, v3;
	v3 =	vmul.f32 v5, v3;
	v7 =	vld [tilespmem:s24+$0xFFFFFFF0];
	[tilespmem:s23+$0xFFFFFFF0] =	vst v2  }
0x237: {  	v2 =	vld [tilespmem:s24+$0x30];
	[tilespmem:s23+$0x0] =	vst v6  }
0x238: {  	v60 =	vld [tilespmem:s24+$0xFFFFFFC0];
	[tilespmem:s23+$0xFFFFFFD0] =	vst v3  }
0x239: {  	v59 =	vld [tilespmem:s24+$0x10];
	[tilespmem:s23+$0x20] =	vst v4  }
0x23a: {  	v1 =	vld.idx.msk [tilespmem:v1+s0+$0x0], $0xffff;
	_ =	sdelay $0x2  }
0x23b: {  	v6 =	vld [tilespmem:s24+$0x0]  }
0x23c: {  	v3 =	vld [tilespmem:s24+$0xFFFFFFE0]  }
0x23d: {  	v2 =	vmul.f32 v2, v1  }
0x23e: {  	v61 =	vld [tilespmem:s24+$0x20];
	v4 =	vmul.f32 v60, v1  }
0x23f: {  	v62 =	vld [tilespmem:s24+$0xFFFFFFD0];
	v5 =	vmul.f32 v59, v1;
	[tilespmem:s24+$0x30] =	vst v2  }
0x240: {  	v63 =	vmul.f32 v6, v1;
	[tilespmem:s24+$0xFFFFFFC0] =	vst v4  }
0x241: {  	v2 =	vmul.f32 v3, v1;
	[tilespmem:s24+$0x10] =	vst v5  }
0x242: {  	v3 =	vmul.f32 v7, v1;
	[tilespmem:s24+$0x0] =	vst v63  }
0x243: {  	[tilespmem:s24+$0xFFFFFFE0] =	vst v2;
	v2 =	vmul.f32 v61, v1  }
0x244: {  	[tilespmem:s24+$0xFFFFFFF0] =	vst v3;
	v1 =	vmul.f32 v62, v1  }
0x245: {  	[tilespmem:s24+$0x20] =	vst v2  }
0x246: {  	s21 =	sadd.s32 $0x2000, s21;
	[tilespmem:s24+$0xFFFFFFD0] =	vst v1  }
0x247: {  	[spmem:s1] =	stream.indirect.scatter.add.f32 [tilespmem:s9], [sflag:$0x4], $0x80, s21, s6, $0xb8;
	[tilespmem:$0x1F000] =	vst v63  }
0x248: {  	s20 =	sadd.s32 $0x1, s20;
	_ =	swait.ge [sflag:s15], $0x2800  }
0x249: {  	p0 =	sne.s32 s20, $0xC;
	[sflag:s15] =	ssyncset.done $0x0  }
.Ltmp11:
0x24a: {  	s26 =	sadd.s32 $0x100, s22;
	[sflag:s15] =	ssyncadd.s32 $0xFFFFD800;
	(pc) =	sbr.rel @p0 .LBB2_20-.Ltmp11, $4  }
0x24b: {  	[tilespmem:s7], [sflag:$0x1] =	stream.indirect.gather [hbm4b:s4+s6], $0x80, s26, s6, $0xb8;
	[tilespmem:$0x1F000] =	vst v63  }
0x24c: {  	_ =	swait.ge [sflag:s16], $0x2800  }
0x24d: {  	[sflag:s16] =	ssyncset.done $0x0  }
0x24e: {  	[sflag:s16] =	ssyncadd.s32 $0xFFFFD800  }
0x24f: {  	s19 =	simm.s32 $0x0  }
0x250: {  	v1 =	vmov s19  }
0x251: {  	v1 =	vand.u32 $0x7F, v1  }
0x252: {  	v1 =	vor.u32 $0xC00, v1  }
0x253: {  	_ =	swait.ge [sflag:s13], $0x2800;
	v1 =	vbroadcast v1, $0x0  }
0x254: {  	[sflag:s13] =	ssyncset.done $0x0  }
0x255: {  	s19 =	simm.s32 $0x6040;
	[sflag:s13] =	ssyncadd.s32 $0xFFFFD800  }
0x256: {  	v5 =	vld [tilespmem:s19+$0x30]  }
0x257: {  	v8 =	vld [tilespmem:s19+$0x10]  }
0x258: {  	v6 =	vld [tilespmem:s19+$0xFFFFFFC0]  }
0x259: {  	v2 =	vld.idx.msk [tilespmem:v1+s0+$0x0], $0xffff  }
0x25a: {  	v11 =	vld [tilespmem:s19+$0xFFFFFFE0]  }
0x25b: {  	v3 =	vld [tilespmem:s19+$0x20]  }
0x25c: {  	v4 =	vld [tilespmem:s19+$0xFFFFFFD0]  }
0x25d: {  	v1 =	vld [tilespmem:s19+$0xFFFFFFF0]  }
0x25e: {  	v9 =	vmul.f32 v5, v2;
	v5 =	vld [tilespmem:s19+$0x0]  }
0x25f: {  	s20 =	simm.s32 $0x1;
	v7 =	vmul.f32 v6, v2  }
0x260: {  	s21 =	simm.s32 $0x2;
	v10 =	vmov s20;
	s20 =	simm.s32 $0x6040;
	v6 =	vmul.f32 v11, v2;
	v8 =	vmul.f32 v8, v2  }
.LBB2_26:
0x261: {  	p0 =	sne.s32 s21, $0x4F  }
0x262: {  	v10 =	vand.u32 $0x7F, v10;
	v4 =	vmul.f32 v4, v2;
	v3 =	vmul.f32 v3, v2;
	[tilespmem:s19+$0x30] =	vst v9;
	s20 =	sadd.s32 $0x80, s20;
	s22 =	smov.u32 s21;
	s21 =	sadd.s32 $0x1, s21  }
0x263: {  	v9 =	vor.u32 $0xC00, v10;
	[tilespmem:s19+$0xFFFFFFC0] =	vst v7;
	v7 =	vmul.f32 v1, v2;
	v2 =	vmul.f32 v5, v2  }
0x264: {  	v5 =	vbroadcast v9, $0x0;
	[tilespmem:s19+$0x10] =	vst v8  }
0x265: {  	[tilespmem:s19+$0xFFFFFFE0] =	vst v6  }
0x266: {  	v1 =	vld [tilespmem:s20+$0xFFFFFFF0];
	[tilespmem:s19+$0xFFFFFFF0] =	vst v7  }
0x267: {  	v6 =	vld [tilespmem:s20+$0x30];
	[tilespmem:s19+$0x0] =	vst v2  }
0x268: {  	v8 =	vld [tilespmem:s20+$0x10];
	[tilespmem:s19+$0x20] =	vst v3  }
0x269: {  	v7 =	vld [tilespmem:s20+$0xFFFFFFC0];
	[tilespmem:s19+$0xFFFFFFD0] =	vst v4;
	s19 =	smov.u32 s20  }
0x26a: {  	v2 =	vld.idx.msk [tilespmem:v5+s0+$0x0], $0xffff  }
0x26b: {  	v11 =	vld [tilespmem:s20+$0xFFFFFFE0]  }
0x26c: {  	v3 =	vld [tilespmem:s20+$0x20]  }
.Ltmp12:
0x26d: {  	v4 =	vld [tilespmem:s20+$0xFFFFFFD0];
	(pc) =	sbr.rel @p0 .LBB2_26-.Ltmp12, $3  }
0x26e: {  	v5 =	vld [tilespmem:s20+$0x0];
	_ =	sdelay $0x1  }
0x26f: {  	v7 =	vmul.f32 v7, v2;
	v9 =	vmul.f32 v6, v2  }
0x270: {  	v10 =	vmov s22;
	v8 =	vmul.f32 v8, v2;
	v6 =	vmul.f32 v11, v2  }
0x271: {  	[tilespmem:s19+$0x30] =	vst v9;
	v57 =	vand.u32 $0x7F, v10  }
0x272: {  	[tilespmem:s19+$0xFFFFFFC0] =	vst v7;
	v7 =	vor.u32 $0xC00, v57  }
0x273: {  	v1 =	vmul.f32 v1, v2;
	[tilespmem:s19+$0x10] =	vst v8;
	v58 =	vbroadcast v7, $0x0  }
0x274: {  	s20 =	sadd.s32 $0x80, s20;
	[tilespmem:s19+$0xFFFFFFE0] =	vst v6;
	v5 =	vmul.f32 v5, v2  }
0x275: {  	v3 =	vmul.f32 v3, v2;
	v59 =	vld [tilespmem:s20+$0xFFFFFFF0];
	[tilespmem:s19+$0xFFFFFFF0] =	vst v1  }
0x276: {  	v2 =	vmul.f32 v4, v2;
	v1 =	vld [tilespmem:s20+$0x30];
	[tilespmem:s19+$0x0] =	vst v5  }
0x277: {  	v60 =	vld [tilespmem:s20+$0x10];
	[tilespmem:s19+$0x20] =	vst v3  }
0x278: {  	v3 =	vld [tilespmem:s20+$0xFFFFFFC0];
	[tilespmem:s19+$0xFFFFFFD0] =	vst v2  }
0x279: {  	v2 =	vld.idx.msk [tilespmem:v58+s0+$0x0], $0xffff;
	_ =	sdelay $0x2  }
0x27a: {  	v61 =	vld [tilespmem:s20+$0x0]  }
0x27b: {  	v5 =	vld [tilespmem:s20+$0xFFFFFFE0]  }
0x27c: {  	v1 =	vmul.f32 v1, v2  }
0x27d: {  	v8 =	vld [tilespmem:s20+$0x20];
	v3 =	vmul.f32 v3, v2  }
0x27e: {  	v62 =	vld [tilespmem:s20+$0xFFFFFFD0];
	v4 =	vmul.f32 v60, v2;
	[tilespmem:s20+$0x30] =	vst v1  }
0x27f: {  	v63 =	vmul.f32 v61, v2;
	[tilespmem:s20+$0xFFFFFFC0] =	vst v3  }
0x280: {  	v1 =	vmul.f32 v5, v2;
	[tilespmem:s20+$0x10] =	vst v4  }
0x281: {  	v3 =	vmul.f32 v59, v2;
	[tilespmem:s20+$0x0] =	vst v63  }
0x282: {  	[tilespmem:s20+$0xFFFFFFE0] =	vst v1;
	v1 =	vmul.f32 v8, v2  }
0x283: {  	[tilespmem:s20+$0xFFFFFFF0] =	vst v3;
	v2 =	vmul.f32 v62, v2  }
0x284: {  	[tilespmem:s20+$0x20] =	vst v1  }
0x285: {  	[tilespmem:s20+$0xFFFFFFD0] =	vst v2  }
0x286: {  	[spmem:s1] =	stream.indirect.scatter.add.f32 [tilespmem:s7], [sflag:$0x3], $0x80, s17, s6, $0xb8;
	[tilespmem:$0x1F000] =	vst v63  }
0x287: {  	_ =	swait.ge [sflag:s2], $0xC80  }
0x288: {  	[sflag:s2] =	ssyncset.done $0x0  }
0x289: {  	[sflag:s2] =	ssyncadd.s32 $0xFFFFF380  }
0x28a: {  	_ =	swait.ge [sflag:s2], $0xC80  }
0x28b: {  	[sflag:s2] =	ssyncset.done $0x0  }
0x28c: {  	[sflag:s2] =	ssyncadd.s32 $0xFFFFF380  }
0x28d: {  	_ =	swait.ge [sflag:s2], $0xC80  }
0x28e: {  	[sflag:s2] =	ssyncset.done $0x0  }
0x28f: {  	[sflag:s2] =	ssyncadd.s32 $0xFFFFF380  }
0x290: {  	[tilespmem:s9], [sflag:$0x2] =	stream.indirect.gather [hbm4b:s4+s6], $0x80, s11, s6, $0xb8;
	[tilespmem:$0x1F000] =	vst v63  }
0x291: {  	_ =	swait.ge [sflag:s15], $0x2800  }
0x292: {  	[sflag:s15] =	ssyncset.done $0x0  }
0x293: {  	s19 =	simm.s32 $0x0;
	s25 =	rddreg [dreg:$0x11];
	[sflag:s15] =	ssyncadd.s32 $0xFFFFD800  }
0x294: {  	[tilespmem:s19], [sflag:$0x5] =	stream.linear.gather [hbm4b:s25+s19], $0xC80, $0x38;
	[tilespmem:$0x1F000] =	vst v63  }
0x295: {  	_ = 	snop  }
0x296: {  	[tilespmem:s31], [sflag:$0x5] =	stream.linear.gather [hbm4b:s30+s19], $0xC80, $0x38;
	[tilespmem:$0x1F000] =	vst v63  }
0x297: {  	s20 =	simm.s32 $0x0;
	s26 =	rddreg [dreg:$0x12]  }
0x298: {  	[tilespmem:s0], [sflag:$0x5] =	stream.linear.gather [hbm4b:s26+s19], $0xC80, $0x38;
	[tilespmem:$0x1F000] =	vst v63  }
.LBB2_28:
0x299: {  	s21 =	sshllo.u32 s20, $0x1  }
0x29a: {  	s22 =	sshll.u32 s20, $0x8;
	v2 =	vmov s19;
	s21 =	sshll.u32 s21, $0x7  }
0x29b: {  	v1 =	vmov s22;
	v2 =	vand.u32 $0x7F, v2;
	s23 =	sadd.s32 $0x1000, s21  }
0x29c: {  	v2 =	vadd.s32 v1, v2;
	[tilespmem:s7], [sflag:$0x1] =	stream.indirect.gather [hbm4b:s4+s6], $0x80, s23, s6, $0xb8;
	[tilespmem:$0x1F000] =	vst v63  }
0x29d: {  	v2 =	vbroadcast v2, $0x0;
	_ =	swait.ge [sflag:s14], $0x2800  }
0x29e: {  	[sflag:s14] =	ssyncset.done $0x0  }
0x29f: {  	s22 =	simm.s32 $0x8840;
	[sflag:s14] =	ssyncadd.s32 $0xFFFFD800  }
0x2a0: {  	v6 =	vld [tilespmem:s22+$0x30]  }
0x2a1: {  	v9 =	vld [tilespmem:s22+$0x10]  }
0x2a2: {  	v7 =	vld [tilespmem:s22+$0xFFFFFFC0]  }
0x2a3: {  	v3 =	vld.idx.msk [tilespmem:v2+s12+$0x0], $0xffff  }
0x2a4: {  	v12 =	vld [tilespmem:s22+$0xFFFFFFE0]  }
0x2a5: {  	v4 =	vld [tilespmem:s22+$0x20]  }
0x2a6: {  	v5 =	vld [tilespmem:s22+$0xFFFFFFD0]  }
0x2a7: {  	v2 =	vld [tilespmem:s22+$0xFFFFFFF0]  }
0x2a8: {  	v10 =	vmul.f32 v6, v3;
	v6 =	vld [tilespmem:s22+$0x0]  }
0x2a9: {  	s26 =	simm.s32 $0x1;
	v8 =	vmul.f32 v7, v3  }
0x2aa: {  	s24 =	simm.s32 $0x2;
	v11 =	vmov s26;
	s23 =	simm.s32 $0x8840;
	v7 =	vmul.f32 v12, v3;
	v9 =	vmul.f32 v9, v3  }
.LBB2_29:
0x2ab: {  	p0 =	sne.s32 s24, $0x4F  }
0x2ac: {  	v11 =	vand.u32 $0x7F, v11;
	v5 =	vmul.f32 v5, v3;
	v4 =	vmul.f32 v4, v3;
	[tilespmem:s22+$0x30] =	vst v10;
	s23 =	sadd.s32 $0x80, s23;
	s25 =	smov.u32 s24;
	s24 =	sadd.s32 $0x1, s24  }
0x2ad: {  	v10 =	vadd.s32 v1, v11;
	[tilespmem:s22+$0xFFFFFFC0] =	vst v8;
	v8 =	vmul.f32 v2, v3;
	v3 =	vmul.f32 v6, v3  }
0x2ae: {  	v6 =	vbroadcast v10, $0x0;
	[tilespmem:s22+$0x10] =	vst v9  }
0x2af: {  	[tilespmem:s22+$0xFFFFFFE0] =	vst v7  }
0x2b0: {  	v2 =	vld [tilespmem:s23+$0xFFFFFFF0];
	[tilespmem:s22+$0xFFFFFFF0] =	vst v8  }
0x2b1: {  	v7 =	vld [tilespmem:s23+$0x30];
	[tilespmem:s22+$0x0] =	vst v3  }
0x2b2: {  	v9 =	vld [tilespmem:s23+$0x10];
	[tilespmem:s22+$0x20] =	vst v4  }
0x2b3: {  	v8 =	vld [tilespmem:s23+$0xFFFFFFC0];
	[tilespmem:s22+$0xFFFFFFD0] =	vst v5;
	s22 =	smov.u32 s23  }
0x2b4: {  	v3 =	vld.idx.msk [tilespmem:v6+s12+$0x0], $0xffff  }
0x2b5: {  	v12 =	vld [tilespmem:s23+$0xFFFFFFE0]  }
0x2b6: {  	v4 =	vld [tilespmem:s23+$0x20]  }
.Ltmp13:
0x2b7: {  	v5 =	vld [tilespmem:s23+$0xFFFFFFD0];
	(pc) =	sbr.rel @p0 .LBB2_29-.Ltmp13, $3  }
0x2b8: {  	v6 =	vld [tilespmem:s23+$0x0];
	_ =	sdelay $0x1  }
0x2b9: {  	v8 =	vmul.f32 v8, v3;
	v10 =	vmul.f32 v7, v3  }
0x2ba: {  	v11 =	vmov s25;
	v9 =	vmul.f32 v9, v3;
	v7 =	vmul.f32 v12, v3  }
0x2bb: {  	[tilespmem:s22+$0xFFFFFFC0] =	vst v8;
	v8 =	vand.u32 $0x7F, v11  }
0x2bc: {  	[tilespmem:s22+$0x30] =	vst v10;
	v1 =	vadd.s32 v1, v8  }
0x2bd: {  	v2 =	vmul.f32 v2, v3;
	[tilespmem:s22+$0x10] =	vst v9;
	v1 =	vbroadcast v1, $0x0  }
0x2be: {  	s23 =	sadd.s32 $0x80, s23;
	[tilespmem:s22+$0xFFFFFFE0] =	vst v7;
	v6 =	vmul.f32 v6, v3  }
0x2bf: {  	v4 =	vmul.f32 v4, v3;
	v7 =	vld [tilespmem:s23+$0xFFFFFFF0];
	[tilespmem:s22+$0xFFFFFFF0] =	vst v2  }
0x2c0: {  	v3 =	vmul.f32 v5, v3;
	v2 =	vld [tilespmem:s23+$0x30];
	[tilespmem:s22+$0x0] =	vst v6  }
0x2c1: {  	v5 =	vld [tilespmem:s23+$0x10];
	[tilespmem:s22+$0x20] =	vst v4  }
0x2c2: {  	v4 =	vld [tilespmem:s23+$0xFFFFFFC0];
	[tilespmem:s22+$0xFFFFFFD0] =	vst v3  }
0x2c3: {  	v1 =	vld.idx.msk [tilespmem:v1+s12+$0x0], $0xffff;
	_ =	sdelay $0x2  }
0x2c4: {  	v3 =	vld [tilespmem:s23+$0xFFFFFFE0];
	_ =	sdelay $0x1  }
0x2c5: {  	v6 =	vld [tilespmem:s23+$0x0];
	v2 =	vmul.f32 v2, v1  }
0x2c6: {  	v8 =	vld [tilespmem:s23+$0x20];
	v4 =	vmul.f32 v4, v1  }
0x2c7: {  	v9 =	vld [tilespmem:s23+$0xFFFFFFD0];
	v5 =	vmul.f32 v5, v1;
	[tilespmem:s23+$0x30] =	vst v2  }
0x2c8: {  	v2 =	vmul.f32 v3, v1;
	[tilespmem:s23+$0xFFFFFFC0] =	vst v4  }
0x2c9: {  	v3 =	vmul.f32 v7, v1;
	[tilespmem:s23+$0x10] =	vst v5  }
0x2ca: {  	v4 =	vmul.f32 v6, v1;
	[tilespmem:s23+$0xFFFFFFE0] =	vst v2  }
0x2cb: {  	v2 =	vmul.f32 v8, v1;
	[tilespmem:s23+$0xFFFFFFF0] =	vst v3  }
0x2cc: {  	s26 =	sshll.u32 s20, $0xA;
	s24 =	simm.s32 $0x0;
	v1 =	vmul.f32 v9, v1;
	[tilespmem:s23+$0x0] =	vst v4  }
0x2cd: {  	s22 =	sshrl.u32 s26, $0x2;
	[tilespmem:s23+$0x20] =	vst v2;
	v2 =	vmov s24  }
0x2ce: {  	s25 =	sadd.s32 $0x3000, s22;
	[tilespmem:s23+$0xFFFFFFD0] =	vst v1;
	v1 =	vmov s21;
	v2 =	vand.u32 $0x7F, v2  }
0x2cf: {  	[spmem:s1] =	stream.indirect.scatter.add.f32 [tilespmem:s9], [sflag:$0x4], $0x80, s25, s6, $0xb8;
	v2 =	vadd.s32 v1, v2;
	[tilespmem:$0x1F000] =	vst v63  }
0x2d0: {  	_ =	swait.ge [sflag:s13], $0x2800;
	v2 =	vbroadcast v2, $0x0  }
0x2d1: {  	[sflag:s13] =	ssyncset.done $0x0  }
0x2d2: {  	s23 =	simm.s32 $0x6040;
	[sflag:s13] =	ssyncadd.s32 $0xFFFFD800  }
0x2d3: {  	v6 =	vld [tilespmem:s23+$0x30]  }
0x2d4: {  	v9 =	vld [tilespmem:s23+$0x10]  }
0x2d5: {  	v7 =	vld [tilespmem:s23+$0xFFFFFFC0]  }
0x2d6: {  	v3 =	vld.idx.msk [tilespmem:v2+s12+$0x0], $0xffff  }
0x2d7: {  	v12 =	vld [tilespmem:s23+$0xFFFFFFE0]  }
0x2d8: {  	v4 =	vld [tilespmem:s23+$0x20]  }
0x2d9: {  	v5 =	vld [tilespmem:s23+$0xFFFFFFD0]  }
0x2da: {  	v2 =	vld [tilespmem:s23+$0xFFFFFFF0]  }
0x2db: {  	v10 =	vmul.f32 v6, v3;
	v6 =	vld [tilespmem:s23+$0x0]  }
0x2dc: {  	s26 =	simm.s32 $0x1;
	v8 =	vmul.f32 v7, v3  }
0x2dd: {  	v11 =	vmov s26;
	s24 =	simm.s32 $0x6040;
	s25 =	simm.s32 $0x2;
	v7 =	vmul.f32 v12, v3;
	v9 =	vmul.f32 v9, v3  }
.LBB2_31:
0x2de: {  	p0 =	sne.s32 s25, $0x4F  }
0x2df: {  	v11 =	vand.u32 $0x7F, v11;
	v5 =	vmul.f32 v5, v3;
	v4 =	vmul.f32 v4, v3;
	[tilespmem:s23+$0x30] =	vst v10;
	s24 =	sadd.s32 $0x80, s24;
	s26 =	smov.u32 s25;
	s25 =	sadd.s32 $0x1, s25  }
0x2e0: {  	v10 =	vadd.s32 v1, v11;
	[tilespmem:s23+$0xFFFFFFC0] =	vst v8;
	v8 =	vmul.f32 v2, v3;
	v3 =	vmul.f32 v6, v3  }
0x2e1: {  	v6 =	vbroadcast v10, $0x0;
	[tilespmem:s23+$0x10] =	vst v9  }
0x2e2: {  	[tilespmem:s23+$0xFFFFFFE0] =	vst v7  }
0x2e3: {  	v2 =	vld [tilespmem:s24+$0xFFFFFFF0];
	[tilespmem:s23+$0xFFFFFFF0] =	vst v8  }
0x2e4: {  	v7 =	vld [tilespmem:s24+$0x30];
	[tilespmem:s23+$0x0] =	vst v3  }
0x2e5: {  	v9 =	vld [tilespmem:s24+$0x10];
	[tilespmem:s23+$0x20] =	vst v4  }
0x2e6: {  	v8 =	vld [tilespmem:s24+$0xFFFFFFC0];
	[tilespmem:s23+$0xFFFFFFD0] =	vst v5;
	s23 =	smov.u32 s24  }
0x2e7: {  	v3 =	vld.idx.msk [tilespmem:v6+s12+$0x0], $0xffff  }
0x2e8: {  	v12 =	vld [tilespmem:s24+$0xFFFFFFE0]  }
0x2e9: {  	v4 =	vld [tilespmem:s24+$0x20]  }
.Ltmp14:
0x2ea: {  	v5 =	vld [tilespmem:s24+$0xFFFFFFD0];
	(pc) =	sbr.rel @p0 .LBB2_31-.Ltmp14, $3  }
0x2eb: {  	v6 =	vld [tilespmem:s24+$0x0];
	_ =	sdelay $0x1  }
0x2ec: {  	v8 =	vmul.f32 v8, v3;
	v10 =	vmul.f32 v7, v3  }
0x2ed: {  	v11 =	vmov s26;
	v9 =	vmul.f32 v9, v3;
	v7 =	vmul.f32 v12, v3  }
0x2ee: {  	[tilespmem:s23+$0x30] =	vst v10;
	v58 =	vand.u32 $0x7F, v11  }
0x2ef: {  	[tilespmem:s23+$0xFFFFFFC0] =	vst v8;
	v1 =	vadd.s32 v1, v58  }
0x2f0: {  	v2 =	vmul.f32 v2, v3;
	[tilespmem:s23+$0x10] =	vst v9;
	v1 =	vbroadcast v1, $0x0  }
0x2f1: {  	s24 =	sadd.s32 $0x80, s24;
	[tilespmem:s23+$0xFFFFFFE0] =	vst v7;
	v6 =	vmul.f32 v6, v3  }
0x2f2: {  	v4 =	vmul.f32 v4, v3;
	v3 =	vmul.f32 v5, v3;
	v7 =	vld [tilespmem:s24+$0xFFFFFFF0];
	[tilespmem:s23+$0xFFFFFFF0] =	vst v2  }
0x2f3: {  	v2 =	vld [tilespmem:s24+$0x30];
	[tilespmem:s23+$0x0] =	vst v6  }
0x2f4: {  	v60 =	vld [tilespmem:s24+$0xFFFFFFC0];
	[tilespmem:s23+$0xFFFFFFD0] =	vst v3  }
0x2f5: {  	v59 =	vld [tilespmem:s24+$0x10];
	[tilespmem:s23+$0x20] =	vst v4  }
0x2f6: {  	v1 =	vld.idx.msk [tilespmem:v1+s12+$0x0], $0xffff;
	_ =	sdelay $0x2  }
0x2f7: {  	v6 =	vld [tilespmem:s24+$0x0]  }
0x2f8: {  	v3 =	vld [tilespmem:s24+$0xFFFFFFE0]  }
0x2f9: {  	v2 =	vmul.f32 v2, v1  }
0x2fa: {  	v61 =	vld [tilespmem:s24+$0x20];
	v4 =	vmul.f32 v60, v1  }
0x2fb: {  	v62 =	vld [tilespmem:s24+$0xFFFFFFD0];
	v5 =	vmul.f32 v59, v1;
	[tilespmem:s24+$0x30] =	vst v2  }
0x2fc: {  	v63 =	vmul.f32 v6, v1;
	[tilespmem:s24+$0xFFFFFFC0] =	vst v4  }
0x2fd: {  	v2 =	vmul.f32 v3, v1;
	[tilespmem:s24+$0x10] =	vst v5  }
0x2fe: {  	v3 =	vmul.f32 v7, v1;
	[tilespmem:s24+$0x0] =	vst v63  }
0x2ff: {  	[tilespmem:s24+$0xFFFFFFE0] =	vst v2;
	v2 =	vmul.f32 v61, v1  }
0x300: {  	[tilespmem:s24+$0xFFFFFFF0] =	vst v3;
	v1 =	vmul.f32 v62, v1  }
0x301: {  	[tilespmem:s24+$0x20] =	vst v2  }
0x302: {  	s21 =	sadd.s32 $0x3000, s21;
	[tilespmem:s24+$0xFFFFFFD0] =	vst v1  }
0x303: {  	[spmem:s1] =	stream.indirect.scatter.add.f32 [tilespmem:s7], [sflag:$0x3], $0x80, s21, s6, $0xb8;
	[tilespmem:$0x1F000] =	vst v63  }
0x304: {  	s20 =	sadd.s32 $0x1, s20;
	_ =	swait.ge [sflag:s16], $0x2800  }
0x305: {  	p0 =	sne.s32 s20, $0xC;
	[sflag:s16] =	ssyncset.done $0x0  }
.Ltmp15:
0x306: {  	s26 =	sadd.s32 $0x1100, s22;
	[sflag:s16] =	ssyncadd.s32 $0xFFFFD800;
	(pc) =	sbr.rel @p0 .LBB2_28-.Ltmp15, $4  }
0x307: {  	[tilespmem:s9], [sflag:$0x2] =	stream.indirect.gather [hbm4b:s4+s6], $0x80, s26, s6, $0xb8;
	[tilespmem:$0x1F000] =	vst v63  }
0x308: {  	_ =	swait.ge [sflag:s15], $0x2800  }
0x309: {  	[sflag:s15] =	ssyncset.done $0x0  }
0x30a: {  	[sflag:s15] =	ssyncadd.s32 $0xFFFFD800  }
0x30b: {  	s19 =	simm.s32 $0x0  }
0x30c: {  	v1 =	vmov s19  }
0x30d: {  	v1 =	vand.u32 $0x7F, v1  }
0x30e: {  	v1 =	vor.u32 $0xC00, v1  }
0x30f: {  	_ =	swait.ge [sflag:s14], $0x2800;
	v1 =	vbroadcast v1, $0x0  }
0x310: {  	[sflag:s14] =	ssyncset.done $0x0  }
0x311: {  	s19 =	simm.s32 $0x8840;
	[sflag:s14] =	ssyncadd.s32 $0xFFFFD800  }
0x312: {  	v5 =	vld [tilespmem:s19+$0x30]  }
0x313: {  	v8 =	vld [tilespmem:s19+$0x10]  }
0x314: {  	v6 =	vld [tilespmem:s19+$0xFFFFFFC0]  }
0x315: {  	v2 =	vld.idx.msk [tilespmem:v1+s12+$0x0], $0xffff  }
0x316: {  	v11 =	vld [tilespmem:s19+$0xFFFFFFE0]  }
0x317: {  	v3 =	vld [tilespmem:s19+$0x20]  }
0x318: {  	v4 =	vld [tilespmem:s19+$0xFFFFFFD0]  }
0x319: {  	v1 =	vld [tilespmem:s19+$0xFFFFFFF0]  }
0x31a: {  	v9 =	vmul.f32 v5, v2;
	v5 =	vld [tilespmem:s19+$0x0]  }
0x31b: {  	s20 =	simm.s32 $0x1;
	v7 =	vmul.f32 v6, v2  }
0x31c: {  	s21 =	simm.s32 $0x2;
	v10 =	vmov s20;
	s20 =	simm.s32 $0x8840;
	v6 =	vmul.f32 v11, v2;
	v8 =	vmul.f32 v8, v2  }
.LBB2_34:
0x31d: {  	p0 =	sne.s32 s21, $0x4F  }
0x31e: {  	v10 =	vand.u32 $0x7F, v10;
	v4 =	vmul.f32 v4, v2;
	v3 =	vmul.f32 v3, v2;
	[tilespmem:s19+$0x30] =	vst v9;
	s20 =	sadd.s32 $0x80, s20;
	s22 =	smov.u32 s21;
	s21 =	sadd.s32 $0x1, s21  }
0x31f: {  	v9 =	vor.u32 $0xC00, v10;
	[tilespmem:s19+$0xFFFFFFC0] =	vst v7;
	v7 =	vmul.f32 v1, v2;
	v2 =	vmul.f32 v5, v2  }
0x320: {  	v5 =	vbroadcast v9, $0x0;
	[tilespmem:s19+$0x10] =	vst v8  }
0x321: {  	[tilespmem:s19+$0xFFFFFFE0] =	vst v6  }
0x322: {  	v1 =	vld [tilespmem:s20+$0xFFFFFFF0];
	[tilespmem:s19+$0xFFFFFFF0] =	vst v7  }
0x323: {  	v6 =	vld [tilespmem:s20+$0x30];
	[tilespmem:s19+$0x0] =	vst v2  }
0x324: {  	v8 =	vld [tilespmem:s20+$0x10];
	[tilespmem:s19+$0x20] =	vst v3  }
0x325: {  	v7 =	vld [tilespmem:s20+$0xFFFFFFC0];
	[tilespmem:s19+$0xFFFFFFD0] =	vst v4;
	s19 =	smov.u32 s20  }
0x326: {  	v2 =	vld.idx.msk [tilespmem:v5+s12+$0x0], $0xffff  }
0x327: {  	v11 =	vld [tilespmem:s20+$0xFFFFFFE0]  }
0x328: {  	v3 =	vld [tilespmem:s20+$0x20]  }
.Ltmp16:
0x329: {  	v4 =	vld [tilespmem:s20+$0xFFFFFFD0];
	(pc) =	sbr.rel @p0 .LBB2_34-.Ltmp16, $3  }
0x32a: {  	v5 =	vld [tilespmem:s20+$0x0];
	_ =	sdelay $0x1  }
0x32b: {  	v7 =	vmul.f32 v7, v2;
	v9 =	vmul.f32 v6, v2  }
0x32c: {  	v10 =	vmov s22;
	v8 =	vmul.f32 v8, v2;
	v6 =	vmul.f32 v11, v2  }
0x32d: {  	[tilespmem:s19+$0x30] =	vst v9;
	v57 =	vand.u32 $0x7F, v10  }
0x32e: {  	[tilespmem:s19+$0xFFFFFFC0] =	vst v7;
	v7 =	vor.u32 $0xC00, v57  }
0x32f: {  	v1 =	vmul.f32 v1, v2;
	[tilespmem:s19+$0x10] =	vst v8;
	v58 =	vbroadcast v7, $0x0  }
0x330: {  	s20 =	sadd.s32 $0x80, s20;
	[tilespmem:s19+$0xFFFFFFE0] =	vst v6;
	v5 =	vmul.f32 v5, v2  }
0x331: {  	v3 =	vmul.f32 v3, v2;
	v59 =	vld [tilespmem:s20+$0xFFFFFFF0];
	[tilespmem:s19+$0xFFFFFFF0] =	vst v1  }
0x332: {  	v2 =	vmul.f32 v4, v2;
	v1 =	vld [tilespmem:s20+$0x30];
	[tilespmem:s19+$0x0] =	vst v5  }
0x333: {  	v60 =	vld [tilespmem:s20+$0x10];
	[tilespmem:s19+$0x20] =	vst v3  }
0x334: {  	v3 =	vld [tilespmem:s20+$0xFFFFFFC0];
	[tilespmem:s19+$0xFFFFFFD0] =	vst v2  }
0x335: {  	v2 =	vld.idx.msk [tilespmem:v58+s12+$0x0], $0xffff;
	_ =	sdelay $0x2  }
0x336: {  	v61 =	vld [tilespmem:s20+$0x0]  }
0x337: {  	v5 =	vld [tilespmem:s20+$0xFFFFFFE0]  }
0x338: {  	v1 =	vmul.f32 v1, v2  }
0x339: {  	v8 =	vld [tilespmem:s20+$0x20];
	v3 =	vmul.f32 v3, v2  }
0x33a: {  	v62 =	vld [tilespmem:s20+$0xFFFFFFD0];
	v4 =	vmul.f32 v60, v2;
	[tilespmem:s20+$0x30] =	vst v1  }
0x33b: {  	v63 =	vmul.f32 v61, v2;
	[tilespmem:s20+$0xFFFFFFC0] =	vst v3  }
0x33c: {  	v1 =	vmul.f32 v5, v2;
	[tilespmem:s20+$0x10] =	vst v4  }
0x33d: {  	v3 =	vmul.f32 v59, v2;
	[tilespmem:s20+$0x0] =	vst v63  }
0x33e: {  	[tilespmem:s20+$0xFFFFFFE0] =	vst v1;
	v1 =	vmul.f32 v8, v2  }
0x33f: {  	[tilespmem:s20+$0xFFFFFFF0] =	vst v3;
	v2 =	vmul.f32 v62, v2  }
0x340: {  	[tilespmem:s20+$0x20] =	vst v1  }
0x341: {  	s26 =	simm.s32 $0x3C00;
	[tilespmem:s20+$0xFFFFFFD0] =	vst v2  }
0x342: {  	[spmem:s1] =	stream.indirect.scatter.add.f32 [tilespmem:s9], [sflag:$0x4], $0x80, s26, s6, $0xb8;
	[tilespmem:$0x1F000] =	vst v63  }
0x343: {  	_ =	swait.ge [sflag:s2], $0xC80  }
0x344: {  	[sflag:s2] =	ssyncset.done $0x0  }
0x345: {  	[sflag:s2] =	ssyncadd.s32 $0xFFFFF380  }
0x346: {  	_ =	swait.ge [sflag:s2], $0xC80  }
0x347: {  	[sflag:s2] =	ssyncset.done $0x0  }
0x348: {  	[sflag:s2] =	ssyncadd.s32 $0xFFFFF380  }
0x349: {  	_ =	swait.ge [sflag:s2], $0xC80  }
0x34a: {  	[sflag:s2] =	ssyncset.done $0x0  }
0x34b: {  	s19 =	simm.s32 $0x0;
	[sflag:s2] =	ssyncadd.s32 $0xFFFFF380  }
0x34c: {  	[tilespmem:s7], [sflag:$0x1] =	stream.indirect.gather [hbm4b:s4+s6], $0x80, s19, s6, $0xb8;
	[tilespmem:$0x1F000] =	vst v63  }
0x34d: {  	_ =	swait.ge [sflag:s16], $0x2800  }
0x34e: {  	[sflag:s16] =	ssyncset.done $0x0  }
0x34f: {  	s20 =	simm.s32 $0x0;
	[sflag:s16] =	ssyncadd.s32 $0xFFFFD800  }
.LBB2_36:
0x350: {  	s21 =	sshllo.u32 s20, $0x1;
	s22 =	sshll.u32 s20, $0x8;
	v2 =	vmov s19  }
0x351: {  	s21 =	sshll.u32 s21, $0x7;
	v1 =	vmov s22;
	v2 =	vand.u32 $0x7F, v2  }
0x352: {  	[tilespmem:s9], [sflag:$0x2] =	stream.indirect.gather [hbm4b:s4+s6], $0x80, s21, s6, $0xb8;
	v2 =	vadd.s32 v1, v2;
	[tilespmem:$0x1F000] =	vst v63  }
0x353: {  	_ =	swait.ge [sflag:s13], $0x2800;
	v2 =	vbroadcast v2, $0x0  }
0x354: {  	[sflag:s13] =	ssyncset.done $0x0  }
0x355: {  	s22 =	simm.s32 $0x6040;
	[sflag:s13] =	ssyncadd.s32 $0xFFFFD800  }
0x356: {  	v6 =	vld [tilespmem:s22+$0x30]  }
0x357: {  	v9 =	vld [tilespmem:s22+$0x10]  }
0x358: {  	v7 =	vld [tilespmem:s22+$0xFFFFFFC0]  }
0x359: {  	v3 =	vld.idx.msk [tilespmem:v2+s0+$0x0], $0xffff  }
0x35a: {  	v12 =	vld [tilespmem:s22+$0xFFFFFFE0]  }
0x35b: {  	v4 =	vld [tilespmem:s22+$0x20]  }
0x35c: {  	v5 =	vld [tilespmem:s22+$0xFFFFFFD0]  }
0x35d: {  	v2 =	vld [tilespmem:s22+$0xFFFFFFF0]  }
0x35e: {  	v10 =	vmul.f32 v6, v3;
	v6 =	vld [tilespmem:s22+$0x0]  }
0x35f: {  	s23 =	simm.s32 $0x1;
	v8 =	vmul.f32 v7, v3  }
0x360: {  	s24 =	simm.s32 $0x2;
	v11 =	vmov s23;
	s23 =	simm.s32 $0x6040;
	v7 =	vmul.f32 v12, v3;
	v9 =	vmul.f32 v9, v3  }
.LBB2_37:
0x361: {  	p0 =	sne.s32 s24, $0x4F  }
0x362: {  	v11 =	vand.u32 $0x7F, v11;
	v5 =	vmul.f32 v5, v3;
	v4 =	vmul.f32 v4, v3;
	[tilespmem:s22+$0x30] =	vst v10;
	s23 =	sadd.s32 $0x80, s23;
	s25 =	smov.u32 s24;
	s24 =	sadd.s32 $0x1, s24  }
0x363: {  	v10 =	vadd.s32 v1, v11;
	[tilespmem:s22+$0xFFFFFFC0] =	vst v8;
	v8 =	vmul.f32 v2, v3;
	v3 =	vmul.f32 v6, v3  }
0x364: {  	v6 =	vbroadcast v10, $0x0;
	[tilespmem:s22+$0x10] =	vst v9  }
0x365: {  	[tilespmem:s22+$0xFFFFFFE0] =	vst v7  }
0x366: {  	v2 =	vld [tilespmem:s23+$0xFFFFFFF0];
	[tilespmem:s22+$0xFFFFFFF0] =	vst v8  }
0x367: {  	v7 =	vld [tilespmem:s23+$0x30];
	[tilespmem:s22+$0x0] =	vst v3  }
0x368: {  	v9 =	vld [tilespmem:s23+$0x10];
	[tilespmem:s22+$0x20] =	vst v4  }
0x369: {  	v8 =	vld [tilespmem:s23+$0xFFFFFFC0];
	[tilespmem:s22+$0xFFFFFFD0] =	vst v5;
	s22 =	smov.u32 s23  }
0x36a: {  	v3 =	vld.idx.msk [tilespmem:v6+s0+$0x0], $0xffff  }
0x36b: {  	v12 =	vld [tilespmem:s23+$0xFFFFFFE0]  }
0x36c: {  	v4 =	vld [tilespmem:s23+$0x20]  }
.Ltmp17:
0x36d: {  	v5 =	vld [tilespmem:s23+$0xFFFFFFD0];
	(pc) =	sbr.rel @p0 .LBB2_37-.Ltmp17, $3  }
0x36e: {  	v6 =	vld [tilespmem:s23+$0x0];
	_ =	sdelay $0x1  }
0x36f: {  	v8 =	vmul.f32 v8, v3;
	v10 =	vmul.f32 v7, v3  }
0x370: {  	v11 =	vmov s25;
	v9 =	vmul.f32 v9, v3;
	v7 =	vmul.f32 v12, v3  }
0x371: {  	[tilespmem:s22+$0xFFFFFFC0] =	vst v8;
	v8 =	vand.u32 $0x7F, v11  }
0x372: {  	[tilespmem:s22+$0x30] =	vst v10;
	v1 =	vadd.s32 v1, v8  }
0x373: {  	v2 =	vmul.f32 v2, v3;
	[tilespmem:s22+$0x10] =	vst v9;
	v1 =	vbroadcast v1, $0x0  }
0x374: {  	s23 =	sadd.s32 $0x80, s23;
	[tilespmem:s22+$0xFFFFFFE0] =	vst v7;
	v6 =	vmul.f32 v6, v3  }
0x375: {  	v4 =	vmul.f32 v4, v3;
	v7 =	vld [tilespmem:s23+$0xFFFFFFF0];
	[tilespmem:s22+$0xFFFFFFF0] =	vst v2  }
0x376: {  	v3 =	vmul.f32 v5, v3;
	v2 =	vld [tilespmem:s23+$0x30];
	[tilespmem:s22+$0x0] =	vst v6  }
0x377: {  	v5 =	vld [tilespmem:s23+$0x10];
	[tilespmem:s22+$0x20] =	vst v4  }
0x378: {  	v4 =	vld [tilespmem:s23+$0xFFFFFFC0];
	[tilespmem:s22+$0xFFFFFFD0] =	vst v3  }
0x379: {  	v1 =	vld.idx.msk [tilespmem:v1+s0+$0x0], $0xffff;
	_ =	sdelay $0x2  }
0x37a: {  	v3 =	vld [tilespmem:s23+$0xFFFFFFE0];
	_ =	sdelay $0x1  }
0x37b: {  	v6 =	vld [tilespmem:s23+$0x0];
	v2 =	vmul.f32 v2, v1  }
0x37c: {  	v8 =	vld [tilespmem:s23+$0x20];
	v4 =	vmul.f32 v4, v1  }
0x37d: {  	v9 =	vld [tilespmem:s23+$0xFFFFFFD0];
	v5 =	vmul.f32 v5, v1;
	[tilespmem:s23+$0x30] =	vst v2  }
0x37e: {  	v2 =	vmul.f32 v3, v1;
	[tilespmem:s23+$0xFFFFFFC0] =	vst v4  }
0x37f: {  	v3 =	vmul.f32 v7, v1;
	[tilespmem:s23+$0x10] =	vst v5  }
0x380: {  	v4 =	vmul.f32 v6, v1;
	[tilespmem:s23+$0xFFFFFFE0] =	vst v2  }
0x381: {  	v2 =	vmul.f32 v8, v1;
	[tilespmem:s23+$0xFFFFFFF0] =	vst v3  }
0x382: {  	s26 =	sshll.u32 s20, $0xA;
	s24 =	simm.s32 $0x0;
	v1 =	vmul.f32 v9, v1;
	[tilespmem:s23+$0x0] =	vst v4  }
0x383: {  	s22 =	sshrl.u32 s26, $0x2;
	[tilespmem:s23+$0x20] =	vst v2;
	v2 =	vmov s24  }
0x384: {  	s25 =	sadd.s32 $0x2000, s22;
	[tilespmem:s23+$0xFFFFFFD0] =	vst v1;
	v1 =	vmov s21;
	v2 =	vand.u32 $0x7F, v2  }
0x385: {  	[spmem:s1] =	stream.indirect.scatter.add.f32 [tilespmem:s7], [sflag:$0x3], $0x80, s25, s6, $0xb8;
	v2 =	vadd.s32 v1, v2;
	[tilespmem:$0x1F000] =	vst v63  }
0x386: {  	_ =	swait.ge [sflag:s14], $0x2800;
	v2 =	vbroadcast v2, $0x0  }
0x387: {  	[sflag:s14] =	ssyncset.done $0x0  }
0x388: {  	s23 =	simm.s32 $0x8840;
	[sflag:s14] =	ssyncadd.s32 $0xFFFFD800  }
0x389: {  	v6 =	vld [tilespmem:s23+$0x30]  }
0x38a: {  	v9 =	vld [tilespmem:s23+$0x10]  }
0x38b: {  	v7 =	vld [tilespmem:s23+$0xFFFFFFC0]  }
0x38c: {  	v3 =	vld.idx.msk [tilespmem:v2+s0+$0x0], $0xffff  }
0x38d: {  	v12 =	vld [tilespmem:s23+$0xFFFFFFE0]  }
0x38e: {  	v4 =	vld [tilespmem:s23+$0x20]  }
0x38f: {  	v5 =	vld [tilespmem:s23+$0xFFFFFFD0]  }
0x390: {  	v2 =	vld [tilespmem:s23+$0xFFFFFFF0]  }
0x391: {  	v10 =	vmul.f32 v6, v3;
	v6 =	vld [tilespmem:s23+$0x0]  }
0x392: {  	s26 =	simm.s32 $0x1;
	v8 =	vmul.f32 v7, v3  }
0x393: {  	v11 =	vmov s26;
	s24 =	simm.s32 $0x8840;
	s25 =	simm.s32 $0x2;
	v7 =	vmul.f32 v12, v3;
	v9 =	vmul.f32 v9, v3  }
.LBB2_39:
0x394: {  	p0 =	sne.s32 s25, $0x4F  }
0x395: {  	v11 =	vand.u32 $0x7F, v11;
	v5 =	vmul.f32 v5, v3;
	v4 =	vmul.f32 v4, v3;
	[tilespmem:s23+$0x30] =	vst v10;
	s24 =	sadd.s32 $0x80, s24;
	s26 =	smov.u32 s25;
	s25 =	sadd.s32 $0x1, s25  }
0x396: {  	v10 =	vadd.s32 v1, v11;
	[tilespmem:s23+$0xFFFFFFC0] =	vst v8;
	v8 =	vmul.f32 v2, v3;
	v3 =	vmul.f32 v6, v3  }
0x397: {  	v6 =	vbroadcast v10, $0x0;
	[tilespmem:s23+$0x10] =	vst v9  }
0x398: {  	[tilespmem:s23+$0xFFFFFFE0] =	vst v7  }
0x399: {  	v2 =	vld [tilespmem:s24+$0xFFFFFFF0];
	[tilespmem:s23+$0xFFFFFFF0] =	vst v8  }
0x39a: {  	v7 =	vld [tilespmem:s24+$0x30];
	[tilespmem:s23+$0x0] =	vst v3  }
0x39b: {  	v9 =	vld [tilespmem:s24+$0x10];
	[tilespmem:s23+$0x20] =	vst v4  }
0x39c: {  	v8 =	vld [tilespmem:s24+$0xFFFFFFC0];
	[tilespmem:s23+$0xFFFFFFD0] =	vst v5;
	s23 =	smov.u32 s24  }
0x39d: {  	v3 =	vld.idx.msk [tilespmem:v6+s0+$0x0], $0xffff  }
0x39e: {  	v12 =	vld [tilespmem:s24+$0xFFFFFFE0]  }
0x39f: {  	v4 =	vld [tilespmem:s24+$0x20]  }
.Ltmp18:
0x3a0: {  	v5 =	vld [tilespmem:s24+$0xFFFFFFD0];
	(pc) =	sbr.rel @p0 .LBB2_39-.Ltmp18, $3  }
0x3a1: {  	v6 =	vld [tilespmem:s24+$0x0];
	_ =	sdelay $0x1  }
0x3a2: {  	v8 =	vmul.f32 v8, v3;
	v10 =	vmul.f32 v7, v3  }
0x3a3: {  	v11 =	vmov s26;
	v9 =	vmul.f32 v9, v3;
	v7 =	vmul.f32 v12, v3  }
0x3a4: {  	[tilespmem:s23+$0x30] =	vst v10;
	v58 =	vand.u32 $0x7F, v11  }
0x3a5: {  	[tilespmem:s23+$0xFFFFFFC0] =	vst v8;
	v1 =	vadd.s32 v1, v58  }
0x3a6: {  	v2 =	vmul.f32 v2, v3;
	[tilespmem:s23+$0x10] =	vst v9;
	v1 =	vbroadcast v1, $0x0  }
0x3a7: {  	s24 =	sadd.s32 $0x80, s24;
	[tilespmem:s23+$0xFFFFFFE0] =	vst v7;
	v6 =	vmul.f32 v6, v3  }
0x3a8: {  	v4 =	vmul.f32 v4, v3;
	v3 =	vmul.f32 v5, v3;
	v7 =	vld [tilespmem:s24+$0xFFFFFFF0];
	[tilespmem:s23+$0xFFFFFFF0] =	vst v2  }
0x3a9: {  	v2 =	vld [tilespmem:s24+$0x30];
	[tilespmem:s23+$0x0] =	vst v6  }
0x3aa: {  	v60 =	vld [tilespmem:s24+$0xFFFFFFC0];
	[tilespmem:s23+$0xFFFFFFD0] =	vst v3  }
0x3ab: {  	v59 =	vld [tilespmem:s24+$0x10];
	[tilespmem:s23+$0x20] =	vst v4  }
0x3ac: {  	v1 =	vld.idx.msk [tilespmem:v1+s0+$0x0], $0xffff;
	_ =	sdelay $0x2  }
0x3ad: {  	v6 =	vld [tilespmem:s24+$0x0]  }
0x3ae: {  	v3 =	vld [tilespmem:s24+$0xFFFFFFE0]  }
0x3af: {  	v2 =	vmul.f32 v2, v1  }
0x3b0: {  	v61 =	vld [tilespmem:s24+$0x20];
	v4 =	vmul.f32 v60, v1  }
0x3b1: {  	v62 =	vld [tilespmem:s24+$0xFFFFFFD0];
	v5 =	vmul.f32 v59, v1;
	[tilespmem:s24+$0x30] =	vst v2  }
0x3b2: {  	v63 =	vmul.f32 v6, v1;
	[tilespmem:s24+$0xFFFFFFC0] =	vst v4  }
0x3b3: {  	v2 =	vmul.f32 v3, v1;
	[tilespmem:s24+$0x10] =	vst v5  }
0x3b4: {  	v3 =	vmul.f32 v7, v1;
	[tilespmem:s24+$0x0] =	vst v63  }
0x3b5: {  	[tilespmem:s24+$0xFFFFFFE0] =	vst v2;
	v2 =	vmul.f32 v61, v1  }
0x3b6: {  	[tilespmem:s24+$0xFFFFFFF0] =	vst v3;
	v1 =	vmul.f32 v62, v1  }
0x3b7: {  	[tilespmem:s24+$0x20] =	vst v2  }
0x3b8: {  	s21 =	sadd.s32 $0x2000, s21;
	[tilespmem:s24+$0xFFFFFFD0] =	vst v1  }
0x3b9: {  	[spmem:s1] =	stream.indirect.scatter.add.f32 [tilespmem:s9], [sflag:$0x4], $0x80, s21, s6, $0xb8;
	[tilespmem:$0x1F000] =	vst v63  }
0x3ba: {  	s20 =	sadd.s32 $0x1, s20;
	_ =	swait.ge [sflag:s15], $0x2800  }
0x3bb: {  	p0 =	sne.s32 s20, $0xC;
	[sflag:s15] =	ssyncset.done $0x0  }
.Ltmp19:
0x3bc: {  	s26 =	sadd.s32 $0x100, s22;
	[sflag:s15] =	ssyncadd.s32 $0xFFFFD800;
	(pc) =	sbr.rel @p0 .LBB2_36-.Ltmp19, $4  }
0x3bd: {  	[tilespmem:s7], [sflag:$0x1] =	stream.indirect.gather [hbm4b:s4+s6], $0x80, s26, s6, $0xb8;
	[tilespmem:$0x1F000] =	vst v63  }
0x3be: {  	_ =	swait.ge [sflag:s16], $0x2800  }
0x3bf: {  	[sflag:s16] =	ssyncset.done $0x0  }
0x3c0: {  	[sflag:s16] =	ssyncadd.s32 $0xFFFFD800  }
0x3c1: {  	s19 =	simm.s32 $0x0  }
0x3c2: {  	v1 =	vmov s19  }
0x3c3: {  	v1 =	vand.u32 $0x7F, v1  }
0x3c4: {  	v1 =	vor.u32 $0xC00, v1  }
0x3c5: {  	_ =	swait.ge [sflag:s13], $0x2800;
	v1 =	vbroadcast v1, $0x0  }
0x3c6: {  	[sflag:s13] =	ssyncset.done $0x0  }
0x3c7: {  	s19 =	simm.s32 $0x6040;
	[sflag:s13] =	ssyncadd.s32 $0xFFFFD800  }
0x3c8: {  	v5 =	vld [tilespmem:s19+$0x30]  }
0x3c9: {  	v8 =	vld [tilespmem:s19+$0x10]  }
0x3ca: {  	v6 =	vld [tilespmem:s19+$0xFFFFFFC0]  }
0x3cb: {  	v2 =	vld.idx.msk [tilespmem:v1+s0+$0x0], $0xffff  }
0x3cc: {  	v11 =	vld [tilespmem:s19+$0xFFFFFFE0]  }
0x3cd: {  	v3 =	vld [tilespmem:s19+$0x20]  }
0x3ce: {  	v4 =	vld [tilespmem:s19+$0xFFFFFFD0]  }
0x3cf: {  	v1 =	vld [tilespmem:s19+$0xFFFFFFF0]  }
0x3d0: {  	v9 =	vmul.f32 v5, v2;
	v5 =	vld [tilespmem:s19+$0x0]  }
0x3d1: {  	s20 =	simm.s32 $0x1;
	v7 =	vmul.f32 v6, v2  }
0x3d2: {  	s21 =	simm.s32 $0x2;
	v10 =	vmov s20;
	s20 =	simm.s32 $0x6040;
	v6 =	vmul.f32 v11, v2;
	v8 =	vmul.f32 v8, v2  }
.LBB2_42:
0x3d3: {  	p0 =	sne.s32 s21, $0x4F  }
0x3d4: {  	v10 =	vand.u32 $0x7F, v10;
	v4 =	vmul.f32 v4, v2;
	v3 =	vmul.f32 v3, v2;
	[tilespmem:s19+$0x30] =	vst v9;
	s20 =	sadd.s32 $0x80, s20;
	s22 =	smov.u32 s21;
	s21 =	sadd.s32 $0x1, s21  }
0x3d5: {  	v9 =	vor.u32 $0xC00, v10;
	[tilespmem:s19+$0xFFFFFFC0] =	vst v7;
	v7 =	vmul.f32 v1, v2;
	v2 =	vmul.f32 v5, v2  }
0x3d6: {  	v5 =	vbroadcast v9, $0x0;
	[tilespmem:s19+$0x10] =	vst v8  }
0x3d7: {  	[tilespmem:s19+$0xFFFFFFE0] =	vst v6  }
0x3d8: {  	v1 =	vld [tilespmem:s20+$0xFFFFFFF0];
	[tilespmem:s19+$0xFFFFFFF0] =	vst v7  }
0x3d9: {  	v6 =	vld [tilespmem:s20+$0x30];
	[tilespmem:s19+$0x0] =	vst v2  }
0x3da: {  	v8 =	vld [tilespmem:s20+$0x10];
	[tilespmem:s19+$0x20] =	vst v3  }
0x3db: {  	v7 =	vld [tilespmem:s20+$0xFFFFFFC0];
	[tilespmem:s19+$0xFFFFFFD0] =	vst v4;
	s19 =	smov.u32 s20  }
0x3dc: {  	v2 =	vld.idx.msk [tilespmem:v5+s0+$0x0], $0xffff  }
0x3dd: {  	v11 =	vld [tilespmem:s20+$0xFFFFFFE0]  }
0x3de: {  	v3 =	vld [tilespmem:s20+$0x20]  }
.Ltmp20:
0x3df: {  	v4 =	vld [tilespmem:s20+$0xFFFFFFD0];
	(pc) =	sbr.rel @p0 .LBB2_42-.Ltmp20, $3  }
0x3e0: {  	v5 =	vld [tilespmem:s20+$0x0];
	_ =	sdelay $0x1  }
0x3e1: {  	v7 =	vmul.f32 v7, v2;
	v9 =	vmul.f32 v6, v2  }
0x3e2: {  	v10 =	vmov s22;
	v8 =	vmul.f32 v8, v2;
	v6 =	vmul.f32 v11, v2  }
0x3e3: {  	[tilespmem:s19+$0x30] =	vst v9;
	v57 =	vand.u32 $0x7F, v10  }
0x3e4: {  	[tilespmem:s19+$0xFFFFFFC0] =	vst v7;
	v7 =	vor.u32 $0xC00, v57  }
0x3e5: {  	v1 =	vmul.f32 v1, v2;
	[tilespmem:s19+$0x10] =	vst v8;
	v58 =	vbroadcast v7, $0x0  }
0x3e6: {  	s20 =	sadd.s32 $0x80, s20;
	[tilespmem:s19+$0xFFFFFFE0] =	vst v6;
	v5 =	vmul.f32 v5, v2  }
0x3e7: {  	v3 =	vmul.f32 v3, v2;
	v59 =	vld [tilespmem:s20+$0xFFFFFFF0];
	[tilespmem:s19+$0xFFFFFFF0] =	vst v1  }
0x3e8: {  	v2 =	vmul.f32 v4, v2;
	v1 =	vld [tilespmem:s20+$0x30];
	[tilespmem:s19+$0x0] =	vst v5  }
0x3e9: {  	v60 =	vld [tilespmem:s20+$0x10];
	[tilespmem:s19+$0x20] =	vst v3  }
0x3ea: {  	v3 =	vld [tilespmem:s20+$0xFFFFFFC0];
	[tilespmem:s19+$0xFFFFFFD0] =	vst v2  }
0x3eb: {  	v2 =	vld.idx.msk [tilespmem:v58+s0+$0x0], $0xffff;
	_ =	sdelay $0x2  }
0x3ec: {  	v61 =	vld [tilespmem:s20+$0x0]  }
0x3ed: {  	v5 =	vld [tilespmem:s20+$0xFFFFFFE0]  }
0x3ee: {  	v1 =	vmul.f32 v1, v2  }
0x3ef: {  	v8 =	vld [tilespmem:s20+$0x20];
	v3 =	vmul.f32 v3, v2  }
0x3f0: {  	v62 =	vld [tilespmem:s20+$0xFFFFFFD0];
	v4 =	vmul.f32 v60, v2;
	[tilespmem:s20+$0x30] =	vst v1  }
0x3f1: {  	v63 =	vmul.f32 v61, v2;
	[tilespmem:s20+$0xFFFFFFC0] =	vst v3  }
0x3f2: {  	v1 =	vmul.f32 v5, v2;
	[tilespmem:s20+$0x10] =	vst v4  }
0x3f3: {  	v3 =	vmul.f32 v59, v2;
	[tilespmem:s20+$0x0] =	vst v63  }
0x3f4: {  	[tilespmem:s20+$0xFFFFFFE0] =	vst v1;
	v1 =	vmul.f32 v8, v2  }
0x3f5: {  	[tilespmem:s20+$0xFFFFFFF0] =	vst v3;
	v2 =	vmul.f32 v62, v2  }
0x3f6: {  	[tilespmem:s20+$0x20] =	vst v1  }
0x3f7: {  	[tilespmem:s20+$0xFFFFFFD0] =	vst v2  }
0x3f8: {  	[spmem:s1] =	stream.indirect.scatter.add.f32 [tilespmem:s7], [sflag:$0x3], $0x80, s17, s6, $0xb8;
	[tilespmem:$0x1F000] =	vst v63  }
0x3f9: {  	_ =	swait.ge [sflag:s15], $0x2800  }
0x3fa: {  	[sflag:s15] =	ssyncset.done $0x0  }
0x3fb: {  	s24 =	stileid.u32;
	[sflag:s15] =	ssyncadd.s32 $0xFFFFD800  }
0x3fc: {  	s19 =	sshll.u32 s24, $0x6;
	[bflag:$0x0] =	sbarrier.arrive $0xFFFF  }
0x3fd: {  	s25 =	sshrl.u32 s8, $0x3;
	s19 =	sor.u32 $0x1C06, s19;
	s21 =	rddreg [dreg:$0x14]  }
0x3fe: {  	[hbm:s21], [sflag:s19] =	dma.local [spmem:s25], $0x2800  }
0x3ff: {  	_ =	swait.ge [sflag:s10], $0x2800  }
0x400: {  	s18 =	sadd.s32 $0x1, s18;
	s26 =	rddreg [dreg:$0x15]  }
0x401: {  	p0 =	sne.s32 s18, s26  }
.Ltmp21:
0x402: {  	_ = 	snop;
	(pc) =	sbr.rel @p0 .LBB2_1-.Ltmp21, $3  }
0x403: {  	_ =	sdelay $0x1  }
0x404: {  	[sflag:s10] =	ssyncset.done $0x0  }
0x405: {  	[sflag:s10] =	ssyncadd.s32 $0xFFFFD800  }
0x406: {  	_ =	sfence.sel $0x180000  }
0x407: {  	[bflag:$0x0] =	sbarrier.arrive $0xFFFF  }
0x408: {  	_ =	strace $0x9000004A  }
0x409: {  	s0 =	stileid.u32;
	[bflag:$0x2] =	sbarrier.arrive $0xFFFF  }
0x40a: {  	p0 =	sne.s32 s0, $0x0;
	s0 =	rddreg [dreg:$0x2]  }
0x40b: {  	s0 =	sadd.s32 @!p0 $0x100000, s0  }
0x40c: {  	[sflag:s0] =	ssyncadd.tile.s32 @!p0 $0x1;
	_ =	shalt  }
.Lfunc_end2:
_tile_overlayer_lowered:
.L_overlay_start_2:
0x40d: {  	(tag) =	ssettag $0x2  }
0x40e: {  	s0 =	rddreg [dreg:$0x0];
	s2 =	stileid.u32  }
0x40f: {  	s1 =	rddreg [dreg:$0x1];
	p0 =	sne.s32 s2, $0x0  }
0x410: {  	s3 =	rddreg [dreg:$0x2];
	[bflag:$0x3] =	sbarrier.arrive $0xFFFF;
	s2 =	simm.s32 @!p0 $0x1C06  }
0x411: {  	[timem:s3], [sflag:s2] =	dma.local @!p0 [hbm:s0], s1  }
0x412: {  	s0 =	simm.s32 @!p0 $0x6  }
0x413: {  	_ =	swait.ge @!p0 [sflag:s0], s1  }
0x414: {  	s1 =	ssub.s32 @!p0 $0x0, s1;
	[sflag:s0] =	ssyncset.done @!p0 $0x0  }
0x415: {  	[sflag:s0] =	ssyncadd.s32 @!p0 s1  }
0x416: {  	[bflag:$0x3] =	sbarrier.arrive $0xFFFF  }
0x417: {  	_ =	shalt  }

</sc_bundles>
